<compile_context>
chip_gen: v7x
topology: tpu7x:2x2x1
jax: 0.10.2.dev20260603
libtpu: 0.0.44.dev20260713+nightly
codegen_flags: <defaults>
</compile_context>

<pallas_src>
import dataclasses
import functools

import jax
import jax.numpy as jnp
from jax import lax
from jax.experimental import pallas as pl
from jax.experimental.pallas import tpu as pltpu
from jax.experimental.pallas import tpu_sc as plsc

_PAD = 1
_B_ROWS = 4
_SEQ = 2048
_NUM_IDX = _B_ROWS * _SEQ
_DIM = 1024
_NC = 2
_NS = 16
_NW = _NC * _NS
_PER_W = _NUM_IDX // _NW
_CHUNKS_PER_ROW = _SEQ // _PER_W
_LANES = 16
_VREGS_PER_ROW = _SEQ // _LANES
_CHUNK = 64
_NCHUNKS = _PER_W // _CHUNK


def _compiler_params():
    cp = pltpu.CompilerParams()
    if "needs_layout_passes" in pltpu.CompilerParams.__dataclass_fields__:
        cp = dataclasses.replace(cp, needs_layout_passes=False)
    return cp


def _gather_kernel(emb_table, tokens_flat):
    mesh = plsc.VectorSubcoreMesh(core_axis_name="c", subcore_axis_name="s")

    @functools.partial(
        pl.kernel,
        mesh=mesh,
        compiler_params=_compiler_params(),
        out_type=jax.ShapeDtypeStruct((_NUM_IDX, _DIM), jnp.float32),
        scratch_types=[
            pltpu.VMEM((_SEQ,), jnp.int32),
            pltpu.VMEM((_SEQ,), jnp.int32),
            pltpu.VMEM((_CHUNK, _DIM), jnp.float32),
            pltpu.VMEM((_PER_W,), jnp.int32),
            pltpu.SemaphoreType.DMA,
        ],
    )
    def k(table_hbm, tok_hbm, out_hbm, tok_v, pos_v, rows_v, sidx_v, sem):
        wid = lax.axis_index("s") * _NC + lax.axis_index("c")
        row = wid // _CHUNKS_PER_ROW
        chunk_in_row = wid % _CHUNKS_PER_ROW
        base = wid * _PER_W

        pltpu.sync_copy(tok_hbm.at[pl.ds(row * _SEQ, _SEQ)], tok_v)

        carry = jnp.int32(0)
        for i in range(_VREGS_PER_ROW):
            tok = tok_v[pl.ds(i * _LANES, _LANES)]
            m = (tok != _PAD).astype(jnp.int32)
            cs = plsc.cumsum(m)
            pos_v[pl.ds(i * _LANES, _LANES)] = (cs + carry) * m + _PAD
            carry = carry + cs[_LANES - 1]

        for v in range(_PER_W // _LANES):
            sidx_v[pl.ds(v * _LANES, _LANES)] = (
                lax.iota(jnp.int32, _LANES) + base + v * _LANES
            )

        idx_base = chunk_in_row * _PER_W
        for c in range(_NCHUNKS):
            pltpu.async_copy(
                table_hbm.at[pos_v.at[pl.ds(idx_base + c * _CHUNK, _CHUNK)]],
                rows_v,
                sem,
            ).wait()
            pltpu.sync_copy(rows_v, out_hbm.at[sidx_v.at[pl.ds(c * _CHUNK, _CHUNK)]])

    return k(emb_table, tokens_flat)


def kernel(tokens, emb_table):
    tokens_flat = tokens.astype(jnp.int32).reshape(_NUM_IDX)
    out = _gather_kernel(emb_table, tokens_flat)
    return out.reshape(_B_ROWS, _SEQ, _DIM)

# --- scband reference (transcript-rebuilt; emitter-appended) ---
"""Pipeline reference for scband-esmlearned-positional-embeddings-77300821393745 (READ-ONLY COPY).

The authoritative reference and input builder live on the scoring server;
editing this copy changes nothing except your own understanding.
"""

import jax, jax.numpy as jnp
import numpy as np

VOCAB_SIZE = 2048
EMBED_DIM = 1024
PADDING_IDX = 1
TABLE_ROWS = VOCAB_SIZE + PADDING_IDX + 1  # 2050


def setup_inputs(seed: int = 0) -> dict:
    key = jax.random.key(seed)
    k1, k2 = jax.random.split(key)
    tokens = jax.random.randint(k1, (4, 2048), 0, 33, dtype=jnp.int64)
    emb_table = jax.random.normal(k2, (TABLE_ROWS, EMBED_DIM), dtype=jnp.float32) * 0.02
    return {"tokens": tokens, "emb_table": emb_table}


def reference(tokens, emb_table):
    # mask of non-padding tokens
    mask = (tokens != PADDING_IDX)
    # ESM: positions shifted by padding_idx, padding positions get padding_idx
    positions = jnp.cumsum(mask.astype(jnp.int64), axis=1) * mask.astype(jnp.int64) + PADDING_IDX
    # embedding lookup (gather)
    out = jnp.take(emb_table, positions, axis=0)
    return out

if __name__ == "__main__":
    import jax
    _d = setup_inputs()
    print(jax.jit(kernel)(*tuple(_d.values())))

</pallas_src>

<mosaic_0001>
#map = affine_map<(d0, d1) -> (0, 0)>
#map1 = affine_map<(d0, d1) -> (0)>
module attributes {stable_mosaic.version = 14 : i64} {
  func.func @k(%arg0: i32, %arg1: i32, %arg2: memref<2050x1024xf32, #tpu.memory_space<hbm>>, %arg3: memref<8192xi32, #tpu.memory_space<hbm>>, %arg4: memref<8192x1024xf32, #tpu.memory_space<hbm>>, %arg5: memref<2048xi32, #tpu.memory_space<vmem>>, %arg6: memref<2048xi32, #tpu.memory_space<vmem>>, %arg7: memref<64x1024xf32, #tpu.memory_space<vmem>>, %arg8: memref<256xi32, #tpu.memory_space<vmem>>, %arg9: memref<!tpu.dma_semaphore, #tpu.memory_space<semaphore_mem>>) attributes {dimension_semantics = [#tpu.dimension_semantics<core_parallel>, #tpu.dimension_semantics<subcore_parallel>], iteration_bounds = array<i64: 2, 16>, scalar_prefetch = 0 : i64, scratch_operands = 5 : i64, tpu.core_type = #tpu.core_type<sc_vector_subcore>, window_params = [{transform_indices = #map}, {transform_indices = #map1}, {transform_indices = #map}]} {
    %mul3A = arith.constant 2 : i32
    %mul3A_0 = arith.muli %arg1, %mul3A : i32
    %add3A = arith.addi %mul3A_0, %arg0 : i32
    %jit3A = arith.constant 8 : i32
    %div3A = arith.divsi %add3A, %jit3A : i32
    %sign3A = arith.constant 0 : i32
    %sign3A_1 = arith.cmpi sgt, %add3A, %sign3A : i32
    %sign3A_2 = arith.extui %sign3A_1 : i1 to i32
    %sign3A_3 = arith.constant 0 : i32
    %sign3A_4 = arith.cmpi slt, %add3A, %sign3A_3 : i32
    %sign3A_5 = arith.extui %sign3A_4 : i1 to i32
    %sign3A_6 = arith.subi %sign3A_2, %sign3A_5 : i32
    %sign3A_7 = arith.constant 0 : i32
    %sign3A_8 = arith.cmpi sgt, %jit3A, %sign3A_7 : i32
    %sign3A_9 = arith.extui %sign3A_8 : i1 to i32
    %sign3A_10 = arith.constant 0 : i32
    %sign3A_11 = arith.cmpi slt, %jit3A, %sign3A_10 : i32
    %sign3A_12 = arith.extui %sign3A_11 : i1 to i32
    %sign3A_13 = arith.subi %sign3A_9, %sign3A_12 : i32
    %ne3A = arith.cmpi ne, %sign3A_6, %sign3A_13 : i32
    %rem3A = arith.remsi %add3A, %jit3A : i32
    %ne3A_14 = arith.constant 0 : i32
    %ne3A_15 = arith.cmpi ne, %rem3A, %ne3A_14 : i32
    %and3A = arith.andi %ne3A, %ne3A_15 : i1
    %sub3A = arith.constant 1 : i32
    %sub3A_16 = arith.subi %div3A, %sub3A : i32
    %select_n3A = arith.select %and3A, %sub3A_16, %div3A : i32
    %jit3A_17 = arith.constant 8 : i32
    %eq3A = arith.constant 0 : i32
    %eq3A_18 = arith.cmpi eq, %jit3A_17, %eq3A : i32
    %jit3A_19 = arith.constant 1 : i32
    %select_n3A_20 = arith.select %eq3A_18, %jit3A_19, %jit3A_17 : i32
    %rem3A_21 = arith.remsi %add3A, %select_n3A_20 : i32
    %ne3A_22 = arith.constant 0 : i32
    %ne3A_23 = arith.cmpi ne, %rem3A_21, %ne3A_22 : i32
    %lt3A = arith.constant 0 : i32
    %lt3A_24 = arith.cmpi slt, %rem3A_21, %lt3A : i32
    %lt3A_25 = arith.constant 0 : i32
    %lt3A_26 = arith.cmpi slt, %select_n3A_20, %lt3A_25 : i32
    %ne3A_27 = arith.xori %lt3A_24, %lt3A_26 : i1
    %and3A_28 = arith.andi %ne3A_27, %ne3A_23 : i1
    %add3A_29 = arith.addi %rem3A_21, %select_n3A_20 : i32
    %select_n3A_30 = arith.select %and3A_28, %add3A_29, %rem3A_21 : i32
    %mul3A_31 = arith.constant 256 : i32
    %mul3A_32 = arith.muli %add3A, %mul3A_31 : i32
    %mul3A_33 = arith.constant 2048 : i32
    %mul3A_34 = arith.muli %select_n3A, %mul3A_33 : i32
    "tpu.region"() ({
      %run_scoped3A = tpu.sem_alloc : memref<!tpu.dma_semaphore, #tpu.memory_space<semaphore_mem>>
      %dma_start3A_2757 = tpu.memref_slice %arg3[%mul3A_34] : memref<8192xi32, #tpu.memory_space<hbm>> -> memref<2048xi32, #tpu.memory_space<hbm>>
      %dma_start3A_2758 = tpu.memref_slice %arg3[%mul3A_34] : memref<8192xi32, #tpu.memory_space<hbm>> -> memref<2048xi32, #tpu.memory_space<hbm>>
      tpu.enqueue_dma source(%dma_start3A_2758 : memref<2048xi32, #tpu.memory_space<hbm>>) target(%arg5 : memref<2048xi32, #tpu.memory_space<vmem>>) target_semaphore(%run_scoped3A : memref<!tpu.dma_semaphore, #tpu.memory_space<semaphore_mem>>)
      %dma_wait3A_2759 = tpu.memref_slice %arg3[%mul3A_34] : memref<8192xi32, #tpu.memory_space<hbm>> -> memref<2048xi32, #tpu.memory_space<hbm>>
      %dma_wait3A_2760 = tpu.memref_slice %arg3[%mul3A_34] : memref<8192xi32, #tpu.memory_space<hbm>> -> memref<2048xi32, #tpu.memory_space<hbm>>
      tpu.wait_dma2 semaphore(%run_scoped3A : memref<!tpu.dma_semaphore, #tpu.memory_space<semaphore_mem>>) src(%dma_wait3A_2760 : memref<2048xi32, #tpu.memory_space<hbm>>) dst(%arg5 : memref<2048xi32, #tpu.memory_space<vmem>>)
      tpu.yield
    }) : () -> ()
    %get3A = arith.constant 0 : index
    %get3A_35 = tpu.vector_load %arg5[%get3A] {strides = array<i32>} : memref<2048xi32, #tpu.memory_space<vmem>>, vector<16xi32>,
    %ne3A_36 = arith.constant 1 : i32
    %ne3A_37 = vector.broadcast %ne3A_36 : i32 to vector<16xi32>
    %ne3A_38 = arith.cmpi ne, %get3A_35, %ne3A_37 : vector<16xi32>
    %convert_element_type3A = arith.extui %ne3A_38 : vector<16xi1> to vector<16xi32>
    %broadcast_in_dim3A = arith.constant true
    %broadcast_in_dim3A_39 = vector.broadcast %broadcast_in_dim3A : i1 to vector<16xi1>
    %masked_cumsum3A = tpu.scan <sum>, %convert_element_type3A masked %broadcast_in_dim3A_39 : vector<16xi32>, vector<16xi1> -> vector<16xi32>
    %add3A_40 = arith.constant 0 : i32
    %add3A_41 = vector.broadcast %add3A_40 : i32 to vector<16xi32>
    %add3A_42 = arith.addi %masked_cumsum3A, %add3A_41 : vector<16xi32>
    %mul3A_43 = arith.muli %add3A_42, %convert_element_type3A : vector<16xi32>
    %add3A_44 = arith.constant 1 : i32
    %add3A_45 = vector.broadcast %add3A_44 : i32 to vector<16xi32>
    %add3A_46 = arith.addi %mul3A_43, %add3A_45 : vector<16xi32>
    %swap3A = arith.constant 0 : index
    %swap3A_47 = tpu.vector_load %arg6[%swap3A] {strides = array<i32>} : memref<2048xi32, #tpu.memory_space<vmem>>, vector<16xi32>,
    tpu.vector_store %arg6[%swap3A], %add3A_46 {strides = array<i32>} : memref<2048xi32, #tpu.memory_space<vmem>>, vector<16xi32>,
    %slice3A = vector.extract_strided_slice %masked_cumsum3A {offsets = [15], sizes = [1], strides = [1]} : vector<16xi32> to vector<1xi32>
    %squeeze3A = vector.extract %slice3A[0] : i32 from vector<1xi32>
    %add3A_48 = arith.constant 0 : i32
    %add3A_49 = arith.addi %add3A_48, %squeeze3A : i32
    %get3A_50 = arith.constant 16 : index
    %get3A_51 = tpu.vector_load %arg5[%get3A_50] {strides = array<i32>} : memref<2048xi32, #tpu.memory_space<vmem>>, vector<16xi32>,
    %ne3A_52 = arith.constant 1 : i32
    %ne3A_53 = vector.broadcast %ne3A_52 : i32 to vector<16xi32>
    %ne3A_54 = arith.cmpi ne, %get3A_51, %ne3A_53 : vector<16xi32>
    %convert_element_type3A_55 = arith.extui %ne3A_54 : vector<16xi1> to vector<16xi32>
    %broadcast_in_dim3A_56 = arith.constant true
    %broadcast_in_dim3A_57 = vector.broadcast %broadcast_in_dim3A_56 : i1 to vector<16xi1>
    %masked_cumsum3A_58 = tpu.scan <sum>, %convert_element_type3A_55 masked %broadcast_in_dim3A_57 : vector<16xi32>, vector<16xi1> -> vector<16xi32>
    %add3A_59 = vector.broadcast %add3A_49 : i32 to vector<16xi32>
    %add3A_60 = arith.addi %masked_cumsum3A_58, %add3A_59 : vector<16xi32>
    %mul3A_61 = arith.muli %add3A_60, %convert_element_type3A_55 : vector<16xi32>
    %add3A_62 = arith.constant 1 : i32
    %add3A_63 = vector.broadcast %add3A_62 : i32 to vector<16xi32>
    %add3A_64 = arith.addi %mul3A_61, %add3A_63 : vector<16xi32>
    %swap3A_65 = arith.constant 16 : index
    %swap3A_66 = tpu.vector_load %arg6[%swap3A_65] {strides = array<i32>} : memref<2048xi32, #tpu.memory_space<vmem>>, vector<16xi32>,
    tpu.vector_store %arg6[%swap3A_65], %add3A_64 {strides = array<i32>} : memref<2048xi32, #tpu.memory_space<vmem>>, vector<16xi32>,
    %slice3A_67 = vector.extract_strided_slice %masked_cumsum3A_58 {offsets = [15], sizes = [1], strides = [1]} : vector<16xi32> to vector<1xi32>
    %squeeze3A_68 = vector.extract %slice3A_67[0] : i32 from vector<1xi32>
    %add3A_69 = arith.addi %add3A_49, %squeeze3A_68 : i32
    %get3A_70 = arith.constant 32 : index
    %get3A_71 = tpu.vector_load %arg5[%get3A_70] {strides = array<i32>} : memref<2048xi32, #tpu.memory_space<vmem>>, vector<16xi32>,
    %ne3A_72 = arith.constant 1 : i32
    %ne3A_73 = vector.broadcast %ne3A_72 : i32 to vector<16xi32>
    %ne3A_74 = arith.cmpi ne, %get3A_71, %ne3A_73 : vector<16xi32>
    %convert_element_type3A_75 = arith.extui %ne3A_74 : vector<16xi1> to vector<16xi32>
    %broadcast_in_dim3A_76 = arith.constant true
    %broadcast_in_dim3A_77 = vector.broadcast %broadcast_in_dim3A_76 : i1 to vector<16xi1>
    %masked_cumsum3A_78 = tpu.scan <sum>, %convert_element_type3A_75 masked %broadcast_in_dim3A_77 : vector<16xi32>, vector<16xi1> -> vector<16xi32>
    %add3A_79 = vector.broadcast %add3A_69 : i32 to vector<16xi32>
    %add3A_80 = arith.addi %masked_cumsum3A_78, %add3A_79 : vector<16xi32>
    %mul3A_81 = arith.muli %add3A_80, %convert_element_type3A_75 : vector<16xi32>
    %add3A_82 = arith.constant 1 : i32
    %add3A_83 = vector.broadcast %add3A_82 : i32 to vector<16xi32>
    %add3A_84 = arith.addi %mul3A_81, %add3A_83 : vector<16xi32>
    %swap3A_85 = arith.constant 32 : index
    %swap3A_86 = tpu.vector_load %arg6[%swap3A_85] {strides = array<i32>} : memref<2048xi32, #tpu.memory_space<vmem>>, vector<16xi32>,
    tpu.vector_store %arg6[%swap3A_85], %add3A_84 {strides = array<i32>} : memref<2048xi32, #tpu.memory_space<vmem>>, vector<16xi32>,
    %slice3A_87 = vector.extract_strided_slice %masked_cumsum3A_78 {offsets = [15], sizes = [1], strides = [1]} : vector<16xi32> to vector<1xi32>
    %squeeze3A_88 = vector.extract %slice3A_87[0] : i32 from vector<1xi32>
    %add3A_89 = arith.addi %add3A_69, %squeeze3A_88 : i32
    %get3A_90 = arith.constant 48 : index
    %get3A_91 = tpu.vector_load %arg5[%get3A_90] {strides = array<i32>} : memref<2048xi32, #tpu.memory_space<vmem>>, vector<16xi32>,
    %ne3A_92 = arith.constant 1 : i32
    %ne3A_93 = vector.broadcast %ne3A_92 : i32 to vector<16xi32>
    %ne3A_94 = arith.cmpi ne, %get3A_91, %ne3A_93 : vector<16xi32>
    %convert_element_type3A_95 = arith.extui %ne3A_94 : vector<16xi1> to vector<16xi32>
    %broadcast_in_dim3A_96 = arith.constant true
    %broadcast_in_dim3A_97 = vector.broadcast %broadcast_in_dim3A_96 : i1 to vector<16xi1>
    %masked_cumsum3A_98 = tpu.scan <sum>, %convert_element_type3A_95 masked %broadcast_in_dim3A_97 : vector<16xi32>, vector<16xi1> -> vector<16xi32>
    %add3A_99 = vector.broadcast %add3A_89 : i32 to vector<16xi32>
    %add3A_100 = arith.addi %masked_cumsum3A_98, %add3A_99 : vector<16xi32>
    %mul3A_101 = arith.muli %add3A_100, %convert_element_type3A_95 : vector<16xi32>
    %add3A_102 = arith.constant 1 : i32
    %add3A_103 = vector.broadcast %add3A_102 : i32 to vector<16xi32>
    %add3A_104 = arith.addi %mul3A_101, %add3A_103 : vector<16xi32>
    %swap3A_105 = arith.constant 48 : index
    %swap3A_106 = tpu.vector_load %arg6[%swap3A_105] {strides = array<i32>} : memref<2048xi32, #tpu.memory_space<vmem>>, vector<16xi32>,
    tpu.vector_store %arg6[%swap3A_105], %add3A_104 {strides = array<i32>} : memref<2048xi32, #tpu.memory_space<vmem>>, vector<16xi32>,
    %slice3A_107 = vector.extract_strided_slice %masked_cumsum3A_98 {offsets = [15], sizes = [1], strides = [1]} : vector<16xi32> to vector<1xi32>
    %squeeze3A_108 = vector.extract %slice3A_107[0] : i32 from vector<1xi32>
    %add3A_109 = arith.addi %add3A_89, %squeeze3A_108 : i32
    %get3A_110 = arith.constant 64 : index
    %get3A_111 = tpu.vector_load %arg5[%get3A_110] {strides = array<i32>} : memref<2048xi32, #tpu.memory_space<vmem>>, vector<16xi32>,
    %ne3A_112 = arith.constant 1 : i32
    %ne3A_113 = vector.broadcast %ne3A_112 : i32 to vector<16xi32>
    %ne3A_114 = arith.cmpi ne, %get3A_111, %ne3A_113 : vector<16xi32>
    %convert_element_type3A_115 = arith.extui %ne3A_114 : vector<16xi1> to vector<16xi32>
    %broadcast_in_dim3A_116 = arith.constant true
    %broadcast_in_dim3A_117 = vector.broadcast %broadcast_in_dim3A_116 : i1 to vector<16xi1>
    %masked_cumsum3A_118 = tpu.scan <sum>, %convert_element_type3A_115 masked %broadcast_in_dim3A_117 : vector<16xi32>, vector<16xi1> -> vector<16xi32>
    %add3A_119 = vector.broadcast %add3A_109 : i32 to vector<16xi32>
    %add3A_120 = arith.addi %masked_cumsum3A_118, %add3A_119 : vector<16xi32>
    %mul3A_121 = arith.muli %add3A_120, %convert_element_type3A_115 : vector<16xi32>
    %add3A_122 = arith.constant 1 : i32
    %add3A_123 = vector.broadcast %add3A_122 : i32 to vector<16xi32>
    %add3A_124 = arith.addi %mul3A_121, %add3A_123 : vector<16xi32>
    %swap3A_125 = arith.constant 64 : index
    %swap3A_126 = tpu.vector_load %arg6[%swap3A_125] {strides = array<i32>} : memref<2048xi32, #tpu.memory_space<vmem>>, vector<16xi32>,
    tpu.vector_store %arg6[%swap3A_125], %add3A_124 {strides = array<i32>} : memref<2048xi32, #tpu.memory_space<vmem>>, vector<16xi32>,
    %slice3A_127 = vector.extract_strided_slice %masked_cumsum3A_118 {offsets = [15], sizes = [1], strides = [1]} : vector<16xi32> to vector<1xi32>
    %squeeze3A_128 = vector.extract %slice3A_127[0] : i32 from vector<1xi32>
    %add3A_129 = arith.addi %add3A_109, %squeeze3A_128 : i32
    %get3A_130 = arith.constant 80 : index
    %get3A_131 = tpu.vector_load %arg5[%get3A_130] {strides = array<i32>} : memref<2048xi32, #tpu.memory_space<vmem>>, vector<16xi32>,
    %ne3A_132 = arith.constant 1 : i32
    %ne3A_133 = vector.broadcast %ne3A_132 : i32 to vector<16xi32>
    %ne3A_134 = arith.cmpi ne, %get3A_131, %ne3A_133 : vector<16xi32>
    %convert_element_type3A_135 = arith.extui %ne3A_134 : vector<16xi1> to vector<16xi32>
    %broadcast_in_dim3A_136 = arith.constant true
    %broadcast_in_dim3A_137 = vector.broadcast %broadcast_in_dim3A_136 : i1 to vector<16xi1>
    %masked_cumsum3A_138 = tpu.scan <sum>, %convert_element_type3A_135 masked %broadcast_in_dim3A_137 : vector<16xi32>, vector<16xi1> -> vector<16xi32>
    %add3A_139 = vector.broadcast %add3A_129 : i32 to vector<16xi32>
    %add3A_140 = arith.addi %masked_cumsum3A_138, %add3A_139 : vector<16xi32>
    %mul3A_141 = arith.muli %add3A_140, %convert_element_type3A_135 : vector<16xi32>
    %add3A_142 = arith.constant 1 : i32
    %add3A_143 = vector.broadcast %add3A_142 : i32 to vector<16xi32>
    %add3A_144 = arith.addi %mul3A_141, %add3A_143 : vector<16xi32>
    %swap3A_145 = arith.constant 80 : index
    %swap3A_146 = tpu.vector_load %arg6[%swap3A_145] {strides = array<i32>} : memref<2048xi32, #tpu.memory_space<vmem>>, vector<16xi32>,
    tpu.vector_store %arg6[%swap3A_145], %add3A_144 {strides = array<i32>} : memref<2048xi32, #tpu.memory_space<vmem>>, vector<16xi32>,
    %slice3A_147 = vector.extract_strided_slice %masked_cumsum3A_138 {offsets = [15], sizes = [1], strides = [1]} : vector<16xi32> to vector<1xi32>
    %squeeze3A_148 = vector.extract %slice3A_147[0] : i32 from vector<1xi32>
    %add3A_149 = arith.addi %add3A_129, %squeeze3A_148 : i32
    %get3A_150 = arith.constant 96 : index
    %get3A_151 = tpu.vector_load %arg5[%get3A_150] {strides = array<i32>} : memref<2048xi32, #tpu.memory_space<vmem>>, vector<16xi32>,
    %ne3A_152 = arith.constant 1 : i32
    %ne3A_153 = vector.broadcast %ne3A_152 : i32 to vector<16xi32>
    %ne3A_154 = arith.cmpi ne, %get3A_151, %ne3A_153 : vector<16xi32>
    %convert_element_type3A_155 = arith.extui %ne3A_154 : vector<16xi1> to vector<16xi32>
    %broadcast_in_dim3A_156 = arith.constant true
    %broadcast_in_dim3A_157 = vector.broadcast %broadcast_in_dim3A_156 : i1 to vector<16xi1>
    %masked_cumsum3A_158 = tpu.scan <sum>, %convert_element_type3A_155 masked %broadcast_in_dim3A_157 : vector<16xi32>, vector<16xi1> -> vector<16xi32>
    %add3A_159 = vector.broadcast %add3A_149 : i32 to vector<16xi32>
    %add3A_160 = arith.addi %masked_cumsum3A_158, %add3A_159 : vector<16xi32>
    %mul3A_161 = arith.muli %add3A_160, %convert_element_type3A_155 : vector<16xi32>
    %add3A_162 = arith.constant 1 : i32
    %add3A_163 = vector.broadcast %add3A_162 : i32 to vector<16xi32>
    %add3A_164 = arith.addi %mul3A_161, %add3A_163 : vector<16xi32>
    %swap3A_165 = arith.constant 96 : index
    %swap3A_166 = tpu.vector_load %arg6[%swap3A_165] {strides = array<i32>} : memref<2048xi32, #tpu.memory_space<vmem>>, vector<16xi32>,
    tpu.vector_store %arg6[%swap3A_165], %add3A_164 {strides = array<i32>} : memref<2048xi32, #tpu.memory_space<vmem>>, vector<16xi32>,
    %slice3A_167 = vector.extract_strided_slice %masked_cumsum3A_158 {offsets = [15], sizes = [1], strides = [1]} : vector<16xi32> to vector<1xi32>
    %squeeze3A_168 = vector.extract %slice3A_167[0] : i32 from vector<1xi32>
    %add3A_169 = arith.addi %add3A_149, %squeeze3A_168 : i32
    %get3A_170 = arith.constant 112 : index
    %get3A_171 = tpu.vector_load %arg5[%get3A_170] {strides = array<i32>} : memref<2048xi32, #tpu.memory_space<vmem>>, vector<16xi32>,
    %ne3A_172 = arith.constant 1 : i32
    %ne3A_173 = vector.broadcast %ne3A_172 : i32 to vector<16xi32>
    %ne3A_174 = arith.cmpi ne, %get3A_171, %ne3A_173 : vector<16xi32>
    %convert_element_type3A_175 = arith.extui %ne3A_174 : vector<16xi1> to vector<16xi32>
    %broadcast_in_dim3A_176 = arith.constant true
    %broadcast_in_dim3A_177 = vector.broadcast %broadcast_in_dim3A_176 : i1 to vector<16xi1>
    %masked_cumsum3A_178 = tpu.scan <sum>, %convert_element_type3A_175 masked %broadcast_in_dim3A_177 : vector<16xi32>, vector<16xi1> -> vector<16xi32>
    %add3A_179 = vector.broadcast %add3A_169 : i32 to vector<16xi32>
    %add3A_180 = arith.addi %masked_cumsum3A_178, %add3A_179 : vector<16xi32>
    %mul3A_181 = arith.muli %add3A_180, %convert_element_type3A_175 : vector<16xi32>
    %add3A_182 = arith.constant 1 : i32
    %add3A_183 = vector.broadcast %add3A_182 : i32 to vector<16xi32>
    %add3A_184 = arith.addi %mul3A_181, %add3A_183 : vector<16xi32>
    %swap3A_185 = arith.constant 112 : index
    %swap3A_186 = tpu.vector_load %arg6[%swap3A_185] {strides = array<i32>} : memref<2048xi32, #tpu.memory_space<vmem>>, vector<16xi32>,
    tpu.vector_store %arg6[%swap3A_185], %add3A_184 {strides = array<i32>} : memref<2048xi32, #tpu.memory_space<vmem>>, vector<16xi32>,
    %slice3A_187 = vector.extract_strided_slice %masked_cumsum3A_178 {offsets = [15], sizes = [1], strides = [1]} : vector<16xi32> to vector<1xi32>
    %squeeze3A_188 = vector.extract %slice3A_187[0] : i32 from vector<1xi32>
    %add3A_189 = arith.addi %add3A_169, %squeeze3A_188 : i32
    %get3A_190 = arith.constant 128 : index
    %get3A_191 = tpu.vector_load %arg5[%get3A_190] {strides = array<i32>} : memref<2048xi32, #tpu.memory_space<vmem>>, vector<16xi32>,
    %ne3A_192 = arith.constant 1 : i32
    %ne3A_193 = vector.broadcast %ne3A_192 : i32 to vector<16xi32>
    %ne3A_194 = arith.cmpi ne, %get3A_191, %ne3A_193 : vector<16xi32>
    %convert_element_type3A_195 = arith.extui %ne3A_194 : vector<16xi1> to vector<16xi32>
    %broadcast_in_dim3A_196 = arith.constant true
    %broadcast_in_dim3A_197 = vector.broadcast %broadcast_in_dim3A_196 : i1 to vector<16xi1>
    %masked_cumsum3A_198 = tpu.scan <sum>, %convert_element_type3A_195 masked %broadcast_in_dim3A_197 : vector<16xi32>, vector<16xi1> -> vector<16xi32>
    %add3A_199 = vector.broadcast %add3A_189 : i32 to vector<16xi32>
    %add3A_200 = arith.addi %masked_cumsum3A_198, %add3A_199 : vector<16xi32>
    %mul3A_201 = arith.muli %add3A_200, %convert_element_type3A_195 : vector<16xi32>
    %add3A_202 = arith.constant 1 : i32
    %add3A_203 = vector.broadcast %add3A_202 : i32 to vector<16xi32>
    %add3A_204 = arith.addi %mul3A_201, %add3A_203 : vector<16xi32>
    %swap3A_205 = arith.constant 128 : index
    %swap3A_206 = tpu.vector_load %arg6[%swap3A_205] {strides = array<i32>} : memref<2048xi32, #tpu.memory_space<vmem>>, vector<16xi32>,
    tpu.vector_store %arg6[%swap3A_205], %add3A_204 {strides = array<i32>} : memref<2048xi32, #tpu.memory_space<vmem>>, vector<16xi32>,
    %slice3A_207 = vector.extract_strided_slice %masked_cumsum3A_198 {offsets = [15], sizes = [1], strides = [1]} : vector<16xi32> to vector<1xi32>
    %squeeze3A_208 = vector.extract %slice3A_207[0] : i32 from vector<1xi32>
    %add3A_209 = arith.addi %add3A_189, %squeeze3A_208 : i32
    %get3A_210 = arith.constant 144 : index
    %get3A_211 = tpu.vector_load %arg5[%get3A_210] {strides = array<i32>} : memref<2048xi32, #tpu.memory_space<vmem>>, vector<16xi32>,
    %ne3A_212 = arith.constant 1 : i32
    %ne3A_213 = vector.broadcast %ne3A_212 : i32 to vector<16xi32>
    %ne3A_214 = arith.cmpi ne, %get3A_211, %ne3A_213 : vector<16xi32>
    %convert_element_type3A_215 = arith.extui %ne3A_214 : vector<16xi1> to vector<16xi32>
    %broadcast_in_dim3A_216 = arith.constant true
    %broadcast_in_dim3A_217 = vector.broadcast %broadcast_in_dim3A_216 : i1 to vector<16xi1>
    %masked_cumsum3A_218 = tpu.scan <sum>, %convert_element_type3A_215 masked %broadcast_in_dim3A_217 : vector<16xi32>, vector<16xi1> -> vector<16xi32>
    %add3A_219 = vector.broadcast %add3A_209 : i32 to vector<16xi32>
    %add3A_220 = arith.addi %masked_cumsum3A_218, %add3A_219 : vector<16xi32>
    %mul3A_221 = arith.muli %add3A_220, %convert_element_type3A_215 : vector<16xi32>
    %add3A_222 = arith.constant 1 : i32
    %add3A_223 = vector.broadcast %add3A_222 : i32 to vector<16xi32>
    %add3A_224 = arith.addi %mul3A_221, %add3A_223 : vector<16xi32>
    %swap3A_225 = arith.constant 144 : index
    %swap3A_226 = tpu.vector_load %arg6[%swap3A_225] {strides = array<i32>} : memref<2048xi32, #tpu.memory_space<vmem>>, vector<16xi32>,
    tpu.vector_store %arg6[%swap3A_225], %add3A_224 {strides = array<i32>} : memref<2048xi32, #tpu.memory_space<vmem>>, vector<16xi32>,
    %slice3A_227 = vector.extract_strided_slice %masked_cumsum3A_218 {offsets = [15], sizes = [1], strides = [1]} : vector<16xi32> to vector<1xi32>
    %squeeze3A_228 = vector.extract %slice3A_227[0] : i32 from vector<1xi32>
    %add3A_229 = arith.addi %add3A_209, %squeeze3A_228 : i32
    %get3A_230 = arith.constant 160 : index
    %get3A_231 = tpu.vector_load %arg5[%get3A_230] {strides = array<i32>} : memref<2048xi32, #tpu.memory_space<vmem>>, vector<16xi32>,
    %ne3A_232 = arith.constant 1 : i32
    %ne3A_233 = vector.broadcast %ne3A_232 : i32 to vector<16xi32>
    %ne3A_234 = arith.cmpi ne, %get3A_231, %ne3A_233 : vector<16xi32>
    %convert_element_type3A_235 = arith.extui %ne3A_234 : vector<16xi1> to vector<16xi32>
    %broadcast_in_dim3A_236 = arith.constant true
    %broadcast_in_dim3A_237 = vector.broadcast %broadcast_in_dim3A_236 : i1 to vector<16xi1>
    %masked_cumsum3A_238 = tpu.scan <sum>, %convert_element_type3A_235 masked %broadcast_in_dim3A_237 : vector<16xi32>, vector<16xi1> -> vector<16xi32>
    %add3A_239 = vector.broadcast %add3A_229 : i32 to vector<16xi32>
    %add3A_240 = arith.addi %masked_cumsum3A_238, %add3A_239 : vector<16xi32>
    %mul3A_241 = arith.muli %add3A_240, %convert_element_type3A_235 : vector<16xi32>
    %add3A_242 = arith.constant 1 : i32
    %add3A_243 = vector.broadcast %add3A_242 : i32 to vector<16xi32>
    %add3A_244 = arith.addi %mul3A_241, %add3A_243 : vector<16xi32>
    %swap3A_245 = arith.constant 160 : index
    %swap3A_246 = tpu.vector_load %arg6[%swap3A_245] {strides = array<i32>} : memref<2048xi32, #tpu.memory_space<vmem>>, vector<16xi32>,
    tpu.vector_store %arg6[%swap3A_245], %add3A_244 {strides = array<i32>} : memref<2048xi32, #tpu.memory_space<vmem>>, vector<16xi32>,
    %slice3A_247 = vector.extract_strided_slice %masked_cumsum3A_238 {offsets = [15], sizes = [1], strides = [1]} : vector<16xi32> to vector<1xi32>
    %squeeze3A_248 = vector.extract %slice3A_247[0] : i32 from vector<1xi32>
    %add3A_249 = arith.addi %add3A_229, %squeeze3A_248 : i32
    %get3A_250 = arith.constant 176 : index
    %get3A_251 = tpu.vector_load %arg5[%get3A_250] {strides = array<i32>} : memref<2048xi32, #tpu.memory_space<vmem>>, vector<16xi32>,
    %ne3A_252 = arith.constant 1 : i32
    %ne3A_253 = vector.broadcast %ne3A_252 : i32 to vector<16xi32>
    %ne3A_254 = arith.cmpi ne, %get3A_251, %ne3A_253 : vector<16xi32>
    %convert_element_type3A_255 = arith.extui %ne3A_254 : vector<16xi1> to vector<16xi32>
    %broadcast_in_dim3A_256 = arith.constant true
    %broadcast_in_dim3A_257 = vector.broadcast %broadcast_in_dim3A_256 : i1 to vector<16xi1>
    %masked_cumsum3A_258 = tpu.scan <sum>, %convert_element_type3A_255 masked %broadcast_in_dim3A_257 : vector<16xi32>, vector<16xi1> -> vector<16xi32>
    %add3A_259 = vector.broadcast %add3A_249 : i32 to vector<16xi32>
    %add3A_260 = arith.addi %masked_cumsum3A_258, %add3A_259 : vector<16xi32>
    %mul3A_261 = arith.muli %add3A_260, %convert_element_type3A_255 : vector<16xi32>
    %add3A_262 = arith.constant 1 : i32
    %add3A_263 = vector.broadcast %add3A_262 : i32 to vector<16xi32>
    %add3A_264 = arith.addi %mul3A_261, %add3A_263 : vector<16xi32>
    %swap3A_265 = arith.constant 176 : index
    %swap3A_266 = tpu.vector_load %arg6[%swap3A_265] {strides = array<i32>} : memref<2048xi32, #tpu.memory_space<vmem>>, vector<16xi32>,
    tpu.vector_store %arg6[%swap3A_265], %add3A_264 {strides = array<i32>} : memref<2048xi32, #tpu.memory_space<vmem>>, vector<16xi32>,
    %slice3A_267 = vector.extract_strided_slice %masked_cumsum3A_258 {offsets = [15], sizes = [1], strides = [1]} : vector<16xi32> to vector<1xi32>
    %squeeze3A_268 = vector.extract %slice3A_267[0] : i32 from vector<1xi32>
    %add3A_269 = arith.addi %add3A_249, %squeeze3A_268 : i32
    %get3A_270 = arith.constant 192 : index
    %get3A_271 = tpu.vector_load %arg5[%get3A_270] {strides = array<i32>} : memref<2048xi32, #tpu.memory_space<vmem>>, vector<16xi32>,
    %ne3A_272 = arith.constant 1 : i32
    %ne3A_273 = vector.broadcast %ne3A_272 : i32 to vector<16xi32>
    %ne3A_274 = arith.cmpi ne, %get3A_271, %ne3A_273 : vector<16xi32>
    %convert_element_type3A_275 = arith.extui %ne3A_274 : vector<16xi1> to vector<16xi32>
    %broadcast_in_dim3A_276 = arith.constant true
    %broadcast_in_dim3A_277 = vector.broadcast %broadcast_in_dim3A_276 : i1 to vector<16xi1>
    %masked_cumsum3A_278 = tpu.scan <sum>, %convert_element_type3A_275 masked %broadcast_in_dim3A_277 : vector<16xi32>, vector<16xi1> -> vector<16xi32>
    %add3A_279 = vector.broadcast %add3A_269 : i32 to vector<16xi32>
    %add3A_280 = arith.addi %masked_cumsum3A_278, %add3A_279 : vector<16xi32>
    %mul3A_281 = arith.muli %add3A_280, %convert_element_type3A_275 : vector<16xi32>
    %add3A_282 = arith.constant 1 : i32
    %add3A_283 = vector.broadcast %add3A_282 : i32 to vector<16xi32>
    %add3A_284 = arith.addi %mul3A_281, %add3A_283 : vector<16xi32>
    %swap3A_285 = arith.constant 192 : index
    %swap3A_286 = tpu.vector_load %arg6[%swap3A_285] {strides = array<i32>} : memref<2048xi32, #tpu.memory_space<vmem>>, vector<16xi32>,
    tpu.vector_store %arg6[%swap3A_285], %add3A_284 {strides = array<i32>} : memref<2048xi32, #tpu.memory_space<vmem>>, vector<16xi32>,
    %slice3A_287 = vector.extract_strided_slice %masked_cumsum3A_278 {offsets = [15], sizes = [1], strides = [1]} : vector<16xi32> to vector<1xi32>
    %squeeze3A_288 = vector.extract %slice3A_287[0] : i32 from vector<1xi32>
    %add3A_289 = arith.addi %add3A_269, %squeeze3A_288 : i32
    %get3A_290 = arith.constant 208 : index
    %get3A_291 = tpu.vector_load %arg5[%get3A_290] {strides = array<i32>} : memref<2048xi32, #tpu.memory_space<vmem>>, vector<16xi32>,
    %ne3A_292 = arith.constant 1 : i32
    %ne3A_293 = vector.broadcast %ne3A_292 : i32 to vector<16xi32>
    %ne3A_294 = arith.cmpi ne, %get3A_291, %ne3A_293 : vector<16xi32>
    %convert_element_type3A_295 = arith.extui %ne3A_294 : vector<16xi1> to vector<16xi32>
    %broadcast_in_dim3A_296 = arith.constant true
    %broadcast_in_dim3A_297 = vector.broadcast %broadcast_in_dim3A_296 : i1 to vector<16xi1>
    %masked_cumsum3A_298 = tpu.scan <sum>, %convert_element_type3A_295 masked %broadcast_in_dim3A_297 : vector<16xi32>, vector<16xi1> -> vector<16xi32>
    %add3A_299 = vector.broadcast %add3A_289 : i32 to vector<16xi32>
    %add3A_300 = arith.addi %masked_cumsum3A_298, %add3A_299 : vector<16xi32>
    %mul3A_301 = arith.muli %add3A_300, %convert_element_type3A_295 : vector<16xi32>
    %add3A_302 = arith.constant 1 : i32
    %add3A_303 = vector.broadcast %add3A_302 : i32 to vector<16xi32>
    %add3A_304 = arith.addi %mul3A_301, %add3A_303 : vector<16xi32>
    %swap3A_305 = arith.constant 208 : index
    %swap3A_306 = tpu.vector_load %arg6[%swap3A_305] {strides = array<i32>} : memref<2048xi32, #tpu.memory_space<vmem>>, vector<16xi32>,
    tpu.vector_store %arg6[%swap3A_305], %add3A_304 {strides = array<i32>} : memref<2048xi32, #tpu.memory_space<vmem>>, vector<16xi32>,
    %slice3A_307 = vector.extract_strided_slice %masked_cumsum3A_298 {offsets = [15], sizes = [1], strides = [1]} : vector<16xi32> to vector<1xi32>
    %squeeze3A_308 = vector.extract %slice3A_307[0] : i32 from vector<1xi32>
    %add3A_309 = arith.addi %add3A_289, %squeeze3A_308 : i32
    %get3A_310 = arith.constant 224 : index
    %get3A_311 = tpu.vector_load %arg5[%get3A_310] {strides = array<i32>} : memref<2048xi32, #tpu.memory_space<vmem>>, vector<16xi32>,
    %ne3A_312 = arith.constant 1 : i32
    %ne3A_313 = vector.broadcast %ne3A_312 : i32 to vector<16xi32>
    %ne3A_314 = arith.cmpi ne, %get3A_311, %ne3A_313 : vector<16xi32>
    %convert_element_type3A_315 = arith.extui %ne3A_314 : vector<16xi1> to vector<16xi32>
    %broadcast_in_dim3A_316 = arith.constant true
    %broadcast_in_dim3A_317 = vector.broadcast %broadcast_in_dim3A_316 : i1 to vector<16xi1>
    %masked_cumsum3A_318 = tpu.scan <sum>, %convert_element_type3A_315 masked %broadcast_in_dim3A_317 : vector<16xi32>, vector<16xi1> -> vector<16xi32>
    %add3A_319 = vector.broadcast %add3A_309 : i32 to vector<16xi32>
    %add3A_320 = arith.addi %masked_cumsum3A_318, %add3A_319 : vector<16xi32>
    %mul3A_321 = arith.muli %add3A_320, %convert_element_type3A_315 : vector<16xi32>
    %add3A_322 = arith.constant 1 : i32
    %add3A_323 = vector.broadcast %add3A_322 : i32 to vector<16xi32>
    %add3A_324 = arith.addi %mul3A_321, %add3A_323 : vector<16xi32>
    %swap3A_325 = arith.constant 224 : index
    %swap3A_326 = tpu.vector_load %arg6[%swap3A_325] {strides = array<i32>} : memref<2048xi32, #tpu.memory_space<vmem>>, vector<16xi32>,
    tpu.vector_store %arg6[%swap3A_325], %add3A_324 {strides = array<i32>} : memref<2048xi32, #tpu.memory_space<vmem>>, vector<16xi32>,
    %slice3A_327 = vector.extract_strided_slice %masked_cumsum3A_318 {offsets = [15], sizes = [1], strides = [1]} : vector<16xi32> to vector<1xi32>
    %squeeze3A_328 = vector.extract %slice3A_327[0] : i32 from vector<1xi32>
    %add3A_329 = arith.addi %add3A_309, %squeeze3A_328 : i32
    %get3A_330 = arith.constant 240 : index
    %get3A_331 = tpu.vector_load %arg5[%get3A_330] {strides = array<i32>} : memref<2048xi32, #tpu.memory_space<vmem>>, vector<16xi32>,
    %ne3A_332 = arith.constant 1 : i32
    %ne3A_333 = vector.broadcast %ne3A_332 : i32 to vector<16xi32>
    %ne3A_334 = arith.cmpi ne, %get3A_331, %ne3A_333 : vector<16xi32>
    %convert_element_type3A_335 = arith.extui %ne3A_334 : vector<16xi1> to vector<16xi32>
    %broadcast_in_dim3A_336 = arith.constant true
    %broadcast_in_dim3A_337 = vector.broadcast %broadcast_in_dim3A_336 : i1 to vector<16xi1>
    %masked_cumsum3A_338 = tpu.scan <sum>, %convert_element_type3A_335 masked %broadcast_in_dim3A_337 : vector<16xi32>, vector<16xi1> -> vector<16xi32>
    %add3A_339 = vector.broadcast %add3A_329 : i32 to vector<16xi32>
    %add3A_340 = arith.addi %masked_cumsum3A_338, %add3A_339 : vector<16xi32>
    %mul3A_341 = arith.muli %add3A_340, %convert_element_type3A_335 : vector<16xi32>
    %add3A_342 = arith.constant 1 : i32
    %add3A_343 = vector.broadcast %add3A_342 : i32 to vector<16xi32>
    %add3A_344 = arith.addi %mul3A_341, %add3A_343 : vector<16xi32>
    %swap3A_345 = arith.constant 240 : index
    %swap3A_346 = tpu.vector_load %arg6[%swap3A_345] {strides = array<i32>} : memref<2048xi32, #tpu.memory_space<vmem>>, vector<16xi32>,
    tpu.vector_store %arg6[%swap3A_345], %add3A_344 {strides = array<i32>} : memref<2048xi32, #tpu.memory_space<vmem>>, vector<16xi32>,
    %slice3A_347 = vector.extract_strided_slice %masked_cumsum3A_338 {offsets = [15], sizes = [1], strides = [1]} : vector<16xi32> to vector<1xi32>
    %squeeze3A_348 = vector.extract %slice3A_347[0] : i32 from vector<1xi32>
    %add3A_349 = arith.addi %add3A_329, %squeeze3A_348 : i32
    %get3A_350 = arith.constant 256 : index
    %get3A_351 = tpu.vector_load %arg5[%get3A_350] {strides = array<i32>} : memref<2048xi32, #tpu.memory_space<vmem>>, vector<16xi32>,
    %ne3A_352 = arith.constant 1 : i32
    %ne3A_353 = vector.broadcast %ne3A_352 : i32 to vector<16xi32>
    %ne3A_354 = arith.cmpi ne, %get3A_351, %ne3A_353 : vector<16xi32>
    %convert_element_type3A_355 = arith.extui %ne3A_354 : vector<16xi1> to vector<16xi32>
    %broadcast_in_dim3A_356 = arith.constant true
    %broadcast_in_dim3A_357 = vector.broadcast %broadcast_in_dim3A_356 : i1 to vector<16xi1>
    %masked_cumsum3A_358 = tpu.scan <sum>, %convert_element_type3A_355 masked %broadcast_in_dim3A_357 : vector<16xi32>, vector<16xi1> -> vector<16xi32>
    %add3A_359 = vector.broadcast %add3A_349 : i32 to vector<16xi32>
    %add3A_360 = arith.addi %masked_cumsum3A_358, %add3A_359 : vector<16xi32>
    %mul3A_361 = arith.muli %add3A_360, %convert_element_type3A_355 : vector<16xi32>
    %add3A_362 = arith.constant 1 : i32
    %add3A_363 = vector.broadcast %add3A_362 : i32 to vector<16xi32>
    %add3A_364 = arith.addi %mul3A_361, %add3A_363 : vector<16xi32>
    %swap3A_365 = arith.constant 256 : index
    %swap3A_366 = tpu.vector_load %arg6[%swap3A_365] {strides = array<i32>} : memref<2048xi32, #tpu.memory_space<vmem>>, vector<16xi32>,
    tpu.vector_store %arg6[%swap3A_365], %add3A_364 {strides = array<i32>} : memref<2048xi32, #tpu.memory_space<vmem>>, vector<16xi32>,
    %slice3A_367 = vector.extract_strided_slice %masked_cumsum3A_358 {offsets = [15], sizes = [1], strides = [1]} : vector<16xi32> to vector<1xi32>
    %squeeze3A_368 = vector.extract %slice3A_367[0] : i32 from vector<1xi32>
    %add3A_369 = arith.addi %add3A_349, %squeeze3A_368 : i32
    %get3A_370 = arith.constant 272 : index
    %get3A_371 = tpu.vector_load %arg5[%get3A_370] {strides = array<i32>} : memref<2048xi32, #tpu.memory_space<vmem>>, vector<16xi32>,
    %ne3A_372 = arith.constant 1 : i32
    %ne3A_373 = vector.broadcast %ne3A_372 : i32 to vector<16xi32>
    %ne3A_374 = arith.cmpi ne, %get3A_371, %ne3A_373 : vector<16xi32>
    %convert_element_type3A_375 = arith.extui %ne3A_374 : vector<16xi1> to vector<16xi32>
    %broadcast_in_dim3A_376 = arith.constant true
    %broadcast_in_dim3A_377 = vector.broadcast %broadcast_in_dim3A_376 : i1 to vector<16xi1>
    %masked_cumsum3A_378 = tpu.scan <sum>, %convert_element_type3A_375 masked %broadcast_in_dim3A_377 : vector<16xi32>, vector<16xi1> -> vector<16xi32>
    %add3A_379 = vector.broadcast %add3A_369 : i32 to vector<16xi32>
    %add3A_380 = arith.addi %masked_cumsum3A_378, %add3A_379 : vector<16xi32>
    %mul3A_381 = arith.muli %add3A_380, %convert_element_type3A_375 : vector<16xi32>
    %add3A_382 = arith.constant 1 : i32
    %add3A_383 = vector.broadcast %add3A_382 : i32 to vector<16xi32>
    %add3A_384 = arith.addi %mul3A_381, %add3A_383 : vector<16xi32>
    %swap3A_385 = arith.constant 272 : index
    %swap3A_386 = tpu.vector_load %arg6[%swap3A_385] {strides = array<i32>} : memref<2048xi32, #tpu.memory_space<vmem>>, vector<16xi32>,
    tpu.vector_store %arg6[%swap3A_385], %add3A_384 {strides = array<i32>} : memref<2048xi32, #tpu.memory_space<vmem>>, vector<16xi32>,
    %slice3A_387 = vector.extract_strided_slice %masked_cumsum3A_378 {offsets = [15], sizes = [1], strides = [1]} : vector<16xi32> to vector<1xi32>
    %squeeze3A_388 = vector.extract %slice3A_387[0] : i32 from vector<1xi32>
    %add3A_389 = arith.addi %add3A_369, %squeeze3A_388 : i32
    %get3A_390 = arith.constant 288 : index
    %get3A_391 = tpu.vector_load %arg5[%get3A_390] {strides = array<i32>} : memref<2048xi32, #tpu.memory_space<vmem>>, vector<16xi32>,
    %ne3A_392 = arith.constant 1 : i32
    %ne3A_393 = vector.broadcast %ne3A_392 : i32 to vector<16xi32>
    %ne3A_394 = arith.cmpi ne, %get3A_391, %ne3A_393 : vector<16xi32>
    %convert_element_type3A_395 = arith.extui %ne3A_394 : vector<16xi1> to vector<16xi32>
    %broadcast_in_dim3A_396 = arith.constant true
    %broadcast_in_dim3A_397 = vector.broadcast %broadcast_in_dim3A_396 : i1 to vector<16xi1>
    %masked_cumsum3A_398 = tpu.scan <sum>, %convert_element_type3A_395 masked %broadcast_in_dim3A_397 : vector<16xi32>, vector<16xi1> -> vector<16xi32>
    %add3A_399 = vector.broadcast %add3A_389 : i32 to vector<16xi32>
    %add3A_400 = arith.addi %masked_cumsum3A_398, %add3A_399 : vector<16xi32>
    %mul3A_401 = arith.muli %add3A_400, %convert_element_type3A_395 : vector<16xi32>
    %add3A_402 = arith.constant 1 : i32
    %add3A_403 = vector.broadcast %add3A_402 : i32 to vector<16xi32>
    %add3A_404 = arith.addi %mul3A_401, %add3A_403 : vector<16xi32>
    %swap3A_405 = arith.constant 288 : index
    %swap3A_406 = tpu.vector_load %arg6[%swap3A_405] {strides = array<i32>} : memref<2048xi32, #tpu.memory_space<vmem>>, vector<16xi32>,
    tpu.vector_store %arg6[%swap3A_405], %add3A_404 {strides = array<i32>} : memref<2048xi32, #tpu.memory_space<vmem>>, vector<16xi32>,
    %slice3A_407 = vector.extract_strided_slice %masked_cumsum3A_398 {offsets = [15], sizes = [1], strides = [1]} : vector<16xi32> to vector<1xi32>
    %squeeze3A_408 = vector.extract %slice3A_407[0] : i32 from vector<1xi32>
    %add3A_409 = arith.addi %add3A_389, %squeeze3A_408 : i32
    %get3A_410 = arith.constant 304 : index
    %get3A_411 = tpu.vector_load %arg5[%get3A_410] {strides = array<i32>} : memref<2048xi32, #tpu.memory_space<vmem>>, vector<16xi32>,
    %ne3A_412 = arith.constant 1 : i32
    %ne3A_413 = vector.broadcast %ne3A_412 : i32 to vector<16xi32>
    %ne3A_414 = arith.cmpi ne, %get3A_411, %ne3A_413 : vector<16xi32>
    %convert_element_type3A_415 = arith.extui %ne3A_414 : vector<16xi1> to vector<16xi32>
    %broadcast_in_dim3A_416 = arith.constant true
    %broadcast_in_dim3A_417 = vector.broadcast %broadcast_in_dim3A_416 : i1 to vector<16xi1>
    %masked_cumsum3A_418 = tpu.scan <sum>, %convert_element_type3A_415 masked %broadcast_in_dim3A_417 : vector<16xi32>, vector<16xi1> -> vector<16xi32>
    %add3A_419 = vector.broadcast %add3A_409 : i32 to vector<16xi32>
    %add3A_420 = arith.addi %masked_cumsum3A_418, %add3A_419 : vector<16xi32>
    %mul3A_421 = arith.muli %add3A_420, %convert_element_type3A_415 : vector<16xi32>
    %add3A_422 = arith.constant 1 : i32
    %add3A_423 = vector.broadcast %add3A_422 : i32 to vector<16xi32>
    %add3A_424 = arith.addi %mul3A_421, %add3A_423 : vector<16xi32>
    %swap3A_425 = arith.constant 304 : index
    %swap3A_426 = tpu.vector_load %arg6[%swap3A_425] {strides = array<i32>} : memref<2048xi32, #tpu.memory_space<vmem>>, vector<16xi32>,
    tpu.vector_store %arg6[%swap3A_425], %add3A_424 {strides = array<i32>} : memref<2048xi32, #tpu.memory_space<vmem>>, vector<16xi32>,
    %slice3A_427 = vector.extract_strided_slice %masked_cumsum3A_418 {offsets = [15], sizes = [1], strides = [1]} : vector<16xi32> to vector<1xi32>
    %squeeze3A_428 = vector.extract %slice3A_427[0] : i32 from vector<1xi32>
    %add3A_429 = arith.addi %add3A_409, %squeeze3A_428 : i32
    %get3A_430 = arith.constant 320 : index
    %get3A_431 = tpu.vector_load %arg5[%get3A_430] {strides = array<i32>} : memref<2048xi32, #tpu.memory_space<vmem>>, vector<16xi32>,
    %ne3A_432 = arith.constant 1 : i32
    %ne3A_433 = vector.broadcast %ne3A_432 : i32 to vector<16xi32>
    %ne3A_434 = arith.cmpi ne, %get3A_431, %ne3A_433 : vector<16xi32>
    %convert_element_type3A_435 = arith.extui %ne3A_434 : vector<16xi1> to vector<16xi32>
    %broadcast_in_dim3A_436 = arith.constant true
    %broadcast_in_dim3A_437 = vector.broadcast %broadcast_in_dim3A_436 : i1 to vector<16xi1>
    %masked_cumsum3A_438 = tpu.scan <sum>, %convert_element_type3A_435 masked %broadcast_in_dim3A_437 : vector<16xi32>, vector<16xi1> -> vector<16xi32>
    %add3A_439 = vector.broadcast %add3A_429 : i32 to vector<16xi32>
    %add3A_440 = arith.addi %masked_cumsum3A_438, %add3A_439 : vector<16xi32>
    %mul3A_441 = arith.muli %add3A_440, %convert_element_type3A_435 : vector<16xi32>
    %add3A_442 = arith.constant 1 : i32
    %add3A_443 = vector.broadcast %add3A_442 : i32 to vector<16xi32>
    %add3A_444 = arith.addi %mul3A_441, %add3A_443 : vector<16xi32>
    %swap3A_445 = arith.constant 320 : index
    %swap3A_446 = tpu.vector_load %arg6[%swap3A_445] {strides = array<i32>} : memref<2048xi32, #tpu.memory_space<vmem>>, vector<16xi32>,
    tpu.vector_store %arg6[%swap3A_445], %add3A_444 {strides = array<i32>} : memref<2048xi32, #tpu.memory_space<vmem>>, vector<16xi32>,
    %slice3A_447 = vector.extract_strided_slice %masked_cumsum3A_438 {offsets = [15], sizes = [1], strides = [1]} : vector<16xi32> to vector<1xi32>
    %squeeze3A_448 = vector.extract %slice3A_447[0] : i32 from vector<1xi32>
    %add3A_449 = arith.addi %add3A_429, %squeeze3A_448 : i32
    %get3A_450 = arith.constant 336 : index
    %get3A_451 = tpu.vector_load %arg5[%get3A_450] {strides = array<i32>} : memref<2048xi32, #tpu.memory_space<vmem>>, vector<16xi32>,
    %ne3A_452 = arith.constant 1 : i32
    %ne3A_453 = vector.broadcast %ne3A_452 : i32 to vector<16xi32>
    %ne3A_454 = arith.cmpi ne, %get3A_451, %ne3A_453 : vector<16xi32>
    %convert_element_type3A_455 = arith.extui %ne3A_454 : vector<16xi1> to vector<16xi32>
    %broadcast_in_dim3A_456 = arith.constant true
    %broadcast_in_dim3A_457 = vector.broadcast %broadcast_in_dim3A_456 : i1 to vector<16xi1>
    %masked_cumsum3A_458 = tpu.scan <sum>, %convert_element_type3A_455 masked %broadcast_in_dim3A_457 : vector<16xi32>, vector<16xi1> -> vector<16xi32>
    %add3A_459 = vector.broadcast %add3A_449 : i32 to vector<16xi32>
    %add3A_460 = arith.addi %masked_cumsum3A_458, %add3A_459 : vector<16xi32>
    %mul3A_461 = arith.muli %add3A_460, %convert_element_type3A_455 : vector<16xi32>
    %add3A_462 = arith.constant 1 : i32
    %add3A_463 = vector.broadcast %add3A_462 : i32 to vector<16xi32>
    %add3A_464 = arith.addi %mul3A_461, %add3A_463 : vector<16xi32>
    %swap3A_465 = arith.constant 336 : index
    %swap3A_466 = tpu.vector_load %arg6[%swap3A_465] {strides = array<i32>} : memref<2048xi32, #tpu.memory_space<vmem>>, vector<16xi32>,
    tpu.vector_store %arg6[%swap3A_465], %add3A_464 {strides = array<i32>} : memref<2048xi32, #tpu.memory_space<vmem>>, vector<16xi32>,
    %slice3A_467 = vector.extract_strided_slice %masked_cumsum3A_458 {offsets = [15], sizes = [1], strides = [1]} : vector<16xi32> to vector<1xi32>
    %squeeze3A_468 = vector.extract %slice3A_467[0] : i32 from vector<1xi32>
    %add3A_469 = arith.addi %add3A_449, %squeeze3A_468 : i32
    %get3A_470 = arith.constant 352 : index
    %get3A_471 = tpu.vector_load %arg5[%get3A_470] {strides = array<i32>} : memref<2048xi32, #tpu.memory_space<vmem>>, vector<16xi32>,
    %ne3A_472 = arith.constant 1 : i32
    %ne3A_473 = vector.broadcast %ne3A_472 : i32 to vector<16xi32>
    %ne3A_474 = arith.cmpi ne, %get3A_471, %ne3A_473 : vector<16xi32>
    %convert_element_type3A_475 = arith.extui %ne3A_474 : vector<16xi1> to vector<16xi32>
    %broadcast_in_dim3A_476 = arith.constant true
    %broadcast_in_dim3A_477 = vector.broadcast %broadcast_in_dim3A_476 : i1 to vector<16xi1>
    %masked_cumsum3A_478 = tpu.scan <sum>, %convert_element_type3A_475 masked %broadcast_in_dim3A_477 : vector<16xi32>, vector<16xi1> -> vector<16xi32>
    %add3A_479 = vector.broadcast %add3A_469 : i32 to vector<16xi32>
    %add3A_480 = arith.addi %masked_cumsum3A_478, %add3A_479 : vector<16xi32>
    %mul3A_481 = arith.muli %add3A_480, %convert_element_type3A_475 : vector<16xi32>
    %add3A_482 = arith.constant 1 : i32
    %add3A_483 = vector.broadcast %add3A_482 : i32 to vector<16xi32>
    %add3A_484 = arith.addi %mul3A_481, %add3A_483 : vector<16xi32>
    %swap3A_485 = arith.constant 352 : index
    %swap3A_486 = tpu.vector_load %arg6[%swap3A_485] {strides = array<i32>} : memref<2048xi32, #tpu.memory_space<vmem>>, vector<16xi32>,
    tpu.vector_store %arg6[%swap3A_485], %add3A_484 {strides = array<i32>} : memref<2048xi32, #tpu.memory_space<vmem>>, vector<16xi32>,
    %slice3A_487 = vector.extract_strided_slice %masked_cumsum3A_478 {offsets = [15], sizes = [1], strides = [1]} : vector<16xi32> to vector<1xi32>
    %squeeze3A_488 = vector.extract %slice3A_487[0] : i32 from vector<1xi32>
    %add3A_489 = arith.addi %add3A_469, %squeeze3A_488 : i32
    %get3A_490 = arith.constant 368 : index
    %get3A_491 = tpu.vector_load %arg5[%get3A_490] {strides = array<i32>} : memref<2048xi32, #tpu.memory_space<vmem>>, vector<16xi32>,
    %ne3A_492 = arith.constant 1 : i32
    %ne3A_493 = vector.broadcast %ne3A_492 : i32 to vector<16xi32>
    %ne3A_494 = arith.cmpi ne, %get3A_491, %ne3A_493 : vector<16xi32>
    %convert_element_type3A_495 = arith.extui %ne3A_494 : vector<16xi1> to vector<16xi32>
    %broadcast_in_dim3A_496 = arith.constant true
    %broadcast_in_dim3A_497 = vector.broadcast %broadcast_in_dim3A_496 : i1 to vector<16xi1>
    %masked_cumsum3A_498 = tpu.scan <sum>, %convert_element_type3A_495 masked %broadcast_in_dim3A_497 : vector<16xi32>, vector<16xi1> -> vector<16xi32>
    %add3A_499 = vector.broadcast %add3A_489 : i32 to vector<16xi32>
    %add3A_500 = arith.addi %masked_cumsum3A_498, %add3A_499 : vector<16xi32>
    %mul3A_501 = arith.muli %add3A_500, %convert_element_type3A_495 : vector<16xi32>
    %add3A_502 = arith.constant 1 : i32
    %add3A_503 = vector.broadcast %add3A_502 : i32 to vector<16xi32>
    %add3A_504 = arith.addi %mul3A_501, %add3A_503 : vector<16xi32>
    %swap3A_505 = arith.constant 368 : index
    %swap3A_506 = tpu.vector_load %arg6[%swap3A_505] {strides = array<i32>} : memref<2048xi32, #tpu.memory_space<vmem>>, vector<16xi32>,
    tpu.vector_store %arg6[%swap3A_505], %add3A_504 {strides = array<i32>} : memref<2048xi32, #tpu.memory_space<vmem>>, vector<16xi32>,
    %slice3A_507 = vector.extract_strided_slice %masked_cumsum3A_498 {offsets = [15], sizes = [1], strides = [1]} : vector<16xi32> to vector<1xi32>
    %squeeze3A_508 = vector.extract %slice3A_507[0] : i32 from vector<1xi32>
    %add3A_509 = arith.addi %add3A_489, %squeeze3A_508 : i32
    %get3A_510 = arith.constant 384 : index
    %get3A_511 = tpu.vector_load %arg5[%get3A_510] {strides = array<i32>} : memref<2048xi32, #tpu.memory_space<vmem>>, vector<16xi32>,
    %ne3A_512 = arith.constant 1 : i32
    %ne3A_513 = vector.broadcast %ne3A_512 : i32 to vector<16xi32>
    %ne3A_514 = arith.cmpi ne, %get3A_511, %ne3A_513 : vector<16xi32>
    %convert_element_type3A_515 = arith.extui %ne3A_514 : vector<16xi1> to vector<16xi32>
    %broadcast_in_dim3A_516 = arith.constant true
    %broadcast_in_dim3A_517 = vector.broadcast %broadcast_in_dim3A_516 : i1 to vector<16xi1>
    %masked_cumsum3A_518 = tpu.scan <sum>, %convert_element_type3A_515 masked %broadcast_in_dim3A_517 : vector<16xi32>, vector<16xi1> -> vector<16xi32>
    %add3A_519 = vector.broadcast %add3A_509 : i32 to vector<16xi32>
    %add3A_520 = arith.addi %masked_cumsum3A_518, %add3A_519 : vector<16xi32>
    %mul3A_521 = arith.muli %add3A_520, %convert_element_type3A_515 : vector<16xi32>
    %add3A_522 = arith.constant 1 : i32
    %add3A_523 = vector.broadcast %add3A_522 : i32 to vector<16xi32>
    %add3A_524 = arith.addi %mul3A_521, %add3A_523 : vector<16xi32>
    %swap3A_525 = arith.constant 384 : index
    %swap3A_526 = tpu.vector_load %arg6[%swap3A_525] {strides = array<i32>} : memref<2048xi32, #tpu.memory_space<vmem>>, vector<16xi32>,
    tpu.vector_store %arg6[%swap3A_525], %add3A_524 {strides = array<i32>} : memref<2048xi32, #tpu.memory_space<vmem>>, vector<16xi32>,
    %slice3A_527 = vector.extract_strided_slice %masked_cumsum3A_518 {offsets = [15], sizes = [1], strides = [1]} : vector<16xi32> to vector<1xi32>
    %squeeze3A_528 = vector.extract %slice3A_527[0] : i32 from vector<1xi32>
    %add3A_529 = arith.addi %add3A_509, %squeeze3A_528 : i32
    %get3A_530 = arith.constant 400 : index
    %get3A_531 = tpu.vector_load %arg5[%get3A_530] {strides = array<i32>} : memref<2048xi32, #tpu.memory_space<vmem>>, vector<16xi32>,
    %ne3A_532 = arith.constant 1 : i32
    %ne3A_533 = vector.broadcast %ne3A_532 : i32 to vector<16xi32>
    %ne3A_534 = arith.cmpi ne, %get3A_531, %ne3A_533 : vector<16xi32>
    %convert_element_type3A_535 = arith.extui %ne3A_534 : vector<16xi1> to vector<16xi32>
    %broadcast_in_dim3A_536 = arith.constant true
    %broadcast_in_dim3A_537 = vector.broadcast %broadcast_in_dim3A_536 : i1 to vector<16xi1>
    %masked_cumsum3A_538 = tpu.scan <sum>, %convert_element_type3A_535 masked %broadcast_in_dim3A_537 : vector<16xi32>, vector<16xi1> -> vector<16xi32>
    %add3A_539 = vector.broadcast %add3A_529 : i32 to vector<16xi32>
    %add3A_540 = arith.addi %masked_cumsum3A_538, %add3A_539 : vector<16xi32>
    %mul3A_541 = arith.muli %add3A_540, %convert_element_type3A_535 : vector<16xi32>
    %add3A_542 = arith.constant 1 : i32
    %add3A_543 = vector.broadcast %add3A_542 : i32 to vector<16xi32>
    %add3A_544 = arith.addi %mul3A_541, %add3A_543 : vector<16xi32>
    %swap3A_545 = arith.constant 400 : index
    %swap3A_546 = tpu.vector_load %arg6[%swap3A_545] {strides = array<i32>} : memref<2048xi32, #tpu.memory_space<vmem>>, vector<16xi32>,
    tpu.vector_store %arg6[%swap3A_545], %add3A_544 {strides = array<i32>} : memref<2048xi32, #tpu.memory_space<vmem>>, vector<16xi32>,
    %slice3A_547 = vector.extract_strided_slice %masked_cumsum3A_538 {offsets = [15], sizes = [1], strides = [1]} : vector<16xi32> to vector<1xi32>
    %squeeze3A_548 = vector.extract %slice3A_547[0] : i32 from vector<1xi32>
    %add3A_549 = arith.addi %add3A_529, %squeeze3A_548 : i32
    %get3A_550 = arith.constant 416 : index
    %get3A_551 = tpu.vector_load %arg5[%get3A_550] {strides = array<i32>} : memref<2048xi32, #tpu.memory_space<vmem>>, vector<16xi32>,
    %ne3A_552 = arith.constant 1 : i32
    %ne3A_553 = vector.broadcast %ne3A_552 : i32 to vector<16xi32>
    %ne3A_554 = arith.cmpi ne, %get3A_551, %ne3A_553 : vector<16xi32>
    %convert_element_type3A_555 = arith.extui %ne3A_554 : vector<16xi1> to vector<16xi32>
    %broadcast_in_dim3A_556 = arith.constant true
    %broadcast_in_dim3A_557 = vector.broadcast %broadcast_in_dim3A_556 : i1 to vector<16xi1>
    %masked_cumsum3A_558 = tpu.scan <sum>, %convert_element_type3A_555 masked %broadcast_in_dim3A_557 : vector<16xi32>, vector<16xi1> -> vector<16xi32>
    %add3A_559 = vector.broadcast %add3A_549 : i32 to vector<16xi32>
    %add3A_560 = arith.addi %masked_cumsum3A_558, %add3A_559 : vector<16xi32>
    %mul3A_561 = arith.muli %add3A_560, %convert_element_type3A_555 : vector<16xi32>
    %add3A_562 = arith.constant 1 : i32
    %add3A_563 = vector.broadcast %add3A_562 : i32 to vector<16xi32>
    %add3A_564 = arith.addi %mul3A_561, %add3A_563 : vector<16xi32>
    %swap3A_565 = arith.constant 416 : index
    %swap3A_566 = tpu.vector_load %arg6[%swap3A_565] {strides = array<i32>} : memref<2048xi32, #tpu.memory_space<vmem>>, vector<16xi32>,
    tpu.vector_store %arg6[%swap3A_565], %add3A_564 {strides = array<i32>} : memref<2048xi32, #tpu.memory_space<vmem>>, vector<16xi32>,
    %slice3A_567 = vector.extract_strided_slice %masked_cumsum3A_558 {offsets = [15], sizes = [1], strides = [1]} : vector<16xi32> to vector<1xi32>
    %squeeze3A_568 = vector.extract %slice3A_567[0] : i32 from vector<1xi32>
    %add3A_569 = arith.addi %add3A_549, %squeeze3A_568 : i32
    %get3A_570 = arith.constant 432 : index
    %get3A_571 = tpu.vector_load %arg5[%get3A_570] {strides = array<i32>} : memref<2048xi32, #tpu.memory_space<vmem>>, vector<16xi32>,
    %ne3A_572 = arith.constant 1 : i32
    %ne3A_573 = vector.broadcast %ne3A_572 : i32 to vector<16xi32>
    %ne3A_574 = arith.cmpi ne, %get3A_571, %ne3A_573 : vector<16xi32>
    %convert_element_type3A_575 = arith.extui %ne3A_574 : vector<16xi1> to vector<16xi32>
    %broadcast_in_dim3A_576 = arith.constant true
    %broadcast_in_dim3A_577 = vector.broadcast %broadcast_in_dim3A_576 : i1 to vector<16xi1>
    %masked_cumsum3A_578 = tpu.scan <sum>, %convert_element_type3A_575 masked %broadcast_in_dim3A_577 : vector<16xi32>, vector<16xi1> -> vector<16xi32>
    %add3A_579 = vector.broadcast %add3A_569 : i32 to vector<16xi32>
    %add3A_580 = arith.addi %masked_cumsum3A_578, %add3A_579 : vector<16xi32>
    %mul3A_581 = arith.muli %add3A_580, %convert_element_type3A_575 : vector<16xi32>
    %add3A_582 = arith.constant 1 : i32
    %add3A_583 = vector.broadcast %add3A_582 : i32 to vector<16xi32>
    %add3A_584 = arith.addi %mul3A_581, %add3A_583 : vector<16xi32>
    %swap3A_585 = arith.constant 432 : index
    %swap3A_586 = tpu.vector_load %arg6[%swap3A_585] {strides = array<i32>} : memref<2048xi32, #tpu.memory_space<vmem>>, vector<16xi32>,
    tpu.vector_store %arg6[%swap3A_585], %add3A_584 {strides = array<i32>} : memref<2048xi32, #tpu.memory_space<vmem>>, vector<16xi32>,
    %slice3A_587 = vector.extract_strided_slice %masked_cumsum3A_578 {offsets = [15], sizes = [1], strides = [1]} : vector<16xi32> to vector<1xi32>
    %squeeze3A_588 = vector.extract %slice3A_587[0] : i32 from vector<1xi32>
    %add3A_589 = arith.addi %add3A_569, %squeeze3A_588 : i32
    %get3A_590 = arith.constant 448 : index
    %get3A_591 = tpu.vector_load %arg5[%get3A_590] {strides = array<i32>} : memref<2048xi32, #tpu.memory_space<vmem>>, vector<16xi32>,
    %ne3A_592 = arith.constant 1 : i32
    %ne3A_593 = vector.broadcast %ne3A_592 : i32 to vector<16xi32>
    %ne3A_594 = arith.cmpi ne, %get3A_591, %ne3A_593 : vector<16xi32>
    %convert_element_type3A_595 = arith.extui %ne3A_594 : vector<16xi1> to vector<16xi32>
    %broadcast_in_dim3A_596 = arith.constant true
    %broadcast_in_dim3A_597 = vector.broadcast %broadcast_in_dim3A_596 : i1 to vector<16xi1>
    %masked_cumsum3A_598 = tpu.scan <sum>, %convert_element_type3A_595 masked %broadcast_in_dim3A_597 : vector<16xi32>, vector<16xi1> -> vector<16xi32>
    %add3A_599 = vector.broadcast %add3A_589 : i32 to vector<16xi32>
    %add3A_600 = arith.addi %masked_cumsum3A_598, %add3A_599 : vector<16xi32>
    %mul3A_601 = arith.muli %add3A_600, %convert_element_type3A_595 : vector<16xi32>
    %add3A_602 = arith.constant 1 : i32
    %add3A_603 = vector.broadcast %add3A_602 : i32 to vector<16xi32>
    %add3A_604 = arith.addi %mul3A_601, %add3A_603 : vector<16xi32>
    %swap3A_605 = arith.constant 448 : index
    %swap3A_606 = tpu.vector_load %arg6[%swap3A_605] {strides = array<i32>} : memref<2048xi32, #tpu.memory_space<vmem>>, vector<16xi32>,
    tpu.vector_store %arg6[%swap3A_605], %add3A_604 {strides = array<i32>} : memref<2048xi32, #tpu.memory_space<vmem>>, vector<16xi32>,
    %slice3A_607 = vector.extract_strided_slice %masked_cumsum3A_598 {offsets = [15], sizes = [1], strides = [1]} : vector<16xi32> to vector<1xi32>
    %squeeze3A_608 = vector.extract %slice3A_607[0] : i32 from vector<1xi32>
    %add3A_609 = arith.addi %add3A_589, %squeeze3A_608 : i32
    %get3A_610 = arith.constant 464 : index
    %get3A_611 = tpu.vector_load %arg5[%get3A_610] {strides = array<i32>} : memref<2048xi32, #tpu.memory_space<vmem>>, vector<16xi32>,
    %ne3A_612 = arith.constant 1 : i32
    %ne3A_613 = vector.broadcast %ne3A_612 : i32 to vector<16xi32>
    %ne3A_614 = arith.cmpi ne, %get3A_611, %ne3A_613 : vector<16xi32>
    %convert_element_type3A_615 = arith.extui %ne3A_614 : vector<16xi1> to vector<16xi32>
    %broadcast_in_dim3A_616 = arith.constant true
    %broadcast_in_dim3A_617 = vector.broadcast %broadcast_in_dim3A_616 : i1 to vector<16xi1>
    %masked_cumsum3A_618 = tpu.scan <sum>, %convert_element_type3A_615 masked %broadcast_in_dim3A_617 : vector<16xi32>, vector<16xi1> -> vector<16xi32>
    %add3A_619 = vector.broadcast %add3A_609 : i32 to vector<16xi32>
    %add3A_620 = arith.addi %masked_cumsum3A_618, %add3A_619 : vector<16xi32>
    %mul3A_621 = arith.muli %add3A_620, %convert_element_type3A_615 : vector<16xi32>
    %add3A_622 = arith.constant 1 : i32
    %add3A_623 = vector.broadcast %add3A_622 : i32 to vector<16xi32>
    %add3A_624 = arith.addi %mul3A_621, %add3A_623 : vector<16xi32>
    %swap3A_625 = arith.constant 464 : index
    %swap3A_626 = tpu.vector_load %arg6[%swap3A_625] {strides = array<i32>} : memref<2048xi32, #tpu.memory_space<vmem>>, vector<16xi32>,
    tpu.vector_store %arg6[%swap3A_625], %add3A_624 {strides = array<i32>} : memref<2048xi32, #tpu.memory_space<vmem>>, vector<16xi32>,
    %slice3A_627 = vector.extract_strided_slice %masked_cumsum3A_618 {offsets = [15], sizes = [1], strides = [1]} : vector<16xi32> to vector<1xi32>
    %squeeze3A_628 = vector.extract %slice3A_627[0] : i32 from vector<1xi32>
    %add3A_629 = arith.addi %add3A_609, %squeeze3A_628 : i32
    %get3A_630 = arith.constant 480 : index
    %get3A_631 = tpu.vector_load %arg5[%get3A_630] {strides = array<i32>} : memref<2048xi32, #tpu.memory_space<vmem>>, vector<16xi32>,
    %ne3A_632 = arith.constant 1 : i32
    %ne3A_633 = vector.broadcast %ne3A_632 : i32 to vector<16xi32>
    %ne3A_634 = arith.cmpi ne, %get3A_631, %ne3A_633 : vector<16xi32>
    %convert_element_type3A_635 = arith.extui %ne3A_634 : vector<16xi1> to vector<16xi32>
    %broadcast_in_dim3A_636 = arith.constant true
    %broadcast_in_dim3A_637 = vector.broadcast %broadcast_in_dim3A_636 : i1 to vector<16xi1>
    %masked_cumsum3A_638 = tpu.scan <sum>, %convert_element_type3A_635 masked %broadcast_in_dim3A_637 : vector<16xi32>, vector<16xi1> -> vector<16xi32>
    %add3A_639 = vector.broadcast %add3A_629 : i32 to vector<16xi32>
    %add3A_640 = arith.addi %masked_cumsum3A_638, %add3A_639 : vector<16xi32>
    %mul3A_641 = arith.muli %add3A_640, %convert_element_type3A_635 : vector<16xi32>
    %add3A_642 = arith.constant 1 : i32
    %add3A_643 = vector.broadcast %add3A_642 : i32 to vector<16xi32>
    %add3A_644 = arith.addi %mul3A_641, %add3A_643 : vector<16xi32>
    %swap3A_645 = arith.constant 480 : index
    %swap3A_646 = tpu.vector_load %arg6[%swap3A_645] {strides = array<i32>} : memref<2048xi32, #tpu.memory_space<vmem>>, vector<16xi32>,
    tpu.vector_store %arg6[%swap3A_645], %add3A_644 {strides = array<i32>} : memref<2048xi32, #tpu.memory_space<vmem>>, vector<16xi32>,
    %slice3A_647 = vector.extract_strided_slice %masked_cumsum3A_638 {offsets = [15], sizes = [1], strides = [1]} : vector<16xi32> to vector<1xi32>
    %squeeze3A_648 = vector.extract %slice3A_647[0] : i32 from vector<1xi32>
    %add3A_649 = arith.addi %add3A_629, %squeeze3A_648 : i32
    %get3A_650 = arith.constant 496 : index
    %get3A_651 = tpu.vector_load %arg5[%get3A_650] {strides = array<i32>} : memref<2048xi32, #tpu.memory_space<vmem>>, vector<16xi32>,
    %ne3A_652 = arith.constant 1 : i32
    %ne3A_653 = vector.broadcast %ne3A_652 : i32 to vector<16xi32>
    %ne3A_654 = arith.cmpi ne, %get3A_651, %ne3A_653 : vector<16xi32>
    %convert_element_type3A_655 = arith.extui %ne3A_654 : vector<16xi1> to vector<16xi32>
    %broadcast_in_dim3A_656 = arith.constant true
    %broadcast_in_dim3A_657 = vector.broadcast %broadcast_in_dim3A_656 : i1 to vector<16xi1>
    %masked_cumsum3A_658 = tpu.scan <sum>, %convert_element_type3A_655 masked %broadcast_in_dim3A_657 : vector<16xi32>, vector<16xi1> -> vector<16xi32>
    %add3A_659 = vector.broadcast %add3A_649 : i32 to vector<16xi32>
    %add3A_660 = arith.addi %masked_cumsum3A_658, %add3A_659 : vector<16xi32>
    %mul3A_661 = arith.muli %add3A_660, %convert_element_type3A_655 : vector<16xi32>
    %add3A_662 = arith.constant 1 : i32
    %add3A_663 = vector.broadcast %add3A_662 : i32 to vector<16xi32>
    %add3A_664 = arith.addi %mul3A_661, %add3A_663 : vector<16xi32>
    %swap3A_665 = arith.constant 496 : index
    %swap3A_666 = tpu.vector_load %arg6[%swap3A_665] {strides = array<i32>} : memref<2048xi32, #tpu.memory_space<vmem>>, vector<16xi32>,
    tpu.vector_store %arg6[%swap3A_665], %add3A_664 {strides = array<i32>} : memref<2048xi32, #tpu.memory_space<vmem>>, vector<16xi32>,
    %slice3A_667 = vector.extract_strided_slice %masked_cumsum3A_658 {offsets = [15], sizes = [1], strides = [1]} : vector<16xi32> to vector<1xi32>
    %squeeze3A_668 = vector.extract %slice3A_667[0] : i32 from vector<1xi32>
    %add3A_669 = arith.addi %add3A_649, %squeeze3A_668 : i32
    %get3A_670 = arith.constant 512 : index
    %get3A_671 = tpu.vector_load %arg5[%get3A_670] {strides = array<i32>} : memref<2048xi32, #tpu.memory_space<vmem>>, vector<16xi32>,
    %ne3A_672 = arith.constant 1 : i32
    %ne3A_673 = vector.broadcast %ne3A_672 : i32 to vector<16xi32>
    %ne3A_674 = arith.cmpi ne, %get3A_671, %ne3A_673 : vector<16xi32>
    %convert_element_type3A_675 = arith.extui %ne3A_674 : vector<16xi1> to vector<16xi32>
    %broadcast_in_dim3A_676 = arith.constant true
    %broadcast_in_dim3A_677 = vector.broadcast %broadcast_in_dim3A_676 : i1 to vector<16xi1>
    %masked_cumsum3A_678 = tpu.scan <sum>, %convert_element_type3A_675 masked %broadcast_in_dim3A_677 : vector<16xi32>, vector<16xi1> -> vector<16xi32>
    %add3A_679 = vector.broadcast %add3A_669 : i32 to vector<16xi32>
    %add3A_680 = arith.addi %masked_cumsum3A_678, %add3A_679 : vector<16xi32>
    %mul3A_681 = arith.muli %add3A_680, %convert_element_type3A_675 : vector<16xi32>
    %add3A_682 = arith.constant 1 : i32
    %add3A_683 = vector.broadcast %add3A_682 : i32 to vector<16xi32>
    %add3A_684 = arith.addi %mul3A_681, %add3A_683 : vector<16xi32>
    %swap3A_685 = arith.constant 512 : index
    %swap3A_686 = tpu.vector_load %arg6[%swap3A_685] {strides = array<i32>} : memref<2048xi32, #tpu.memory_space<vmem>>, vector<16xi32>,
    tpu.vector_store %arg6[%swap3A_685], %add3A_684 {strides = array<i32>} : memref<2048xi32, #tpu.memory_space<vmem>>, vector<16xi32>,
    %slice3A_687 = vector.extract_strided_slice %masked_cumsum3A_678 {offsets = [15], sizes = [1], strides = [1]} : vector<16xi32> to vector<1xi32>
    %squeeze3A_688 = vector.extract %slice3A_687[0] : i32 from vector<1xi32>
    %add3A_689 = arith.addi %add3A_669, %squeeze3A_688 : i32
    %get3A_690 = arith.constant 528 : index
    %get3A_691 = tpu.vector_load %arg5[%get3A_690] {strides = array<i32>} : memref<2048xi32, #tpu.memory_space<vmem>>, vector<16xi32>,
    %ne3A_692 = arith.constant 1 : i32
    %ne3A_693 = vector.broadcast %ne3A_692 : i32 to vector<16xi32>
    %ne3A_694 = arith.cmpi ne, %get3A_691, %ne3A_693 : vector<16xi32>
    %convert_element_type3A_695 = arith.extui %ne3A_694 : vector<16xi1> to vector<16xi32>
    %broadcast_in_dim3A_696 = arith.constant true
    %broadcast_in_dim3A_697 = vector.broadcast %broadcast_in_dim3A_696 : i1 to vector<16xi1>
    %masked_cumsum3A_698 = tpu.scan <sum>, %convert_element_type3A_695 masked %broadcast_in_dim3A_697 : vector<16xi32>, vector<16xi1> -> vector<16xi32>
    %add3A_699 = vector.broadcast %add3A_689 : i32 to vector<16xi32>
    %add3A_700 = arith.addi %masked_cumsum3A_698, %add3A_699 : vector<16xi32>
    %mul3A_701 = arith.muli %add3A_700, %convert_element_type3A_695 : vector<16xi32>
    %add3A_702 = arith.constant 1 : i32
    %add3A_703 = vector.broadcast %add3A_702 : i32 to vector<16xi32>
    %add3A_704 = arith.addi %mul3A_701, %add3A_703 : vector<16xi32>
    %swap3A_705 = arith.constant 528 : index
    %swap3A_706 = tpu.vector_load %arg6[%swap3A_705] {strides = array<i32>} : memref<2048xi32, #tpu.memory_space<vmem>>, vector<16xi32>,
    tpu.vector_store %arg6[%swap3A_705], %add3A_704 {strides = array<i32>} : memref<2048xi32, #tpu.memory_space<vmem>>, vector<16xi32>,
    %slice3A_707 = vector.extract_strided_slice %masked_cumsum3A_698 {offsets = [15], sizes = [1], strides = [1]} : vector<16xi32> to vector<1xi32>
    %squeeze3A_708 = vector.extract %slice3A_707[0] : i32 from vector<1xi32>
    %add3A_709 = arith.addi %add3A_689, %squeeze3A_708 : i32
    %get3A_710 = arith.constant 544 : index
    %get3A_711 = tpu.vector_load %arg5[%get3A_710] {strides = array<i32>} : memref<2048xi32, #tpu.memory_space<vmem>>, vector<16xi32>,
    %ne3A_712 = arith.constant 1 : i32
    %ne3A_713 = vector.broadcast %ne3A_712 : i32 to vector<16xi32>
    %ne3A_714 = arith.cmpi ne, %get3A_711, %ne3A_713 : vector<16xi32>
    %convert_element_type3A_715 = arith.extui %ne3A_714 : vector<16xi1> to vector<16xi32>
    %broadcast_in_dim3A_716 = arith.constant true
    %broadcast_in_dim3A_717 = vector.broadcast %broadcast_in_dim3A_716 : i1 to vector<16xi1>
    %masked_cumsum3A_718 = tpu.scan <sum>, %convert_element_type3A_715 masked %broadcast_in_dim3A_717 : vector<16xi32>, vector<16xi1> -> vector<16xi32>
    %add3A_719 = vector.broadcast %add3A_709 : i32 to vector<16xi32>
    %add3A_720 = arith.addi %masked_cumsum3A_718, %add3A_719 : vector<16xi32>
    %mul3A_721 = arith.muli %add3A_720, %convert_element_type3A_715 : vector<16xi32>
    %add3A_722 = arith.constant 1 : i32
    %add3A_723 = vector.broadcast %add3A_722 : i32 to vector<16xi32>
    %add3A_724 = arith.addi %mul3A_721, %add3A_723 : vector<16xi32>
    %swap3A_725 = arith.constant 544 : index
    %swap3A_726 = tpu.vector_load %arg6[%swap3A_725] {strides = array<i32>} : memref<2048xi32, #tpu.memory_space<vmem>>, vector<16xi32>,
    tpu.vector_store %arg6[%swap3A_725], %add3A_724 {strides = array<i32>} : memref<2048xi32, #tpu.memory_space<vmem>>, vector<16xi32>,
    %slice3A_727 = vector.extract_strided_slice %masked_cumsum3A_718 {offsets = [15], sizes = [1], strides = [1]} : vector<16xi32> to vector<1xi32>
    %squeeze3A_728 = vector.extract %slice3A_727[0] : i32 from vector<1xi32>
    %add3A_729 = arith.addi %add3A_709, %squeeze3A_728 : i32
    %get3A_730 = arith.constant 560 : index
    %get3A_731 = tpu.vector_load %arg5[%get3A_730] {strides = array<i32>} : memref<2048xi32, #tpu.memory_space<vmem>>, vector<16xi32>,
    %ne3A_732 = arith.constant 1 : i32
    %ne3A_733 = vector.broadcast %ne3A_732 : i32 to vector<16xi32>
    %ne3A_734 = arith.cmpi ne, %get3A_731, %ne3A_733 : vector<16xi32>
    %convert_element_type3A_735 = arith.extui %ne3A_734 : vector<16xi1> to vector<16xi32>
    %broadcast_in_dim3A_736 = arith.constant true
    %broadcast_in_dim3A_737 = vector.broadcast %broadcast_in_dim3A_736 : i1 to vector<16xi1>
    %masked_cumsum3A_738 = tpu.scan <sum>, %convert_element_type3A_735 masked %broadcast_in_dim3A_737 : vector<16xi32>, vector<16xi1> -> vector<16xi32>
    %add3A_739 = vector.broadcast %add3A_729 : i32 to vector<16xi32>
    %add3A_740 = arith.addi %masked_cumsum3A_738, %add3A_739 : vector<16xi32>
    %mul3A_741 = arith.muli %add3A_740, %convert_element_type3A_735 : vector<16xi32>
    %add3A_742 = arith.constant 1 : i32
    %add3A_743 = vector.broadcast %add3A_742 : i32 to vector<16xi32>
    %add3A_744 = arith.addi %mul3A_741, %add3A_743 : vector<16xi32>
    %swap3A_745 = arith.constant 560 : index
    %swap3A_746 = tpu.vector_load %arg6[%swap3A_745] {strides = array<i32>} : memref<2048xi32, #tpu.memory_space<vmem>>, vector<16xi32>,
    tpu.vector_store %arg6[%swap3A_745], %add3A_744 {strides = array<i32>} : memref<2048xi32, #tpu.memory_space<vmem>>, vector<16xi32>,
    %slice3A_747 = vector.extract_strided_slice %masked_cumsum3A_738 {offsets = [15], sizes = [1], strides = [1]} : vector<16xi32> to vector<1xi32>
    %squeeze3A_748 = vector.extract %slice3A_747[0] : i32 from vector<1xi32>
    %add3A_749 = arith.addi %add3A_729, %squeeze3A_748 : i32
    %get3A_750 = arith.constant 576 : index
    %get3A_751 = tpu.vector_load %arg5[%get3A_750] {strides = array<i32>} : memref<2048xi32, #tpu.memory_space<vmem>>, vector<16xi32>,
    %ne3A_752 = arith.constant 1 : i32
    %ne3A_753 = vector.broadcast %ne3A_752 : i32 to vector<16xi32>
    %ne3A_754 = arith.cmpi ne, %get3A_751, %ne3A_753 : vector<16xi32>
    %convert_element_type3A_755 = arith.extui %ne3A_754 : vector<16xi1> to vector<16xi32>
    %broadcast_in_dim3A_756 = arith.constant true
    %broadcast_in_dim3A_757 = vector.broadcast %broadcast_in_dim3A_756 : i1 to vector<16xi1>
    %masked_cumsum3A_758 = tpu.scan <sum>, %convert_element_type3A_755 masked %broadcast_in_dim3A_757 : vector<16xi32>, vector<16xi1> -> vector<16xi32>
    %add3A_759 = vector.broadcast %add3A_749 : i32 to vector<16xi32>
    %add3A_760 = arith.addi %masked_cumsum3A_758, %add3A_759 : vector<16xi32>
    %mul3A_761 = arith.muli %add3A_760, %convert_element_type3A_755 : vector<16xi32>
    %add3A_762 = arith.constant 1 : i32
    %add3A_763 = vector.broadcast %add3A_762 : i32 to vector<16xi32>
    %add3A_764 = arith.addi %mul3A_761, %add3A_763 : vector<16xi32>
    %swap3A_765 = arith.constant 576 : index
    %swap3A_766 = tpu.vector_load %arg6[%swap3A_765] {strides = array<i32>} : memref<2048xi32, #tpu.memory_space<vmem>>, vector<16xi32>,
    tpu.vector_store %arg6[%swap3A_765], %add3A_764 {strides = array<i32>} : memref<2048xi32, #tpu.memory_space<vmem>>, vector<16xi32>,
    %slice3A_767 = vector.extract_strided_slice %masked_cumsum3A_758 {offsets = [15], sizes = [1], strides = [1]} : vector<16xi32> to vector<1xi32>
    %squeeze3A_768 = vector.extract %slice3A_767[0] : i32 from vector<1xi32>
    %add3A_769 = arith.addi %add3A_749, %squeeze3A_768 : i32
    %get3A_770 = arith.constant 592 : index
    %get3A_771 = tpu.vector_load %arg5[%get3A_770] {strides = array<i32>} : memref<2048xi32, #tpu.memory_space<vmem>>, vector<16xi32>,
    %ne3A_772 = arith.constant 1 : i32
    %ne3A_773 = vector.broadcast %ne3A_772 : i32 to vector<16xi32>
    %ne3A_774 = arith.cmpi ne, %get3A_771, %ne3A_773 : vector<16xi32>
    %convert_element_type3A_775 = arith.extui %ne3A_774 : vector<16xi1> to vector<16xi32>
    %broadcast_in_dim3A_776 = arith.constant true
    %broadcast_in_dim3A_777 = vector.broadcast %broadcast_in_dim3A_776 : i1 to vector<16xi1>
    %masked_cumsum3A_778 = tpu.scan <sum>, %convert_element_type3A_775 masked %broadcast_in_dim3A_777 : vector<16xi32>, vector<16xi1> -> vector<16xi32>
    %add3A_779 = vector.broadcast %add3A_769 : i32 to vector<16xi32>
    %add3A_780 = arith.addi %masked_cumsum3A_778, %add3A_779 : vector<16xi32>
    %mul3A_781 = arith.muli %add3A_780, %convert_element_type3A_775 : vector<16xi32>
    %add3A_782 = arith.constant 1 : i32
    %add3A_783 = vector.broadcast %add3A_782 : i32 to vector<16xi32>
    %add3A_784 = arith.addi %mul3A_781, %add3A_783 : vector<16xi32>
    %swap3A_785 = arith.constant 592 : index
    %swap3A_786 = tpu.vector_load %arg6[%swap3A_785] {strides = array<i32>} : memref<2048xi32, #tpu.memory_space<vmem>>, vector<16xi32>,
    tpu.vector_store %arg6[%swap3A_785], %add3A_784 {strides = array<i32>} : memref<2048xi32, #tpu.memory_space<vmem>>, vector<16xi32>,
    %slice3A_787 = vector.extract_strided_slice %masked_cumsum3A_778 {offsets = [15], sizes = [1], strides = [1]} : vector<16xi32> to vector<1xi32>
    %squeeze3A_788 = vector.extract %slice3A_787[0] : i32 from vector<1xi32>
    %add3A_789 = arith.addi %add3A_769, %squeeze3A_788 : i32
    %get3A_790 = arith.constant 608 : index
    %get3A_791 = tpu.vector_load %arg5[%get3A_790] {strides = array<i32>} : memref<2048xi32, #tpu.memory_space<vmem>>, vector<16xi32>,
    %ne3A_792 = arith.constant 1 : i32
    %ne3A_793 = vector.broadcast %ne3A_792 : i32 to vector<16xi32>
    %ne3A_794 = arith.cmpi ne, %get3A_791, %ne3A_793 : vector<16xi32>
    %convert_element_type3A_795 = arith.extui %ne3A_794 : vector<16xi1> to vector<16xi32>
    %broadcast_in_dim3A_796 = arith.constant true
    %broadcast_in_dim3A_797 = vector.broadcast %broadcast_in_dim3A_796 : i1 to vector<16xi1>
    %masked_cumsum3A_798 = tpu.scan <sum>, %convert_element_type3A_795 masked %broadcast_in_dim3A_797 : vector<16xi32>, vector<16xi1> -> vector<16xi32>
    %add3A_799 = vector.broadcast %add3A_789 : i32 to vector<16xi32>
    %add3A_800 = arith.addi %masked_cumsum3A_798, %add3A_799 : vector<16xi32>
    %mul3A_801 = arith.muli %add3A_800, %convert_element_type3A_795 : vector<16xi32>
    %add3A_802 = arith.constant 1 : i32
    %add3A_803 = vector.broadcast %add3A_802 : i32 to vector<16xi32>
    %add3A_804 = arith.addi %mul3A_801, %add3A_803 : vector<16xi32>
    %swap3A_805 = arith.constant 608 : index
    %swap3A_806 = tpu.vector_load %arg6[%swap3A_805] {strides = array<i32>} : memref<2048xi32, #tpu.memory_space<vmem>>, vector<16xi32>,
    tpu.vector_store %arg6[%swap3A_805], %add3A_804 {strides = array<i32>} : memref<2048xi32, #tpu.memory_space<vmem>>, vector<16xi32>,
    %slice3A_807 = vector.extract_strided_slice %masked_cumsum3A_798 {offsets = [15], sizes = [1], strides = [1]} : vector<16xi32> to vector<1xi32>
    %squeeze3A_808 = vector.extract %slice3A_807[0] : i32 from vector<1xi32>
    %add3A_809 = arith.addi %add3A_789, %squeeze3A_808 : i32
    %get3A_810 = arith.constant 624 : index
    %get3A_811 = tpu.vector_load %arg5[%get3A_810] {strides = array<i32>} : memref<2048xi32, #tpu.memory_space<vmem>>, vector<16xi32>,
    %ne3A_812 = arith.constant 1 : i32
    %ne3A_813 = vector.broadcast %ne3A_812 : i32 to vector<16xi32>
    %ne3A_814 = arith.cmpi ne, %get3A_811, %ne3A_813 : vector<16xi32>
    %convert_element_type3A_815 = arith.extui %ne3A_814 : vector<16xi1> to vector<16xi32>
    %broadcast_in_dim3A_816 = arith.constant true
    %broadcast_in_dim3A_817 = vector.broadcast %broadcast_in_dim3A_816 : i1 to vector<16xi1>
    %masked_cumsum3A_818 = tpu.scan <sum>, %convert_element_type3A_815 masked %broadcast_in_dim3A_817 : vector<16xi32>, vector<16xi1> -> vector<16xi32>
    %add3A_819 = vector.broadcast %add3A_809 : i32 to vector<16xi32>
    %add3A_820 = arith.addi %masked_cumsum3A_818, %add3A_819 : vector<16xi32>
    %mul3A_821 = arith.muli %add3A_820, %convert_element_type3A_815 : vector<16xi32>
    %add3A_822 = arith.constant 1 : i32
    %add3A_823 = vector.broadcast %add3A_822 : i32 to vector<16xi32>
    %add3A_824 = arith.addi %mul3A_821, %add3A_823 : vector<16xi32>
    %swap3A_825 = arith.constant 624 : index
    %swap3A_826 = tpu.vector_load %arg6[%swap3A_825] {strides = array<i32>} : memref<2048xi32, #tpu.memory_space<vmem>>, vector<16xi32>,
    tpu.vector_store %arg6[%swap3A_825], %add3A_824 {strides = array<i32>} : memref<2048xi32, #tpu.memory_space<vmem>>, vector<16xi32>,
    %slice3A_827 = vector.extract_strided_slice %masked_cumsum3A_818 {offsets = [15], sizes = [1], strides = [1]} : vector<16xi32> to vector<1xi32>
    %squeeze3A_828 = vector.extract %slice3A_827[0] : i32 from vector<1xi32>
    %add3A_829 = arith.addi %add3A_809, %squeeze3A_828 : i32
    %get3A_830 = arith.constant 640 : index
    %get3A_831 = tpu.vector_load %arg5[%get3A_830] {strides = array<i32>} : memref<2048xi32, #tpu.memory_space<vmem>>, vector<16xi32>,
    %ne3A_832 = arith.constant 1 : i32
    %ne3A_833 = vector.broadcast %ne3A_832 : i32 to vector<16xi32>
    %ne3A_834 = arith.cmpi ne, %get3A_831, %ne3A_833 : vector<16xi32>
    %convert_element_type3A_835 = arith.extui %ne3A_834 : vector<16xi1> to vector<16xi32>
    %broadcast_in_dim3A_836 = arith.constant true
    %broadcast_in_dim3A_837 = vector.broadcast %broadcast_in_dim3A_836 : i1 to vector<16xi1>
    %masked_cumsum3A_838 = tpu.scan <sum>, %convert_element_type3A_835 masked %broadcast_in_dim3A_837 : vector<16xi32>, vector<16xi1> -> vector<16xi32>
    %add3A_839 = vector.broadcast %add3A_829 : i32 to vector<16xi32>
    %add3A_840 = arith.addi %masked_cumsum3A_838, %add3A_839 : vector<16xi32>
    %mul3A_841 = arith.muli %add3A_840, %convert_element_type3A_835 : vector<16xi32>
    %add3A_842 = arith.constant 1 : i32
    %add3A_843 = vector.broadcast %add3A_842 : i32 to vector<16xi32>
    %add3A_844 = arith.addi %mul3A_841, %add3A_843 : vector<16xi32>
    %swap3A_845 = arith.constant 640 : index
    %swap3A_846 = tpu.vector_load %arg6[%swap3A_845] {strides = array<i32>} : memref<2048xi32, #tpu.memory_space<vmem>>, vector<16xi32>,
    tpu.vector_store %arg6[%swap3A_845], %add3A_844 {strides = array<i32>} : memref<2048xi32, #tpu.memory_space<vmem>>, vector<16xi32>,
    %slice3A_847 = vector.extract_strided_slice %masked_cumsum3A_838 {offsets = [15], sizes = [1], strides = [1]} : vector<16xi32> to vector<1xi32>
    %squeeze3A_848 = vector.extract %slice3A_847[0] : i32 from vector<1xi32>
    %add3A_849 = arith.addi %add3A_829, %squeeze3A_848 : i32
    %get3A_850 = arith.constant 656 : index
    %get3A_851 = tpu.vector_load %arg5[%get3A_850] {strides = array<i32>} : memref<2048xi32, #tpu.memory_space<vmem>>, vector<16xi32>,
    %ne3A_852 = arith.constant 1 : i32
    %ne3A_853 = vector.broadcast %ne3A_852 : i32 to vector<16xi32>
    %ne3A_854 = arith.cmpi ne, %get3A_851, %ne3A_853 : vector<16xi32>
    %convert_element_type3A_855 = arith.extui %ne3A_854 : vector<16xi1> to vector<16xi32>
    %broadcast_in_dim3A_856 = arith.constant true
    %broadcast_in_dim3A_857 = vector.broadcast %broadcast_in_dim3A_856 : i1 to vector<16xi1>
    %masked_cumsum3A_858 = tpu.scan <sum>, %convert_element_type3A_855 masked %broadcast_in_dim3A_857 : vector<16xi32>, vector<16xi1> -> vector<16xi32>
    %add3A_859 = vector.broadcast %add3A_849 : i32 to vector<16xi32>
    %add3A_860 = arith.addi %masked_cumsum3A_858, %add3A_859 : vector<16xi32>
    %mul3A_861 = arith.muli %add3A_860, %convert_element_type3A_855 : vector<16xi32>
    %add3A_862 = arith.constant 1 : i32
    %add3A_863 = vector.broadcast %add3A_862 : i32 to vector<16xi32>
    %add3A_864 = arith.addi %mul3A_861, %add3A_863 : vector<16xi32>
    %swap3A_865 = arith.constant 656 : index
    %swap3A_866 = tpu.vector_load %arg6[%swap3A_865] {strides = array<i32>} : memref<2048xi32, #tpu.memory_space<vmem>>, vector<16xi32>,
    tpu.vector_store %arg6[%swap3A_865], %add3A_864 {strides = array<i32>} : memref<2048xi32, #tpu.memory_space<vmem>>, vector<16xi32>,
    %slice3A_867 = vector.extract_strided_slice %masked_cumsum3A_858 {offsets = [15], sizes = [1], strides = [1]} : vector<16xi32> to vector<1xi32>
    %squeeze3A_868 = vector.extract %slice3A_867[0] : i32 from vector<1xi32>
    %add3A_869 = arith.addi %add3A_849, %squeeze3A_868 : i32
    %get3A_870 = arith.constant 672 : index
    %get3A_871 = tpu.vector_load %arg5[%get3A_870] {strides = array<i32>} : memref<2048xi32, #tpu.memory_space<vmem>>, vector<16xi32>,
    %ne3A_872 = arith.constant 1 : i32
    %ne3A_873 = vector.broadcast %ne3A_872 : i32 to vector<16xi32>
    %ne3A_874 = arith.cmpi ne, %get3A_871, %ne3A_873 : vector<16xi32>
    %convert_element_type3A_875 = arith.extui %ne3A_874 : vector<16xi1> to vector<16xi32>
    %broadcast_in_dim3A_876 = arith.constant true
    %broadcast_in_dim3A_877 = vector.broadcast %broadcast_in_dim3A_876 : i1 to vector<16xi1>
    %masked_cumsum3A_878 = tpu.scan <sum>, %convert_element_type3A_875 masked %broadcast_in_dim3A_877 : vector<16xi32>, vector<16xi1> -> vector<16xi32>
    %add3A_879 = vector.broadcast %add3A_869 : i32 to vector<16xi32>
    %add3A_880 = arith.addi %masked_cumsum3A_878, %add3A_879 : vector<16xi32>
    %mul3A_881 = arith.muli %add3A_880, %convert_element_type3A_875 : vector<16xi32>
    %add3A_882 = arith.constant 1 : i32
    %add3A_883 = vector.broadcast %add3A_882 : i32 to vector<16xi32>
    %add3A_884 = arith.addi %mul3A_881, %add3A_883 : vector<16xi32>
    %swap3A_885 = arith.constant 672 : index
    %swap3A_886 = tpu.vector_load %arg6[%swap3A_885] {strides = array<i32>} : memref<2048xi32, #tpu.memory_space<vmem>>, vector<16xi32>,
    tpu.vector_store %arg6[%swap3A_885], %add3A_884 {strides = array<i32>} : memref<2048xi32, #tpu.memory_space<vmem>>, vector<16xi32>,
    %slice3A_887 = vector.extract_strided_slice %masked_cumsum3A_878 {offsets = [15], sizes = [1], strides = [1]} : vector<16xi32> to vector<1xi32>
    %squeeze3A_888 = vector.extract %slice3A_887[0] : i32 from vector<1xi32>
    %add3A_889 = arith.addi %add3A_869, %squeeze3A_888 : i32
    %get3A_890 = arith.constant 688 : index
    %get3A_891 = tpu.vector_load %arg5[%get3A_890] {strides = array<i32>} : memref<2048xi32, #tpu.memory_space<vmem>>, vector<16xi32>,
    %ne3A_892 = arith.constant 1 : i32
    %ne3A_893 = vector.broadcast %ne3A_892 : i32 to vector<16xi32>
    %ne3A_894 = arith.cmpi ne, %get3A_891, %ne3A_893 : vector<16xi32>
    %convert_element_type3A_895 = arith.extui %ne3A_894 : vector<16xi1> to vector<16xi32>
    %broadcast_in_dim3A_896 = arith.constant true
    %broadcast_in_dim3A_897 = vector.broadcast %broadcast_in_dim3A_896 : i1 to vector<16xi1>
    %masked_cumsum3A_898 = tpu.scan <sum>, %convert_element_type3A_895 masked %broadcast_in_dim3A_897 : vector<16xi32>, vector<16xi1> -> vector<16xi32>
    %add3A_899 = vector.broadcast %add3A_889 : i32 to vector<16xi32>
    %add3A_900 = arith.addi %masked_cumsum3A_898, %add3A_899 : vector<16xi32>
    %mul3A_901 = arith.muli %add3A_900, %convert_element_type3A_895 : vector<16xi32>
    %add3A_902 = arith.constant 1 : i32
    %add3A_903 = vector.broadcast %add3A_902 : i32 to vector<16xi32>
    %add3A_904 = arith.addi %mul3A_901, %add3A_903 : vector<16xi32>
    %swap3A_905 = arith.constant 688 : index
    %swap3A_906 = tpu.vector_load %arg6[%swap3A_905] {strides = array<i32>} : memref<2048xi32, #tpu.memory_space<vmem>>, vector<16xi32>,
    tpu.vector_store %arg6[%swap3A_905], %add3A_904 {strides = array<i32>} : memref<2048xi32, #tpu.memory_space<vmem>>, vector<16xi32>,
    %slice3A_907 = vector.extract_strided_slice %masked_cumsum3A_898 {offsets = [15], sizes = [1], strides = [1]} : vector<16xi32> to vector<1xi32>
    %squeeze3A_908 = vector.extract %slice3A_907[0] : i32 from vector<1xi32>
    %add3A_909 = arith.addi %add3A_889, %squeeze3A_908 : i32
    %get3A_910 = arith.constant 704 : index
    %get3A_911 = tpu.vector_load %arg5[%get3A_910] {strides = array<i32>} : memref<2048xi32, #tpu.memory_space<vmem>>, vector<16xi32>,
    %ne3A_912 = arith.constant 1 : i32
    %ne3A_913 = vector.broadcast %ne3A_912 : i32 to vector<16xi32>
    %ne3A_914 = arith.cmpi ne, %get3A_911, %ne3A_913 : vector<16xi32>
    %convert_element_type3A_915 = arith.extui %ne3A_914 : vector<16xi1> to vector<16xi32>
    %broadcast_in_dim3A_916 = arith.constant true
    %broadcast_in_dim3A_917 = vector.broadcast %broadcast_in_dim3A_916 : i1 to vector<16xi1>
    %masked_cumsum3A_918 = tpu.scan <sum>, %convert_element_type3A_915 masked %broadcast_in_dim3A_917 : vector<16xi32>, vector<16xi1> -> vector<16xi32>
    %add3A_919 = vector.broadcast %add3A_909 : i32 to vector<16xi32>
    %add3A_920 = arith.addi %masked_cumsum3A_918, %add3A_919 : vector<16xi32>
    %mul3A_921 = arith.muli %add3A_920, %convert_element_type3A_915 : vector<16xi32>
    %add3A_922 = arith.constant 1 : i32
    %add3A_923 = vector.broadcast %add3A_922 : i32 to vector<16xi32>
    %add3A_924 = arith.addi %mul3A_921, %add3A_923 : vector<16xi32>
    %swap3A_925 = arith.constant 704 : index
    %swap3A_926 = tpu.vector_load %arg6[%swap3A_925] {strides = array<i32>} : memref<2048xi32, #tpu.memory_space<vmem>>, vector<16xi32>,
    tpu.vector_store %arg6[%swap3A_925], %add3A_924 {strides = array<i32>} : memref<2048xi32, #tpu.memory_space<vmem>>, vector<16xi32>,
    %slice3A_927 = vector.extract_strided_slice %masked_cumsum3A_918 {offsets = [15], sizes = [1], strides = [1]} : vector<16xi32> to vector<1xi32>
    %squeeze3A_928 = vector.extract %slice3A_927[0] : i32 from vector<1xi32>
    %add3A_929 = arith.addi %add3A_909, %squeeze3A_928 : i32
    %get3A_930 = arith.constant 720 : index
    %get3A_931 = tpu.vector_load %arg5[%get3A_930] {strides = array<i32>} : memref<2048xi32, #tpu.memory_space<vmem>>, vector<16xi32>,
    %ne3A_932 = arith.constant 1 : i32
    %ne3A_933 = vector.broadcast %ne3A_932 : i32 to vector<16xi32>
    %ne3A_934 = arith.cmpi ne, %get3A_931, %ne3A_933 : vector<16xi32>
    %convert_element_type3A_935 = arith.extui %ne3A_934 : vector<16xi1> to vector<16xi32>
    %broadcast_in_dim3A_936 = arith.constant true
    %broadcast_in_dim3A_937 = vector.broadcast %broadcast_in_dim3A_936 : i1 to vector<16xi1>
    %masked_cumsum3A_938 = tpu.scan <sum>, %convert_element_type3A_935 masked %broadcast_in_dim3A_937 : vector<16xi32>, vector<16xi1> -> vector<16xi32>
    %add3A_939 = vector.broadcast %add3A_929 : i32 to vector<16xi32>
    %add3A_940 = arith.addi %masked_cumsum3A_938, %add3A_939 : vector<16xi32>
    %mul3A_941 = arith.muli %add3A_940, %convert_element_type3A_935 : vector<16xi32>
    %add3A_942 = arith.constant 1 : i32
    %add3A_943 = vector.broadcast %add3A_942 : i32 to vector<16xi32>
    %add3A_944 = arith.addi %mul3A_941, %add3A_943 : vector<16xi32>
    %swap3A_945 = arith.constant 720 : index
    %swap3A_946 = tpu.vector_load %arg6[%swap3A_945] {strides = array<i32>} : memref<2048xi32, #tpu.memory_space<vmem>>, vector<16xi32>,
    tpu.vector_store %arg6[%swap3A_945], %add3A_944 {strides = array<i32>} : memref<2048xi32, #tpu.memory_space<vmem>>, vector<16xi32>,
    %slice3A_947 = vector.extract_strided_slice %masked_cumsum3A_938 {offsets = [15], sizes = [1], strides = [1]} : vector<16xi32> to vector<1xi32>
    %squeeze3A_948 = vector.extract %slice3A_947[0] : i32 from vector<1xi32>
    %add3A_949 = arith.addi %add3A_929, %squeeze3A_948 : i32
    %get3A_950 = arith.constant 736 : index
    %get3A_951 = tpu.vector_load %arg5[%get3A_950] {strides = array<i32>} : memref<2048xi32, #tpu.memory_space<vmem>>, vector<16xi32>,
    %ne3A_952 = arith.constant 1 : i32
    %ne3A_953 = vector.broadcast %ne3A_952 : i32 to vector<16xi32>
    %ne3A_954 = arith.cmpi ne, %get3A_951, %ne3A_953 : vector<16xi32>
    %convert_element_type3A_955 = arith.extui %ne3A_954 : vector<16xi1> to vector<16xi32>
    %broadcast_in_dim3A_956 = arith.constant true
    %broadcast_in_dim3A_957 = vector.broadcast %broadcast_in_dim3A_956 : i1 to vector<16xi1>
    %masked_cumsum3A_958 = tpu.scan <sum>, %convert_element_type3A_955 masked %broadcast_in_dim3A_957 : vector<16xi32>, vector<16xi1> -> vector<16xi32>
    %add3A_959 = vector.broadcast %add3A_949 : i32 to vector<16xi32>
    %add3A_960 = arith.addi %masked_cumsum3A_958, %add3A_959 : vector<16xi32>
    %mul3A_961 = arith.muli %add3A_960, %convert_element_type3A_955 : vector<16xi32>
    %add3A_962 = arith.constant 1 : i32
    %add3A_963 = vector.broadcast %add3A_962 : i32 to vector<16xi32>
    %add3A_964 = arith.addi %mul3A_961, %add3A_963 : vector<16xi32>
    %swap3A_965 = arith.constant 736 : index
    %swap3A_966 = tpu.vector_load %arg6[%swap3A_965] {strides = array<i32>} : memref<2048xi32, #tpu.memory_space<vmem>>, vector<16xi32>,
    tpu.vector_store %arg6[%swap3A_965], %add3A_964 {strides = array<i32>} : memref<2048xi32, #tpu.memory_space<vmem>>, vector<16xi32>,
    %slice3A_967 = vector.extract_strided_slice %masked_cumsum3A_958 {offsets = [15], sizes = [1], strides = [1]} : vector<16xi32> to vector<1xi32>
    %squeeze3A_968 = vector.extract %slice3A_967[0] : i32 from vector<1xi32>
    %add3A_969 = arith.addi %add3A_949, %squeeze3A_968 : i32
    %get3A_970 = arith.constant 752 : index
    %get3A_971 = tpu.vector_load %arg5[%get3A_970] {strides = array<i32>} : memref<2048xi32, #tpu.memory_space<vmem>>, vector<16xi32>,
    %ne3A_972 = arith.constant 1 : i32
    %ne3A_973 = vector.broadcast %ne3A_972 : i32 to vector<16xi32>
    %ne3A_974 = arith.cmpi ne, %get3A_971, %ne3A_973 : vector<16xi32>
    %convert_element_type3A_975 = arith.extui %ne3A_974 : vector<16xi1> to vector<16xi32>
    %broadcast_in_dim3A_976 = arith.constant true
    %broadcast_in_dim3A_977 = vector.broadcast %broadcast_in_dim3A_976 : i1 to vector<16xi1>
    %masked_cumsum3A_978 = tpu.scan <sum>, %convert_element_type3A_975 masked %broadcast_in_dim3A_977 : vector<16xi32>, vector<16xi1> -> vector<16xi32>
    %add3A_979 = vector.broadcast %add3A_969 : i32 to vector<16xi32>
    %add3A_980 = arith.addi %masked_cumsum3A_978, %add3A_979 : vector<16xi32>
    %mul3A_981 = arith.muli %add3A_980, %convert_element_type3A_975 : vector<16xi32>
    %add3A_982 = arith.constant 1 : i32
    %add3A_983 = vector.broadcast %add3A_982 : i32 to vector<16xi32>
    %add3A_984 = arith.addi %mul3A_981, %add3A_983 : vector<16xi32>
    %swap3A_985 = arith.constant 752 : index
    %swap3A_986 = tpu.vector_load %arg6[%swap3A_985] {strides = array<i32>} : memref<2048xi32, #tpu.memory_space<vmem>>, vector<16xi32>,
    tpu.vector_store %arg6[%swap3A_985], %add3A_984 {strides = array<i32>} : memref<2048xi32, #tpu.memory_space<vmem>>, vector<16xi32>,
    %slice3A_987 = vector.extract_strided_slice %masked_cumsum3A_978 {offsets = [15], sizes = [1], strides = [1]} : vector<16xi32> to vector<1xi32>
    %squeeze3A_988 = vector.extract %slice3A_987[0] : i32 from vector<1xi32>
    %add3A_989 = arith.addi %add3A_969, %squeeze3A_988 : i32
    %get3A_990 = arith.constant 768 : index
    %get3A_991 = tpu.vector_load %arg5[%get3A_990] {strides = array<i32>} : memref<2048xi32, #tpu.memory_space<vmem>>, vector<16xi32>,
    %ne3A_992 = arith.constant 1 : i32
    %ne3A_993 = vector.broadcast %ne3A_992 : i32 to vector<16xi32>
    %ne3A_994 = arith.cmpi ne, %get3A_991, %ne3A_993 : vector<16xi32>
    %convert_element_type3A_995 = arith.extui %ne3A_994 : vector<16xi1> to vector<16xi32>
    %broadcast_in_dim3A_996 = arith.constant true
    %broadcast_in_dim3A_997 = vector.broadcast %broadcast_in_dim3A_996 : i1 to vector<16xi1>
    %masked_cumsum3A_998 = tpu.scan <sum>, %convert_element_type3A_995 masked %broadcast_in_dim3A_997 : vector<16xi32>, vector<16xi1> -> vector<16xi32>
    %add3A_999 = vector.broadcast %add3A_989 : i32 to vector<16xi32>
    %add3A_1000 = arith.addi %masked_cumsum3A_998, %add3A_999 : vector<16xi32>
    %mul3A_1001 = arith.muli %add3A_1000, %convert_element_type3A_995 : vector<16xi32>
    %add3A_1002 = arith.constant 1 : i32
    %add3A_1003 = vector.broadcast %add3A_1002 : i32 to vector<16xi32>
    %add3A_1004 = arith.addi %mul3A_1001, %add3A_1003 : vector<16xi32>
    %swap3A_1005 = arith.constant 768 : index
    %swap3A_1006 = tpu.vector_load %arg6[%swap3A_1005] {strides = array<i32>} : memref<2048xi32, #tpu.memory_space<vmem>>, vector<16xi32>,
    tpu.vector_store %arg6[%swap3A_1005], %add3A_1004 {strides = array<i32>} : memref<2048xi32, #tpu.memory_space<vmem>>, vector<16xi32>,
    %slice3A_1007 = vector.extract_strided_slice %masked_cumsum3A_998 {offsets = [15], sizes = [1], strides = [1]} : vector<16xi32> to vector<1xi32>
    %squeeze3A_1008 = vector.extract %slice3A_1007[0] : i32 from vector<1xi32>
    %add3A_1009 = arith.addi %add3A_989, %squeeze3A_1008 : i32
    %get3A_1010 = arith.constant 784 : index
    %get3A_1011 = tpu.vector_load %arg5[%get3A_1010] {strides = array<i32>} : memref<2048xi32, #tpu.memory_space<vmem>>, vector<16xi32>,
    %ne3A_1012 = arith.constant 1 : i32
    %ne3A_1013 = vector.broadcast %ne3A_1012 : i32 to vector<16xi32>
    %ne3A_1014 = arith.cmpi ne, %get3A_1011, %ne3A_1013 : vector<16xi32>
    %convert_element_type3A_1015 = arith.extui %ne3A_1014 : vector<16xi1> to vector<16xi32>
    %broadcast_in_dim3A_1016 = arith.constant true
    %broadcast_in_dim3A_1017 = vector.broadcast %broadcast_in_dim3A_1016 : i1 to vector<16xi1>
    %masked_cumsum3A_1018 = tpu.scan <sum>, %convert_element_type3A_1015 masked %broadcast_in_dim3A_1017 : vector<16xi32>, vector<16xi1> -> vector<16xi32>
    %add3A_1019 = vector.broadcast %add3A_1009 : i32 to vector<16xi32>
    %add3A_1020 = arith.addi %masked_cumsum3A_1018, %add3A_1019 : vector<16xi32>
    %mul3A_1021 = arith.muli %add3A_1020, %convert_element_type3A_1015 : vector<16xi32>
    %add3A_1022 = arith.constant 1 : i32
    %add3A_1023 = vector.broadcast %add3A_1022 : i32 to vector<16xi32>
    %add3A_1024 = arith.addi %mul3A_1021, %add3A_1023 : vector<16xi32>
    %swap3A_1025 = arith.constant 784 : index
    %swap3A_1026 = tpu.vector_load %arg6[%swap3A_1025] {strides = array<i32>} : memref<2048xi32, #tpu.memory_space<vmem>>, vector<16xi32>,
    tpu.vector_store %arg6[%swap3A_1025], %add3A_1024 {strides = array<i32>} : memref<2048xi32, #tpu.memory_space<vmem>>, vector<16xi32>,
    %slice3A_1027 = vector.extract_strided_slice %masked_cumsum3A_1018 {offsets = [15], sizes = [1], strides = [1]} : vector<16xi32> to vector<1xi32>
    %squeeze3A_1028 = vector.extract %slice3A_1027[0] : i32 from vector<1xi32>
    %add3A_1029 = arith.addi %add3A_1009, %squeeze3A_1028 : i32
    %get3A_1030 = arith.constant 800 : index
    %get3A_1031 = tpu.vector_load %arg5[%get3A_1030] {strides = array<i32>} : memref<2048xi32, #tpu.memory_space<vmem>>, vector<16xi32>,
    %ne3A_1032 = arith.constant 1 : i32
    %ne3A_1033 = vector.broadcast %ne3A_1032 : i32 to vector<16xi32>
    %ne3A_1034 = arith.cmpi ne, %get3A_1031, %ne3A_1033 : vector<16xi32>
    %convert_element_type3A_1035 = arith.extui %ne3A_1034 : vector<16xi1> to vector<16xi32>
    %broadcast_in_dim3A_1036 = arith.constant true
    %broadcast_in_dim3A_1037 = vector.broadcast %broadcast_in_dim3A_1036 : i1 to vector<16xi1>
    %masked_cumsum3A_1038 = tpu.scan <sum>, %convert_element_type3A_1035 masked %broadcast_in_dim3A_1037 : vector<16xi32>, vector<16xi1> -> vector<16xi32>
    %add3A_1039 = vector.broadcast %add3A_1029 : i32 to vector<16xi32>
    %add3A_1040 = arith.addi %masked_cumsum3A_1038, %add3A_1039 : vector<16xi32>
    %mul3A_1041 = arith.muli %add3A_1040, %convert_element_type3A_1035 : vector<16xi32>
    %add3A_1042 = arith.constant 1 : i32
    %add3A_1043 = vector.broadcast %add3A_1042 : i32 to vector<16xi32>
    %add3A_1044 = arith.addi %mul3A_1041, %add3A_1043 : vector<16xi32>
    %swap3A_1045 = arith.constant 800 : index
    %swap3A_1046 = tpu.vector_load %arg6[%swap3A_1045] {strides = array<i32>} : memref<2048xi32, #tpu.memory_space<vmem>>, vector<16xi32>,
    tpu.vector_store %arg6[%swap3A_1045], %add3A_1044 {strides = array<i32>} : memref<2048xi32, #tpu.memory_space<vmem>>, vector<16xi32>,
    %slice3A_1047 = vector.extract_strided_slice %masked_cumsum3A_1038 {offsets = [15], sizes = [1], strides = [1]} : vector<16xi32> to vector<1xi32>
    %squeeze3A_1048 = vector.extract %slice3A_1047[0] : i32 from vector<1xi32>
    %add3A_1049 = arith.addi %add3A_1029, %squeeze3A_1048 : i32
    %get3A_1050 = arith.constant 816 : index
    %get3A_1051 = tpu.vector_load %arg5[%get3A_1050] {strides = array<i32>} : memref<2048xi32, #tpu.memory_space<vmem>>, vector<16xi32>,
    %ne3A_1052 = arith.constant 1 : i32
    %ne3A_1053 = vector.broadcast %ne3A_1052 : i32 to vector<16xi32>
    %ne3A_1054 = arith.cmpi ne, %get3A_1051, %ne3A_1053 : vector<16xi32>
    %convert_element_type3A_1055 = arith.extui %ne3A_1054 : vector<16xi1> to vector<16xi32>
    %broadcast_in_dim3A_1056 = arith.constant true
    %broadcast_in_dim3A_1057 = vector.broadcast %broadcast_in_dim3A_1056 : i1 to vector<16xi1>
    %masked_cumsum3A_1058 = tpu.scan <sum>, %convert_element_type3A_1055 masked %broadcast_in_dim3A_1057 : vector<16xi32>, vector<16xi1> -> vector<16xi32>
    %add3A_1059 = vector.broadcast %add3A_1049 : i32 to vector<16xi32>
    %add3A_1060 = arith.addi %masked_cumsum3A_1058, %add3A_1059 : vector<16xi32>
    %mul3A_1061 = arith.muli %add3A_1060, %convert_element_type3A_1055 : vector<16xi32>
    %add3A_1062 = arith.constant 1 : i32
    %add3A_1063 = vector.broadcast %add3A_1062 : i32 to vector<16xi32>
    %add3A_1064 = arith.addi %mul3A_1061, %add3A_1063 : vector<16xi32>
    %swap3A_1065 = arith.constant 816 : index
    %swap3A_1066 = tpu.vector_load %arg6[%swap3A_1065] {strides = array<i32>} : memref<2048xi32, #tpu.memory_space<vmem>>, vector<16xi32>,
    tpu.vector_store %arg6[%swap3A_1065], %add3A_1064 {strides = array<i32>} : memref<2048xi32, #tpu.memory_space<vmem>>, vector<16xi32>,
    %slice3A_1067 = vector.extract_strided_slice %masked_cumsum3A_1058 {offsets = [15], sizes = [1], strides = [1]} : vector<16xi32> to vector<1xi32>
    %squeeze3A_1068 = vector.extract %slice3A_1067[0] : i32 from vector<1xi32>
    %add3A_1069 = arith.addi %add3A_1049, %squeeze3A_1068 : i32
    %get3A_1070 = arith.constant 832 : index
    %get3A_1071 = tpu.vector_load %arg5[%get3A_1070] {strides = array<i32>} : memref<2048xi32, #tpu.memory_space<vmem>>, vector<16xi32>,
    %ne3A_1072 = arith.constant 1 : i32
    %ne3A_1073 = vector.broadcast %ne3A_1072 : i32 to vector<16xi32>
    %ne3A_1074 = arith.cmpi ne, %get3A_1071, %ne3A_1073 : vector<16xi32>
    %convert_element_type3A_1075 = arith.extui %ne3A_1074 : vector<16xi1> to vector<16xi32>
    %broadcast_in_dim3A_1076 = arith.constant true
    %broadcast_in_dim3A_1077 = vector.broadcast %broadcast_in_dim3A_1076 : i1 to vector<16xi1>
    %masked_cumsum3A_1078 = tpu.scan <sum>, %convert_element_type3A_1075 masked %broadcast_in_dim3A_1077 : vector<16xi32>, vector<16xi1> -> vector<16xi32>
    %add3A_1079 = vector.broadcast %add3A_1069 : i32 to vector<16xi32>
    %add3A_1080 = arith.addi %masked_cumsum3A_1078, %add3A_1079 : vector<16xi32>
    %mul3A_1081 = arith.muli %add3A_1080, %convert_element_type3A_1075 : vector<16xi32>
    %add3A_1082 = arith.constant 1 : i32
    %add3A_1083 = vector.broadcast %add3A_1082 : i32 to vector<16xi32>
    %add3A_1084 = arith.addi %mul3A_1081, %add3A_1083 : vector<16xi32>
    %swap3A_1085 = arith.constant 832 : index
    %swap3A_1086 = tpu.vector_load %arg6[%swap3A_1085] {strides = array<i32>} : memref<2048xi32, #tpu.memory_space<vmem>>, vector<16xi32>,
    tpu.vector_store %arg6[%swap3A_1085], %add3A_1084 {strides = array<i32>} : memref<2048xi32, #tpu.memory_space<vmem>>, vector<16xi32>,
    %slice3A_1087 = vector.extract_strided_slice %masked_cumsum3A_1078 {offsets = [15], sizes = [1], strides = [1]} : vector<16xi32> to vector<1xi32>
    %squeeze3A_1088 = vector.extract %slice3A_1087[0] : i32 from vector<1xi32>
    %add3A_1089 = arith.addi %add3A_1069, %squeeze3A_1088 : i32
    %get3A_1090 = arith.constant 848 : index
    %get3A_1091 = tpu.vector_load %arg5[%get3A_1090] {strides = array<i32>} : memref<2048xi32, #tpu.memory_space<vmem>>, vector<16xi32>,
    %ne3A_1092 = arith.constant 1 : i32
    %ne3A_1093 = vector.broadcast %ne3A_1092 : i32 to vector<16xi32>
    %ne3A_1094 = arith.cmpi ne, %get3A_1091, %ne3A_1093 : vector<16xi32>
    %convert_element_type3A_1095 = arith.extui %ne3A_1094 : vector<16xi1> to vector<16xi32>
    %broadcast_in_dim3A_1096 = arith.constant true
    %broadcast_in_dim3A_1097 = vector.broadcast %broadcast_in_dim3A_1096 : i1 to vector<16xi1>
    %masked_cumsum3A_1098 = tpu.scan <sum>, %convert_element_type3A_1095 masked %broadcast_in_dim3A_1097 : vector<16xi32>, vector<16xi1> -> vector<16xi32>
    %add3A_1099 = vector.broadcast %add3A_1089 : i32 to vector<16xi32>
    %add3A_1100 = arith.addi %masked_cumsum3A_1098, %add3A_1099 : vector<16xi32>
    %mul3A_1101 = arith.muli %add3A_1100, %convert_element_type3A_1095 : vector<16xi32>
    %add3A_1102 = arith.constant 1 : i32
    %add3A_1103 = vector.broadcast %add3A_1102 : i32 to vector<16xi32>
    %add3A_1104 = arith.addi %mul3A_1101, %add3A_1103 : vector<16xi32>
    %swap3A_1105 = arith.constant 848 : index
    %swap3A_1106 = tpu.vector_load %arg6[%swap3A_1105] {strides = array<i32>} : memref<2048xi32, #tpu.memory_space<vmem>>, vector<16xi32>,
    tpu.vector_store %arg6[%swap3A_1105], %add3A_1104 {strides = array<i32>} : memref<2048xi32, #tpu.memory_space<vmem>>, vector<16xi32>,
    %slice3A_1107 = vector.extract_strided_slice %masked_cumsum3A_1098 {offsets = [15], sizes = [1], strides = [1]} : vector<16xi32> to vector<1xi32>
    %squeeze3A_1108 = vector.extract %slice3A_1107[0] : i32 from vector<1xi32>
    %add3A_1109 = arith.addi %add3A_1089, %squeeze3A_1108 : i32
    %get3A_1110 = arith.constant 864 : index
    %get3A_1111 = tpu.vector_load %arg5[%get3A_1110] {strides = array<i32>} : memref<2048xi32, #tpu.memory_space<vmem>>, vector<16xi32>,
    %ne3A_1112 = arith.constant 1 : i32
    %ne3A_1113 = vector.broadcast %ne3A_1112 : i32 to vector<16xi32>
    %ne3A_1114 = arith.cmpi ne, %get3A_1111, %ne3A_1113 : vector<16xi32>
    %convert_element_type3A_1115 = arith.extui %ne3A_1114 : vector<16xi1> to vector<16xi32>
    %broadcast_in_dim3A_1116 = arith.constant true
    %broadcast_in_dim3A_1117 = vector.broadcast %broadcast_in_dim3A_1116 : i1 to vector<16xi1>
    %masked_cumsum3A_1118 = tpu.scan <sum>, %convert_element_type3A_1115 masked %broadcast_in_dim3A_1117 : vector<16xi32>, vector<16xi1> -> vector<16xi32>
    %add3A_1119 = vector.broadcast %add3A_1109 : i32 to vector<16xi32>
    %add3A_1120 = arith.addi %masked_cumsum3A_1118, %add3A_1119 : vector<16xi32>
    %mul3A_1121 = arith.muli %add3A_1120, %convert_element_type3A_1115 : vector<16xi32>
    %add3A_1122 = arith.constant 1 : i32
    %add3A_1123 = vector.broadcast %add3A_1122 : i32 to vector<16xi32>
    %add3A_1124 = arith.addi %mul3A_1121, %add3A_1123 : vector<16xi32>
    %swap3A_1125 = arith.constant 864 : index
    %swap3A_1126 = tpu.vector_load %arg6[%swap3A_1125] {strides = array<i32>} : memref<2048xi32, #tpu.memory_space<vmem>>, vector<16xi32>,
    tpu.vector_store %arg6[%swap3A_1125], %add3A_1124 {strides = array<i32>} : memref<2048xi32, #tpu.memory_space<vmem>>, vector<16xi32>,
    %slice3A_1127 = vector.extract_strided_slice %masked_cumsum3A_1118 {offsets = [15], sizes = [1], strides = [1]} : vector<16xi32> to vector<1xi32>
    %squeeze3A_1128 = vector.extract %slice3A_1127[0] : i32 from vector<1xi32>
    %add3A_1129 = arith.addi %add3A_1109, %squeeze3A_1128 : i32
    %get3A_1130 = arith.constant 880 : index
    %get3A_1131 = tpu.vector_load %arg5[%get3A_1130] {strides = array<i32>} : memref<2048xi32, #tpu.memory_space<vmem>>, vector<16xi32>,
    %ne3A_1132 = arith.constant 1 : i32
    %ne3A_1133 = vector.broadcast %ne3A_1132 : i32 to vector<16xi32>
    %ne3A_1134 = arith.cmpi ne, %get3A_1131, %ne3A_1133 : vector<16xi32>
    %convert_element_type3A_1135 = arith.extui %ne3A_1134 : vector<16xi1> to vector<16xi32>
    %broadcast_in_dim3A_1136 = arith.constant true
    %broadcast_in_dim3A_1137 = vector.broadcast %broadcast_in_dim3A_1136 : i1 to vector<16xi1>
    %masked_cumsum3A_1138 = tpu.scan <sum>, %convert_element_type3A_1135 masked %broadcast_in_dim3A_1137 : vector<16xi32>, vector<16xi1> -> vector<16xi32>
    %add3A_1139 = vector.broadcast %add3A_1129 : i32 to vector<16xi32>
    %add3A_1140 = arith.addi %masked_cumsum3A_1138, %add3A_1139 : vector<16xi32>
    %mul3A_1141 = arith.muli %add3A_1140, %convert_element_type3A_1135 : vector<16xi32>
    %add3A_1142 = arith.constant 1 : i32
    %add3A_1143 = vector.broadcast %add3A_1142 : i32 to vector<16xi32>
    %add3A_1144 = arith.addi %mul3A_1141, %add3A_1143 : vector<16xi32>
    %swap3A_1145 = arith.constant 880 : index
    %swap3A_1146 = tpu.vector_load %arg6[%swap3A_1145] {strides = array<i32>} : memref<2048xi32, #tpu.memory_space<vmem>>, vector<16xi32>,
    tpu.vector_store %arg6[%swap3A_1145], %add3A_1144 {strides = array<i32>} : memref<2048xi32, #tpu.memory_space<vmem>>, vector<16xi32>,
    %slice3A_1147 = vector.extract_strided_slice %masked_cumsum3A_1138 {offsets = [15], sizes = [1], strides = [1]} : vector<16xi32> to vector<1xi32>
    %squeeze3A_1148 = vector.extract %slice3A_1147[0] : i32 from vector<1xi32>
    %add3A_1149 = arith.addi %add3A_1129, %squeeze3A_1148 : i32
    %get3A_1150 = arith.constant 896 : index
    %get3A_1151 = tpu.vector_load %arg5[%get3A_1150] {strides = array<i32>} : memref<2048xi32, #tpu.memory_space<vmem>>, vector<16xi32>,
    %ne3A_1152 = arith.constant 1 : i32
    %ne3A_1153 = vector.broadcast %ne3A_1152 : i32 to vector<16xi32>
    %ne3A_1154 = arith.cmpi ne, %get3A_1151, %ne3A_1153 : vector<16xi32>
    %convert_element_type3A_1155 = arith.extui %ne3A_1154 : vector<16xi1> to vector<16xi32>
    %broadcast_in_dim3A_1156 = arith.constant true
    %broadcast_in_dim3A_1157 = vector.broadcast %broadcast_in_dim3A_1156 : i1 to vector<16xi1>
    %masked_cumsum3A_1158 = tpu.scan <sum>, %convert_element_type3A_1155 masked %broadcast_in_dim3A_1157 : vector<16xi32>, vector<16xi1> -> vector<16xi32>
    %add3A_1159 = vector.broadcast %add3A_1149 : i32 to vector<16xi32>
    %add3A_1160 = arith.addi %masked_cumsum3A_1158, %add3A_1159 : vector<16xi32>
    %mul3A_1161 = arith.muli %add3A_1160, %convert_element_type3A_1155 : vector<16xi32>
    %add3A_1162 = arith.constant 1 : i32
    %add3A_1163 = vector.broadcast %add3A_1162 : i32 to vector<16xi32>
    %add3A_1164 = arith.addi %mul3A_1161, %add3A_1163 : vector<16xi32>
    %swap3A_1165 = arith.constant 896 : index
    %swap3A_1166 = tpu.vector_load %arg6[%swap3A_1165] {strides = array<i32>} : memref<2048xi32, #tpu.memory_space<vmem>>, vector<16xi32>,
    tpu.vector_store %arg6[%swap3A_1165], %add3A_1164 {strides = array<i32>} : memref<2048xi32, #tpu.memory_space<vmem>>, vector<16xi32>,
    %slice3A_1167 = vector.extract_strided_slice %masked_cumsum3A_1158 {offsets = [15], sizes = [1], strides = [1]} : vector<16xi32> to vector<1xi32>
    %squeeze3A_1168 = vector.extract %slice3A_1167[0] : i32 from vector<1xi32>
    %add3A_1169 = arith.addi %add3A_1149, %squeeze3A_1168 : i32
    %get3A_1170 = arith.constant 912 : index
    %get3A_1171 = tpu.vector_load %arg5[%get3A_1170] {strides = array<i32>} : memref<2048xi32, #tpu.memory_space<vmem>>, vector<16xi32>,
    %ne3A_1172 = arith.constant 1 : i32
    %ne3A_1173 = vector.broadcast %ne3A_1172 : i32 to vector<16xi32>
    %ne3A_1174 = arith.cmpi ne, %get3A_1171, %ne3A_1173 : vector<16xi32>
    %convert_element_type3A_1175 = arith.extui %ne3A_1174 : vector<16xi1> to vector<16xi32>
    %broadcast_in_dim3A_1176 = arith.constant true
    %broadcast_in_dim3A_1177 = vector.broadcast %broadcast_in_dim3A_1176 : i1 to vector<16xi1>
    %masked_cumsum3A_1178 = tpu.scan <sum>, %convert_element_type3A_1175 masked %broadcast_in_dim3A_1177 : vector<16xi32>, vector<16xi1> -> vector<16xi32>
    %add3A_1179 = vector.broadcast %add3A_1169 : i32 to vector<16xi32>
    %add3A_1180 = arith.addi %masked_cumsum3A_1178, %add3A_1179 : vector<16xi32>
    %mul3A_1181 = arith.muli %add3A_1180, %convert_element_type3A_1175 : vector<16xi32>
    %add3A_1182 = arith.constant 1 : i32
    %add3A_1183 = vector.broadcast %add3A_1182 : i32 to vector<16xi32>
    %add3A_1184 = arith.addi %mul3A_1181, %add3A_1183 : vector<16xi32>
    %swap3A_1185 = arith.constant 912 : index
    %swap3A_1186 = tpu.vector_load %arg6[%swap3A_1185] {strides = array<i32>} : memref<2048xi32, #tpu.memory_space<vmem>>, vector<16xi32>,
    tpu.vector_store %arg6[%swap3A_1185], %add3A_1184 {strides = array<i32>} : memref<2048xi32, #tpu.memory_space<vmem>>, vector<16xi32>,
    %slice3A_1187 = vector.extract_strided_slice %masked_cumsum3A_1178 {offsets = [15], sizes = [1], strides = [1]} : vector<16xi32> to vector<1xi32>
    %squeeze3A_1188 = vector.extract %slice3A_1187[0] : i32 from vector<1xi32>
    %add3A_1189 = arith.addi %add3A_1169, %squeeze3A_1188 : i32
    %get3A_1190 = arith.constant 928 : index
    %get3A_1191 = tpu.vector_load %arg5[%get3A_1190] {strides = array<i32>} : memref<2048xi32, #tpu.memory_space<vmem>>, vector<16xi32>,
    %ne3A_1192 = arith.constant 1 : i32
    %ne3A_1193 = vector.broadcast %ne3A_1192 : i32 to vector<16xi32>
    %ne3A_1194 = arith.cmpi ne, %get3A_1191, %ne3A_1193 : vector<16xi32>
    %convert_element_type3A_1195 = arith.extui %ne3A_1194 : vector<16xi1> to vector<16xi32>
    %broadcast_in_dim3A_1196 = arith.constant true
    %broadcast_in_dim3A_1197 = vector.broadcast %broadcast_in_dim3A_1196 : i1 to vector<16xi1>
    %masked_cumsum3A_1198 = tpu.scan <sum>, %convert_element_type3A_1195 masked %broadcast_in_dim3A_1197 : vector<16xi32>, vector<16xi1> -> vector<16xi32>
    %add3A_1199 = vector.broadcast %add3A_1189 : i32 to vector<16xi32>
    %add3A_1200 = arith.addi %masked_cumsum3A_1198, %add3A_1199 : vector<16xi32>
    %mul3A_1201 = arith.muli %add3A_1200, %convert_element_type3A_1195 : vector<16xi32>
    %add3A_1202 = arith.constant 1 : i32
    %add3A_1203 = vector.broadcast %add3A_1202 : i32 to vector<16xi32>
    %add3A_1204 = arith.addi %mul3A_1201, %add3A_1203 : vector<16xi32>
    %swap3A_1205 = arith.constant 928 : index
    %swap3A_1206 = tpu.vector_load %arg6[%swap3A_1205] {strides = array<i32>} : memref<2048xi32, #tpu.memory_space<vmem>>, vector<16xi32>,
    tpu.vector_store %arg6[%swap3A_1205], %add3A_1204 {strides = array<i32>} : memref<2048xi32, #tpu.memory_space<vmem>>, vector<16xi32>,
    %slice3A_1207 = vector.extract_strided_slice %masked_cumsum3A_1198 {offsets = [15], sizes = [1], strides = [1]} : vector<16xi32> to vector<1xi32>
    %squeeze3A_1208 = vector.extract %slice3A_1207[0] : i32 from vector<1xi32>
    %add3A_1209 = arith.addi %add3A_1189, %squeeze3A_1208 : i32
    %get3A_1210 = arith.constant 944 : index
    %get3A_1211 = tpu.vector_load %arg5[%get3A_1210] {strides = array<i32>} : memref<2048xi32, #tpu.memory_space<vmem>>, vector<16xi32>,
    %ne3A_1212 = arith.constant 1 : i32
    %ne3A_1213 = vector.broadcast %ne3A_1212 : i32 to vector<16xi32>
    %ne3A_1214 = arith.cmpi ne, %get3A_1211, %ne3A_1213 : vector<16xi32>
    %convert_element_type3A_1215 = arith.extui %ne3A_1214 : vector<16xi1> to vector<16xi32>
    %broadcast_in_dim3A_1216 = arith.constant true
    %broadcast_in_dim3A_1217 = vector.broadcast %broadcast_in_dim3A_1216 : i1 to vector<16xi1>
    %masked_cumsum3A_1218 = tpu.scan <sum>, %convert_element_type3A_1215 masked %broadcast_in_dim3A_1217 : vector<16xi32>, vector<16xi1> -> vector<16xi32>
    %add3A_1219 = vector.broadcast %add3A_1209 : i32 to vector<16xi32>
    %add3A_1220 = arith.addi %masked_cumsum3A_1218, %add3A_1219 : vector<16xi32>
    %mul3A_1221 = arith.muli %add3A_1220, %convert_element_type3A_1215 : vector<16xi32>
    %add3A_1222 = arith.constant 1 : i32
    %add3A_1223 = vector.broadcast %add3A_1222 : i32 to vector<16xi32>
    %add3A_1224 = arith.addi %mul3A_1221, %add3A_1223 : vector<16xi32>
    %swap3A_1225 = arith.constant 944 : index
    %swap3A_1226 = tpu.vector_load %arg6[%swap3A_1225] {strides = array<i32>} : memref<2048xi32, #tpu.memory_space<vmem>>, vector<16xi32>,
    tpu.vector_store %arg6[%swap3A_1225], %add3A_1224 {strides = array<i32>} : memref<2048xi32, #tpu.memory_space<vmem>>, vector<16xi32>,
    %slice3A_1227 = vector.extract_strided_slice %masked_cumsum3A_1218 {offsets = [15], sizes = [1], strides = [1]} : vector<16xi32> to vector<1xi32>
    %squeeze3A_1228 = vector.extract %slice3A_1227[0] : i32 from vector<1xi32>
    %add3A_1229 = arith.addi %add3A_1209, %squeeze3A_1228 : i32
    %get3A_1230 = arith.constant 960 : index
    %get3A_1231 = tpu.vector_load %arg5[%get3A_1230] {strides = array<i32>} : memref<2048xi32, #tpu.memory_space<vmem>>, vector<16xi32>,
    %ne3A_1232 = arith.constant 1 : i32
    %ne3A_1233 = vector.broadcast %ne3A_1232 : i32 to vector<16xi32>
    %ne3A_1234 = arith.cmpi ne, %get3A_1231, %ne3A_1233 : vector<16xi32>
    %convert_element_type3A_1235 = arith.extui %ne3A_1234 : vector<16xi1> to vector<16xi32>
    %broadcast_in_dim3A_1236 = arith.constant true
    %broadcast_in_dim3A_1237 = vector.broadcast %broadcast_in_dim3A_1236 : i1 to vector<16xi1>
    %masked_cumsum3A_1238 = tpu.scan <sum>, %convert_element_type3A_1235 masked %broadcast_in_dim3A_1237 : vector<16xi32>, vector<16xi1> -> vector<16xi32>
    %add3A_1239 = vector.broadcast %add3A_1229 : i32 to vector<16xi32>
    %add3A_1240 = arith.addi %masked_cumsum3A_1238, %add3A_1239 : vector<16xi32>
    %mul3A_1241 = arith.muli %add3A_1240, %convert_element_type3A_1235 : vector<16xi32>
    %add3A_1242 = arith.constant 1 : i32
    %add3A_1243 = vector.broadcast %add3A_1242 : i32 to vector<16xi32>
    %add3A_1244 = arith.addi %mul3A_1241, %add3A_1243 : vector<16xi32>
    %swap3A_1245 = arith.constant 960 : index
    %swap3A_1246 = tpu.vector_load %arg6[%swap3A_1245] {strides = array<i32>} : memref<2048xi32, #tpu.memory_space<vmem>>, vector<16xi32>,
    tpu.vector_store %arg6[%swap3A_1245], %add3A_1244 {strides = array<i32>} : memref<2048xi32, #tpu.memory_space<vmem>>, vector<16xi32>,
    %slice3A_1247 = vector.extract_strided_slice %masked_cumsum3A_1238 {offsets = [15], sizes = [1], strides = [1]} : vector<16xi32> to vector<1xi32>
    %squeeze3A_1248 = vector.extract %slice3A_1247[0] : i32 from vector<1xi32>
    %add3A_1249 = arith.addi %add3A_1229, %squeeze3A_1248 : i32
    %get3A_1250 = arith.constant 976 : index
    %get3A_1251 = tpu.vector_load %arg5[%get3A_1250] {strides = array<i32>} : memref<2048xi32, #tpu.memory_space<vmem>>, vector<16xi32>,
    %ne3A_1252 = arith.constant 1 : i32
    %ne3A_1253 = vector.broadcast %ne3A_1252 : i32 to vector<16xi32>
    %ne3A_1254 = arith.cmpi ne, %get3A_1251, %ne3A_1253 : vector<16xi32>
    %convert_element_type3A_1255 = arith.extui %ne3A_1254 : vector<16xi1> to vector<16xi32>
    %broadcast_in_dim3A_1256 = arith.constant true
    %broadcast_in_dim3A_1257 = vector.broadcast %broadcast_in_dim3A_1256 : i1 to vector<16xi1>
    %masked_cumsum3A_1258 = tpu.scan <sum>, %convert_element_type3A_1255 masked %broadcast_in_dim3A_1257 : vector<16xi32>, vector<16xi1> -> vector<16xi32>
    %add3A_1259 = vector.broadcast %add3A_1249 : i32 to vector<16xi32>
    %add3A_1260 = arith.addi %masked_cumsum3A_1258, %add3A_1259 : vector<16xi32>
    %mul3A_1261 = arith.muli %add3A_1260, %convert_element_type3A_1255 : vector<16xi32>
    %add3A_1262 = arith.constant 1 : i32
    %add3A_1263 = vector.broadcast %add3A_1262 : i32 to vector<16xi32>
    %add3A_1264 = arith.addi %mul3A_1261, %add3A_1263 : vector<16xi32>
    %swap3A_1265 = arith.constant 976 : index
    %swap3A_1266 = tpu.vector_load %arg6[%swap3A_1265] {strides = array<i32>} : memref<2048xi32, #tpu.memory_space<vmem>>, vector<16xi32>,
    tpu.vector_store %arg6[%swap3A_1265], %add3A_1264 {strides = array<i32>} : memref<2048xi32, #tpu.memory_space<vmem>>, vector<16xi32>,
    %slice3A_1267 = vector.extract_strided_slice %masked_cumsum3A_1258 {offsets = [15], sizes = [1], strides = [1]} : vector<16xi32> to vector<1xi32>
    %squeeze3A_1268 = vector.extract %slice3A_1267[0] : i32 from vector<1xi32>
    %add3A_1269 = arith.addi %add3A_1249, %squeeze3A_1268 : i32
    %get3A_1270 = arith.constant 992 : index
    %get3A_1271 = tpu.vector_load %arg5[%get3A_1270] {strides = array<i32>} : memref<2048xi32, #tpu.memory_space<vmem>>, vector<16xi32>,
    %ne3A_1272 = arith.constant 1 : i32
    %ne3A_1273 = vector.broadcast %ne3A_1272 : i32 to vector<16xi32>
    %ne3A_1274 = arith.cmpi ne, %get3A_1271, %ne3A_1273 : vector<16xi32>
    %convert_element_type3A_1275 = arith.extui %ne3A_1274 : vector<16xi1> to vector<16xi32>
    %broadcast_in_dim3A_1276 = arith.constant true
    %broadcast_in_dim3A_1277 = vector.broadcast %broadcast_in_dim3A_1276 : i1 to vector<16xi1>
    %masked_cumsum3A_1278 = tpu.scan <sum>, %convert_element_type3A_1275 masked %broadcast_in_dim3A_1277 : vector<16xi32>, vector<16xi1> -> vector<16xi32>
    %add3A_1279 = vector.broadcast %add3A_1269 : i32 to vector<16xi32>
    %add3A_1280 = arith.addi %masked_cumsum3A_1278, %add3A_1279 : vector<16xi32>
    %mul3A_1281 = arith.muli %add3A_1280, %convert_element_type3A_1275 : vector<16xi32>
    %add3A_1282 = arith.constant 1 : i32
    %add3A_1283 = vector.broadcast %add3A_1282 : i32 to vector<16xi32>
    %add3A_1284 = arith.addi %mul3A_1281, %add3A_1283 : vector<16xi32>
    %swap3A_1285 = arith.constant 992 : index
    %swap3A_1286 = tpu.vector_load %arg6[%swap3A_1285] {strides = array<i32>} : memref<2048xi32, #tpu.memory_space<vmem>>, vector<16xi32>,
    tpu.vector_store %arg6[%swap3A_1285], %add3A_1284 {strides = array<i32>} : memref<2048xi32, #tpu.memory_space<vmem>>, vector<16xi32>,
    %slice3A_1287 = vector.extract_strided_slice %masked_cumsum3A_1278 {offsets = [15], sizes = [1], strides = [1]} : vector<16xi32> to vector<1xi32>
    %squeeze3A_1288 = vector.extract %slice3A_1287[0] : i32 from vector<1xi32>
    %add3A_1289 = arith.addi %add3A_1269, %squeeze3A_1288 : i32
    %get3A_1290 = arith.constant 1008 : index
    %get3A_1291 = tpu.vector_load %arg5[%get3A_1290] {strides = array<i32>} : memref<2048xi32, #tpu.memory_space<vmem>>, vector<16xi32>,
    %ne3A_1292 = arith.constant 1 : i32
    %ne3A_1293 = vector.broadcast %ne3A_1292 : i32 to vector<16xi32>
    %ne3A_1294 = arith.cmpi ne, %get3A_1291, %ne3A_1293 : vector<16xi32>
    %convert_element_type3A_1295 = arith.extui %ne3A_1294 : vector<16xi1> to vector<16xi32>
    %broadcast_in_dim3A_1296 = arith.constant true
    %broadcast_in_dim3A_1297 = vector.broadcast %broadcast_in_dim3A_1296 : i1 to vector<16xi1>
    %masked_cumsum3A_1298 = tpu.scan <sum>, %convert_element_type3A_1295 masked %broadcast_in_dim3A_1297 : vector<16xi32>, vector<16xi1> -> vector<16xi32>
    %add3A_1299 = vector.broadcast %add3A_1289 : i32 to vector<16xi32>
    %add3A_1300 = arith.addi %masked_cumsum3A_1298, %add3A_1299 : vector<16xi32>
    %mul3A_1301 = arith.muli %add3A_1300, %convert_element_type3A_1295 : vector<16xi32>
    %add3A_1302 = arith.constant 1 : i32
    %add3A_1303 = vector.broadcast %add3A_1302 : i32 to vector<16xi32>
    %add3A_1304 = arith.addi %mul3A_1301, %add3A_1303 : vector<16xi32>
    %swap3A_1305 = arith.constant 1008 : index
    %swap3A_1306 = tpu.vector_load %arg6[%swap3A_1305] {strides = array<i32>} : memref<2048xi32, #tpu.memory_space<vmem>>, vector<16xi32>,
    tpu.vector_store %arg6[%swap3A_1305], %add3A_1304 {strides = array<i32>} : memref<2048xi32, #tpu.memory_space<vmem>>, vector<16xi32>,
    %slice3A_1307 = vector.extract_strided_slice %masked_cumsum3A_1298 {offsets = [15], sizes = [1], strides = [1]} : vector<16xi32> to vector<1xi32>
    %squeeze3A_1308 = vector.extract %slice3A_1307[0] : i32 from vector<1xi32>
    %add3A_1309 = arith.addi %add3A_1289, %squeeze3A_1308 : i32
    %get3A_1310 = arith.constant 1024 : index
    %get3A_1311 = tpu.vector_load %arg5[%get3A_1310] {strides = array<i32>} : memref<2048xi32, #tpu.memory_space<vmem>>, vector<16xi32>,
    %ne3A_1312 = arith.constant 1 : i32
    %ne3A_1313 = vector.broadcast %ne3A_1312 : i32 to vector<16xi32>
    %ne3A_1314 = arith.cmpi ne, %get3A_1311, %ne3A_1313 : vector<16xi32>
    %convert_element_type3A_1315 = arith.extui %ne3A_1314 : vector<16xi1> to vector<16xi32>
    %broadcast_in_dim3A_1316 = arith.constant true
    %broadcast_in_dim3A_1317 = vector.broadcast %broadcast_in_dim3A_1316 : i1 to vector<16xi1>
    %masked_cumsum3A_1318 = tpu.scan <sum>, %convert_element_type3A_1315 masked %broadcast_in_dim3A_1317 : vector<16xi32>, vector<16xi1> -> vector<16xi32>
    %add3A_1319 = vector.broadcast %add3A_1309 : i32 to vector<16xi32>
    %add3A_1320 = arith.addi %masked_cumsum3A_1318, %add3A_1319 : vector<16xi32>
    %mul3A_1321 = arith.muli %add3A_1320, %convert_element_type3A_1315 : vector<16xi32>
    %add3A_1322 = arith.constant 1 : i32
    %add3A_1323 = vector.broadcast %add3A_1322 : i32 to vector<16xi32>
    %add3A_1324 = arith.addi %mul3A_1321, %add3A_1323 : vector<16xi32>
    %swap3A_1325 = arith.constant 1024 : index
    %swap3A_1326 = tpu.vector_load %arg6[%swap3A_1325] {strides = array<i32>} : memref<2048xi32, #tpu.memory_space<vmem>>, vector<16xi32>,
    tpu.vector_store %arg6[%swap3A_1325], %add3A_1324 {strides = array<i32>} : memref<2048xi32, #tpu.memory_space<vmem>>, vector<16xi32>,
    %slice3A_1327 = vector.extract_strided_slice %masked_cumsum3A_1318 {offsets = [15], sizes = [1], strides = [1]} : vector<16xi32> to vector<1xi32>
    %squeeze3A_1328 = vector.extract %slice3A_1327[0] : i32 from vector<1xi32>
    %add3A_1329 = arith.addi %add3A_1309, %squeeze3A_1328 : i32
    %get3A_1330 = arith.constant 1040 : index
    %get3A_1331 = tpu.vector_load %arg5[%get3A_1330] {strides = array<i32>} : memref<2048xi32, #tpu.memory_space<vmem>>, vector<16xi32>,
    %ne3A_1332 = arith.constant 1 : i32
    %ne3A_1333 = vector.broadcast %ne3A_1332 : i32 to vector<16xi32>
    %ne3A_1334 = arith.cmpi ne, %get3A_1331, %ne3A_1333 : vector<16xi32>
    %convert_element_type3A_1335 = arith.extui %ne3A_1334 : vector<16xi1> to vector<16xi32>
    %broadcast_in_dim3A_1336 = arith.constant true
    %broadcast_in_dim3A_1337 = vector.broadcast %broadcast_in_dim3A_1336 : i1 to vector<16xi1>
    %masked_cumsum3A_1338 = tpu.scan <sum>, %convert_element_type3A_1335 masked %broadcast_in_dim3A_1337 : vector<16xi32>, vector<16xi1> -> vector<16xi32>
    %add3A_1339 = vector.broadcast %add3A_1329 : i32 to vector<16xi32>
    %add3A_1340 = arith.addi %masked_cumsum3A_1338, %add3A_1339 : vector<16xi32>
    %mul3A_1341 = arith.muli %add3A_1340, %convert_element_type3A_1335 : vector<16xi32>
    %add3A_1342 = arith.constant 1 : i32
    %add3A_1343 = vector.broadcast %add3A_1342 : i32 to vector<16xi32>
    %add3A_1344 = arith.addi %mul3A_1341, %add3A_1343 : vector<16xi32>
    %swap3A_1345 = arith.constant 1040 : index
    %swap3A_1346 = tpu.vector_load %arg6[%swap3A_1345] {strides = array<i32>} : memref<2048xi32, #tpu.memory_space<vmem>>, vector<16xi32>,
    tpu.vector_store %arg6[%swap3A_1345], %add3A_1344 {strides = array<i32>} : memref<2048xi32, #tpu.memory_space<vmem>>, vector<16xi32>,
    %slice3A_1347 = vector.extract_strided_slice %masked_cumsum3A_1338 {offsets = [15], sizes = [1], strides = [1]} : vector<16xi32> to vector<1xi32>
    %squeeze3A_1348 = vector.extract %slice3A_1347[0] : i32 from vector<1xi32>
    %add3A_1349 = arith.addi %add3A_1329, %squeeze3A_1348 : i32
    %get3A_1350 = arith.constant 1056 : index
    %get3A_1351 = tpu.vector_load %arg5[%get3A_1350] {strides = array<i32>} : memref<2048xi32, #tpu.memory_space<vmem>>, vector<16xi32>,
    %ne3A_1352 = arith.constant 1 : i32
    %ne3A_1353 = vector.broadcast %ne3A_1352 : i32 to vector<16xi32>
    %ne3A_1354 = arith.cmpi ne, %get3A_1351, %ne3A_1353 : vector<16xi32>
    %convert_element_type3A_1355 = arith.extui %ne3A_1354 : vector<16xi1> to vector<16xi32>
    %broadcast_in_dim3A_1356 = arith.constant true
    %broadcast_in_dim3A_1357 = vector.broadcast %broadcast_in_dim3A_1356 : i1 to vector<16xi1>
    %masked_cumsum3A_1358 = tpu.scan <sum>, %convert_element_type3A_1355 masked %broadcast_in_dim3A_1357 : vector<16xi32>, vector<16xi1> -> vector<16xi32>
    %add3A_1359 = vector.broadcast %add3A_1349 : i32 to vector<16xi32>
    %add3A_1360 = arith.addi %masked_cumsum3A_1358, %add3A_1359 : vector<16xi32>
    %mul3A_1361 = arith.muli %add3A_1360, %convert_element_type3A_1355 : vector<16xi32>
    %add3A_1362 = arith.constant 1 : i32
    %add3A_1363 = vector.broadcast %add3A_1362 : i32 to vector<16xi32>
    %add3A_1364 = arith.addi %mul3A_1361, %add3A_1363 : vector<16xi32>
    %swap3A_1365 = arith.constant 1056 : index
    %swap3A_1366 = tpu.vector_load %arg6[%swap3A_1365] {strides = array<i32>} : memref<2048xi32, #tpu.memory_space<vmem>>, vector<16xi32>,
    tpu.vector_store %arg6[%swap3A_1365], %add3A_1364 {strides = array<i32>} : memref<2048xi32, #tpu.memory_space<vmem>>, vector<16xi32>,
    %slice3A_1367 = vector.extract_strided_slice %masked_cumsum3A_1358 {offsets = [15], sizes = [1], strides = [1]} : vector<16xi32> to vector<1xi32>
    %squeeze3A_1368 = vector.extract %slice3A_1367[0] : i32 from vector<1xi32>
    %add3A_1369 = arith.addi %add3A_1349, %squeeze3A_1368 : i32
    %get3A_1370 = arith.constant 1072 : index
    %get3A_1371 = tpu.vector_load %arg5[%get3A_1370] {strides = array<i32>} : memref<2048xi32, #tpu.memory_space<vmem>>, vector<16xi32>,
    %ne3A_1372 = arith.constant 1 : i32
    %ne3A_1373 = vector.broadcast %ne3A_1372 : i32 to vector<16xi32>
    %ne3A_1374 = arith.cmpi ne, %get3A_1371, %ne3A_1373 : vector<16xi32>
    %convert_element_type3A_1375 = arith.extui %ne3A_1374 : vector<16xi1> to vector<16xi32>
    %broadcast_in_dim3A_1376 = arith.constant true
    %broadcast_in_dim3A_1377 = vector.broadcast %broadcast_in_dim3A_1376 : i1 to vector<16xi1>
    %masked_cumsum3A_1378 = tpu.scan <sum>, %convert_element_type3A_1375 masked %broadcast_in_dim3A_1377 : vector<16xi32>, vector<16xi1> -> vector<16xi32>
    %add3A_1379 = vector.broadcast %add3A_1369 : i32 to vector<16xi32>
    %add3A_1380 = arith.addi %masked_cumsum3A_1378, %add3A_1379 : vector<16xi32>
    %mul3A_1381 = arith.muli %add3A_1380, %convert_element_type3A_1375 : vector<16xi32>
    %add3A_1382 = arith.constant 1 : i32
    %add3A_1383 = vector.broadcast %add3A_1382 : i32 to vector<16xi32>
    %add3A_1384 = arith.addi %mul3A_1381, %add3A_1383 : vector<16xi32>
    %swap3A_1385 = arith.constant 1072 : index
    %swap3A_1386 = tpu.vector_load %arg6[%swap3A_1385] {strides = array<i32>} : memref<2048xi32, #tpu.memory_space<vmem>>, vector<16xi32>,
    tpu.vector_store %arg6[%swap3A_1385], %add3A_1384 {strides = array<i32>} : memref<2048xi32, #tpu.memory_space<vmem>>, vector<16xi32>,
    %slice3A_1387 = vector.extract_strided_slice %masked_cumsum3A_1378 {offsets = [15], sizes = [1], strides = [1]} : vector<16xi32> to vector<1xi32>
    %squeeze3A_1388 = vector.extract %slice3A_1387[0] : i32 from vector<1xi32>
    %add3A_1389 = arith.addi %add3A_1369, %squeeze3A_1388 : i32
    %get3A_1390 = arith.constant 1088 : index
    %get3A_1391 = tpu.vector_load %arg5[%get3A_1390] {strides = array<i32>} : memref<2048xi32, #tpu.memory_space<vmem>>, vector<16xi32>,
    %ne3A_1392 = arith.constant 1 : i32
    %ne3A_1393 = vector.broadcast %ne3A_1392 : i32 to vector<16xi32>
    %ne3A_1394 = arith.cmpi ne, %get3A_1391, %ne3A_1393 : vector<16xi32>
    %convert_element_type3A_1395 = arith.extui %ne3A_1394 : vector<16xi1> to vector<16xi32>
    %broadcast_in_dim3A_1396 = arith.constant true
    %broadcast_in_dim3A_1397 = vector.broadcast %broadcast_in_dim3A_1396 : i1 to vector<16xi1>
    %masked_cumsum3A_1398 = tpu.scan <sum>, %convert_element_type3A_1395 masked %broadcast_in_dim3A_1397 : vector<16xi32>, vector<16xi1> -> vector<16xi32>
    %add3A_1399 = vector.broadcast %add3A_1389 : i32 to vector<16xi32>
    %add3A_1400 = arith.addi %masked_cumsum3A_1398, %add3A_1399 : vector<16xi32>
    %mul3A_1401 = arith.muli %add3A_1400, %convert_element_type3A_1395 : vector<16xi32>
    %add3A_1402 = arith.constant 1 : i32
    %add3A_1403 = vector.broadcast %add3A_1402 : i32 to vector<16xi32>
    %add3A_1404 = arith.addi %mul3A_1401, %add3A_1403 : vector<16xi32>
    %swap3A_1405 = arith.constant 1088 : index
    %swap3A_1406 = tpu.vector_load %arg6[%swap3A_1405] {strides = array<i32>} : memref<2048xi32, #tpu.memory_space<vmem>>, vector<16xi32>,
    tpu.vector_store %arg6[%swap3A_1405], %add3A_1404 {strides = array<i32>} : memref<2048xi32, #tpu.memory_space<vmem>>, vector<16xi32>,
    %slice3A_1407 = vector.extract_strided_slice %masked_cumsum3A_1398 {offsets = [15], sizes = [1], strides = [1]} : vector<16xi32> to vector<1xi32>
    %squeeze3A_1408 = vector.extract %slice3A_1407[0] : i32 from vector<1xi32>
    %add3A_1409 = arith.addi %add3A_1389, %squeeze3A_1408 : i32
    %get3A_1410 = arith.constant 1104 : index
    %get3A_1411 = tpu.vector_load %arg5[%get3A_1410] {strides = array<i32>} : memref<2048xi32, #tpu.memory_space<vmem>>, vector<16xi32>,
    %ne3A_1412 = arith.constant 1 : i32
    %ne3A_1413 = vector.broadcast %ne3A_1412 : i32 to vector<16xi32>
    %ne3A_1414 = arith.cmpi ne, %get3A_1411, %ne3A_1413 : vector<16xi32>
    %convert_element_type3A_1415 = arith.extui %ne3A_1414 : vector<16xi1> to vector<16xi32>
    %broadcast_in_dim3A_1416 = arith.constant true
    %broadcast_in_dim3A_1417 = vector.broadcast %broadcast_in_dim3A_1416 : i1 to vector<16xi1>
    %masked_cumsum3A_1418 = tpu.scan <sum>, %convert_element_type3A_1415 masked %broadcast_in_dim3A_1417 : vector<16xi32>, vector<16xi1> -> vector<16xi32>
    %add3A_1419 = vector.broadcast %add3A_1409 : i32 to vector<16xi32>
    %add3A_1420 = arith.addi %masked_cumsum3A_1418, %add3A_1419 : vector<16xi32>
    %mul3A_1421 = arith.muli %add3A_1420, %convert_element_type3A_1415 : vector<16xi32>
    %add3A_1422 = arith.constant 1 : i32
    %add3A_1423 = vector.broadcast %add3A_1422 : i32 to vector<16xi32>
    %add3A_1424 = arith.addi %mul3A_1421, %add3A_1423 : vector<16xi32>
    %swap3A_1425 = arith.constant 1104 : index
    %swap3A_1426 = tpu.vector_load %arg6[%swap3A_1425] {strides = array<i32>} : memref<2048xi32, #tpu.memory_space<vmem>>, vector<16xi32>,
    tpu.vector_store %arg6[%swap3A_1425], %add3A_1424 {strides = array<i32>} : memref<2048xi32, #tpu.memory_space<vmem>>, vector<16xi32>,
    %slice3A_1427 = vector.extract_strided_slice %masked_cumsum3A_1418 {offsets = [15], sizes = [1], strides = [1]} : vector<16xi32> to vector<1xi32>
    %squeeze3A_1428 = vector.extract %slice3A_1427[0] : i32 from vector<1xi32>
    %add3A_1429 = arith.addi %add3A_1409, %squeeze3A_1428 : i32
    %get3A_1430 = arith.constant 1120 : index
    %get3A_1431 = tpu.vector_load %arg5[%get3A_1430] {strides = array<i32>} : memref<2048xi32, #tpu.memory_space<vmem>>, vector<16xi32>,
    %ne3A_1432 = arith.constant 1 : i32
    %ne3A_1433 = vector.broadcast %ne3A_1432 : i32 to vector<16xi32>
    %ne3A_1434 = arith.cmpi ne, %get3A_1431, %ne3A_1433 : vector<16xi32>
    %convert_element_type3A_1435 = arith.extui %ne3A_1434 : vector<16xi1> to vector<16xi32>
    %broadcast_in_dim3A_1436 = arith.constant true
    %broadcast_in_dim3A_1437 = vector.broadcast %broadcast_in_dim3A_1436 : i1 to vector<16xi1>
    %masked_cumsum3A_1438 = tpu.scan <sum>, %convert_element_type3A_1435 masked %broadcast_in_dim3A_1437 : vector<16xi32>, vector<16xi1> -> vector<16xi32>
    %add3A_1439 = vector.broadcast %add3A_1429 : i32 to vector<16xi32>
    %add3A_1440 = arith.addi %masked_cumsum3A_1438, %add3A_1439 : vector<16xi32>
    %mul3A_1441 = arith.muli %add3A_1440, %convert_element_type3A_1435 : vector<16xi32>
    %add3A_1442 = arith.constant 1 : i32
    %add3A_1443 = vector.broadcast %add3A_1442 : i32 to vector<16xi32>
    %add3A_1444 = arith.addi %mul3A_1441, %add3A_1443 : vector<16xi32>
    %swap3A_1445 = arith.constant 1120 : index
    %swap3A_1446 = tpu.vector_load %arg6[%swap3A_1445] {strides = array<i32>} : memref<2048xi32, #tpu.memory_space<vmem>>, vector<16xi32>,
    tpu.vector_store %arg6[%swap3A_1445], %add3A_1444 {strides = array<i32>} : memref<2048xi32, #tpu.memory_space<vmem>>, vector<16xi32>,
    %slice3A_1447 = vector.extract_strided_slice %masked_cumsum3A_1438 {offsets = [15], sizes = [1], strides = [1]} : vector<16xi32> to vector<1xi32>
    %squeeze3A_1448 = vector.extract %slice3A_1447[0] : i32 from vector<1xi32>
    %add3A_1449 = arith.addi %add3A_1429, %squeeze3A_1448 : i32
    %get3A_1450 = arith.constant 1136 : index
    %get3A_1451 = tpu.vector_load %arg5[%get3A_1450] {strides = array<i32>} : memref<2048xi32, #tpu.memory_space<vmem>>, vector<16xi32>,
    %ne3A_1452 = arith.constant 1 : i32
    %ne3A_1453 = vector.broadcast %ne3A_1452 : i32 to vector<16xi32>
    %ne3A_1454 = arith.cmpi ne, %get3A_1451, %ne3A_1453 : vector<16xi32>
    %convert_element_type3A_1455 = arith.extui %ne3A_1454 : vector<16xi1> to vector<16xi32>
    %broadcast_in_dim3A_1456 = arith.constant true
    %broadcast_in_dim3A_1457 = vector.broadcast %broadcast_in_dim3A_1456 : i1 to vector<16xi1>
    %masked_cumsum3A_1458 = tpu.scan <sum>, %convert_element_type3A_1455 masked %broadcast_in_dim3A_1457 : vector<16xi32>, vector<16xi1> -> vector<16xi32>
    %add3A_1459 = vector.broadcast %add3A_1449 : i32 to vector<16xi32>
    %add3A_1460 = arith.addi %masked_cumsum3A_1458, %add3A_1459 : vector<16xi32>
    %mul3A_1461 = arith.muli %add3A_1460, %convert_element_type3A_1455 : vector<16xi32>
    %add3A_1462 = arith.constant 1 : i32
    %add3A_1463 = vector.broadcast %add3A_1462 : i32 to vector<16xi32>
    %add3A_1464 = arith.addi %mul3A_1461, %add3A_1463 : vector<16xi32>
    %swap3A_1465 = arith.constant 1136 : index
    %swap3A_1466 = tpu.vector_load %arg6[%swap3A_1465] {strides = array<i32>} : memref<2048xi32, #tpu.memory_space<vmem>>, vector<16xi32>,
    tpu.vector_store %arg6[%swap3A_1465], %add3A_1464 {strides = array<i32>} : memref<2048xi32, #tpu.memory_space<vmem>>, vector<16xi32>,
    %slice3A_1467 = vector.extract_strided_slice %masked_cumsum3A_1458 {offsets = [15], sizes = [1], strides = [1]} : vector<16xi32> to vector<1xi32>
    %squeeze3A_1468 = vector.extract %slice3A_1467[0] : i32 from vector<1xi32>
    %add3A_1469 = arith.addi %add3A_1449, %squeeze3A_1468 : i32
    %get3A_1470 = arith.constant 1152 : index
    %get3A_1471 = tpu.vector_load %arg5[%get3A_1470] {strides = array<i32>} : memref<2048xi32, #tpu.memory_space<vmem>>, vector<16xi32>,
    %ne3A_1472 = arith.constant 1 : i32
    %ne3A_1473 = vector.broadcast %ne3A_1472 : i32 to vector<16xi32>
    %ne3A_1474 = arith.cmpi ne, %get3A_1471, %ne3A_1473 : vector<16xi32>
    %convert_element_type3A_1475 = arith.extui %ne3A_1474 : vector<16xi1> to vector<16xi32>
    %broadcast_in_dim3A_1476 = arith.constant true
    %broadcast_in_dim3A_1477 = vector.broadcast %broadcast_in_dim3A_1476 : i1 to vector<16xi1>
    %masked_cumsum3A_1478 = tpu.scan <sum>, %convert_element_type3A_1475 masked %broadcast_in_dim3A_1477 : vector<16xi32>, vector<16xi1> -> vector<16xi32>
    %add3A_1479 = vector.broadcast %add3A_1469 : i32 to vector<16xi32>
    %add3A_1480 = arith.addi %masked_cumsum3A_1478, %add3A_1479 : vector<16xi32>
    %mul3A_1481 = arith.muli %add3A_1480, %convert_element_type3A_1475 : vector<16xi32>
    %add3A_1482 = arith.constant 1 : i32
    %add3A_1483 = vector.broadcast %add3A_1482 : i32 to vector<16xi32>
    %add3A_1484 = arith.addi %mul3A_1481, %add3A_1483 : vector<16xi32>
    %swap3A_1485 = arith.constant 1152 : index
    %swap3A_1486 = tpu.vector_load %arg6[%swap3A_1485] {strides = array<i32>} : memref<2048xi32, #tpu.memory_space<vmem>>, vector<16xi32>,
    tpu.vector_store %arg6[%swap3A_1485], %add3A_1484 {strides = array<i32>} : memref<2048xi32, #tpu.memory_space<vmem>>, vector<16xi32>,
    %slice3A_1487 = vector.extract_strided_slice %masked_cumsum3A_1478 {offsets = [15], sizes = [1], strides = [1]} : vector<16xi32> to vector<1xi32>
    %squeeze3A_1488 = vector.extract %slice3A_1487[0] : i32 from vector<1xi32>
    %add3A_1489 = arith.addi %add3A_1469, %squeeze3A_1488 : i32
    %get3A_1490 = arith.constant 1168 : index
    %get3A_1491 = tpu.vector_load %arg5[%get3A_1490] {strides = array<i32>} : memref<2048xi32, #tpu.memory_space<vmem>>, vector<16xi32>,
    %ne3A_1492 = arith.constant 1 : i32
    %ne3A_1493 = vector.broadcast %ne3A_1492 : i32 to vector<16xi32>
    %ne3A_1494 = arith.cmpi ne, %get3A_1491, %ne3A_1493 : vector<16xi32>
    %convert_element_type3A_1495 = arith.extui %ne3A_1494 : vector<16xi1> to vector<16xi32>
    %broadcast_in_dim3A_1496 = arith.constant true
    %broadcast_in_dim3A_1497 = vector.broadcast %broadcast_in_dim3A_1496 : i1 to vector<16xi1>
    %masked_cumsum3A_1498 = tpu.scan <sum>, %convert_element_type3A_1495 masked %broadcast_in_dim3A_1497 : vector<16xi32>, vector<16xi1> -> vector<16xi32>
    %add3A_1499 = vector.broadcast %add3A_1489 : i32 to vector<16xi32>
    %add3A_1500 = arith.addi %masked_cumsum3A_1498, %add3A_1499 : vector<16xi32>
    %mul3A_1501 = arith.muli %add3A_1500, %convert_element_type3A_1495 : vector<16xi32>
    %add3A_1502 = arith.constant 1 : i32
    %add3A_1503 = vector.broadcast %add3A_1502 : i32 to vector<16xi32>
    %add3A_1504 = arith.addi %mul3A_1501, %add3A_1503 : vector<16xi32>
    %swap3A_1505 = arith.constant 1168 : index
    %swap3A_1506 = tpu.vector_load %arg6[%swap3A_1505] {strides = array<i32>} : memref<2048xi32, #tpu.memory_space<vmem>>, vector<16xi32>,
    tpu.vector_store %arg6[%swap3A_1505], %add3A_1504 {strides = array<i32>} : memref<2048xi32, #tpu.memory_space<vmem>>, vector<16xi32>,
    %slice3A_1507 = vector.extract_strided_slice %masked_cumsum3A_1498 {offsets = [15], sizes = [1], strides = [1]} : vector<16xi32> to vector<1xi32>
    %squeeze3A_1508 = vector.extract %slice3A_1507[0] : i32 from vector<1xi32>
    %add3A_1509 = arith.addi %add3A_1489, %squeeze3A_1508 : i32
    %get3A_1510 = arith.constant 1184 : index
    %get3A_1511 = tpu.vector_load %arg5[%get3A_1510] {strides = array<i32>} : memref<2048xi32, #tpu.memory_space<vmem>>, vector<16xi32>,
    %ne3A_1512 = arith.constant 1 : i32
    %ne3A_1513 = vector.broadcast %ne3A_1512 : i32 to vector<16xi32>
    %ne3A_1514 = arith.cmpi ne, %get3A_1511, %ne3A_1513 : vector<16xi32>
    %convert_element_type3A_1515 = arith.extui %ne3A_1514 : vector<16xi1> to vector<16xi32>
    %broadcast_in_dim3A_1516 = arith.constant true
    %broadcast_in_dim3A_1517 = vector.broadcast %broadcast_in_dim3A_1516 : i1 to vector<16xi1>
    %masked_cumsum3A_1518 = tpu.scan <sum>, %convert_element_type3A_1515 masked %broadcast_in_dim3A_1517 : vector<16xi32>, vector<16xi1> -> vector<16xi32>
    %add3A_1519 = vector.broadcast %add3A_1509 : i32 to vector<16xi32>
    %add3A_1520 = arith.addi %masked_cumsum3A_1518, %add3A_1519 : vector<16xi32>
    %mul3A_1521 = arith.muli %add3A_1520, %convert_element_type3A_1515 : vector<16xi32>
    %add3A_1522 = arith.constant 1 : i32
    %add3A_1523 = vector.broadcast %add3A_1522 : i32 to vector<16xi32>
    %add3A_1524 = arith.addi %mul3A_1521, %add3A_1523 : vector<16xi32>
    %swap3A_1525 = arith.constant 1184 : index
    %swap3A_1526 = tpu.vector_load %arg6[%swap3A_1525] {strides = array<i32>} : memref<2048xi32, #tpu.memory_space<vmem>>, vector<16xi32>,
    tpu.vector_store %arg6[%swap3A_1525], %add3A_1524 {strides = array<i32>} : memref<2048xi32, #tpu.memory_space<vmem>>, vector<16xi32>,
    %slice3A_1527 = vector.extract_strided_slice %masked_cumsum3A_1518 {offsets = [15], sizes = [1], strides = [1]} : vector<16xi32> to vector<1xi32>
    %squeeze3A_1528 = vector.extract %slice3A_1527[0] : i32 from vector<1xi32>
    %add3A_1529 = arith.addi %add3A_1509, %squeeze3A_1528 : i32
    %get3A_1530 = arith.constant 1200 : index
    %get3A_1531 = tpu.vector_load %arg5[%get3A_1530] {strides = array<i32>} : memref<2048xi32, #tpu.memory_space<vmem>>, vector<16xi32>,
    %ne3A_1532 = arith.constant 1 : i32
    %ne3A_1533 = vector.broadcast %ne3A_1532 : i32 to vector<16xi32>
    %ne3A_1534 = arith.cmpi ne, %get3A_1531, %ne3A_1533 : vector<16xi32>
    %convert_element_type3A_1535 = arith.extui %ne3A_1534 : vector<16xi1> to vector<16xi32>
    %broadcast_in_dim3A_1536 = arith.constant true
    %broadcast_in_dim3A_1537 = vector.broadcast %broadcast_in_dim3A_1536 : i1 to vector<16xi1>
    %masked_cumsum3A_1538 = tpu.scan <sum>, %convert_element_type3A_1535 masked %broadcast_in_dim3A_1537 : vector<16xi32>, vector<16xi1> -> vector<16xi32>
    %add3A_1539 = vector.broadcast %add3A_1529 : i32 to vector<16xi32>
    %add3A_1540 = arith.addi %masked_cumsum3A_1538, %add3A_1539 : vector<16xi32>
    %mul3A_1541 = arith.muli %add3A_1540, %convert_element_type3A_1535 : vector<16xi32>
    %add3A_1542 = arith.constant 1 : i32
    %add3A_1543 = vector.broadcast %add3A_1542 : i32 to vector<16xi32>
    %add3A_1544 = arith.addi %mul3A_1541, %add3A_1543 : vector<16xi32>
    %swap3A_1545 = arith.constant 1200 : index
    %swap3A_1546 = tpu.vector_load %arg6[%swap3A_1545] {strides = array<i32>} : memref<2048xi32, #tpu.memory_space<vmem>>, vector<16xi32>,
    tpu.vector_store %arg6[%swap3A_1545], %add3A_1544 {strides = array<i32>} : memref<2048xi32, #tpu.memory_space<vmem>>, vector<16xi32>,
    %slice3A_1547 = vector.extract_strided_slice %masked_cumsum3A_1538 {offsets = [15], sizes = [1], strides = [1]} : vector<16xi32> to vector<1xi32>
    %squeeze3A_1548 = vector.extract %slice3A_1547[0] : i32 from vector<1xi32>
    %add3A_1549 = arith.addi %add3A_1529, %squeeze3A_1548 : i32
    %get3A_1550 = arith.constant 1216 : index
    %get3A_1551 = tpu.vector_load %arg5[%get3A_1550] {strides = array<i32>} : memref<2048xi32, #tpu.memory_space<vmem>>, vector<16xi32>,
    %ne3A_1552 = arith.constant 1 : i32
    %ne3A_1553 = vector.broadcast %ne3A_1552 : i32 to vector<16xi32>
    %ne3A_1554 = arith.cmpi ne, %get3A_1551, %ne3A_1553 : vector<16xi32>
    %convert_element_type3A_1555 = arith.extui %ne3A_1554 : vector<16xi1> to vector<16xi32>
    %broadcast_in_dim3A_1556 = arith.constant true
    %broadcast_in_dim3A_1557 = vector.broadcast %broadcast_in_dim3A_1556 : i1 to vector<16xi1>
    %masked_cumsum3A_1558 = tpu.scan <sum>, %convert_element_type3A_1555 masked %broadcast_in_dim3A_1557 : vector<16xi32>, vector<16xi1> -> vector<16xi32>
    %add3A_1559 = vector.broadcast %add3A_1549 : i32 to vector<16xi32>
    %add3A_1560 = arith.addi %masked_cumsum3A_1558, %add3A_1559 : vector<16xi32>
    %mul3A_1561 = arith.muli %add3A_1560, %convert_element_type3A_1555 : vector<16xi32>
    %add3A_1562 = arith.constant 1 : i32
    %add3A_1563 = vector.broadcast %add3A_1562 : i32 to vector<16xi32>
    %add3A_1564 = arith.addi %mul3A_1561, %add3A_1563 : vector<16xi32>
    %swap3A_1565 = arith.constant 1216 : index
    %swap3A_1566 = tpu.vector_load %arg6[%swap3A_1565] {strides = array<i32>} : memref<2048xi32, #tpu.memory_space<vmem>>, vector<16xi32>,
    tpu.vector_store %arg6[%swap3A_1565], %add3A_1564 {strides = array<i32>} : memref<2048xi32, #tpu.memory_space<vmem>>, vector<16xi32>,
    %slice3A_1567 = vector.extract_strided_slice %masked_cumsum3A_1558 {offsets = [15], sizes = [1], strides = [1]} : vector<16xi32> to vector<1xi32>
    %squeeze3A_1568 = vector.extract %slice3A_1567[0] : i32 from vector<1xi32>
    %add3A_1569 = arith.addi %add3A_1549, %squeeze3A_1568 : i32
    %get3A_1570 = arith.constant 1232 : index
    %get3A_1571 = tpu.vector_load %arg5[%get3A_1570] {strides = array<i32>} : memref<2048xi32, #tpu.memory_space<vmem>>, vector<16xi32>,
    %ne3A_1572 = arith.constant 1 : i32
    %ne3A_1573 = vector.broadcast %ne3A_1572 : i32 to vector<16xi32>
    %ne3A_1574 = arith.cmpi ne, %get3A_1571, %ne3A_1573 : vector<16xi32>
    %convert_element_type3A_1575 = arith.extui %ne3A_1574 : vector<16xi1> to vector<16xi32>
    %broadcast_in_dim3A_1576 = arith.constant true
    %broadcast_in_dim3A_1577 = vector.broadcast %broadcast_in_dim3A_1576 : i1 to vector<16xi1>
    %masked_cumsum3A_1578 = tpu.scan <sum>, %convert_element_type3A_1575 masked %broadcast_in_dim3A_1577 : vector<16xi32>, vector<16xi1> -> vector<16xi32>
    %add3A_1579 = vector.broadcast %add3A_1569 : i32 to vector<16xi32>
    %add3A_1580 = arith.addi %masked_cumsum3A_1578, %add3A_1579 : vector<16xi32>
    %mul3A_1581 = arith.muli %add3A_1580, %convert_element_type3A_1575 : vector<16xi32>
    %add3A_1582 = arith.constant 1 : i32
    %add3A_1583 = vector.broadcast %add3A_1582 : i32 to vector<16xi32>
    %add3A_1584 = arith.addi %mul3A_1581, %add3A_1583 : vector<16xi32>
    %swap3A_1585 = arith.constant 1232 : index
    %swap3A_1586 = tpu.vector_load %arg6[%swap3A_1585] {strides = array<i32>} : memref<2048xi32, #tpu.memory_space<vmem>>, vector<16xi32>,
    tpu.vector_store %arg6[%swap3A_1585], %add3A_1584 {strides = array<i32>} : memref<2048xi32, #tpu.memory_space<vmem>>, vector<16xi32>,
    %slice3A_1587 = vector.extract_strided_slice %masked_cumsum3A_1578 {offsets = [15], sizes = [1], strides = [1]} : vector<16xi32> to vector<1xi32>
    %squeeze3A_1588 = vector.extract %slice3A_1587[0] : i32 from vector<1xi32>
    %add3A_1589 = arith.addi %add3A_1569, %squeeze3A_1588 : i32
    %get3A_1590 = arith.constant 1248 : index
    %get3A_1591 = tpu.vector_load %arg5[%get3A_1590] {strides = array<i32>} : memref<2048xi32, #tpu.memory_space<vmem>>, vector<16xi32>,
    %ne3A_1592 = arith.constant 1 : i32
    %ne3A_1593 = vector.broadcast %ne3A_1592 : i32 to vector<16xi32>
    %ne3A_1594 = arith.cmpi ne, %get3A_1591, %ne3A_1593 : vector<16xi32>
    %convert_element_type3A_1595 = arith.extui %ne3A_1594 : vector<16xi1> to vector<16xi32>
    %broadcast_in_dim3A_1596 = arith.constant true
    %broadcast_in_dim3A_1597 = vector.broadcast %broadcast_in_dim3A_1596 : i1 to vector<16xi1>
    %masked_cumsum3A_1598 = tpu.scan <sum>, %convert_element_type3A_1595 masked %broadcast_in_dim3A_1597 : vector<16xi32>, vector<16xi1> -> vector<16xi32>
    %add3A_1599 = vector.broadcast %add3A_1589 : i32 to vector<16xi32>
    %add3A_1600 = arith.addi %masked_cumsum3A_1598, %add3A_1599 : vector<16xi32>
    %mul3A_1601 = arith.muli %add3A_1600, %convert_element_type3A_1595 : vector<16xi32>
    %add3A_1602 = arith.constant 1 : i32
    %add3A_1603 = vector.broadcast %add3A_1602 : i32 to vector<16xi32>
    %add3A_1604 = arith.addi %mul3A_1601, %add3A_1603 : vector<16xi32>
    %swap3A_1605 = arith.constant 1248 : index
    %swap3A_1606 = tpu.vector_load %arg6[%swap3A_1605] {strides = array<i32>} : memref<2048xi32, #tpu.memory_space<vmem>>, vector<16xi32>,
    tpu.vector_store %arg6[%swap3A_1605], %add3A_1604 {strides = array<i32>} : memref<2048xi32, #tpu.memory_space<vmem>>, vector<16xi32>,
    %slice3A_1607 = vector.extract_strided_slice %masked_cumsum3A_1598 {offsets = [15], sizes = [1], strides = [1]} : vector<16xi32> to vector<1xi32>
    %squeeze3A_1608 = vector.extract %slice3A_1607[0] : i32 from vector<1xi32>
    %add3A_1609 = arith.addi %add3A_1589, %squeeze3A_1608 : i32
    %get3A_1610 = arith.constant 1264 : index
    %get3A_1611 = tpu.vector_load %arg5[%get3A_1610] {strides = array<i32>} : memref<2048xi32, #tpu.memory_space<vmem>>, vector<16xi32>,
    %ne3A_1612 = arith.constant 1 : i32
    %ne3A_1613 = vector.broadcast %ne3A_1612 : i32 to vector<16xi32>
    %ne3A_1614 = arith.cmpi ne, %get3A_1611, %ne3A_1613 : vector<16xi32>
    %convert_element_type3A_1615 = arith.extui %ne3A_1614 : vector<16xi1> to vector<16xi32>
    %broadcast_in_dim3A_1616 = arith.constant true
    %broadcast_in_dim3A_1617 = vector.broadcast %broadcast_in_dim3A_1616 : i1 to vector<16xi1>
    %masked_cumsum3A_1618 = tpu.scan <sum>, %convert_element_type3A_1615 masked %broadcast_in_dim3A_1617 : vector<16xi32>, vector<16xi1> -> vector<16xi32>
    %add3A_1619 = vector.broadcast %add3A_1609 : i32 to vector<16xi32>
    %add3A_1620 = arith.addi %masked_cumsum3A_1618, %add3A_1619 : vector<16xi32>
    %mul3A_1621 = arith.muli %add3A_1620, %convert_element_type3A_1615 : vector<16xi32>
    %add3A_1622 = arith.constant 1 : i32
    %add3A_1623 = vector.broadcast %add3A_1622 : i32 to vector<16xi32>
    %add3A_1624 = arith.addi %mul3A_1621, %add3A_1623 : vector<16xi32>
    %swap3A_1625 = arith.constant 1264 : index
    %swap3A_1626 = tpu.vector_load %arg6[%swap3A_1625] {strides = array<i32>} : memref<2048xi32, #tpu.memory_space<vmem>>, vector<16xi32>,
    tpu.vector_store %arg6[%swap3A_1625], %add3A_1624 {strides = array<i32>} : memref<2048xi32, #tpu.memory_space<vmem>>, vector<16xi32>,
    %slice3A_1627 = vector.extract_strided_slice %masked_cumsum3A_1618 {offsets = [15], sizes = [1], strides = [1]} : vector<16xi32> to vector<1xi32>
    %squeeze3A_1628 = vector.extract %slice3A_1627[0] : i32 from vector<1xi32>
    %add3A_1629 = arith.addi %add3A_1609, %squeeze3A_1628 : i32
    %get3A_1630 = arith.constant 1280 : index
    %get3A_1631 = tpu.vector_load %arg5[%get3A_1630] {strides = array<i32>} : memref<2048xi32, #tpu.memory_space<vmem>>, vector<16xi32>,
    %ne3A_1632 = arith.constant 1 : i32
    %ne3A_1633 = vector.broadcast %ne3A_1632 : i32 to vector<16xi32>
    %ne3A_1634 = arith.cmpi ne, %get3A_1631, %ne3A_1633 : vector<16xi32>
    %convert_element_type3A_1635 = arith.extui %ne3A_1634 : vector<16xi1> to vector<16xi32>
    %broadcast_in_dim3A_1636 = arith.constant true
    %broadcast_in_dim3A_1637 = vector.broadcast %broadcast_in_dim3A_1636 : i1 to vector<16xi1>
    %masked_cumsum3A_1638 = tpu.scan <sum>, %convert_element_type3A_1635 masked %broadcast_in_dim3A_1637 : vector<16xi32>, vector<16xi1> -> vector<16xi32>
    %add3A_1639 = vector.broadcast %add3A_1629 : i32 to vector<16xi32>
    %add3A_1640 = arith.addi %masked_cumsum3A_1638, %add3A_1639 : vector<16xi32>
    %mul3A_1641 = arith.muli %add3A_1640, %convert_element_type3A_1635 : vector<16xi32>
    %add3A_1642 = arith.constant 1 : i32
    %add3A_1643 = vector.broadcast %add3A_1642 : i32 to vector<16xi32>
    %add3A_1644 = arith.addi %mul3A_1641, %add3A_1643 : vector<16xi32>
    %swap3A_1645 = arith.constant 1280 : index
    %swap3A_1646 = tpu.vector_load %arg6[%swap3A_1645] {strides = array<i32>} : memref<2048xi32, #tpu.memory_space<vmem>>, vector<16xi32>,
    tpu.vector_store %arg6[%swap3A_1645], %add3A_1644 {strides = array<i32>} : memref<2048xi32, #tpu.memory_space<vmem>>, vector<16xi32>,
    %slice3A_1647 = vector.extract_strided_slice %masked_cumsum3A_1638 {offsets = [15], sizes = [1], strides = [1]} : vector<16xi32> to vector<1xi32>
    %squeeze3A_1648 = vector.extract %slice3A_1647[0] : i32 from vector<1xi32>
    %add3A_1649 = arith.addi %add3A_1629, %squeeze3A_1648 : i32
    %get3A_1650 = arith.constant 1296 : index
    %get3A_1651 = tpu.vector_load %arg5[%get3A_1650] {strides = array<i32>} : memref<2048xi32, #tpu.memory_space<vmem>>, vector<16xi32>,
    %ne3A_1652 = arith.constant 1 : i32
    %ne3A_1653 = vector.broadcast %ne3A_1652 : i32 to vector<16xi32>
    %ne3A_1654 = arith.cmpi ne, %get3A_1651, %ne3A_1653 : vector<16xi32>
    %convert_element_type3A_1655 = arith.extui %ne3A_1654 : vector<16xi1> to vector<16xi32>
    %broadcast_in_dim3A_1656 = arith.constant true
    %broadcast_in_dim3A_1657 = vector.broadcast %broadcast_in_dim3A_1656 : i1 to vector<16xi1>
    %masked_cumsum3A_1658 = tpu.scan <sum>, %convert_element_type3A_1655 masked %broadcast_in_dim3A_1657 : vector<16xi32>, vector<16xi1> -> vector<16xi32>
    %add3A_1659 = vector.broadcast %add3A_1649 : i32 to vector<16xi32>
    %add3A_1660 = arith.addi %masked_cumsum3A_1658, %add3A_1659 : vector<16xi32>
    %mul3A_1661 = arith.muli %add3A_1660, %convert_element_type3A_1655 : vector<16xi32>
    %add3A_1662 = arith.constant 1 : i32
    %add3A_1663 = vector.broadcast %add3A_1662 : i32 to vector<16xi32>
    %add3A_1664 = arith.addi %mul3A_1661, %add3A_1663 : vector<16xi32>
    %swap3A_1665 = arith.constant 1296 : index
    %swap3A_1666 = tpu.vector_load %arg6[%swap3A_1665] {strides = array<i32>} : memref<2048xi32, #tpu.memory_space<vmem>>, vector<16xi32>,
    tpu.vector_store %arg6[%swap3A_1665], %add3A_1664 {strides = array<i32>} : memref<2048xi32, #tpu.memory_space<vmem>>, vector<16xi32>,
    %slice3A_1667 = vector.extract_strided_slice %masked_cumsum3A_1658 {offsets = [15], sizes = [1], strides = [1]} : vector<16xi32> to vector<1xi32>
    %squeeze3A_1668 = vector.extract %slice3A_1667[0] : i32 from vector<1xi32>
    %add3A_1669 = arith.addi %add3A_1649, %squeeze3A_1668 : i32
    %get3A_1670 = arith.constant 1312 : index
    %get3A_1671 = tpu.vector_load %arg5[%get3A_1670] {strides = array<i32>} : memref<2048xi32, #tpu.memory_space<vmem>>, vector<16xi32>,
    %ne3A_1672 = arith.constant 1 : i32
    %ne3A_1673 = vector.broadcast %ne3A_1672 : i32 to vector<16xi32>
    %ne3A_1674 = arith.cmpi ne, %get3A_1671, %ne3A_1673 : vector<16xi32>
    %convert_element_type3A_1675 = arith.extui %ne3A_1674 : vector<16xi1> to vector<16xi32>
    %broadcast_in_dim3A_1676 = arith.constant true
    %broadcast_in_dim3A_1677 = vector.broadcast %broadcast_in_dim3A_1676 : i1 to vector<16xi1>
    %masked_cumsum3A_1678 = tpu.scan <sum>, %convert_element_type3A_1675 masked %broadcast_in_dim3A_1677 : vector<16xi32>, vector<16xi1> -> vector<16xi32>
    %add3A_1679 = vector.broadcast %add3A_1669 : i32 to vector<16xi32>
    %add3A_1680 = arith.addi %masked_cumsum3A_1678, %add3A_1679 : vector<16xi32>
    %mul3A_1681 = arith.muli %add3A_1680, %convert_element_type3A_1675 : vector<16xi32>
    %add3A_1682 = arith.constant 1 : i32
    %add3A_1683 = vector.broadcast %add3A_1682 : i32 to vector<16xi32>
    %add3A_1684 = arith.addi %mul3A_1681, %add3A_1683 : vector<16xi32>
    %swap3A_1685 = arith.constant 1312 : index
    %swap3A_1686 = tpu.vector_load %arg6[%swap3A_1685] {strides = array<i32>} : memref<2048xi32, #tpu.memory_space<vmem>>, vector<16xi32>,
    tpu.vector_store %arg6[%swap3A_1685], %add3A_1684 {strides = array<i32>} : memref<2048xi32, #tpu.memory_space<vmem>>, vector<16xi32>,
    %slice3A_1687 = vector.extract_strided_slice %masked_cumsum3A_1678 {offsets = [15], sizes = [1], strides = [1]} : vector<16xi32> to vector<1xi32>
    %squeeze3A_1688 = vector.extract %slice3A_1687[0] : i32 from vector<1xi32>
    %add3A_1689 = arith.addi %add3A_1669, %squeeze3A_1688 : i32
    %get3A_1690 = arith.constant 1328 : index
    %get3A_1691 = tpu.vector_load %arg5[%get3A_1690] {strides = array<i32>} : memref<2048xi32, #tpu.memory_space<vmem>>, vector<16xi32>,
    %ne3A_1692 = arith.constant 1 : i32
    %ne3A_1693 = vector.broadcast %ne3A_1692 : i32 to vector<16xi32>
    %ne3A_1694 = arith.cmpi ne, %get3A_1691, %ne3A_1693 : vector<16xi32>
    %convert_element_type3A_1695 = arith.extui %ne3A_1694 : vector<16xi1> to vector<16xi32>
    %broadcast_in_dim3A_1696 = arith.constant true
    %broadcast_in_dim3A_1697 = vector.broadcast %broadcast_in_dim3A_1696 : i1 to vector<16xi1>
    %masked_cumsum3A_1698 = tpu.scan <sum>, %convert_element_type3A_1695 masked %broadcast_in_dim3A_1697 : vector<16xi32>, vector<16xi1> -> vector<16xi32>
    %add3A_1699 = vector.broadcast %add3A_1689 : i32 to vector<16xi32>
    %add3A_1700 = arith.addi %masked_cumsum3A_1698, %add3A_1699 : vector<16xi32>
    %mul3A_1701 = arith.muli %add3A_1700, %convert_element_type3A_1695 : vector<16xi32>
    %add3A_1702 = arith.constant 1 : i32
    %add3A_1703 = vector.broadcast %add3A_1702 : i32 to vector<16xi32>
    %add3A_1704 = arith.addi %mul3A_1701, %add3A_1703 : vector<16xi32>
    %swap3A_1705 = arith.constant 1328 : index
    %swap3A_1706 = tpu.vector_load %arg6[%swap3A_1705] {strides = array<i32>} : memref<2048xi32, #tpu.memory_space<vmem>>, vector<16xi32>,
    tpu.vector_store %arg6[%swap3A_1705], %add3A_1704 {strides = array<i32>} : memref<2048xi32, #tpu.memory_space<vmem>>, vector<16xi32>,
    %slice3A_1707 = vector.extract_strided_slice %masked_cumsum3A_1698 {offsets = [15], sizes = [1], strides = [1]} : vector<16xi32> to vector<1xi32>
    %squeeze3A_1708 = vector.extract %slice3A_1707[0] : i32 from vector<1xi32>
    %add3A_1709 = arith.addi %add3A_1689, %squeeze3A_1708 : i32
    %get3A_1710 = arith.constant 1344 : index
    %get3A_1711 = tpu.vector_load %arg5[%get3A_1710] {strides = array<i32>} : memref<2048xi32, #tpu.memory_space<vmem>>, vector<16xi32>,
    %ne3A_1712 = arith.constant 1 : i32
    %ne3A_1713 = vector.broadcast %ne3A_1712 : i32 to vector<16xi32>
    %ne3A_1714 = arith.cmpi ne, %get3A_1711, %ne3A_1713 : vector<16xi32>
    %convert_element_type3A_1715 = arith.extui %ne3A_1714 : vector<16xi1> to vector<16xi32>
    %broadcast_in_dim3A_1716 = arith.constant true
    %broadcast_in_dim3A_1717 = vector.broadcast %broadcast_in_dim3A_1716 : i1 to vector<16xi1>
    %masked_cumsum3A_1718 = tpu.scan <sum>, %convert_element_type3A_1715 masked %broadcast_in_dim3A_1717 : vector<16xi32>, vector<16xi1> -> vector<16xi32>
    %add3A_1719 = vector.broadcast %add3A_1709 : i32 to vector<16xi32>
    %add3A_1720 = arith.addi %masked_cumsum3A_1718, %add3A_1719 : vector<16xi32>
    %mul3A_1721 = arith.muli %add3A_1720, %convert_element_type3A_1715 : vector<16xi32>
    %add3A_1722 = arith.constant 1 : i32
    %add3A_1723 = vector.broadcast %add3A_1722 : i32 to vector<16xi32>
    %add3A_1724 = arith.addi %mul3A_1721, %add3A_1723 : vector<16xi32>
    %swap3A_1725 = arith.constant 1344 : index
    %swap3A_1726 = tpu.vector_load %arg6[%swap3A_1725] {strides = array<i32>} : memref<2048xi32, #tpu.memory_space<vmem>>, vector<16xi32>,
    tpu.vector_store %arg6[%swap3A_1725], %add3A_1724 {strides = array<i32>} : memref<2048xi32, #tpu.memory_space<vmem>>, vector<16xi32>,
    %slice3A_1727 = vector.extract_strided_slice %masked_cumsum3A_1718 {offsets = [15], sizes = [1], strides = [1]} : vector<16xi32> to vector<1xi32>
    %squeeze3A_1728 = vector.extract %slice3A_1727[0] : i32 from vector<1xi32>
    %add3A_1729 = arith.addi %add3A_1709, %squeeze3A_1728 : i32
    %get3A_1730 = arith.constant 1360 : index
    %get3A_1731 = tpu.vector_load %arg5[%get3A_1730] {strides = array<i32>} : memref<2048xi32, #tpu.memory_space<vmem>>, vector<16xi32>,
    %ne3A_1732 = arith.constant 1 : i32
    %ne3A_1733 = vector.broadcast %ne3A_1732 : i32 to vector<16xi32>
    %ne3A_1734 = arith.cmpi ne, %get3A_1731, %ne3A_1733 : vector<16xi32>
    %convert_element_type3A_1735 = arith.extui %ne3A_1734 : vector<16xi1> to vector<16xi32>
    %broadcast_in_dim3A_1736 = arith.constant true
    %broadcast_in_dim3A_1737 = vector.broadcast %broadcast_in_dim3A_1736 : i1 to vector<16xi1>
    %masked_cumsum3A_1738 = tpu.scan <sum>, %convert_element_type3A_1735 masked %broadcast_in_dim3A_1737 : vector<16xi32>, vector<16xi1> -> vector<16xi32>
    %add3A_1739 = vector.broadcast %add3A_1729 : i32 to vector<16xi32>
    %add3A_1740 = arith.addi %masked_cumsum3A_1738, %add3A_1739 : vector<16xi32>
    %mul3A_1741 = arith.muli %add3A_1740, %convert_element_type3A_1735 : vector<16xi32>
    %add3A_1742 = arith.constant 1 : i32
    %add3A_1743 = vector.broadcast %add3A_1742 : i32 to vector<16xi32>
    %add3A_1744 = arith.addi %mul3A_1741, %add3A_1743 : vector<16xi32>
    %swap3A_1745 = arith.constant 1360 : index
    %swap3A_1746 = tpu.vector_load %arg6[%swap3A_1745] {strides = array<i32>} : memref<2048xi32, #tpu.memory_space<vmem>>, vector<16xi32>,
    tpu.vector_store %arg6[%swap3A_1745], %add3A_1744 {strides = array<i32>} : memref<2048xi32, #tpu.memory_space<vmem>>, vector<16xi32>,
    %slice3A_1747 = vector.extract_strided_slice %masked_cumsum3A_1738 {offsets = [15], sizes = [1], strides = [1]} : vector<16xi32> to vector<1xi32>
    %squeeze3A_1748 = vector.extract %slice3A_1747[0] : i32 from vector<1xi32>
    %add3A_1749 = arith.addi %add3A_1729, %squeeze3A_1748 : i32
    %get3A_1750 = arith.constant 1376 : index
    %get3A_1751 = tpu.vector_load %arg5[%get3A_1750] {strides = array<i32>} : memref<2048xi32, #tpu.memory_space<vmem>>, vector<16xi32>,
    %ne3A_1752 = arith.constant 1 : i32
    %ne3A_1753 = vector.broadcast %ne3A_1752 : i32 to vector<16xi32>
    %ne3A_1754 = arith.cmpi ne, %get3A_1751, %ne3A_1753 : vector<16xi32>
    %convert_element_type3A_1755 = arith.extui %ne3A_1754 : vector<16xi1> to vector<16xi32>
    %broadcast_in_dim3A_1756 = arith.constant true
    %broadcast_in_dim3A_1757 = vector.broadcast %broadcast_in_dim3A_1756 : i1 to vector<16xi1>
    %masked_cumsum3A_1758 = tpu.scan <sum>, %convert_element_type3A_1755 masked %broadcast_in_dim3A_1757 : vector<16xi32>, vector<16xi1> -> vector<16xi32>
    %add3A_1759 = vector.broadcast %add3A_1749 : i32 to vector<16xi32>
    %add3A_1760 = arith.addi %masked_cumsum3A_1758, %add3A_1759 : vector<16xi32>
    %mul3A_1761 = arith.muli %add3A_1760, %convert_element_type3A_1755 : vector<16xi32>
    %add3A_1762 = arith.constant 1 : i32
    %add3A_1763 = vector.broadcast %add3A_1762 : i32 to vector<16xi32>
    %add3A_1764 = arith.addi %mul3A_1761, %add3A_1763 : vector<16xi32>
    %swap3A_1765 = arith.constant 1376 : index
    %swap3A_1766 = tpu.vector_load %arg6[%swap3A_1765] {strides = array<i32>} : memref<2048xi32, #tpu.memory_space<vmem>>, vector<16xi32>,
    tpu.vector_store %arg6[%swap3A_1765], %add3A_1764 {strides = array<i32>} : memref<2048xi32, #tpu.memory_space<vmem>>, vector<16xi32>,
    %slice3A_1767 = vector.extract_strided_slice %masked_cumsum3A_1758 {offsets = [15], sizes = [1], strides = [1]} : vector<16xi32> to vector<1xi32>
    %squeeze3A_1768 = vector.extract %slice3A_1767[0] : i32 from vector<1xi32>
    %add3A_1769 = arith.addi %add3A_1749, %squeeze3A_1768 : i32
    %get3A_1770 = arith.constant 1392 : index
    %get3A_1771 = tpu.vector_load %arg5[%get3A_1770] {strides = array<i32>} : memref<2048xi32, #tpu.memory_space<vmem>>, vector<16xi32>,
    %ne3A_1772 = arith.constant 1 : i32
    %ne3A_1773 = vector.broadcast %ne3A_1772 : i32 to vector<16xi32>
    %ne3A_1774 = arith.cmpi ne, %get3A_1771, %ne3A_1773 : vector<16xi32>
    %convert_element_type3A_1775 = arith.extui %ne3A_1774 : vector<16xi1> to vector<16xi32>
    %broadcast_in_dim3A_1776 = arith.constant true
    %broadcast_in_dim3A_1777 = vector.broadcast %broadcast_in_dim3A_1776 : i1 to vector<16xi1>
    %masked_cumsum3A_1778 = tpu.scan <sum>, %convert_element_type3A_1775 masked %broadcast_in_dim3A_1777 : vector<16xi32>, vector<16xi1> -> vector<16xi32>
    %add3A_1779 = vector.broadcast %add3A_1769 : i32 to vector<16xi32>
    %add3A_1780 = arith.addi %masked_cumsum3A_1778, %add3A_1779 : vector<16xi32>
    %mul3A_1781 = arith.muli %add3A_1780, %convert_element_type3A_1775 : vector<16xi32>
    %add3A_1782 = arith.constant 1 : i32
    %add3A_1783 = vector.broadcast %add3A_1782 : i32 to vector<16xi32>
    %add3A_1784 = arith.addi %mul3A_1781, %add3A_1783 : vector<16xi32>
    %swap3A_1785 = arith.constant 1392 : index
    %swap3A_1786 = tpu.vector_load %arg6[%swap3A_1785] {strides = array<i32>} : memref<2048xi32, #tpu.memory_space<vmem>>, vector<16xi32>,
    tpu.vector_store %arg6[%swap3A_1785], %add3A_1784 {strides = array<i32>} : memref<2048xi32, #tpu.memory_space<vmem>>, vector<16xi32>,
    %slice3A_1787 = vector.extract_strided_slice %masked_cumsum3A_1778 {offsets = [15], sizes = [1], strides = [1]} : vector<16xi32> to vector<1xi32>
    %squeeze3A_1788 = vector.extract %slice3A_1787[0] : i32 from vector<1xi32>
    %add3A_1789 = arith.addi %add3A_1769, %squeeze3A_1788 : i32
    %get3A_1790 = arith.constant 1408 : index
    %get3A_1791 = tpu.vector_load %arg5[%get3A_1790] {strides = array<i32>} : memref<2048xi32, #tpu.memory_space<vmem>>, vector<16xi32>,
    %ne3A_1792 = arith.constant 1 : i32
    %ne3A_1793 = vector.broadcast %ne3A_1792 : i32 to vector<16xi32>
    %ne3A_1794 = arith.cmpi ne, %get3A_1791, %ne3A_1793 : vector<16xi32>
    %convert_element_type3A_1795 = arith.extui %ne3A_1794 : vector<16xi1> to vector<16xi32>
    %broadcast_in_dim3A_1796 = arith.constant true
    %broadcast_in_dim3A_1797 = vector.broadcast %broadcast_in_dim3A_1796 : i1 to vector<16xi1>
    %masked_cumsum3A_1798 = tpu.scan <sum>, %convert_element_type3A_1795 masked %broadcast_in_dim3A_1797 : vector<16xi32>, vector<16xi1> -> vector<16xi32>
    %add3A_1799 = vector.broadcast %add3A_1789 : i32 to vector<16xi32>
    %add3A_1800 = arith.addi %masked_cumsum3A_1798, %add3A_1799 : vector<16xi32>
    %mul3A_1801 = arith.muli %add3A_1800, %convert_element_type3A_1795 : vector<16xi32>
    %add3A_1802 = arith.constant 1 : i32
    %add3A_1803 = vector.broadcast %add3A_1802 : i32 to vector<16xi32>
    %add3A_1804 = arith.addi %mul3A_1801, %add3A_1803 : vector<16xi32>
    %swap3A_1805 = arith.constant 1408 : index
    %swap3A_1806 = tpu.vector_load %arg6[%swap3A_1805] {strides = array<i32>} : memref<2048xi32, #tpu.memory_space<vmem>>, vector<16xi32>,
    tpu.vector_store %arg6[%swap3A_1805], %add3A_1804 {strides = array<i32>} : memref<2048xi32, #tpu.memory_space<vmem>>, vector<16xi32>,
    %slice3A_1807 = vector.extract_strided_slice %masked_cumsum3A_1798 {offsets = [15], sizes = [1], strides = [1]} : vector<16xi32> to vector<1xi32>
    %squeeze3A_1808 = vector.extract %slice3A_1807[0] : i32 from vector<1xi32>
    %add3A_1809 = arith.addi %add3A_1789, %squeeze3A_1808 : i32
    %get3A_1810 = arith.constant 1424 : index
    %get3A_1811 = tpu.vector_load %arg5[%get3A_1810] {strides = array<i32>} : memref<2048xi32, #tpu.memory_space<vmem>>, vector<16xi32>,
    %ne3A_1812 = arith.constant 1 : i32
    %ne3A_1813 = vector.broadcast %ne3A_1812 : i32 to vector<16xi32>
    %ne3A_1814 = arith.cmpi ne, %get3A_1811, %ne3A_1813 : vector<16xi32>
    %convert_element_type3A_1815 = arith.extui %ne3A_1814 : vector<16xi1> to vector<16xi32>
    %broadcast_in_dim3A_1816 = arith.constant true
    %broadcast_in_dim3A_1817 = vector.broadcast %broadcast_in_dim3A_1816 : i1 to vector<16xi1>
    %masked_cumsum3A_1818 = tpu.scan <sum>, %convert_element_type3A_1815 masked %broadcast_in_dim3A_1817 : vector<16xi32>, vector<16xi1> -> vector<16xi32>
    %add3A_1819 = vector.broadcast %add3A_1809 : i32 to vector<16xi32>
    %add3A_1820 = arith.addi %masked_cumsum3A_1818, %add3A_1819 : vector<16xi32>
    %mul3A_1821 = arith.muli %add3A_1820, %convert_element_type3A_1815 : vector<16xi32>
    %add3A_1822 = arith.constant 1 : i32
    %add3A_1823 = vector.broadcast %add3A_1822 : i32 to vector<16xi32>
    %add3A_1824 = arith.addi %mul3A_1821, %add3A_1823 : vector<16xi32>
    %swap3A_1825 = arith.constant 1424 : index
    %swap3A_1826 = tpu.vector_load %arg6[%swap3A_1825] {strides = array<i32>} : memref<2048xi32, #tpu.memory_space<vmem>>, vector<16xi32>,
    tpu.vector_store %arg6[%swap3A_1825], %add3A_1824 {strides = array<i32>} : memref<2048xi32, #tpu.memory_space<vmem>>, vector<16xi32>,
    %slice3A_1827 = vector.extract_strided_slice %masked_cumsum3A_1818 {offsets = [15], sizes = [1], strides = [1]} : vector<16xi32> to vector<1xi32>
    %squeeze3A_1828 = vector.extract %slice3A_1827[0] : i32 from vector<1xi32>
    %add3A_1829 = arith.addi %add3A_1809, %squeeze3A_1828 : i32
    %get3A_1830 = arith.constant 1440 : index
    %get3A_1831 = tpu.vector_load %arg5[%get3A_1830] {strides = array<i32>} : memref<2048xi32, #tpu.memory_space<vmem>>, vector<16xi32>,
    %ne3A_1832 = arith.constant 1 : i32
    %ne3A_1833 = vector.broadcast %ne3A_1832 : i32 to vector<16xi32>
    %ne3A_1834 = arith.cmpi ne, %get3A_1831, %ne3A_1833 : vector<16xi32>
    %convert_element_type3A_1835 = arith.extui %ne3A_1834 : vector<16xi1> to vector<16xi32>
    %broadcast_in_dim3A_1836 = arith.constant true
    %broadcast_in_dim3A_1837 = vector.broadcast %broadcast_in_dim3A_1836 : i1 to vector<16xi1>
    %masked_cumsum3A_1838 = tpu.scan <sum>, %convert_element_type3A_1835 masked %broadcast_in_dim3A_1837 : vector<16xi32>, vector<16xi1> -> vector<16xi32>
    %add3A_1839 = vector.broadcast %add3A_1829 : i32 to vector<16xi32>
    %add3A_1840 = arith.addi %masked_cumsum3A_1838, %add3A_1839 : vector<16xi32>
    %mul3A_1841 = arith.muli %add3A_1840, %convert_element_type3A_1835 : vector<16xi32>
    %add3A_1842 = arith.constant 1 : i32
    %add3A_1843 = vector.broadcast %add3A_1842 : i32 to vector<16xi32>
    %add3A_1844 = arith.addi %mul3A_1841, %add3A_1843 : vector<16xi32>
    %swap3A_1845 = arith.constant 1440 : index
    %swap3A_1846 = tpu.vector_load %arg6[%swap3A_1845] {strides = array<i32>} : memref<2048xi32, #tpu.memory_space<vmem>>, vector<16xi32>,
    tpu.vector_store %arg6[%swap3A_1845], %add3A_1844 {strides = array<i32>} : memref<2048xi32, #tpu.memory_space<vmem>>, vector<16xi32>,
    %slice3A_1847 = vector.extract_strided_slice %masked_cumsum3A_1838 {offsets = [15], sizes = [1], strides = [1]} : vector<16xi32> to vector<1xi32>
    %squeeze3A_1848 = vector.extract %slice3A_1847[0] : i32 from vector<1xi32>
    %add3A_1849 = arith.addi %add3A_1829, %squeeze3A_1848 : i32
    %get3A_1850 = arith.constant 1456 : index
    %get3A_1851 = tpu.vector_load %arg5[%get3A_1850] {strides = array<i32>} : memref<2048xi32, #tpu.memory_space<vmem>>, vector<16xi32>,
    %ne3A_1852 = arith.constant 1 : i32
    %ne3A_1853 = vector.broadcast %ne3A_1852 : i32 to vector<16xi32>
    %ne3A_1854 = arith.cmpi ne, %get3A_1851, %ne3A_1853 : vector<16xi32>
    %convert_element_type3A_1855 = arith.extui %ne3A_1854 : vector<16xi1> to vector<16xi32>
    %broadcast_in_dim3A_1856 = arith.constant true
    %broadcast_in_dim3A_1857 = vector.broadcast %broadcast_in_dim3A_1856 : i1 to vector<16xi1>
    %masked_cumsum3A_1858 = tpu.scan <sum>, %convert_element_type3A_1855 masked %broadcast_in_dim3A_1857 : vector<16xi32>, vector<16xi1> -> vector<16xi32>
    %add3A_1859 = vector.broadcast %add3A_1849 : i32 to vector<16xi32>
    %add3A_1860 = arith.addi %masked_cumsum3A_1858, %add3A_1859 : vector<16xi32>
    %mul3A_1861 = arith.muli %add3A_1860, %convert_element_type3A_1855 : vector<16xi32>
    %add3A_1862 = arith.constant 1 : i32
    %add3A_1863 = vector.broadcast %add3A_1862 : i32 to vector<16xi32>
    %add3A_1864 = arith.addi %mul3A_1861, %add3A_1863 : vector<16xi32>
    %swap3A_1865 = arith.constant 1456 : index
    %swap3A_1866 = tpu.vector_load %arg6[%swap3A_1865] {strides = array<i32>} : memref<2048xi32, #tpu.memory_space<vmem>>, vector<16xi32>,
    tpu.vector_store %arg6[%swap3A_1865], %add3A_1864 {strides = array<i32>} : memref<2048xi32, #tpu.memory_space<vmem>>, vector<16xi32>,
    %slice3A_1867 = vector.extract_strided_slice %masked_cumsum3A_1858 {offsets = [15], sizes = [1], strides = [1]} : vector<16xi32> to vector<1xi32>
    %squeeze3A_1868 = vector.extract %slice3A_1867[0] : i32 from vector<1xi32>
    %add3A_1869 = arith.addi %add3A_1849, %squeeze3A_1868 : i32
    %get3A_1870 = arith.constant 1472 : index
    %get3A_1871 = tpu.vector_load %arg5[%get3A_1870] {strides = array<i32>} : memref<2048xi32, #tpu.memory_space<vmem>>, vector<16xi32>,
    %ne3A_1872 = arith.constant 1 : i32
    %ne3A_1873 = vector.broadcast %ne3A_1872 : i32 to vector<16xi32>
    %ne3A_1874 = arith.cmpi ne, %get3A_1871, %ne3A_1873 : vector<16xi32>
    %convert_element_type3A_1875 = arith.extui %ne3A_1874 : vector<16xi1> to vector<16xi32>
    %broadcast_in_dim3A_1876 = arith.constant true
    %broadcast_in_dim3A_1877 = vector.broadcast %broadcast_in_dim3A_1876 : i1 to vector<16xi1>
    %masked_cumsum3A_1878 = tpu.scan <sum>, %convert_element_type3A_1875 masked %broadcast_in_dim3A_1877 : vector<16xi32>, vector<16xi1> -> vector<16xi32>
    %add3A_1879 = vector.broadcast %add3A_1869 : i32 to vector<16xi32>
    %add3A_1880 = arith.addi %masked_cumsum3A_1878, %add3A_1879 : vector<16xi32>
    %mul3A_1881 = arith.muli %add3A_1880, %convert_element_type3A_1875 : vector<16xi32>
    %add3A_1882 = arith.constant 1 : i32
    %add3A_1883 = vector.broadcast %add3A_1882 : i32 to vector<16xi32>
    %add3A_1884 = arith.addi %mul3A_1881, %add3A_1883 : vector<16xi32>
    %swap3A_1885 = arith.constant 1472 : index
    %swap3A_1886 = tpu.vector_load %arg6[%swap3A_1885] {strides = array<i32>} : memref<2048xi32, #tpu.memory_space<vmem>>, vector<16xi32>,
    tpu.vector_store %arg6[%swap3A_1885], %add3A_1884 {strides = array<i32>} : memref<2048xi32, #tpu.memory_space<vmem>>, vector<16xi32>,
    %slice3A_1887 = vector.extract_strided_slice %masked_cumsum3A_1878 {offsets = [15], sizes = [1], strides = [1]} : vector<16xi32> to vector<1xi32>
    %squeeze3A_1888 = vector.extract %slice3A_1887[0] : i32 from vector<1xi32>
    %add3A_1889 = arith.addi %add3A_1869, %squeeze3A_1888 : i32
    %get3A_1890 = arith.constant 1488 : index
    %get3A_1891 = tpu.vector_load %arg5[%get3A_1890] {strides = array<i32>} : memref<2048xi32, #tpu.memory_space<vmem>>, vector<16xi32>,
    %ne3A_1892 = arith.constant 1 : i32
    %ne3A_1893 = vector.broadcast %ne3A_1892 : i32 to vector<16xi32>
    %ne3A_1894 = arith.cmpi ne, %get3A_1891, %ne3A_1893 : vector<16xi32>
    %convert_element_type3A_1895 = arith.extui %ne3A_1894 : vector<16xi1> to vector<16xi32>
    %broadcast_in_dim3A_1896 = arith.constant true
    %broadcast_in_dim3A_1897 = vector.broadcast %broadcast_in_dim3A_1896 : i1 to vector<16xi1>
    %masked_cumsum3A_1898 = tpu.scan <sum>, %convert_element_type3A_1895 masked %broadcast_in_dim3A_1897 : vector<16xi32>, vector<16xi1> -> vector<16xi32>
    %add3A_1899 = vector.broadcast %add3A_1889 : i32 to vector<16xi32>
    %add3A_1900 = arith.addi %masked_cumsum3A_1898, %add3A_1899 : vector<16xi32>
    %mul3A_1901 = arith.muli %add3A_1900, %convert_element_type3A_1895 : vector<16xi32>
    %add3A_1902 = arith.constant 1 : i32
    %add3A_1903 = vector.broadcast %add3A_1902 : i32 to vector<16xi32>
    %add3A_1904 = arith.addi %mul3A_1901, %add3A_1903 : vector<16xi32>
    %swap3A_1905 = arith.constant 1488 : index
    %swap3A_1906 = tpu.vector_load %arg6[%swap3A_1905] {strides = array<i32>} : memref<2048xi32, #tpu.memory_space<vmem>>, vector<16xi32>,
    tpu.vector_store %arg6[%swap3A_1905], %add3A_1904 {strides = array<i32>} : memref<2048xi32, #tpu.memory_space<vmem>>, vector<16xi32>,
    %slice3A_1907 = vector.extract_strided_slice %masked_cumsum3A_1898 {offsets = [15], sizes = [1], strides = [1]} : vector<16xi32> to vector<1xi32>
    %squeeze3A_1908 = vector.extract %slice3A_1907[0] : i32 from vector<1xi32>
    %add3A_1909 = arith.addi %add3A_1889, %squeeze3A_1908 : i32
    %get3A_1910 = arith.constant 1504 : index
    %get3A_1911 = tpu.vector_load %arg5[%get3A_1910] {strides = array<i32>} : memref<2048xi32, #tpu.memory_space<vmem>>, vector<16xi32>,
    %ne3A_1912 = arith.constant 1 : i32
    %ne3A_1913 = vector.broadcast %ne3A_1912 : i32 to vector<16xi32>
    %ne3A_1914 = arith.cmpi ne, %get3A_1911, %ne3A_1913 : vector<16xi32>
    %convert_element_type3A_1915 = arith.extui %ne3A_1914 : vector<16xi1> to vector<16xi32>
    %broadcast_in_dim3A_1916 = arith.constant true
    %broadcast_in_dim3A_1917 = vector.broadcast %broadcast_in_dim3A_1916 : i1 to vector<16xi1>
    %masked_cumsum3A_1918 = tpu.scan <sum>, %convert_element_type3A_1915 masked %broadcast_in_dim3A_1917 : vector<16xi32>, vector<16xi1> -> vector<16xi32>
    %add3A_1919 = vector.broadcast %add3A_1909 : i32 to vector<16xi32>
    %add3A_1920 = arith.addi %masked_cumsum3A_1918, %add3A_1919 : vector<16xi32>
    %mul3A_1921 = arith.muli %add3A_1920, %convert_element_type3A_1915 : vector<16xi32>
    %add3A_1922 = arith.constant 1 : i32
    %add3A_1923 = vector.broadcast %add3A_1922 : i32 to vector<16xi32>
    %add3A_1924 = arith.addi %mul3A_1921, %add3A_1923 : vector<16xi32>
    %swap3A_1925 = arith.constant 1504 : index
    %swap3A_1926 = tpu.vector_load %arg6[%swap3A_1925] {strides = array<i32>} : memref<2048xi32, #tpu.memory_space<vmem>>, vector<16xi32>,
    tpu.vector_store %arg6[%swap3A_1925], %add3A_1924 {strides = array<i32>} : memref<2048xi32, #tpu.memory_space<vmem>>, vector<16xi32>,
    %slice3A_1927 = vector.extract_strided_slice %masked_cumsum3A_1918 {offsets = [15], sizes = [1], strides = [1]} : vector<16xi32> to vector<1xi32>
    %squeeze3A_1928 = vector.extract %slice3A_1927[0] : i32 from vector<1xi32>
    %add3A_1929 = arith.addi %add3A_1909, %squeeze3A_1928 : i32
    %get3A_1930 = arith.constant 1520 : index
    %get3A_1931 = tpu.vector_load %arg5[%get3A_1930] {strides = array<i32>} : memref<2048xi32, #tpu.memory_space<vmem>>, vector<16xi32>,
    %ne3A_1932 = arith.constant 1 : i32
    %ne3A_1933 = vector.broadcast %ne3A_1932 : i32 to vector<16xi32>
    %ne3A_1934 = arith.cmpi ne, %get3A_1931, %ne3A_1933 : vector<16xi32>
    %convert_element_type3A_1935 = arith.extui %ne3A_1934 : vector<16xi1> to vector<16xi32>
    %broadcast_in_dim3A_1936 = arith.constant true
    %broadcast_in_dim3A_1937 = vector.broadcast %broadcast_in_dim3A_1936 : i1 to vector<16xi1>
    %masked_cumsum3A_1938 = tpu.scan <sum>, %convert_element_type3A_1935 masked %broadcast_in_dim3A_1937 : vector<16xi32>, vector<16xi1> -> vector<16xi32>
    %add3A_1939 = vector.broadcast %add3A_1929 : i32 to vector<16xi32>
    %add3A_1940 = arith.addi %masked_cumsum3A_1938, %add3A_1939 : vector<16xi32>
    %mul3A_1941 = arith.muli %add3A_1940, %convert_element_type3A_1935 : vector<16xi32>
    %add3A_1942 = arith.constant 1 : i32
    %add3A_1943 = vector.broadcast %add3A_1942 : i32 to vector<16xi32>
    %add3A_1944 = arith.addi %mul3A_1941, %add3A_1943 : vector<16xi32>
    %swap3A_1945 = arith.constant 1520 : index
    %swap3A_1946 = tpu.vector_load %arg6[%swap3A_1945] {strides = array<i32>} : memref<2048xi32, #tpu.memory_space<vmem>>, vector<16xi32>,
    tpu.vector_store %arg6[%swap3A_1945], %add3A_1944 {strides = array<i32>} : memref<2048xi32, #tpu.memory_space<vmem>>, vector<16xi32>,
    %slice3A_1947 = vector.extract_strided_slice %masked_cumsum3A_1938 {offsets = [15], sizes = [1], strides = [1]} : vector<16xi32> to vector<1xi32>
    %squeeze3A_1948 = vector.extract %slice3A_1947[0] : i32 from vector<1xi32>
    %add3A_1949 = arith.addi %add3A_1929, %squeeze3A_1948 : i32
    %get3A_1950 = arith.constant 1536 : index
    %get3A_1951 = tpu.vector_load %arg5[%get3A_1950] {strides = array<i32>} : memref<2048xi32, #tpu.memory_space<vmem>>, vector<16xi32>,
    %ne3A_1952 = arith.constant 1 : i32
    %ne3A_1953 = vector.broadcast %ne3A_1952 : i32 to vector<16xi32>
    %ne3A_1954 = arith.cmpi ne, %get3A_1951, %ne3A_1953 : vector<16xi32>
    %convert_element_type3A_1955 = arith.extui %ne3A_1954 : vector<16xi1> to vector<16xi32>
    %broadcast_in_dim3A_1956 = arith.constant true
    %broadcast_in_dim3A_1957 = vector.broadcast %broadcast_in_dim3A_1956 : i1 to vector<16xi1>
    %masked_cumsum3A_1958 = tpu.scan <sum>, %convert_element_type3A_1955 masked %broadcast_in_dim3A_1957 : vector<16xi32>, vector<16xi1> -> vector<16xi32>
    %add3A_1959 = vector.broadcast %add3A_1949 : i32 to vector<16xi32>
    %add3A_1960 = arith.addi %masked_cumsum3A_1958, %add3A_1959 : vector<16xi32>
    %mul3A_1961 = arith.muli %add3A_1960, %convert_element_type3A_1955 : vector<16xi32>
    %add3A_1962 = arith.constant 1 : i32
    %add3A_1963 = vector.broadcast %add3A_1962 : i32 to vector<16xi32>
    %add3A_1964 = arith.addi %mul3A_1961, %add3A_1963 : vector<16xi32>
    %swap3A_1965 = arith.constant 1536 : index
    %swap3A_1966 = tpu.vector_load %arg6[%swap3A_1965] {strides = array<i32>} : memref<2048xi32, #tpu.memory_space<vmem>>, vector<16xi32>,
    tpu.vector_store %arg6[%swap3A_1965], %add3A_1964 {strides = array<i32>} : memref<2048xi32, #tpu.memory_space<vmem>>, vector<16xi32>,
    %slice3A_1967 = vector.extract_strided_slice %masked_cumsum3A_1958 {offsets = [15], sizes = [1], strides = [1]} : vector<16xi32> to vector<1xi32>
    %squeeze3A_1968 = vector.extract %slice3A_1967[0] : i32 from vector<1xi32>
    %add3A_1969 = arith.addi %add3A_1949, %squeeze3A_1968 : i32
    %get3A_1970 = arith.constant 1552 : index
    %get3A_1971 = tpu.vector_load %arg5[%get3A_1970] {strides = array<i32>} : memref<2048xi32, #tpu.memory_space<vmem>>, vector<16xi32>,
    %ne3A_1972 = arith.constant 1 : i32
    %ne3A_1973 = vector.broadcast %ne3A_1972 : i32 to vector<16xi32>
    %ne3A_1974 = arith.cmpi ne, %get3A_1971, %ne3A_1973 : vector<16xi32>
    %convert_element_type3A_1975 = arith.extui %ne3A_1974 : vector<16xi1> to vector<16xi32>
    %broadcast_in_dim3A_1976 = arith.constant true
    %broadcast_in_dim3A_1977 = vector.broadcast %broadcast_in_dim3A_1976 : i1 to vector<16xi1>
    %masked_cumsum3A_1978 = tpu.scan <sum>, %convert_element_type3A_1975 masked %broadcast_in_dim3A_1977 : vector<16xi32>, vector<16xi1> -> vector<16xi32>
    %add3A_1979 = vector.broadcast %add3A_1969 : i32 to vector<16xi32>
    %add3A_1980 = arith.addi %masked_cumsum3A_1978, %add3A_1979 : vector<16xi32>
    %mul3A_1981 = arith.muli %add3A_1980, %convert_element_type3A_1975 : vector<16xi32>
    %add3A_1982 = arith.constant 1 : i32
    %add3A_1983 = vector.broadcast %add3A_1982 : i32 to vector<16xi32>
    %add3A_1984 = arith.addi %mul3A_1981, %add3A_1983 : vector<16xi32>
    %swap3A_1985 = arith.constant 1552 : index
    %swap3A_1986 = tpu.vector_load %arg6[%swap3A_1985] {strides = array<i32>} : memref<2048xi32, #tpu.memory_space<vmem>>, vector<16xi32>,
    tpu.vector_store %arg6[%swap3A_1985], %add3A_1984 {strides = array<i32>} : memref<2048xi32, #tpu.memory_space<vmem>>, vector<16xi32>,
    %slice3A_1987 = vector.extract_strided_slice %masked_cumsum3A_1978 {offsets = [15], sizes = [1], strides = [1]} : vector<16xi32> to vector<1xi32>
    %squeeze3A_1988 = vector.extract %slice3A_1987[0] : i32 from vector<1xi32>
    %add3A_1989 = arith.addi %add3A_1969, %squeeze3A_1988 : i32
    %get3A_1990 = arith.constant 1568 : index
    %get3A_1991 = tpu.vector_load %arg5[%get3A_1990] {strides = array<i32>} : memref<2048xi32, #tpu.memory_space<vmem>>, vector<16xi32>,
    %ne3A_1992 = arith.constant 1 : i32
    %ne3A_1993 = vector.broadcast %ne3A_1992 : i32 to vector<16xi32>
    %ne3A_1994 = arith.cmpi ne, %get3A_1991, %ne3A_1993 : vector<16xi32>
    %convert_element_type3A_1995 = arith.extui %ne3A_1994 : vector<16xi1> to vector<16xi32>
    %broadcast_in_dim3A_1996 = arith.constant true
    %broadcast_in_dim3A_1997 = vector.broadcast %broadcast_in_dim3A_1996 : i1 to vector<16xi1>
    %masked_cumsum3A_1998 = tpu.scan <sum>, %convert_element_type3A_1995 masked %broadcast_in_dim3A_1997 : vector<16xi32>, vector<16xi1> -> vector<16xi32>
    %add3A_1999 = vector.broadcast %add3A_1989 : i32 to vector<16xi32>
    %add3A_2000 = arith.addi %masked_cumsum3A_1998, %add3A_1999 : vector<16xi32>
    %mul3A_2001 = arith.muli %add3A_2000, %convert_element_type3A_1995 : vector<16xi32>
    %add3A_2002 = arith.constant 1 : i32
    %add3A_2003 = vector.broadcast %add3A_2002 : i32 to vector<16xi32>
    %add3A_2004 = arith.addi %mul3A_2001, %add3A_2003 : vector<16xi32>
    %swap3A_2005 = arith.constant 1568 : index
    %swap3A_2006 = tpu.vector_load %arg6[%swap3A_2005] {strides = array<i32>} : memref<2048xi32, #tpu.memory_space<vmem>>, vector<16xi32>,
    tpu.vector_store %arg6[%swap3A_2005], %add3A_2004 {strides = array<i32>} : memref<2048xi32, #tpu.memory_space<vmem>>, vector<16xi32>,
    %slice3A_2007 = vector.extract_strided_slice %masked_cumsum3A_1998 {offsets = [15], sizes = [1], strides = [1]} : vector<16xi32> to vector<1xi32>
    %squeeze3A_2008 = vector.extract %slice3A_2007[0] : i32 from vector<1xi32>
    %add3A_2009 = arith.addi %add3A_1989, %squeeze3A_2008 : i32
    %get3A_2010 = arith.constant 1584 : index
    %get3A_2011 = tpu.vector_load %arg5[%get3A_2010] {strides = array<i32>} : memref<2048xi32, #tpu.memory_space<vmem>>, vector<16xi32>,
    %ne3A_2012 = arith.constant 1 : i32
    %ne3A_2013 = vector.broadcast %ne3A_2012 : i32 to vector<16xi32>
    %ne3A_2014 = arith.cmpi ne, %get3A_2011, %ne3A_2013 : vector<16xi32>
    %convert_element_type3A_2015 = arith.extui %ne3A_2014 : vector<16xi1> to vector<16xi32>
    %broadcast_in_dim3A_2016 = arith.constant true
    %broadcast_in_dim3A_2017 = vector.broadcast %broadcast_in_dim3A_2016 : i1 to vector<16xi1>
    %masked_cumsum3A_2018 = tpu.scan <sum>, %convert_element_type3A_2015 masked %broadcast_in_dim3A_2017 : vector<16xi32>, vector<16xi1> -> vector<16xi32>
    %add3A_2019 = vector.broadcast %add3A_2009 : i32 to vector<16xi32>
    %add3A_2020 = arith.addi %masked_cumsum3A_2018, %add3A_2019 : vector<16xi32>
    %mul3A_2021 = arith.muli %add3A_2020, %convert_element_type3A_2015 : vector<16xi32>
    %add3A_2022 = arith.constant 1 : i32
    %add3A_2023 = vector.broadcast %add3A_2022 : i32 to vector<16xi32>
    %add3A_2024 = arith.addi %mul3A_2021, %add3A_2023 : vector<16xi32>
    %swap3A_2025 = arith.constant 1584 : index
    %swap3A_2026 = tpu.vector_load %arg6[%swap3A_2025] {strides = array<i32>} : memref<2048xi32, #tpu.memory_space<vmem>>, vector<16xi32>,
    tpu.vector_store %arg6[%swap3A_2025], %add3A_2024 {strides = array<i32>} : memref<2048xi32, #tpu.memory_space<vmem>>, vector<16xi32>,
    %slice3A_2027 = vector.extract_strided_slice %masked_cumsum3A_2018 {offsets = [15], sizes = [1], strides = [1]} : vector<16xi32> to vector<1xi32>
    %squeeze3A_2028 = vector.extract %slice3A_2027[0] : i32 from vector<1xi32>
    %add3A_2029 = arith.addi %add3A_2009, %squeeze3A_2028 : i32
    %get3A_2030 = arith.constant 1600 : index
    %get3A_2031 = tpu.vector_load %arg5[%get3A_2030] {strides = array<i32>} : memref<2048xi32, #tpu.memory_space<vmem>>, vector<16xi32>,
    %ne3A_2032 = arith.constant 1 : i32
    %ne3A_2033 = vector.broadcast %ne3A_2032 : i32 to vector<16xi32>
    %ne3A_2034 = arith.cmpi ne, %get3A_2031, %ne3A_2033 : vector<16xi32>
    %convert_element_type3A_2035 = arith.extui %ne3A_2034 : vector<16xi1> to vector<16xi32>
    %broadcast_in_dim3A_2036 = arith.constant true
    %broadcast_in_dim3A_2037 = vector.broadcast %broadcast_in_dim3A_2036 : i1 to vector<16xi1>
    %masked_cumsum3A_2038 = tpu.scan <sum>, %convert_element_type3A_2035 masked %broadcast_in_dim3A_2037 : vector<16xi32>, vector<16xi1> -> vector<16xi32>
    %add3A_2039 = vector.broadcast %add3A_2029 : i32 to vector<16xi32>
    %add3A_2040 = arith.addi %masked_cumsum3A_2038, %add3A_2039 : vector<16xi32>
    %mul3A_2041 = arith.muli %add3A_2040, %convert_element_type3A_2035 : vector<16xi32>
    %add3A_2042 = arith.constant 1 : i32
    %add3A_2043 = vector.broadcast %add3A_2042 : i32 to vector<16xi32>
    %add3A_2044 = arith.addi %mul3A_2041, %add3A_2043 : vector<16xi32>
    %swap3A_2045 = arith.constant 1600 : index
    %swap3A_2046 = tpu.vector_load %arg6[%swap3A_2045] {strides = array<i32>} : memref<2048xi32, #tpu.memory_space<vmem>>, vector<16xi32>,
    tpu.vector_store %arg6[%swap3A_2045], %add3A_2044 {strides = array<i32>} : memref<2048xi32, #tpu.memory_space<vmem>>, vector<16xi32>,
    %slice3A_2047 = vector.extract_strided_slice %masked_cumsum3A_2038 {offsets = [15], sizes = [1], strides = [1]} : vector<16xi32> to vector<1xi32>
    %squeeze3A_2048 = vector.extract %slice3A_2047[0] : i32 from vector<1xi32>
    %add3A_2049 = arith.addi %add3A_2029, %squeeze3A_2048 : i32
    %get3A_2050 = arith.constant 1616 : index
    %get3A_2051 = tpu.vector_load %arg5[%get3A_2050] {strides = array<i32>} : memref<2048xi32, #tpu.memory_space<vmem>>, vector<16xi32>,
    %ne3A_2052 = arith.constant 1 : i32
    %ne3A_2053 = vector.broadcast %ne3A_2052 : i32 to vector<16xi32>
    %ne3A_2054 = arith.cmpi ne, %get3A_2051, %ne3A_2053 : vector<16xi32>
    %convert_element_type3A_2055 = arith.extui %ne3A_2054 : vector<16xi1> to vector<16xi32>
    %broadcast_in_dim3A_2056 = arith.constant true
    %broadcast_in_dim3A_2057 = vector.broadcast %broadcast_in_dim3A_2056 : i1 to vector<16xi1>
    %masked_cumsum3A_2058 = tpu.scan <sum>, %convert_element_type3A_2055 masked %broadcast_in_dim3A_2057 : vector<16xi32>, vector<16xi1> -> vector<16xi32>
    %add3A_2059 = vector.broadcast %add3A_2049 : i32 to vector<16xi32>
    %add3A_2060 = arith.addi %masked_cumsum3A_2058, %add3A_2059 : vector<16xi32>
    %mul3A_2061 = arith.muli %add3A_2060, %convert_element_type3A_2055 : vector<16xi32>
    %add3A_2062 = arith.constant 1 : i32
    %add3A_2063 = vector.broadcast %add3A_2062 : i32 to vector<16xi32>
    %add3A_2064 = arith.addi %mul3A_2061, %add3A_2063 : vector<16xi32>
    %swap3A_2065 = arith.constant 1616 : index
    %swap3A_2066 = tpu.vector_load %arg6[%swap3A_2065] {strides = array<i32>} : memref<2048xi32, #tpu.memory_space<vmem>>, vector<16xi32>,
    tpu.vector_store %arg6[%swap3A_2065], %add3A_2064 {strides = array<i32>} : memref<2048xi32, #tpu.memory_space<vmem>>, vector<16xi32>,
    %slice3A_2067 = vector.extract_strided_slice %masked_cumsum3A_2058 {offsets = [15], sizes = [1], strides = [1]} : vector<16xi32> to vector<1xi32>
    %squeeze3A_2068 = vector.extract %slice3A_2067[0] : i32 from vector<1xi32>
    %add3A_2069 = arith.addi %add3A_2049, %squeeze3A_2068 : i32
    %get3A_2070 = arith.constant 1632 : index
    %get3A_2071 = tpu.vector_load %arg5[%get3A_2070] {strides = array<i32>} : memref<2048xi32, #tpu.memory_space<vmem>>, vector<16xi32>,
    %ne3A_2072 = arith.constant 1 : i32
    %ne3A_2073 = vector.broadcast %ne3A_2072 : i32 to vector<16xi32>
    %ne3A_2074 = arith.cmpi ne, %get3A_2071, %ne3A_2073 : vector<16xi32>
    %convert_element_type3A_2075 = arith.extui %ne3A_2074 : vector<16xi1> to vector<16xi32>
    %broadcast_in_dim3A_2076 = arith.constant true
    %broadcast_in_dim3A_2077 = vector.broadcast %broadcast_in_dim3A_2076 : i1 to vector<16xi1>
    %masked_cumsum3A_2078 = tpu.scan <sum>, %convert_element_type3A_2075 masked %broadcast_in_dim3A_2077 : vector<16xi32>, vector<16xi1> -> vector<16xi32>
    %add3A_2079 = vector.broadcast %add3A_2069 : i32 to vector<16xi32>
    %add3A_2080 = arith.addi %masked_cumsum3A_2078, %add3A_2079 : vector<16xi32>
    %mul3A_2081 = arith.muli %add3A_2080, %convert_element_type3A_2075 : vector<16xi32>
    %add3A_2082 = arith.constant 1 : i32
    %add3A_2083 = vector.broadcast %add3A_2082 : i32 to vector<16xi32>
    %add3A_2084 = arith.addi %mul3A_2081, %add3A_2083 : vector<16xi32>
    %swap3A_2085 = arith.constant 1632 : index
    %swap3A_2086 = tpu.vector_load %arg6[%swap3A_2085] {strides = array<i32>} : memref<2048xi32, #tpu.memory_space<vmem>>, vector<16xi32>,
    tpu.vector_store %arg6[%swap3A_2085], %add3A_2084 {strides = array<i32>} : memref<2048xi32, #tpu.memory_space<vmem>>, vector<16xi32>,
    %slice3A_2087 = vector.extract_strided_slice %masked_cumsum3A_2078 {offsets = [15], sizes = [1], strides = [1]} : vector<16xi32> to vector<1xi32>
    %squeeze3A_2088 = vector.extract %slice3A_2087[0] : i32 from vector<1xi32>
    %add3A_2089 = arith.addi %add3A_2069, %squeeze3A_2088 : i32
    %get3A_2090 = arith.constant 1648 : index
    %get3A_2091 = tpu.vector_load %arg5[%get3A_2090] {strides = array<i32>} : memref<2048xi32, #tpu.memory_space<vmem>>, vector<16xi32>,
    %ne3A_2092 = arith.constant 1 : i32
    %ne3A_2093 = vector.broadcast %ne3A_2092 : i32 to vector<16xi32>
    %ne3A_2094 = arith.cmpi ne, %get3A_2091, %ne3A_2093 : vector<16xi32>
    %convert_element_type3A_2095 = arith.extui %ne3A_2094 : vector<16xi1> to vector<16xi32>
    %broadcast_in_dim3A_2096 = arith.constant true
    %broadcast_in_dim3A_2097 = vector.broadcast %broadcast_in_dim3A_2096 : i1 to vector<16xi1>
    %masked_cumsum3A_2098 = tpu.scan <sum>, %convert_element_type3A_2095 masked %broadcast_in_dim3A_2097 : vector<16xi32>, vector<16xi1> -> vector<16xi32>
    %add3A_2099 = vector.broadcast %add3A_2089 : i32 to vector<16xi32>
    %add3A_2100 = arith.addi %masked_cumsum3A_2098, %add3A_2099 : vector<16xi32>
    %mul3A_2101 = arith.muli %add3A_2100, %convert_element_type3A_2095 : vector<16xi32>
    %add3A_2102 = arith.constant 1 : i32
    %add3A_2103 = vector.broadcast %add3A_2102 : i32 to vector<16xi32>
    %add3A_2104 = arith.addi %mul3A_2101, %add3A_2103 : vector<16xi32>
    %swap3A_2105 = arith.constant 1648 : index
    %swap3A_2106 = tpu.vector_load %arg6[%swap3A_2105] {strides = array<i32>} : memref<2048xi32, #tpu.memory_space<vmem>>, vector<16xi32>,
    tpu.vector_store %arg6[%swap3A_2105], %add3A_2104 {strides = array<i32>} : memref<2048xi32, #tpu.memory_space<vmem>>, vector<16xi32>,
    %slice3A_2107 = vector.extract_strided_slice %masked_cumsum3A_2098 {offsets = [15], sizes = [1], strides = [1]} : vector<16xi32> to vector<1xi32>
    %squeeze3A_2108 = vector.extract %slice3A_2107[0] : i32 from vector<1xi32>
    %add3A_2109 = arith.addi %add3A_2089, %squeeze3A_2108 : i32
    %get3A_2110 = arith.constant 1664 : index
    %get3A_2111 = tpu.vector_load %arg5[%get3A_2110] {strides = array<i32>} : memref<2048xi32, #tpu.memory_space<vmem>>, vector<16xi32>,
    %ne3A_2112 = arith.constant 1 : i32
    %ne3A_2113 = vector.broadcast %ne3A_2112 : i32 to vector<16xi32>
    %ne3A_2114 = arith.cmpi ne, %get3A_2111, %ne3A_2113 : vector<16xi32>
    %convert_element_type3A_2115 = arith.extui %ne3A_2114 : vector<16xi1> to vector<16xi32>
    %broadcast_in_dim3A_2116 = arith.constant true
    %broadcast_in_dim3A_2117 = vector.broadcast %broadcast_in_dim3A_2116 : i1 to vector<16xi1>
    %masked_cumsum3A_2118 = tpu.scan <sum>, %convert_element_type3A_2115 masked %broadcast_in_dim3A_2117 : vector<16xi32>, vector<16xi1> -> vector<16xi32>
    %add3A_2119 = vector.broadcast %add3A_2109 : i32 to vector<16xi32>
    %add3A_2120 = arith.addi %masked_cumsum3A_2118, %add3A_2119 : vector<16xi32>
    %mul3A_2121 = arith.muli %add3A_2120, %convert_element_type3A_2115 : vector<16xi32>
    %add3A_2122 = arith.constant 1 : i32
    %add3A_2123 = vector.broadcast %add3A_2122 : i32 to vector<16xi32>
    %add3A_2124 = arith.addi %mul3A_2121, %add3A_2123 : vector<16xi32>
    %swap3A_2125 = arith.constant 1664 : index
    %swap3A_2126 = tpu.vector_load %arg6[%swap3A_2125] {strides = array<i32>} : memref<2048xi32, #tpu.memory_space<vmem>>, vector<16xi32>,
    tpu.vector_store %arg6[%swap3A_2125], %add3A_2124 {strides = array<i32>} : memref<2048xi32, #tpu.memory_space<vmem>>, vector<16xi32>,
    %slice3A_2127 = vector.extract_strided_slice %masked_cumsum3A_2118 {offsets = [15], sizes = [1], strides = [1]} : vector<16xi32> to vector<1xi32>
    %squeeze3A_2128 = vector.extract %slice3A_2127[0] : i32 from vector<1xi32>
    %add3A_2129 = arith.addi %add3A_2109, %squeeze3A_2128 : i32
    %get3A_2130 = arith.constant 1680 : index
    %get3A_2131 = tpu.vector_load %arg5[%get3A_2130] {strides = array<i32>} : memref<2048xi32, #tpu.memory_space<vmem>>, vector<16xi32>,
    %ne3A_2132 = arith.constant 1 : i32
    %ne3A_2133 = vector.broadcast %ne3A_2132 : i32 to vector<16xi32>
    %ne3A_2134 = arith.cmpi ne, %get3A_2131, %ne3A_2133 : vector<16xi32>
    %convert_element_type3A_2135 = arith.extui %ne3A_2134 : vector<16xi1> to vector<16xi32>
    %broadcast_in_dim3A_2136 = arith.constant true
    %broadcast_in_dim3A_2137 = vector.broadcast %broadcast_in_dim3A_2136 : i1 to vector<16xi1>
    %masked_cumsum3A_2138 = tpu.scan <sum>, %convert_element_type3A_2135 masked %broadcast_in_dim3A_2137 : vector<16xi32>, vector<16xi1> -> vector<16xi32>
    %add3A_2139 = vector.broadcast %add3A_2129 : i32 to vector<16xi32>
    %add3A_2140 = arith.addi %masked_cumsum3A_2138, %add3A_2139 : vector<16xi32>
    %mul3A_2141 = arith.muli %add3A_2140, %convert_element_type3A_2135 : vector<16xi32>
    %add3A_2142 = arith.constant 1 : i32
    %add3A_2143 = vector.broadcast %add3A_2142 : i32 to vector<16xi32>
    %add3A_2144 = arith.addi %mul3A_2141, %add3A_2143 : vector<16xi32>
    %swap3A_2145 = arith.constant 1680 : index
    %swap3A_2146 = tpu.vector_load %arg6[%swap3A_2145] {strides = array<i32>} : memref<2048xi32, #tpu.memory_space<vmem>>, vector<16xi32>,
    tpu.vector_store %arg6[%swap3A_2145], %add3A_2144 {strides = array<i32>} : memref<2048xi32, #tpu.memory_space<vmem>>, vector<16xi32>,
    %slice3A_2147 = vector.extract_strided_slice %masked_cumsum3A_2138 {offsets = [15], sizes = [1], strides = [1]} : vector<16xi32> to vector<1xi32>
    %squeeze3A_2148 = vector.extract %slice3A_2147[0] : i32 from vector<1xi32>
    %add3A_2149 = arith.addi %add3A_2129, %squeeze3A_2148 : i32
    %get3A_2150 = arith.constant 1696 : index
    %get3A_2151 = tpu.vector_load %arg5[%get3A_2150] {strides = array<i32>} : memref<2048xi32, #tpu.memory_space<vmem>>, vector<16xi32>,
    %ne3A_2152 = arith.constant 1 : i32
    %ne3A_2153 = vector.broadcast %ne3A_2152 : i32 to vector<16xi32>
    %ne3A_2154 = arith.cmpi ne, %get3A_2151, %ne3A_2153 : vector<16xi32>
    %convert_element_type3A_2155 = arith.extui %ne3A_2154 : vector<16xi1> to vector<16xi32>
    %broadcast_in_dim3A_2156 = arith.constant true
    %broadcast_in_dim3A_2157 = vector.broadcast %broadcast_in_dim3A_2156 : i1 to vector<16xi1>
    %masked_cumsum3A_2158 = tpu.scan <sum>, %convert_element_type3A_2155 masked %broadcast_in_dim3A_2157 : vector<16xi32>, vector<16xi1> -> vector<16xi32>
    %add3A_2159 = vector.broadcast %add3A_2149 : i32 to vector<16xi32>
    %add3A_2160 = arith.addi %masked_cumsum3A_2158, %add3A_2159 : vector<16xi32>
    %mul3A_2161 = arith.muli %add3A_2160, %convert_element_type3A_2155 : vector<16xi32>
    %add3A_2162 = arith.constant 1 : i32
    %add3A_2163 = vector.broadcast %add3A_2162 : i32 to vector<16xi32>
    %add3A_2164 = arith.addi %mul3A_2161, %add3A_2163 : vector<16xi32>
    %swap3A_2165 = arith.constant 1696 : index
    %swap3A_2166 = tpu.vector_load %arg6[%swap3A_2165] {strides = array<i32>} : memref<2048xi32, #tpu.memory_space<vmem>>, vector<16xi32>,
    tpu.vector_store %arg6[%swap3A_2165], %add3A_2164 {strides = array<i32>} : memref<2048xi32, #tpu.memory_space<vmem>>, vector<16xi32>,
    %slice3A_2167 = vector.extract_strided_slice %masked_cumsum3A_2158 {offsets = [15], sizes = [1], strides = [1]} : vector<16xi32> to vector<1xi32>
    %squeeze3A_2168 = vector.extract %slice3A_2167[0] : i32 from vector<1xi32>
    %add3A_2169 = arith.addi %add3A_2149, %squeeze3A_2168 : i32
    %get3A_2170 = arith.constant 1712 : index
    %get3A_2171 = tpu.vector_load %arg5[%get3A_2170] {strides = array<i32>} : memref<2048xi32, #tpu.memory_space<vmem>>, vector<16xi32>,
    %ne3A_2172 = arith.constant 1 : i32
    %ne3A_2173 = vector.broadcast %ne3A_2172 : i32 to vector<16xi32>
    %ne3A_2174 = arith.cmpi ne, %get3A_2171, %ne3A_2173 : vector<16xi32>
    %convert_element_type3A_2175 = arith.extui %ne3A_2174 : vector<16xi1> to vector<16xi32>
    %broadcast_in_dim3A_2176 = arith.constant true
    %broadcast_in_dim3A_2177 = vector.broadcast %broadcast_in_dim3A_2176 : i1 to vector<16xi1>
    %masked_cumsum3A_2178 = tpu.scan <sum>, %convert_element_type3A_2175 masked %broadcast_in_dim3A_2177 : vector<16xi32>, vector<16xi1> -> vector<16xi32>
    %add3A_2179 = vector.broadcast %add3A_2169 : i32 to vector<16xi32>
    %add3A_2180 = arith.addi %masked_cumsum3A_2178, %add3A_2179 : vector<16xi32>
    %mul3A_2181 = arith.muli %add3A_2180, %convert_element_type3A_2175 : vector<16xi32>
    %add3A_2182 = arith.constant 1 : i32
    %add3A_2183 = vector.broadcast %add3A_2182 : i32 to vector<16xi32>
    %add3A_2184 = arith.addi %mul3A_2181, %add3A_2183 : vector<16xi32>
    %swap3A_2185 = arith.constant 1712 : index
    %swap3A_2186 = tpu.vector_load %arg6[%swap3A_2185] {strides = array<i32>} : memref<2048xi32, #tpu.memory_space<vmem>>, vector<16xi32>,
    tpu.vector_store %arg6[%swap3A_2185], %add3A_2184 {strides = array<i32>} : memref<2048xi32, #tpu.memory_space<vmem>>, vector<16xi32>,
    %slice3A_2187 = vector.extract_strided_slice %masked_cumsum3A_2178 {offsets = [15], sizes = [1], strides = [1]} : vector<16xi32> to vector<1xi32>
    %squeeze3A_2188 = vector.extract %slice3A_2187[0] : i32 from vector<1xi32>
    %add3A_2189 = arith.addi %add3A_2169, %squeeze3A_2188 : i32
    %get3A_2190 = arith.constant 1728 : index
    %get3A_2191 = tpu.vector_load %arg5[%get3A_2190] {strides = array<i32>} : memref<2048xi32, #tpu.memory_space<vmem>>, vector<16xi32>,
    %ne3A_2192 = arith.constant 1 : i32
    %ne3A_2193 = vector.broadcast %ne3A_2192 : i32 to vector<16xi32>
    %ne3A_2194 = arith.cmpi ne, %get3A_2191, %ne3A_2193 : vector<16xi32>
    %convert_element_type3A_2195 = arith.extui %ne3A_2194 : vector<16xi1> to vector<16xi32>
    %broadcast_in_dim3A_2196 = arith.constant true
    %broadcast_in_dim3A_2197 = vector.broadcast %broadcast_in_dim3A_2196 : i1 to vector<16xi1>
    %masked_cumsum3A_2198 = tpu.scan <sum>, %convert_element_type3A_2195 masked %broadcast_in_dim3A_2197 : vector<16xi32>, vector<16xi1> -> vector<16xi32>
    %add3A_2199 = vector.broadcast %add3A_2189 : i32 to vector<16xi32>
    %add3A_2200 = arith.addi %masked_cumsum3A_2198, %add3A_2199 : vector<16xi32>
    %mul3A_2201 = arith.muli %add3A_2200, %convert_element_type3A_2195 : vector<16xi32>
    %add3A_2202 = arith.constant 1 : i32
    %add3A_2203 = vector.broadcast %add3A_2202 : i32 to vector<16xi32>
    %add3A_2204 = arith.addi %mul3A_2201, %add3A_2203 : vector<16xi32>
    %swap3A_2205 = arith.constant 1728 : index
    %swap3A_2206 = tpu.vector_load %arg6[%swap3A_2205] {strides = array<i32>} : memref<2048xi32, #tpu.memory_space<vmem>>, vector<16xi32>,
    tpu.vector_store %arg6[%swap3A_2205], %add3A_2204 {strides = array<i32>} : memref<2048xi32, #tpu.memory_space<vmem>>, vector<16xi32>,
    %slice3A_2207 = vector.extract_strided_slice %masked_cumsum3A_2198 {offsets = [15], sizes = [1], strides = [1]} : vector<16xi32> to vector<1xi32>
    %squeeze3A_2208 = vector.extract %slice3A_2207[0] : i32 from vector<1xi32>
    %add3A_2209 = arith.addi %add3A_2189, %squeeze3A_2208 : i32
    %get3A_2210 = arith.constant 1744 : index
    %get3A_2211 = tpu.vector_load %arg5[%get3A_2210] {strides = array<i32>} : memref<2048xi32, #tpu.memory_space<vmem>>, vector<16xi32>,
    %ne3A_2212 = arith.constant 1 : i32
    %ne3A_2213 = vector.broadcast %ne3A_2212 : i32 to vector<16xi32>
    %ne3A_2214 = arith.cmpi ne, %get3A_2211, %ne3A_2213 : vector<16xi32>
    %convert_element_type3A_2215 = arith.extui %ne3A_2214 : vector<16xi1> to vector<16xi32>
    %broadcast_in_dim3A_2216 = arith.constant true
    %broadcast_in_dim3A_2217 = vector.broadcast %broadcast_in_dim3A_2216 : i1 to vector<16xi1>
    %masked_cumsum3A_2218 = tpu.scan <sum>, %convert_element_type3A_2215 masked %broadcast_in_dim3A_2217 : vector<16xi32>, vector<16xi1> -> vector<16xi32>
    %add3A_2219 = vector.broadcast %add3A_2209 : i32 to vector<16xi32>
    %add3A_2220 = arith.addi %masked_cumsum3A_2218, %add3A_2219 : vector<16xi32>
    %mul3A_2221 = arith.muli %add3A_2220, %convert_element_type3A_2215 : vector<16xi32>
    %add3A_2222 = arith.constant 1 : i32
    %add3A_2223 = vector.broadcast %add3A_2222 : i32 to vector<16xi32>
    %add3A_2224 = arith.addi %mul3A_2221, %add3A_2223 : vector<16xi32>
    %swap3A_2225 = arith.constant 1744 : index
    %swap3A_2226 = tpu.vector_load %arg6[%swap3A_2225] {strides = array<i32>} : memref<2048xi32, #tpu.memory_space<vmem>>, vector<16xi32>,
    tpu.vector_store %arg6[%swap3A_2225], %add3A_2224 {strides = array<i32>} : memref<2048xi32, #tpu.memory_space<vmem>>, vector<16xi32>,
    %slice3A_2227 = vector.extract_strided_slice %masked_cumsum3A_2218 {offsets = [15], sizes = [1], strides = [1]} : vector<16xi32> to vector<1xi32>
    %squeeze3A_2228 = vector.extract %slice3A_2227[0] : i32 from vector<1xi32>
    %add3A_2229 = arith.addi %add3A_2209, %squeeze3A_2228 : i32
    %get3A_2230 = arith.constant 1760 : index
    %get3A_2231 = tpu.vector_load %arg5[%get3A_2230] {strides = array<i32>} : memref<2048xi32, #tpu.memory_space<vmem>>, vector<16xi32>,
    %ne3A_2232 = arith.constant 1 : i32
    %ne3A_2233 = vector.broadcast %ne3A_2232 : i32 to vector<16xi32>
    %ne3A_2234 = arith.cmpi ne, %get3A_2231, %ne3A_2233 : vector<16xi32>
    %convert_element_type3A_2235 = arith.extui %ne3A_2234 : vector<16xi1> to vector<16xi32>
    %broadcast_in_dim3A_2236 = arith.constant true
    %broadcast_in_dim3A_2237 = vector.broadcast %broadcast_in_dim3A_2236 : i1 to vector<16xi1>
    %masked_cumsum3A_2238 = tpu.scan <sum>, %convert_element_type3A_2235 masked %broadcast_in_dim3A_2237 : vector<16xi32>, vector<16xi1> -> vector<16xi32>
    %add3A_2239 = vector.broadcast %add3A_2229 : i32 to vector<16xi32>
    %add3A_2240 = arith.addi %masked_cumsum3A_2238, %add3A_2239 : vector<16xi32>
    %mul3A_2241 = arith.muli %add3A_2240, %convert_element_type3A_2235 : vector<16xi32>
    %add3A_2242 = arith.constant 1 : i32
    %add3A_2243 = vector.broadcast %add3A_2242 : i32 to vector<16xi32>
    %add3A_2244 = arith.addi %mul3A_2241, %add3A_2243 : vector<16xi32>
    %swap3A_2245 = arith.constant 1760 : index
    %swap3A_2246 = tpu.vector_load %arg6[%swap3A_2245] {strides = array<i32>} : memref<2048xi32, #tpu.memory_space<vmem>>, vector<16xi32>,
    tpu.vector_store %arg6[%swap3A_2245], %add3A_2244 {strides = array<i32>} : memref<2048xi32, #tpu.memory_space<vmem>>, vector<16xi32>,
    %slice3A_2247 = vector.extract_strided_slice %masked_cumsum3A_2238 {offsets = [15], sizes = [1], strides = [1]} : vector<16xi32> to vector<1xi32>
    %squeeze3A_2248 = vector.extract %slice3A_2247[0] : i32 from vector<1xi32>
    %add3A_2249 = arith.addi %add3A_2229, %squeeze3A_2248 : i32
    %get3A_2250 = arith.constant 1776 : index
    %get3A_2251 = tpu.vector_load %arg5[%get3A_2250] {strides = array<i32>} : memref<2048xi32, #tpu.memory_space<vmem>>, vector<16xi32>,
    %ne3A_2252 = arith.constant 1 : i32
    %ne3A_2253 = vector.broadcast %ne3A_2252 : i32 to vector<16xi32>
    %ne3A_2254 = arith.cmpi ne, %get3A_2251, %ne3A_2253 : vector<16xi32>
    %convert_element_type3A_2255 = arith.extui %ne3A_2254 : vector<16xi1> to vector<16xi32>
    %broadcast_in_dim3A_2256 = arith.constant true
    %broadcast_in_dim3A_2257 = vector.broadcast %broadcast_in_dim3A_2256 : i1 to vector<16xi1>
    %masked_cumsum3A_2258 = tpu.scan <sum>, %convert_element_type3A_2255 masked %broadcast_in_dim3A_2257 : vector<16xi32>, vector<16xi1> -> vector<16xi32>
    %add3A_2259 = vector.broadcast %add3A_2249 : i32 to vector<16xi32>
    %add3A_2260 = arith.addi %masked_cumsum3A_2258, %add3A_2259 : vector<16xi32>
    %mul3A_2261 = arith.muli %add3A_2260, %convert_element_type3A_2255 : vector<16xi32>
    %add3A_2262 = arith.constant 1 : i32
    %add3A_2263 = vector.broadcast %add3A_2262 : i32 to vector<16xi32>
    %add3A_2264 = arith.addi %mul3A_2261, %add3A_2263 : vector<16xi32>
    %swap3A_2265 = arith.constant 1776 : index
    %swap3A_2266 = tpu.vector_load %arg6[%swap3A_2265] {strides = array<i32>} : memref<2048xi32, #tpu.memory_space<vmem>>, vector<16xi32>,
    tpu.vector_store %arg6[%swap3A_2265], %add3A_2264 {strides = array<i32>} : memref<2048xi32, #tpu.memory_space<vmem>>, vector<16xi32>,
    %slice3A_2267 = vector.extract_strided_slice %masked_cumsum3A_2258 {offsets = [15], sizes = [1], strides = [1]} : vector<16xi32> to vector<1xi32>
    %squeeze3A_2268 = vector.extract %slice3A_2267[0] : i32 from vector<1xi32>
    %add3A_2269 = arith.addi %add3A_2249, %squeeze3A_2268 : i32
    %get3A_2270 = arith.constant 1792 : index
    %get3A_2271 = tpu.vector_load %arg5[%get3A_2270] {strides = array<i32>} : memref<2048xi32, #tpu.memory_space<vmem>>, vector<16xi32>,
    %ne3A_2272 = arith.constant 1 : i32
    %ne3A_2273 = vector.broadcast %ne3A_2272 : i32 to vector<16xi32>
    %ne3A_2274 = arith.cmpi ne, %get3A_2271, %ne3A_2273 : vector<16xi32>
    %convert_element_type3A_2275 = arith.extui %ne3A_2274 : vector<16xi1> to vector<16xi32>
    %broadcast_in_dim3A_2276 = arith.constant true
    %broadcast_in_dim3A_2277 = vector.broadcast %broadcast_in_dim3A_2276 : i1 to vector<16xi1>
    %masked_cumsum3A_2278 = tpu.scan <sum>, %convert_element_type3A_2275 masked %broadcast_in_dim3A_2277 : vector<16xi32>, vector<16xi1> -> vector<16xi32>
    %add3A_2279 = vector.broadcast %add3A_2269 : i32 to vector<16xi32>
    %add3A_2280 = arith.addi %masked_cumsum3A_2278, %add3A_2279 : vector<16xi32>
    %mul3A_2281 = arith.muli %add3A_2280, %convert_element_type3A_2275 : vector<16xi32>
    %add3A_2282 = arith.constant 1 : i32
    %add3A_2283 = vector.broadcast %add3A_2282 : i32 to vector<16xi32>
    %add3A_2284 = arith.addi %mul3A_2281, %add3A_2283 : vector<16xi32>
    %swap3A_2285 = arith.constant 1792 : index
    %swap3A_2286 = tpu.vector_load %arg6[%swap3A_2285] {strides = array<i32>} : memref<2048xi32, #tpu.memory_space<vmem>>, vector<16xi32>,
    tpu.vector_store %arg6[%swap3A_2285], %add3A_2284 {strides = array<i32>} : memref<2048xi32, #tpu.memory_space<vmem>>, vector<16xi32>,
    %slice3A_2287 = vector.extract_strided_slice %masked_cumsum3A_2278 {offsets = [15], sizes = [1], strides = [1]} : vector<16xi32> to vector<1xi32>
    %squeeze3A_2288 = vector.extract %slice3A_2287[0] : i32 from vector<1xi32>
    %add3A_2289 = arith.addi %add3A_2269, %squeeze3A_2288 : i32
    %get3A_2290 = arith.constant 1808 : index
    %get3A_2291 = tpu.vector_load %arg5[%get3A_2290] {strides = array<i32>} : memref<2048xi32, #tpu.memory_space<vmem>>, vector<16xi32>,
    %ne3A_2292 = arith.constant 1 : i32
    %ne3A_2293 = vector.broadcast %ne3A_2292 : i32 to vector<16xi32>
    %ne3A_2294 = arith.cmpi ne, %get3A_2291, %ne3A_2293 : vector<16xi32>
    %convert_element_type3A_2295 = arith.extui %ne3A_2294 : vector<16xi1> to vector<16xi32>
    %broadcast_in_dim3A_2296 = arith.constant true
    %broadcast_in_dim3A_2297 = vector.broadcast %broadcast_in_dim3A_2296 : i1 to vector<16xi1>
    %masked_cumsum3A_2298 = tpu.scan <sum>, %convert_element_type3A_2295 masked %broadcast_in_dim3A_2297 : vector<16xi32>, vector<16xi1> -> vector<16xi32>
    %add3A_2299 = vector.broadcast %add3A_2289 : i32 to vector<16xi32>
    %add3A_2300 = arith.addi %masked_cumsum3A_2298, %add3A_2299 : vector<16xi32>
    %mul3A_2301 = arith.muli %add3A_2300, %convert_element_type3A_2295 : vector<16xi32>
    %add3A_2302 = arith.constant 1 : i32
    %add3A_2303 = vector.broadcast %add3A_2302 : i32 to vector<16xi32>
    %add3A_2304 = arith.addi %mul3A_2301, %add3A_2303 : vector<16xi32>
    %swap3A_2305 = arith.constant 1808 : index
    %swap3A_2306 = tpu.vector_load %arg6[%swap3A_2305] {strides = array<i32>} : memref<2048xi32, #tpu.memory_space<vmem>>, vector<16xi32>,
    tpu.vector_store %arg6[%swap3A_2305], %add3A_2304 {strides = array<i32>} : memref<2048xi32, #tpu.memory_space<vmem>>, vector<16xi32>,
    %slice3A_2307 = vector.extract_strided_slice %masked_cumsum3A_2298 {offsets = [15], sizes = [1], strides = [1]} : vector<16xi32> to vector<1xi32>
    %squeeze3A_2308 = vector.extract %slice3A_2307[0] : i32 from vector<1xi32>
    %add3A_2309 = arith.addi %add3A_2289, %squeeze3A_2308 : i32
    %get3A_2310 = arith.constant 1824 : index
    %get3A_2311 = tpu.vector_load %arg5[%get3A_2310] {strides = array<i32>} : memref<2048xi32, #tpu.memory_space<vmem>>, vector<16xi32>,
    %ne3A_2312 = arith.constant 1 : i32
    %ne3A_2313 = vector.broadcast %ne3A_2312 : i32 to vector<16xi32>
    %ne3A_2314 = arith.cmpi ne, %get3A_2311, %ne3A_2313 : vector<16xi32>
    %convert_element_type3A_2315 = arith.extui %ne3A_2314 : vector<16xi1> to vector<16xi32>
    %broadcast_in_dim3A_2316 = arith.constant true
    %broadcast_in_dim3A_2317 = vector.broadcast %broadcast_in_dim3A_2316 : i1 to vector<16xi1>
    %masked_cumsum3A_2318 = tpu.scan <sum>, %convert_element_type3A_2315 masked %broadcast_in_dim3A_2317 : vector<16xi32>, vector<16xi1> -> vector<16xi32>
    %add3A_2319 = vector.broadcast %add3A_2309 : i32 to vector<16xi32>
    %add3A_2320 = arith.addi %masked_cumsum3A_2318, %add3A_2319 : vector<16xi32>
    %mul3A_2321 = arith.muli %add3A_2320, %convert_element_type3A_2315 : vector<16xi32>
    %add3A_2322 = arith.constant 1 : i32
    %add3A_2323 = vector.broadcast %add3A_2322 : i32 to vector<16xi32>
    %add3A_2324 = arith.addi %mul3A_2321, %add3A_2323 : vector<16xi32>
    %swap3A_2325 = arith.constant 1824 : index
    %swap3A_2326 = tpu.vector_load %arg6[%swap3A_2325] {strides = array<i32>} : memref<2048xi32, #tpu.memory_space<vmem>>, vector<16xi32>,
    tpu.vector_store %arg6[%swap3A_2325], %add3A_2324 {strides = array<i32>} : memref<2048xi32, #tpu.memory_space<vmem>>, vector<16xi32>,
    %slice3A_2327 = vector.extract_strided_slice %masked_cumsum3A_2318 {offsets = [15], sizes = [1], strides = [1]} : vector<16xi32> to vector<1xi32>
    %squeeze3A_2328 = vector.extract %slice3A_2327[0] : i32 from vector<1xi32>
    %add3A_2329 = arith.addi %add3A_2309, %squeeze3A_2328 : i32
    %get3A_2330 = arith.constant 1840 : index
    %get3A_2331 = tpu.vector_load %arg5[%get3A_2330] {strides = array<i32>} : memref<2048xi32, #tpu.memory_space<vmem>>, vector<16xi32>,
    %ne3A_2332 = arith.constant 1 : i32
    %ne3A_2333 = vector.broadcast %ne3A_2332 : i32 to vector<16xi32>
    %ne3A_2334 = arith.cmpi ne, %get3A_2331, %ne3A_2333 : vector<16xi32>
    %convert_element_type3A_2335 = arith.extui %ne3A_2334 : vector<16xi1> to vector<16xi32>
    %broadcast_in_dim3A_2336 = arith.constant true
    %broadcast_in_dim3A_2337 = vector.broadcast %broadcast_in_dim3A_2336 : i1 to vector<16xi1>
    %masked_cumsum3A_2338 = tpu.scan <sum>, %convert_element_type3A_2335 masked %broadcast_in_dim3A_2337 : vector<16xi32>, vector<16xi1> -> vector<16xi32>
    %add3A_2339 = vector.broadcast %add3A_2329 : i32 to vector<16xi32>
    %add3A_2340 = arith.addi %masked_cumsum3A_2338, %add3A_2339 : vector<16xi32>
    %mul3A_2341 = arith.muli %add3A_2340, %convert_element_type3A_2335 : vector<16xi32>
    %add3A_2342 = arith.constant 1 : i32
    %add3A_2343 = vector.broadcast %add3A_2342 : i32 to vector<16xi32>
    %add3A_2344 = arith.addi %mul3A_2341, %add3A_2343 : vector<16xi32>
    %swap3A_2345 = arith.constant 1840 : index
    %swap3A_2346 = tpu.vector_load %arg6[%swap3A_2345] {strides = array<i32>} : memref<2048xi32, #tpu.memory_space<vmem>>, vector<16xi32>,
    tpu.vector_store %arg6[%swap3A_2345], %add3A_2344 {strides = array<i32>} : memref<2048xi32, #tpu.memory_space<vmem>>, vector<16xi32>,
    %slice3A_2347 = vector.extract_strided_slice %masked_cumsum3A_2338 {offsets = [15], sizes = [1], strides = [1]} : vector<16xi32> to vector<1xi32>
    %squeeze3A_2348 = vector.extract %slice3A_2347[0] : i32 from vector<1xi32>
    %add3A_2349 = arith.addi %add3A_2329, %squeeze3A_2348 : i32
    %get3A_2350 = arith.constant 1856 : index
    %get3A_2351 = tpu.vector_load %arg5[%get3A_2350] {strides = array<i32>} : memref<2048xi32, #tpu.memory_space<vmem>>, vector<16xi32>,
    %ne3A_2352 = arith.constant 1 : i32
    %ne3A_2353 = vector.broadcast %ne3A_2352 : i32 to vector<16xi32>
    %ne3A_2354 = arith.cmpi ne, %get3A_2351, %ne3A_2353 : vector<16xi32>
    %convert_element_type3A_2355 = arith.extui %ne3A_2354 : vector<16xi1> to vector<16xi32>
    %broadcast_in_dim3A_2356 = arith.constant true
    %broadcast_in_dim3A_2357 = vector.broadcast %broadcast_in_dim3A_2356 : i1 to vector<16xi1>
    %masked_cumsum3A_2358 = tpu.scan <sum>, %convert_element_type3A_2355 masked %broadcast_in_dim3A_2357 : vector<16xi32>, vector<16xi1> -> vector<16xi32>
    %add3A_2359 = vector.broadcast %add3A_2349 : i32 to vector<16xi32>
    %add3A_2360 = arith.addi %masked_cumsum3A_2358, %add3A_2359 : vector<16xi32>
    %mul3A_2361 = arith.muli %add3A_2360, %convert_element_type3A_2355 : vector<16xi32>
    %add3A_2362 = arith.constant 1 : i32
    %add3A_2363 = vector.broadcast %add3A_2362 : i32 to vector<16xi32>
    %add3A_2364 = arith.addi %mul3A_2361, %add3A_2363 : vector<16xi32>
    %swap3A_2365 = arith.constant 1856 : index
    %swap3A_2366 = tpu.vector_load %arg6[%swap3A_2365] {strides = array<i32>} : memref<2048xi32, #tpu.memory_space<vmem>>, vector<16xi32>,
    tpu.vector_store %arg6[%swap3A_2365], %add3A_2364 {strides = array<i32>} : memref<2048xi32, #tpu.memory_space<vmem>>, vector<16xi32>,
    %slice3A_2367 = vector.extract_strided_slice %masked_cumsum3A_2358 {offsets = [15], sizes = [1], strides = [1]} : vector<16xi32> to vector<1xi32>
    %squeeze3A_2368 = vector.extract %slice3A_2367[0] : i32 from vector<1xi32>
    %add3A_2369 = arith.addi %add3A_2349, %squeeze3A_2368 : i32
    %get3A_2370 = arith.constant 1872 : index
    %get3A_2371 = tpu.vector_load %arg5[%get3A_2370] {strides = array<i32>} : memref<2048xi32, #tpu.memory_space<vmem>>, vector<16xi32>,
    %ne3A_2372 = arith.constant 1 : i32
    %ne3A_2373 = vector.broadcast %ne3A_2372 : i32 to vector<16xi32>
    %ne3A_2374 = arith.cmpi ne, %get3A_2371, %ne3A_2373 : vector<16xi32>
    %convert_element_type3A_2375 = arith.extui %ne3A_2374 : vector<16xi1> to vector<16xi32>
    %broadcast_in_dim3A_2376 = arith.constant true
    %broadcast_in_dim3A_2377 = vector.broadcast %broadcast_in_dim3A_2376 : i1 to vector<16xi1>
    %masked_cumsum3A_2378 = tpu.scan <sum>, %convert_element_type3A_2375 masked %broadcast_in_dim3A_2377 : vector<16xi32>, vector<16xi1> -> vector<16xi32>
    %add3A_2379 = vector.broadcast %add3A_2369 : i32 to vector<16xi32>
    %add3A_2380 = arith.addi %masked_cumsum3A_2378, %add3A_2379 : vector<16xi32>
    %mul3A_2381 = arith.muli %add3A_2380, %convert_element_type3A_2375 : vector<16xi32>
    %add3A_2382 = arith.constant 1 : i32
    %add3A_2383 = vector.broadcast %add3A_2382 : i32 to vector<16xi32>
    %add3A_2384 = arith.addi %mul3A_2381, %add3A_2383 : vector<16xi32>
    %swap3A_2385 = arith.constant 1872 : index
    %swap3A_2386 = tpu.vector_load %arg6[%swap3A_2385] {strides = array<i32>} : memref<2048xi32, #tpu.memory_space<vmem>>, vector<16xi32>,
    tpu.vector_store %arg6[%swap3A_2385], %add3A_2384 {strides = array<i32>} : memref<2048xi32, #tpu.memory_space<vmem>>, vector<16xi32>,
    %slice3A_2387 = vector.extract_strided_slice %masked_cumsum3A_2378 {offsets = [15], sizes = [1], strides = [1]} : vector<16xi32> to vector<1xi32>
    %squeeze3A_2388 = vector.extract %slice3A_2387[0] : i32 from vector<1xi32>
    %add3A_2389 = arith.addi %add3A_2369, %squeeze3A_2388 : i32
    %get3A_2390 = arith.constant 1888 : index
    %get3A_2391 = tpu.vector_load %arg5[%get3A_2390] {strides = array<i32>} : memref<2048xi32, #tpu.memory_space<vmem>>, vector<16xi32>,
    %ne3A_2392 = arith.constant 1 : i32
    %ne3A_2393 = vector.broadcast %ne3A_2392 : i32 to vector<16xi32>
    %ne3A_2394 = arith.cmpi ne, %get3A_2391, %ne3A_2393 : vector<16xi32>
    %convert_element_type3A_2395 = arith.extui %ne3A_2394 : vector<16xi1> to vector<16xi32>
    %broadcast_in_dim3A_2396 = arith.constant true
    %broadcast_in_dim3A_2397 = vector.broadcast %broadcast_in_dim3A_2396 : i1 to vector<16xi1>
    %masked_cumsum3A_2398 = tpu.scan <sum>, %convert_element_type3A_2395 masked %broadcast_in_dim3A_2397 : vector<16xi32>, vector<16xi1> -> vector<16xi32>
    %add3A_2399 = vector.broadcast %add3A_2389 : i32 to vector<16xi32>
    %add3A_2400 = arith.addi %masked_cumsum3A_2398, %add3A_2399 : vector<16xi32>
    %mul3A_2401 = arith.muli %add3A_2400, %convert_element_type3A_2395 : vector<16xi32>
    %add3A_2402 = arith.constant 1 : i32
    %add3A_2403 = vector.broadcast %add3A_2402 : i32 to vector<16xi32>
    %add3A_2404 = arith.addi %mul3A_2401, %add3A_2403 : vector<16xi32>
    %swap3A_2405 = arith.constant 1888 : index
    %swap3A_2406 = tpu.vector_load %arg6[%swap3A_2405] {strides = array<i32>} : memref<2048xi32, #tpu.memory_space<vmem>>, vector<16xi32>,
    tpu.vector_store %arg6[%swap3A_2405], %add3A_2404 {strides = array<i32>} : memref<2048xi32, #tpu.memory_space<vmem>>, vector<16xi32>,
    %slice3A_2407 = vector.extract_strided_slice %masked_cumsum3A_2398 {offsets = [15], sizes = [1], strides = [1]} : vector<16xi32> to vector<1xi32>
    %squeeze3A_2408 = vector.extract %slice3A_2407[0] : i32 from vector<1xi32>
    %add3A_2409 = arith.addi %add3A_2389, %squeeze3A_2408 : i32
    %get3A_2410 = arith.constant 1904 : index
    %get3A_2411 = tpu.vector_load %arg5[%get3A_2410] {strides = array<i32>} : memref<2048xi32, #tpu.memory_space<vmem>>, vector<16xi32>,
    %ne3A_2412 = arith.constant 1 : i32
    %ne3A_2413 = vector.broadcast %ne3A_2412 : i32 to vector<16xi32>
    %ne3A_2414 = arith.cmpi ne, %get3A_2411, %ne3A_2413 : vector<16xi32>
    %convert_element_type3A_2415 = arith.extui %ne3A_2414 : vector<16xi1> to vector<16xi32>
    %broadcast_in_dim3A_2416 = arith.constant true
    %broadcast_in_dim3A_2417 = vector.broadcast %broadcast_in_dim3A_2416 : i1 to vector<16xi1>
    %masked_cumsum3A_2418 = tpu.scan <sum>, %convert_element_type3A_2415 masked %broadcast_in_dim3A_2417 : vector<16xi32>, vector<16xi1> -> vector<16xi32>
    %add3A_2419 = vector.broadcast %add3A_2409 : i32 to vector<16xi32>
    %add3A_2420 = arith.addi %masked_cumsum3A_2418, %add3A_2419 : vector<16xi32>
    %mul3A_2421 = arith.muli %add3A_2420, %convert_element_type3A_2415 : vector<16xi32>
    %add3A_2422 = arith.constant 1 : i32
    %add3A_2423 = vector.broadcast %add3A_2422 : i32 to vector<16xi32>
    %add3A_2424 = arith.addi %mul3A_2421, %add3A_2423 : vector<16xi32>
    %swap3A_2425 = arith.constant 1904 : index
    %swap3A_2426 = tpu.vector_load %arg6[%swap3A_2425] {strides = array<i32>} : memref<2048xi32, #tpu.memory_space<vmem>>, vector<16xi32>,
    tpu.vector_store %arg6[%swap3A_2425], %add3A_2424 {strides = array<i32>} : memref<2048xi32, #tpu.memory_space<vmem>>, vector<16xi32>,
    %slice3A_2427 = vector.extract_strided_slice %masked_cumsum3A_2418 {offsets = [15], sizes = [1], strides = [1]} : vector<16xi32> to vector<1xi32>
    %squeeze3A_2428 = vector.extract %slice3A_2427[0] : i32 from vector<1xi32>
    %add3A_2429 = arith.addi %add3A_2409, %squeeze3A_2428 : i32
    %get3A_2430 = arith.constant 1920 : index
    %get3A_2431 = tpu.vector_load %arg5[%get3A_2430] {strides = array<i32>} : memref<2048xi32, #tpu.memory_space<vmem>>, vector<16xi32>,
    %ne3A_2432 = arith.constant 1 : i32
    %ne3A_2433 = vector.broadcast %ne3A_2432 : i32 to vector<16xi32>
    %ne3A_2434 = arith.cmpi ne, %get3A_2431, %ne3A_2433 : vector<16xi32>
    %convert_element_type3A_2435 = arith.extui %ne3A_2434 : vector<16xi1> to vector<16xi32>
    %broadcast_in_dim3A_2436 = arith.constant true
    %broadcast_in_dim3A_2437 = vector.broadcast %broadcast_in_dim3A_2436 : i1 to vector<16xi1>
    %masked_cumsum3A_2438 = tpu.scan <sum>, %convert_element_type3A_2435 masked %broadcast_in_dim3A_2437 : vector<16xi32>, vector<16xi1> -> vector<16xi32>
    %add3A_2439 = vector.broadcast %add3A_2429 : i32 to vector<16xi32>
    %add3A_2440 = arith.addi %masked_cumsum3A_2438, %add3A_2439 : vector<16xi32>
    %mul3A_2441 = arith.muli %add3A_2440, %convert_element_type3A_2435 : vector<16xi32>
    %add3A_2442 = arith.constant 1 : i32
    %add3A_2443 = vector.broadcast %add3A_2442 : i32 to vector<16xi32>
    %add3A_2444 = arith.addi %mul3A_2441, %add3A_2443 : vector<16xi32>
    %swap3A_2445 = arith.constant 1920 : index
    %swap3A_2446 = tpu.vector_load %arg6[%swap3A_2445] {strides = array<i32>} : memref<2048xi32, #tpu.memory_space<vmem>>, vector<16xi32>,
    tpu.vector_store %arg6[%swap3A_2445], %add3A_2444 {strides = array<i32>} : memref<2048xi32, #tpu.memory_space<vmem>>, vector<16xi32>,
    %slice3A_2447 = vector.extract_strided_slice %masked_cumsum3A_2438 {offsets = [15], sizes = [1], strides = [1]} : vector<16xi32> to vector<1xi32>
    %squeeze3A_2448 = vector.extract %slice3A_2447[0] : i32 from vector<1xi32>
    %add3A_2449 = arith.addi %add3A_2429, %squeeze3A_2448 : i32
    %get3A_2450 = arith.constant 1936 : index
    %get3A_2451 = tpu.vector_load %arg5[%get3A_2450] {strides = array<i32>} : memref<2048xi32, #tpu.memory_space<vmem>>, vector<16xi32>,
    %ne3A_2452 = arith.constant 1 : i32
    %ne3A_2453 = vector.broadcast %ne3A_2452 : i32 to vector<16xi32>
    %ne3A_2454 = arith.cmpi ne, %get3A_2451, %ne3A_2453 : vector<16xi32>
    %convert_element_type3A_2455 = arith.extui %ne3A_2454 : vector<16xi1> to vector<16xi32>
    %broadcast_in_dim3A_2456 = arith.constant true
    %broadcast_in_dim3A_2457 = vector.broadcast %broadcast_in_dim3A_2456 : i1 to vector<16xi1>
    %masked_cumsum3A_2458 = tpu.scan <sum>, %convert_element_type3A_2455 masked %broadcast_in_dim3A_2457 : vector<16xi32>, vector<16xi1> -> vector<16xi32>
    %add3A_2459 = vector.broadcast %add3A_2449 : i32 to vector<16xi32>
    %add3A_2460 = arith.addi %masked_cumsum3A_2458, %add3A_2459 : vector<16xi32>
    %mul3A_2461 = arith.muli %add3A_2460, %convert_element_type3A_2455 : vector<16xi32>
    %add3A_2462 = arith.constant 1 : i32
    %add3A_2463 = vector.broadcast %add3A_2462 : i32 to vector<16xi32>
    %add3A_2464 = arith.addi %mul3A_2461, %add3A_2463 : vector<16xi32>
    %swap3A_2465 = arith.constant 1936 : index
    %swap3A_2466 = tpu.vector_load %arg6[%swap3A_2465] {strides = array<i32>} : memref<2048xi32, #tpu.memory_space<vmem>>, vector<16xi32>,
    tpu.vector_store %arg6[%swap3A_2465], %add3A_2464 {strides = array<i32>} : memref<2048xi32, #tpu.memory_space<vmem>>, vector<16xi32>,
    %slice3A_2467 = vector.extract_strided_slice %masked_cumsum3A_2458 {offsets = [15], sizes = [1], strides = [1]} : vector<16xi32> to vector<1xi32>
    %squeeze3A_2468 = vector.extract %slice3A_2467[0] : i32 from vector<1xi32>
    %add3A_2469 = arith.addi %add3A_2449, %squeeze3A_2468 : i32
    %get3A_2470 = arith.constant 1952 : index
    %get3A_2471 = tpu.vector_load %arg5[%get3A_2470] {strides = array<i32>} : memref<2048xi32, #tpu.memory_space<vmem>>, vector<16xi32>,
    %ne3A_2472 = arith.constant 1 : i32
    %ne3A_2473 = vector.broadcast %ne3A_2472 : i32 to vector<16xi32>
    %ne3A_2474 = arith.cmpi ne, %get3A_2471, %ne3A_2473 : vector<16xi32>
    %convert_element_type3A_2475 = arith.extui %ne3A_2474 : vector<16xi1> to vector<16xi32>
    %broadcast_in_dim3A_2476 = arith.constant true
    %broadcast_in_dim3A_2477 = vector.broadcast %broadcast_in_dim3A_2476 : i1 to vector<16xi1>
    %masked_cumsum3A_2478 = tpu.scan <sum>, %convert_element_type3A_2475 masked %broadcast_in_dim3A_2477 : vector<16xi32>, vector<16xi1> -> vector<16xi32>
    %add3A_2479 = vector.broadcast %add3A_2469 : i32 to vector<16xi32>
    %add3A_2480 = arith.addi %masked_cumsum3A_2478, %add3A_2479 : vector<16xi32>
    %mul3A_2481 = arith.muli %add3A_2480, %convert_element_type3A_2475 : vector<16xi32>
    %add3A_2482 = arith.constant 1 : i32
    %add3A_2483 = vector.broadcast %add3A_2482 : i32 to vector<16xi32>
    %add3A_2484 = arith.addi %mul3A_2481, %add3A_2483 : vector<16xi32>
    %swap3A_2485 = arith.constant 1952 : index
    %swap3A_2486 = tpu.vector_load %arg6[%swap3A_2485] {strides = array<i32>} : memref<2048xi32, #tpu.memory_space<vmem>>, vector<16xi32>,
    tpu.vector_store %arg6[%swap3A_2485], %add3A_2484 {strides = array<i32>} : memref<2048xi32, #tpu.memory_space<vmem>>, vector<16xi32>,
    %slice3A_2487 = vector.extract_strided_slice %masked_cumsum3A_2478 {offsets = [15], sizes = [1], strides = [1]} : vector<16xi32> to vector<1xi32>
    %squeeze3A_2488 = vector.extract %slice3A_2487[0] : i32 from vector<1xi32>
    %add3A_2489 = arith.addi %add3A_2469, %squeeze3A_2488 : i32
    %get3A_2490 = arith.constant 1968 : index
    %get3A_2491 = tpu.vector_load %arg5[%get3A_2490] {strides = array<i32>} : memref<2048xi32, #tpu.memory_space<vmem>>, vector<16xi32>,
    %ne3A_2492 = arith.constant 1 : i32
    %ne3A_2493 = vector.broadcast %ne3A_2492 : i32 to vector<16xi32>
    %ne3A_2494 = arith.cmpi ne, %get3A_2491, %ne3A_2493 : vector<16xi32>
    %convert_element_type3A_2495 = arith.extui %ne3A_2494 : vector<16xi1> to vector<16xi32>
    %broadcast_in_dim3A_2496 = arith.constant true
    %broadcast_in_dim3A_2497 = vector.broadcast %broadcast_in_dim3A_2496 : i1 to vector<16xi1>
    %masked_cumsum3A_2498 = tpu.scan <sum>, %convert_element_type3A_2495 masked %broadcast_in_dim3A_2497 : vector<16xi32>, vector<16xi1> -> vector<16xi32>
    %add3A_2499 = vector.broadcast %add3A_2489 : i32 to vector<16xi32>
    %add3A_2500 = arith.addi %masked_cumsum3A_2498, %add3A_2499 : vector<16xi32>
    %mul3A_2501 = arith.muli %add3A_2500, %convert_element_type3A_2495 : vector<16xi32>
    %add3A_2502 = arith.constant 1 : i32
    %add3A_2503 = vector.broadcast %add3A_2502 : i32 to vector<16xi32>
    %add3A_2504 = arith.addi %mul3A_2501, %add3A_2503 : vector<16xi32>
    %swap3A_2505 = arith.constant 1968 : index
    %swap3A_2506 = tpu.vector_load %arg6[%swap3A_2505] {strides = array<i32>} : memref<2048xi32, #tpu.memory_space<vmem>>, vector<16xi32>,
    tpu.vector_store %arg6[%swap3A_2505], %add3A_2504 {strides = array<i32>} : memref<2048xi32, #tpu.memory_space<vmem>>, vector<16xi32>,
    %slice3A_2507 = vector.extract_strided_slice %masked_cumsum3A_2498 {offsets = [15], sizes = [1], strides = [1]} : vector<16xi32> to vector<1xi32>
    %squeeze3A_2508 = vector.extract %slice3A_2507[0] : i32 from vector<1xi32>
    %add3A_2509 = arith.addi %add3A_2489, %squeeze3A_2508 : i32
    %get3A_2510 = arith.constant 1984 : index
    %get3A_2511 = tpu.vector_load %arg5[%get3A_2510] {strides = array<i32>} : memref<2048xi32, #tpu.memory_space<vmem>>, vector<16xi32>,
    %ne3A_2512 = arith.constant 1 : i32
    %ne3A_2513 = vector.broadcast %ne3A_2512 : i32 to vector<16xi32>
    %ne3A_2514 = arith.cmpi ne, %get3A_2511, %ne3A_2513 : vector<16xi32>
    %convert_element_type3A_2515 = arith.extui %ne3A_2514 : vector<16xi1> to vector<16xi32>
    %broadcast_in_dim3A_2516 = arith.constant true
    %broadcast_in_dim3A_2517 = vector.broadcast %broadcast_in_dim3A_2516 : i1 to vector<16xi1>
    %masked_cumsum3A_2518 = tpu.scan <sum>, %convert_element_type3A_2515 masked %broadcast_in_dim3A_2517 : vector<16xi32>, vector<16xi1> -> vector<16xi32>
    %add3A_2519 = vector.broadcast %add3A_2509 : i32 to vector<16xi32>
    %add3A_2520 = arith.addi %masked_cumsum3A_2518, %add3A_2519 : vector<16xi32>
    %mul3A_2521 = arith.muli %add3A_2520, %convert_element_type3A_2515 : vector<16xi32>
    %add3A_2522 = arith.constant 1 : i32
    %add3A_2523 = vector.broadcast %add3A_2522 : i32 to vector<16xi32>
    %add3A_2524 = arith.addi %mul3A_2521, %add3A_2523 : vector<16xi32>
    %swap3A_2525 = arith.constant 1984 : index
    %swap3A_2526 = tpu.vector_load %arg6[%swap3A_2525] {strides = array<i32>} : memref<2048xi32, #tpu.memory_space<vmem>>, vector<16xi32>,
    tpu.vector_store %arg6[%swap3A_2525], %add3A_2524 {strides = array<i32>} : memref<2048xi32, #tpu.memory_space<vmem>>, vector<16xi32>,
    %slice3A_2527 = vector.extract_strided_slice %masked_cumsum3A_2518 {offsets = [15], sizes = [1], strides = [1]} : vector<16xi32> to vector<1xi32>
    %squeeze3A_2528 = vector.extract %slice3A_2527[0] : i32 from vector<1xi32>
    %add3A_2529 = arith.addi %add3A_2509, %squeeze3A_2528 : i32
    %get3A_2530 = arith.constant 2000 : index
    %get3A_2531 = tpu.vector_load %arg5[%get3A_2530] {strides = array<i32>} : memref<2048xi32, #tpu.memory_space<vmem>>, vector<16xi32>,
    %ne3A_2532 = arith.constant 1 : i32
    %ne3A_2533 = vector.broadcast %ne3A_2532 : i32 to vector<16xi32>
    %ne3A_2534 = arith.cmpi ne, %get3A_2531, %ne3A_2533 : vector<16xi32>
    %convert_element_type3A_2535 = arith.extui %ne3A_2534 : vector<16xi1> to vector<16xi32>
    %broadcast_in_dim3A_2536 = arith.constant true
    %broadcast_in_dim3A_2537 = vector.broadcast %broadcast_in_dim3A_2536 : i1 to vector<16xi1>
    %masked_cumsum3A_2538 = tpu.scan <sum>, %convert_element_type3A_2535 masked %broadcast_in_dim3A_2537 : vector<16xi32>, vector<16xi1> -> vector<16xi32>
    %add3A_2539 = vector.broadcast %add3A_2529 : i32 to vector<16xi32>
    %add3A_2540 = arith.addi %masked_cumsum3A_2538, %add3A_2539 : vector<16xi32>
    %mul3A_2541 = arith.muli %add3A_2540, %convert_element_type3A_2535 : vector<16xi32>
    %add3A_2542 = arith.constant 1 : i32
    %add3A_2543 = vector.broadcast %add3A_2542 : i32 to vector<16xi32>
    %add3A_2544 = arith.addi %mul3A_2541, %add3A_2543 : vector<16xi32>
    %swap3A_2545 = arith.constant 2000 : index
    %swap3A_2546 = tpu.vector_load %arg6[%swap3A_2545] {strides = array<i32>} : memref<2048xi32, #tpu.memory_space<vmem>>, vector<16xi32>,
    tpu.vector_store %arg6[%swap3A_2545], %add3A_2544 {strides = array<i32>} : memref<2048xi32, #tpu.memory_space<vmem>>, vector<16xi32>,
    %slice3A_2547 = vector.extract_strided_slice %masked_cumsum3A_2538 {offsets = [15], sizes = [1], strides = [1]} : vector<16xi32> to vector<1xi32>
    %squeeze3A_2548 = vector.extract %slice3A_2547[0] : i32 from vector<1xi32>
    %add3A_2549 = arith.addi %add3A_2529, %squeeze3A_2548 : i32
    %get3A_2550 = arith.constant 2016 : index
    %get3A_2551 = tpu.vector_load %arg5[%get3A_2550] {strides = array<i32>} : memref<2048xi32, #tpu.memory_space<vmem>>, vector<16xi32>,
    %ne3A_2552 = arith.constant 1 : i32
    %ne3A_2553 = vector.broadcast %ne3A_2552 : i32 to vector<16xi32>
    %ne3A_2554 = arith.cmpi ne, %get3A_2551, %ne3A_2553 : vector<16xi32>
    %convert_element_type3A_2555 = arith.extui %ne3A_2554 : vector<16xi1> to vector<16xi32>
    %broadcast_in_dim3A_2556 = arith.constant true
    %broadcast_in_dim3A_2557 = vector.broadcast %broadcast_in_dim3A_2556 : i1 to vector<16xi1>
    %masked_cumsum3A_2558 = tpu.scan <sum>, %convert_element_type3A_2555 masked %broadcast_in_dim3A_2557 : vector<16xi32>, vector<16xi1> -> vector<16xi32>
    %add3A_2559 = vector.broadcast %add3A_2549 : i32 to vector<16xi32>
    %add3A_2560 = arith.addi %masked_cumsum3A_2558, %add3A_2559 : vector<16xi32>
    %mul3A_2561 = arith.muli %add3A_2560, %convert_element_type3A_2555 : vector<16xi32>
    %add3A_2562 = arith.constant 1 : i32
    %add3A_2563 = vector.broadcast %add3A_2562 : i32 to vector<16xi32>
    %add3A_2564 = arith.addi %mul3A_2561, %add3A_2563 : vector<16xi32>
    %swap3A_2565 = arith.constant 2016 : index
    %swap3A_2566 = tpu.vector_load %arg6[%swap3A_2565] {strides = array<i32>} : memref<2048xi32, #tpu.memory_space<vmem>>, vector<16xi32>,
    tpu.vector_store %arg6[%swap3A_2565], %add3A_2564 {strides = array<i32>} : memref<2048xi32, #tpu.memory_space<vmem>>, vector<16xi32>,
    %slice3A_2567 = vector.extract_strided_slice %masked_cumsum3A_2558 {offsets = [15], sizes = [1], strides = [1]} : vector<16xi32> to vector<1xi32>
    %squeeze3A_2568 = vector.extract %slice3A_2567[0] : i32 from vector<1xi32>
    %add3A_2569 = arith.addi %add3A_2549, %squeeze3A_2568 : i32
    %get3A_2570 = arith.constant 2032 : index
    %get3A_2571 = tpu.vector_load %arg5[%get3A_2570] {strides = array<i32>} : memref<2048xi32, #tpu.memory_space<vmem>>, vector<16xi32>,
    %ne3A_2572 = arith.constant 1 : i32
    %ne3A_2573 = vector.broadcast %ne3A_2572 : i32 to vector<16xi32>
    %ne3A_2574 = arith.cmpi ne, %get3A_2571, %ne3A_2573 : vector<16xi32>
    %convert_element_type3A_2575 = arith.extui %ne3A_2574 : vector<16xi1> to vector<16xi32>
    %broadcast_in_dim3A_2576 = arith.constant true
    %broadcast_in_dim3A_2577 = vector.broadcast %broadcast_in_dim3A_2576 : i1 to vector<16xi1>
    %masked_cumsum3A_2578 = tpu.scan <sum>, %convert_element_type3A_2575 masked %broadcast_in_dim3A_2577 : vector<16xi32>, vector<16xi1> -> vector<16xi32>
    %add3A_2579 = vector.broadcast %add3A_2569 : i32 to vector<16xi32>
    %add3A_2580 = arith.addi %masked_cumsum3A_2578, %add3A_2579 : vector<16xi32>
    %mul3A_2581 = arith.muli %add3A_2580, %convert_element_type3A_2575 : vector<16xi32>
    %add3A_2582 = arith.constant 1 : i32
    %add3A_2583 = vector.broadcast %add3A_2582 : i32 to vector<16xi32>
    %add3A_2584 = arith.addi %mul3A_2581, %add3A_2583 : vector<16xi32>
    %swap3A_2585 = arith.constant 2032 : index
    %swap3A_2586 = tpu.vector_load %arg6[%swap3A_2585] {strides = array<i32>} : memref<2048xi32, #tpu.memory_space<vmem>>, vector<16xi32>,
    tpu.vector_store %arg6[%swap3A_2585], %add3A_2584 {strides = array<i32>} : memref<2048xi32, #tpu.memory_space<vmem>>, vector<16xi32>,
    %slice3A_2587 = vector.extract_strided_slice %masked_cumsum3A_2578 {offsets = [15], sizes = [1], strides = [1]} : vector<16xi32> to vector<1xi32>
    %squeeze3A_2588 = vector.extract %slice3A_2587[0] : i32 from vector<1xi32>
    %add3A_2589 = arith.addi %add3A_2569, %squeeze3A_2588 : i32
    %iota3A = tpu.iota {dimensions = array<i32: 0>} : vector<16xi32>
    %add3A_2590 = vector.broadcast %mul3A_32 : i32 to vector<16xi32>
    %add3A_2591 = arith.addi %iota3A, %add3A_2590 : vector<16xi32>
    %add3A_2592 = arith.constant 0 : i32
    %add3A_2593 = vector.broadcast %add3A_2592 : i32 to vector<16xi32>
    %add3A_2594 = arith.addi %add3A_2591, %add3A_2593 : vector<16xi32>
    %swap3A_2595 = arith.constant 0 : index
    %swap3A_2596 = tpu.vector_load %arg8[%swap3A_2595] {strides = array<i32>} : memref<256xi32, #tpu.memory_space<vmem>>, vector<16xi32>,
    tpu.vector_store %arg8[%swap3A_2595], %add3A_2594 {strides = array<i32>} : memref<256xi32, #tpu.memory_space<vmem>>, vector<16xi32>,
    %iota3A_2597 = tpu.iota {dimensions = array<i32: 0>} : vector<16xi32>
    %add3A_2598 = vector.broadcast %mul3A_32 : i32 to vector<16xi32>
    %add3A_2599 = arith.addi %iota3A_2597, %add3A_2598 : vector<16xi32>
    %add3A_2600 = arith.constant 16 : i32
    %add3A_2601 = vector.broadcast %add3A_2600 : i32 to vector<16xi32>
    %add3A_2602 = arith.addi %add3A_2599, %add3A_2601 : vector<16xi32>
    %swap3A_2603 = arith.constant 16 : index
    %swap3A_2604 = tpu.vector_load %arg8[%swap3A_2603] {strides = array<i32>} : memref<256xi32, #tpu.memory_space<vmem>>, vector<16xi32>,
    tpu.vector_store %arg8[%swap3A_2603], %add3A_2602 {strides = array<i32>} : memref<256xi32, #tpu.memory_space<vmem>>, vector<16xi32>,
    %iota3A_2605 = tpu.iota {dimensions = array<i32: 0>} : vector<16xi32>
    %add3A_2606 = vector.broadcast %mul3A_32 : i32 to vector<16xi32>
    %add3A_2607 = arith.addi %iota3A_2605, %add3A_2606 : vector<16xi32>
    %add3A_2608 = arith.constant 32 : i32
    %add3A_2609 = vector.broadcast %add3A_2608 : i32 to vector<16xi32>
    %add3A_2610 = arith.addi %add3A_2607, %add3A_2609 : vector<16xi32>
    %swap3A_2611 = arith.constant 32 : index
    %swap3A_2612 = tpu.vector_load %arg8[%swap3A_2611] {strides = array<i32>} : memref<256xi32, #tpu.memory_space<vmem>>, vector<16xi32>,
    tpu.vector_store %arg8[%swap3A_2611], %add3A_2610 {strides = array<i32>} : memref<256xi32, #tpu.memory_space<vmem>>, vector<16xi32>,
    %iota3A_2613 = tpu.iota {dimensions = array<i32: 0>} : vector<16xi32>
    %add3A_2614 = vector.broadcast %mul3A_32 : i32 to vector<16xi32>
    %add3A_2615 = arith.addi %iota3A_2613, %add3A_2614 : vector<16xi32>
    %add3A_2616 = arith.constant 48 : i32
    %add3A_2617 = vector.broadcast %add3A_2616 : i32 to vector<16xi32>
    %add3A_2618 = arith.addi %add3A_2615, %add3A_2617 : vector<16xi32>
    %swap3A_2619 = arith.constant 48 : index
    %swap3A_2620 = tpu.vector_load %arg8[%swap3A_2619] {strides = array<i32>} : memref<256xi32, #tpu.memory_space<vmem>>, vector<16xi32>,
    tpu.vector_store %arg8[%swap3A_2619], %add3A_2618 {strides = array<i32>} : memref<256xi32, #tpu.memory_space<vmem>>, vector<16xi32>,
    %iota3A_2621 = tpu.iota {dimensions = array<i32: 0>} : vector<16xi32>
    %add3A_2622 = vector.broadcast %mul3A_32 : i32 to vector<16xi32>
    %add3A_2623 = arith.addi %iota3A_2621, %add3A_2622 : vector<16xi32>
    %add3A_2624 = arith.constant 64 : i32
    %add3A_2625 = vector.broadcast %add3A_2624 : i32 to vector<16xi32>
    %add3A_2626 = arith.addi %add3A_2623, %add3A_2625 : vector<16xi32>
    %swap3A_2627 = arith.constant 64 : index
    %swap3A_2628 = tpu.vector_load %arg8[%swap3A_2627] {strides = array<i32>} : memref<256xi32, #tpu.memory_space<vmem>>, vector<16xi32>,
    tpu.vector_store %arg8[%swap3A_2627], %add3A_2626 {strides = array<i32>} : memref<256xi32, #tpu.memory_space<vmem>>, vector<16xi32>,
    %iota3A_2629 = tpu.iota {dimensions = array<i32: 0>} : vector<16xi32>
    %add3A_2630 = vector.broadcast %mul3A_32 : i32 to vector<16xi32>
    %add3A_2631 = arith.addi %iota3A_2629, %add3A_2630 : vector<16xi32>
    %add3A_2632 = arith.constant 80 : i32
    %add3A_2633 = vector.broadcast %add3A_2632 : i32 to vector<16xi32>
    %add3A_2634 = arith.addi %add3A_2631, %add3A_2633 : vector<16xi32>
    %swap3A_2635 = arith.constant 80 : index
    %swap3A_2636 = tpu.vector_load %arg8[%swap3A_2635] {strides = array<i32>} : memref<256xi32, #tpu.memory_space<vmem>>, vector<16xi32>,
    tpu.vector_store %arg8[%swap3A_2635], %add3A_2634 {strides = array<i32>} : memref<256xi32, #tpu.memory_space<vmem>>, vector<16xi32>,
    %iota3A_2637 = tpu.iota {dimensions = array<i32: 0>} : vector<16xi32>
    %add3A_2638 = vector.broadcast %mul3A_32 : i32 to vector<16xi32>
    %add3A_2639 = arith.addi %iota3A_2637, %add3A_2638 : vector<16xi32>
    %add3A_2640 = arith.constant 96 : i32
    %add3A_2641 = vector.broadcast %add3A_2640 : i32 to vector<16xi32>
    %add3A_2642 = arith.addi %add3A_2639, %add3A_2641 : vector<16xi32>
    %swap3A_2643 = arith.constant 96 : index
    %swap3A_2644 = tpu.vector_load %arg8[%swap3A_2643] {strides = array<i32>} : memref<256xi32, #tpu.memory_space<vmem>>, vector<16xi32>,
    tpu.vector_store %arg8[%swap3A_2643], %add3A_2642 {strides = array<i32>} : memref<256xi32, #tpu.memory_space<vmem>>, vector<16xi32>,
    %iota3A_2645 = tpu.iota {dimensions = array<i32: 0>} : vector<16xi32>
    %add3A_2646 = vector.broadcast %mul3A_32 : i32 to vector<16xi32>
    %add3A_2647 = arith.addi %iota3A_2645, %add3A_2646 : vector<16xi32>
    %add3A_2648 = arith.constant 112 : i32
    %add3A_2649 = vector.broadcast %add3A_2648 : i32 to vector<16xi32>
    %add3A_2650 = arith.addi %add3A_2647, %add3A_2649 : vector<16xi32>
    %swap3A_2651 = arith.constant 112 : index
    %swap3A_2652 = tpu.vector_load %arg8[%swap3A_2651] {strides = array<i32>} : memref<256xi32, #tpu.memory_space<vmem>>, vector<16xi32>,
    tpu.vector_store %arg8[%swap3A_2651], %add3A_2650 {strides = array<i32>} : memref<256xi32, #tpu.memory_space<vmem>>, vector<16xi32>,
    %iota3A_2653 = tpu.iota {dimensions = array<i32: 0>} : vector<16xi32>
    %add3A_2654 = vector.broadcast %mul3A_32 : i32 to vector<16xi32>
    %add3A_2655 = arith.addi %iota3A_2653, %add3A_2654 : vector<16xi32>
    %add3A_2656 = arith.constant 128 : i32
    %add3A_2657 = vector.broadcast %add3A_2656 : i32 to vector<16xi32>
    %add3A_2658 = arith.addi %add3A_2655, %add3A_2657 : vector<16xi32>
    %swap3A_2659 = arith.constant 128 : index
    %swap3A_2660 = tpu.vector_load %arg8[%swap3A_2659] {strides = array<i32>} : memref<256xi32, #tpu.memory_space<vmem>>, vector<16xi32>,
    tpu.vector_store %arg8[%swap3A_2659], %add3A_2658 {strides = array<i32>} : memref<256xi32, #tpu.memory_space<vmem>>, vector<16xi32>,
    %iota3A_2661 = tpu.iota {dimensions = array<i32: 0>} : vector<16xi32>
    %add3A_2662 = vector.broadcast %mul3A_32 : i32 to vector<16xi32>
    %add3A_2663 = arith.addi %iota3A_2661, %add3A_2662 : vector<16xi32>
    %add3A_2664 = arith.constant 144 : i32
    %add3A_2665 = vector.broadcast %add3A_2664 : i32 to vector<16xi32>
    %add3A_2666 = arith.addi %add3A_2663, %add3A_2665 : vector<16xi32>
    %swap3A_2667 = arith.constant 144 : index
    %swap3A_2668 = tpu.vector_load %arg8[%swap3A_2667] {strides = array<i32>} : memref<256xi32, #tpu.memory_space<vmem>>, vector<16xi32>,
    tpu.vector_store %arg8[%swap3A_2667], %add3A_2666 {strides = array<i32>} : memref<256xi32, #tpu.memory_space<vmem>>, vector<16xi32>,
    %iota3A_2669 = tpu.iota {dimensions = array<i32: 0>} : vector<16xi32>
    %add3A_2670 = vector.broadcast %mul3A_32 : i32 to vector<16xi32>
    %add3A_2671 = arith.addi %iota3A_2669, %add3A_2670 : vector<16xi32>
    %add3A_2672 = arith.constant 160 : i32
    %add3A_2673 = vector.broadcast %add3A_2672 : i32 to vector<16xi32>
    %add3A_2674 = arith.addi %add3A_2671, %add3A_2673 : vector<16xi32>
    %swap3A_2675 = arith.constant 160 : index
    %swap3A_2676 = tpu.vector_load %arg8[%swap3A_2675] {strides = array<i32>} : memref<256xi32, #tpu.memory_space<vmem>>, vector<16xi32>,
    tpu.vector_store %arg8[%swap3A_2675], %add3A_2674 {strides = array<i32>} : memref<256xi32, #tpu.memory_space<vmem>>, vector<16xi32>,
    %iota3A_2677 = tpu.iota {dimensions = array<i32: 0>} : vector<16xi32>
    %add3A_2678 = vector.broadcast %mul3A_32 : i32 to vector<16xi32>
    %add3A_2679 = arith.addi %iota3A_2677, %add3A_2678 : vector<16xi32>
    %add3A_2680 = arith.constant 176 : i32
    %add3A_2681 = vector.broadcast %add3A_2680 : i32 to vector<16xi32>
    %add3A_2682 = arith.addi %add3A_2679, %add3A_2681 : vector<16xi32>
    %swap3A_2683 = arith.constant 176 : index
    %swap3A_2684 = tpu.vector_load %arg8[%swap3A_2683] {strides = array<i32>} : memref<256xi32, #tpu.memory_space<vmem>>, vector<16xi32>,
    tpu.vector_store %arg8[%swap3A_2683], %add3A_2682 {strides = array<i32>} : memref<256xi32, #tpu.memory_space<vmem>>, vector<16xi32>,
    %iota3A_2685 = tpu.iota {dimensions = array<i32: 0>} : vector<16xi32>
    %add3A_2686 = vector.broadcast %mul3A_32 : i32 to vector<16xi32>
    %add3A_2687 = arith.addi %iota3A_2685, %add3A_2686 : vector<16xi32>
    %add3A_2688 = arith.constant 192 : i32
    %add3A_2689 = vector.broadcast %add3A_2688 : i32 to vector<16xi32>
    %add3A_2690 = arith.addi %add3A_2687, %add3A_2689 : vector<16xi32>
    %swap3A_2691 = arith.constant 192 : index
    %swap3A_2692 = tpu.vector_load %arg8[%swap3A_2691] {strides = array<i32>} : memref<256xi32, #tpu.memory_space<vmem>>, vector<16xi32>,
    tpu.vector_store %arg8[%swap3A_2691], %add3A_2690 {strides = array<i32>} : memref<256xi32, #tpu.memory_space<vmem>>, vector<16xi32>,
    %iota3A_2693 = tpu.iota {dimensions = array<i32: 0>} : vector<16xi32>
    %add3A_2694 = vector.broadcast %mul3A_32 : i32 to vector<16xi32>
    %add3A_2695 = arith.addi %iota3A_2693, %add3A_2694 : vector<16xi32>
    %add3A_2696 = arith.constant 208 : i32
    %add3A_2697 = vector.broadcast %add3A_2696 : i32 to vector<16xi32>
    %add3A_2698 = arith.addi %add3A_2695, %add3A_2697 : vector<16xi32>
    %swap3A_2699 = arith.constant 208 : index
    %swap3A_2700 = tpu.vector_load %arg8[%swap3A_2699] {strides = array<i32>} : memref<256xi32, #tpu.memory_space<vmem>>, vector<16xi32>,
    tpu.vector_store %arg8[%swap3A_2699], %add3A_2698 {strides = array<i32>} : memref<256xi32, #tpu.memory_space<vmem>>, vector<16xi32>,
    %iota3A_2701 = tpu.iota {dimensions = array<i32: 0>} : vector<16xi32>
    %add3A_2702 = vector.broadcast %mul3A_32 : i32 to vector<16xi32>
    %add3A_2703 = arith.addi %iota3A_2701, %add3A_2702 : vector<16xi32>
    %add3A_2704 = arith.constant 224 : i32
    %add3A_2705 = vector.broadcast %add3A_2704 : i32 to vector<16xi32>
    %add3A_2706 = arith.addi %add3A_2703, %add3A_2705 : vector<16xi32>
    %swap3A_2707 = arith.constant 224 : index
    %swap3A_2708 = tpu.vector_load %arg8[%swap3A_2707] {strides = array<i32>} : memref<256xi32, #tpu.memory_space<vmem>>, vector<16xi32>,
    tpu.vector_store %arg8[%swap3A_2707], %add3A_2706 {strides = array<i32>} : memref<256xi32, #tpu.memory_space<vmem>>, vector<16xi32>,
    %iota3A_2709 = tpu.iota {dimensions = array<i32: 0>} : vector<16xi32>
    %add3A_2710 = vector.broadcast %mul3A_32 : i32 to vector<16xi32>
    %add3A_2711 = arith.addi %iota3A_2709, %add3A_2710 : vector<16xi32>
    %add3A_2712 = arith.constant 240 : i32
    %add3A_2713 = vector.broadcast %add3A_2712 : i32 to vector<16xi32>
    %add3A_2714 = arith.addi %add3A_2711, %add3A_2713 : vector<16xi32>
    %swap3A_2715 = arith.constant 240 : index
    %swap3A_2716 = tpu.vector_load %arg8[%swap3A_2715] {strides = array<i32>} : memref<256xi32, #tpu.memory_space<vmem>>, vector<16xi32>,
    tpu.vector_store %arg8[%swap3A_2715], %add3A_2714 {strides = array<i32>} : memref<256xi32, #tpu.memory_space<vmem>>, vector<16xi32>,
    %mul3A_2717 = arith.constant 256 : i32
    %mul3A_2718 = arith.muli %select_n3A_30, %mul3A_2717 : i32
    %add3A_2719 = arith.constant 0 : i32
    %add3A_2720 = arith.addi %mul3A_2718, %add3A_2719 : i32
    %dma_start3A = tpu.memref_slice %arg6[%add3A_2720] : memref<2048xi32, #tpu.memory_space<vmem>> -> memref<64xi32, #tpu.memory_space<vmem>>
    %dma_start3A_2721 = arith.constant 0 : i32
    %dma_start3A_2722 = arith.constant 0 : i32
    %dma_start3A_2723 = tpu.memref_slice %arg2[%dma_start3A_2721, %dma_start3A_2722] : memref<2050x1024xf32, #tpu.memory_space<hbm>> -> memref<2050x1024xf32, #tpu.memory_space<hbm>>
    tpu.enqueue_indirect_dma source(%dma_start3A_2723 : memref<2050x1024xf32, #tpu.memory_space<hbm>>) target(%arg7 : memref<64x1024xf32, #tpu.memory_space<vmem>>) offsets(%dma_start3A : memref<64xi32, #tpu.memory_space<vmem>>) semaphore(%arg9 : memref<!tpu.dma_semaphore, #tpu.memory_space<semaphore_mem>>)
    %dma_wait3A = tpu.memref_slice %arg6[%add3A_2720] : memref<2048xi32, #tpu.memory_space<vmem>> -> memref<64xi32, #tpu.memory_space<vmem>>
    %dma_wait3A_2724 = arith.constant 0 : i32
    %dma_wait3A_2725 = arith.constant 0 : i32
    %dma_wait3A_2726 = tpu.memref_slice %arg2[%dma_wait3A_2724, %dma_wait3A_2725] : memref<2050x1024xf32, #tpu.memory_space<hbm>> -> memref<2050x1024xf32, #tpu.memory_space<hbm>>
    tpu.wait_indirect_dma semaphore(%arg9 : memref<!tpu.dma_semaphore, #tpu.memory_space<semaphore_mem>>) src(%dma_wait3A_2726 : memref<2050x1024xf32, #tpu.memory_space<hbm>>) dst(%arg7 : memref<64x1024xf32, #tpu.memory_space<vmem>>)
    "tpu.region"() ({
      %run_scoped3A = tpu.sem_alloc : memref<!tpu.dma_semaphore, #tpu.memory_space<semaphore_mem>>
      %dma_start3A_2757 = arith.constant 0 : i32
      %dma_start3A_2758 = tpu.memref_slice %arg8[%dma_start3A_2757] : memref<256xi32, #tpu.memory_space<vmem>> -> memref<64xi32, #tpu.memory_space<vmem>>
      %dma_start3A_2759 = arith.constant 0 : i32
      %dma_start3A_2760 = arith.constant 0 : i32
      %dma_start3A_2761 = tpu.memref_slice %arg4[%dma_start3A_2759, %dma_start3A_2760] : memref<8192x1024xf32, #tpu.memory_space<hbm>> -> memref<8192x1024xf32, #tpu.memory_space<hbm>>
      tpu.enqueue_indirect_dma source(%arg7 : memref<64x1024xf32, #tpu.memory_space<vmem>>) target(%dma_start3A_2761 : memref<8192x1024xf32, #tpu.memory_space<hbm>>) offsets(%dma_start3A_2758 : memref<64xi32, #tpu.memory_space<vmem>>) semaphore(%run_scoped3A : memref<!tpu.dma_semaphore, #tpu.memory_space<semaphore_mem>>)
      %dma_wait3A_2762 = arith.constant 0 : i32
      %dma_wait3A_2763 = tpu.memref_slice %arg8[%dma_wait3A_2762] : memref<256xi32, #tpu.memory_space<vmem>> -> memref<64xi32, #tpu.memory_space<vmem>>
      %dma_wait3A_2764 = arith.constant 0 : i32
      %dma_wait3A_2765 = arith.constant 0 : i32
      %dma_wait3A_2766 = tpu.memref_slice %arg4[%dma_wait3A_2764, %dma_wait3A_2765] : memref<8192x1024xf32, #tpu.memory_space<hbm>> -> memref<8192x1024xf32, #tpu.memory_space<hbm>>
      tpu.wait_indirect_dma semaphore(%run_scoped3A : memref<!tpu.dma_semaphore, #tpu.memory_space<semaphore_mem>>) src(%arg7 : memref<64x1024xf32, #tpu.memory_space<vmem>>) dst(%dma_wait3A_2766 : memref<8192x1024xf32, #tpu.memory_space<hbm>>)
      tpu.yield
    }) : () -> ()
    %add3A_2727 = arith.constant 64 : i32
    %add3A_2728 = arith.addi %mul3A_2718, %add3A_2727 : i32
    %dma_start3A_2729 = tpu.memref_slice %arg6[%add3A_2728] : memref<2048xi32, #tpu.memory_space<vmem>> -> memref<64xi32, #tpu.memory_space<vmem>>
    %dma_start3A_2730 = arith.constant 0 : i32
    %dma_start3A_2731 = arith.constant 0 : i32
    %dma_start3A_2732 = tpu.memref_slice %arg2[%dma_start3A_2730, %dma_start3A_2731] : memref<2050x1024xf32, #tpu.memory_space<hbm>> -> memref<2050x1024xf32, #tpu.memory_space<hbm>>
    tpu.enqueue_indirect_dma source(%dma_start3A_2732 : memref<2050x1024xf32, #tpu.memory_space<hbm>>) target(%arg7 : memref<64x1024xf32, #tpu.memory_space<vmem>>) offsets(%dma_start3A_2729 : memref<64xi32, #tpu.memory_space<vmem>>) semaphore(%arg9 : memref<!tpu.dma_semaphore, #tpu.memory_space<semaphore_mem>>)
    %dma_wait3A_2733 = tpu.memref_slice %arg6[%add3A_2728] : memref<2048xi32, #tpu.memory_space<vmem>> -> memref<64xi32, #tpu.memory_space<vmem>>
    %dma_wait3A_2734 = arith.constant 0 : i32
    %dma_wait3A_2735 = arith.constant 0 : i32
    %dma_wait3A_2736 = tpu.memref_slice %arg2[%dma_wait3A_2734, %dma_wait3A_2735] : memref<2050x1024xf32, #tpu.memory_space<hbm>> -> memref<2050x1024xf32, #tpu.memory_space<hbm>>
    tpu.wait_indirect_dma semaphore(%arg9 : memref<!tpu.dma_semaphore, #tpu.memory_space<semaphore_mem>>) src(%dma_wait3A_2736 : memref<2050x1024xf32, #tpu.memory_space<hbm>>) dst(%arg7 : memref<64x1024xf32, #tpu.memory_space<vmem>>)
    "tpu.region"() ({
      %run_scoped3A = tpu.sem_alloc : memref<!tpu.dma_semaphore, #tpu.memory_space<semaphore_mem>>
      %dma_start3A_2757 = arith.constant 64 : i32
      %dma_start3A_2758 = tpu.memref_slice %arg8[%dma_start3A_2757] : memref<256xi32, #tpu.memory_space<vmem>> -> memref<64xi32, #tpu.memory_space<vmem>>
      %dma_start3A_2759 = arith.constant 0 : i32
      %dma_start3A_2760 = arith.constant 0 : i32
      %dma_start3A_2761 = tpu.memref_slice %arg4[%dma_start3A_2759, %dma_start3A_2760] : memref<8192x1024xf32, #tpu.memory_space<hbm>> -> memref<8192x1024xf32, #tpu.memory_space<hbm>>
      tpu.enqueue_indirect_dma source(%arg7 : memref<64x1024xf32, #tpu.memory_space<vmem>>) target(%dma_start3A_2761 : memref<8192x1024xf32, #tpu.memory_space<hbm>>) offsets(%dma_start3A_2758 : memref<64xi32, #tpu.memory_space<vmem>>) semaphore(%run_scoped3A : memref<!tpu.dma_semaphore, #tpu.memory_space<semaphore_mem>>)
      %dma_wait3A_2762 = arith.constant 64 : i32
      %dma_wait3A_2763 = tpu.memref_slice %arg8[%dma_wait3A_2762] : memref<256xi32, #tpu.memory_space<vmem>> -> memref<64xi32, #tpu.memory_space<vmem>>
      %dma_wait3A_2764 = arith.constant 0 : i32
      %dma_wait3A_2765 = arith.constant 0 : i32
      %dma_wait3A_2766 = tpu.memref_slice %arg4[%dma_wait3A_2764, %dma_wait3A_2765] : memref<8192x1024xf32, #tpu.memory_space<hbm>> -> memref<8192x1024xf32, #tpu.memory_space<hbm>>
      tpu.wait_indirect_dma semaphore(%run_scoped3A : memref<!tpu.dma_semaphore, #tpu.memory_space<semaphore_mem>>) src(%arg7 : memref<64x1024xf32, #tpu.memory_space<vmem>>) dst(%dma_wait3A_2766 : memref<8192x1024xf32, #tpu.memory_space<hbm>>)
      tpu.yield
    }) : () -> ()
    %add3A_2737 = arith.constant 128 : i32
    %add3A_2738 = arith.addi %mul3A_2718, %add3A_2737 : i32
    %dma_start3A_2739 = tpu.memref_slice %arg6[%add3A_2738] : memref<2048xi32, #tpu.memory_space<vmem>> -> memref<64xi32, #tpu.memory_space<vmem>>
    %dma_start3A_2740 = arith.constant 0 : i32
    %dma_start3A_2741 = arith.constant 0 : i32
    %dma_start3A_2742 = tpu.memref_slice %arg2[%dma_start3A_2740, %dma_start3A_2741] : memref<2050x1024xf32, #tpu.memory_space<hbm>> -> memref<2050x1024xf32, #tpu.memory_space<hbm>>
    tpu.enqueue_indirect_dma source(%dma_start3A_2742 : memref<2050x1024xf32, #tpu.memory_space<hbm>>) target(%arg7 : memref<64x1024xf32, #tpu.memory_space<vmem>>) offsets(%dma_start3A_2739 : memref<64xi32, #tpu.memory_space<vmem>>) semaphore(%arg9 : memref<!tpu.dma_semaphore, #tpu.memory_space<semaphore_mem>>)
    %dma_wait3A_2743 = tpu.memref_slice %arg6[%add3A_2738] : memref<2048xi32, #tpu.memory_space<vmem>> -> memref<64xi32, #tpu.memory_space<vmem>>
    %dma_wait3A_2744 = arith.constant 0 : i32
    %dma_wait3A_2745 = arith.constant 0 : i32
    %dma_wait3A_2746 = tpu.memref_slice %arg2[%dma_wait3A_2744, %dma_wait3A_2745] : memref<2050x1024xf32, #tpu.memory_space<hbm>> -> memref<2050x1024xf32, #tpu.memory_space<hbm>>
    tpu.wait_indirect_dma semaphore(%arg9 : memref<!tpu.dma_semaphore, #tpu.memory_space<semaphore_mem>>) src(%dma_wait3A_2746 : memref<2050x1024xf32, #tpu.memory_space<hbm>>) dst(%arg7 : memref<64x1024xf32, #tpu.memory_space<vmem>>)
    "tpu.region"() ({
      %run_scoped3A = tpu.sem_alloc : memref<!tpu.dma_semaphore, #tpu.memory_space<semaphore_mem>>
      %dma_start3A_2757 = arith.constant 128 : i32
      %dma_start3A_2758 = tpu.memref_slice %arg8[%dma_start3A_2757] : memref<256xi32, #tpu.memory_space<vmem>> -> memref<64xi32, #tpu.memory_space<vmem>>
      %dma_start3A_2759 = arith.constant 0 : i32
      %dma_start3A_2760 = arith.constant 0 : i32
      %dma_start3A_2761 = tpu.memref_slice %arg4[%dma_start3A_2759, %dma_start3A_2760] : memref<8192x1024xf32, #tpu.memory_space<hbm>> -> memref<8192x1024xf32, #tpu.memory_space<hbm>>
      tpu.enqueue_indirect_dma source(%arg7 : memref<64x1024xf32, #tpu.memory_space<vmem>>) target(%dma_start3A_2761 : memref<8192x1024xf32, #tpu.memory_space<hbm>>) offsets(%dma_start3A_2758 : memref<64xi32, #tpu.memory_space<vmem>>) semaphore(%run_scoped3A : memref<!tpu.dma_semaphore, #tpu.memory_space<semaphore_mem>>)
      %dma_wait3A_2762 = arith.constant 128 : i32
      %dma_wait3A_2763 = tpu.memref_slice %arg8[%dma_wait3A_2762] : memref<256xi32, #tpu.memory_space<vmem>> -> memref<64xi32, #tpu.memory_space<vmem>>
      %dma_wait3A_2764 = arith.constant 0 : i32
      %dma_wait3A_2765 = arith.constant 0 : i32
      %dma_wait3A_2766 = tpu.memref_slice %arg4[%dma_wait3A_2764, %dma_wait3A_2765] : memref<8192x1024xf32, #tpu.memory_space<hbm>> -> memref<8192x1024xf32, #tpu.memory_space<hbm>>
      tpu.wait_indirect_dma semaphore(%run_scoped3A : memref<!tpu.dma_semaphore, #tpu.memory_space<semaphore_mem>>) src(%arg7 : memref<64x1024xf32, #tpu.memory_space<vmem>>) dst(%dma_wait3A_2766 : memref<8192x1024xf32, #tpu.memory_space<hbm>>)
      tpu.yield
    }) : () -> ()
    %add3A_2747 = arith.constant 192 : i32
    %add3A_2748 = arith.addi %mul3A_2718, %add3A_2747 : i32
    %dma_start3A_2749 = tpu.memref_slice %arg6[%add3A_2748] : memref<2048xi32, #tpu.memory_space<vmem>> -> memref<64xi32, #tpu.memory_space<vmem>>
    %dma_start3A_2750 = arith.constant 0 : i32
    %dma_start3A_2751 = arith.constant 0 : i32
    %dma_start3A_2752 = tpu.memref_slice %arg2[%dma_start3A_2750, %dma_start3A_2751] : memref<2050x1024xf32, #tpu.memory_space<hbm>> -> memref<2050x1024xf32, #tpu.memory_space<hbm>>
    tpu.enqueue_indirect_dma source(%dma_start3A_2752 : memref<2050x1024xf32, #tpu.memory_space<hbm>>) target(%arg7 : memref<64x1024xf32, #tpu.memory_space<vmem>>) offsets(%dma_start3A_2749 : memref<64xi32, #tpu.memory_space<vmem>>) semaphore(%arg9 : memref<!tpu.dma_semaphore, #tpu.memory_space<semaphore_mem>>)
    %dma_wait3A_2753 = tpu.memref_slice %arg6[%add3A_2748] : memref<2048xi32, #tpu.memory_space<vmem>> -> memref<64xi32, #tpu.memory_space<vmem>>
    %dma_wait3A_2754 = arith.constant 0 : i32
    %dma_wait3A_2755 = arith.constant 0 : i32
    %dma_wait3A_2756 = tpu.memref_slice %arg2[%dma_wait3A_2754, %dma_wait3A_2755] : memref<2050x1024xf32, #tpu.memory_space<hbm>> -> memref<2050x1024xf32, #tpu.memory_space<hbm>>
    tpu.wait_indirect_dma semaphore(%arg9 : memref<!tpu.dma_semaphore, #tpu.memory_space<semaphore_mem>>) src(%dma_wait3A_2756 : memref<2050x1024xf32, #tpu.memory_space<hbm>>) dst(%arg7 : memref<64x1024xf32, #tpu.memory_space<vmem>>)
    "tpu.region"() ({
      %run_scoped3A = tpu.sem_alloc : memref<!tpu.dma_semaphore, #tpu.memory_space<semaphore_mem>>
      %dma_start3A_2757 = arith.constant 192 : i32
      %dma_start3A_2758 = tpu.memref_slice %arg8[%dma_start3A_2757] : memref<256xi32, #tpu.memory_space<vmem>> -> memref<64xi32, #tpu.memory_space<vmem>>
      %dma_start3A_2759 = arith.constant 0 : i32
      %dma_start3A_2760 = arith.constant 0 : i32
      %dma_start3A_2761 = tpu.memref_slice %arg4[%dma_start3A_2759, %dma_start3A_2760] : memref<8192x1024xf32, #tpu.memory_space<hbm>> -> memref<8192x1024xf32, #tpu.memory_space<hbm>>
      tpu.enqueue_indirect_dma source(%arg7 : memref<64x1024xf32, #tpu.memory_space<vmem>>) target(%dma_start3A_2761 : memref<8192x1024xf32, #tpu.memory_space<hbm>>) offsets(%dma_start3A_2758 : memref<64xi32, #tpu.memory_space<vmem>>) semaphore(%run_scoped3A : memref<!tpu.dma_semaphore, #tpu.memory_space<semaphore_mem>>)
      %dma_wait3A_2762 = arith.constant 192 : i32
      %dma_wait3A_2763 = tpu.memref_slice %arg8[%dma_wait3A_2762] : memref<256xi32, #tpu.memory_space<vmem>> -> memref<64xi32, #tpu.memory_space<vmem>>
      %dma_wait3A_2764 = arith.constant 0 : i32
      %dma_wait3A_2765 = arith.constant 0 : i32
      %dma_wait3A_2766 = tpu.memref_slice %arg4[%dma_wait3A_2764, %dma_wait3A_2765] : memref<8192x1024xf32, #tpu.memory_space<hbm>> -> memref<8192x1024xf32, #tpu.memory_space<hbm>>
      tpu.wait_indirect_dma semaphore(%run_scoped3A : memref<!tpu.dma_semaphore, #tpu.memory_space<semaphore_mem>>) src(%arg7 : memref<64x1024xf32, #tpu.memory_space<vmem>>) dst(%dma_wait3A_2766 : memref<8192x1024xf32, #tpu.memory_space<hbm>>)
      tpu.yield
    }) : () -> ()
    return
  }
}

</mosaic_0001>

<sc_bundles>
// kernel: kernel.3.cloned.1.call-start
scs
__scs_entry_jumppad:
0x0: {  	(pc) =	sbr.rel $0x88, $3  }
0x1: {  	(tag) =	ssettag $0x0;
	lr =	simm.s32 $0x1  }
0x2: {  	[smem:$0x3F9F] =	sst lr;
	_ =	strace $0xD0000000  }
0x3: {  	_ = 	snop  }
0x4: {  	_ = 	snop  }
0x5: {  	_ = 	snop  }
0x6: {  	_ = 	snop  }
0x7: {  	_ = 	snop  }
__scs_overlays_trampoline_lowered:
0x8: {  	[smem:$0x3FAE] =	sst s0  }
0x9: {  	[smem:$0x3FAF] =	sst s1  }
0xa: {  	[smem:$0x3FB0] =	sst s2  }
0xb: {  	[smem:$0x3FB1] =	sst s3  }
0xc: {  	[smem:$0x3FB2] =	sst s4  }
0xd: {  	[smem:$0x3FB3] =	sst s5  }
0xe: {  	[smem:$0x3FB4] =	sst s6  }
0xf: {  	[smem:$0x3FB5] =	sst s7  }
0x10: {  	[smem:$0x3FB6] =	sst s8  }
0x11: {  	[smem:$0x3FB7] =	sst s9;
	s0 =	simm.s32 @!p0 $0x0  }
0x12: {  	s1 =	sld [smem:$0x3F9D];
	s0 =	simm.s32 @p0 $0x1  }
0x13: {  	[smem:$0x3FB8] =	sst s0;
	s0 =	simm.s32 @!p1 $0x0  }
0x14: {  	s2 =	sld [smem:$0x3F9C];
	s0 =	simm.s32 @p1 $0x1  }
0x15: {  	[smem:$0x3FB9] =	sst s0;
	s0 =	simm.s32 @!p2 $0x0  }
0x16: {  	s3 =	sld [smem:$0x3FDB];
	s0 =	simm.s32 @p2 $0x1  }
0x17: {  	s4 =	simm.s32 $0x1BF5;
	[smem:$0x3FBB] =	sst s0  }
0x18: {  	s0 =	sld [smem:$0x3F9E];
	_ =	swait.ge [sflag:s4], $0x0  }
0x19: {  	s7 =	sld [smem:$0x3F9F]  }
0x1a: {  	s8 =	sadd.s32 $0xFFFFE003, lr  }
0x1b: {  	s9 =	sadd.s32 $0xFFFFFEF7, lr;
	s5 =	simm.s32 $0xFFFFFFFF;
	p2 =	slt.u32 s8, $0xFFFFF086  }
0x1c: {  	p1 =	slt.u32 s9, $0xF7A;
	s5 =	simm.s32 @!p2 $0x0  }
0x1d: {  	s5 =	simm.s32 @p1 $0x1;
	p0 =	seq.s32 s7, s2  }
0x1e: {  	s7 =	smul.u32 @!p0 $0xF7A, s2;
	p2 =	seq.s32 @!p0 s5, $0x0  }
0x1f: {  	s9 =	smul.u32 $0xF7A, s1;
	s8 =	simm.s32 @!p0 $0x1BF5;
	p2 =	por !p2, p0  }
0x20: {  	[sflag:s8] =	ssyncset.s32 @!p0 $0xFFFFF086;
	s6 =	sadd.s32 @!p0 s3, s7;
	s7 =	simm.s32 @!p0 $0x108  }
0x21: {  	s3 =	sadd.s32 s3, s9;
	s6 =	sadd.s32 @!p0 $0x88, s6;
	s7 =	simm.s32 @p2 $0x1082  }
0x22: {  	[simem:s7], [sflag:s8] =	dma.local @!p0 [hbm:s6], $0xF7A  }
0x23: {  	s9 =	sor.u32 $0xD0000000, s2;
	s6 =	simm.s32 $0x108;
	_ =	swait.ge @!p0 [sflag:s8], $0x0  }
0x24: {  	s3 =	sadd.s32 $0x88, s3;
	s6 =	simm.s32 @!p1 $0x1082;
	[sflag:s4] =	ssyncset.s32 $0xFFFFF086  }
0x25: {  	[simem:s6], [sflag:s4] =	dma.local [hbm:s3], $0xF7A  }
0x26: {  	[smem:$0x3F9F] =	sst s1;
	(tag) =	ssettag s2;
	_ =	strace s9  }
0x27: {  	s1 =	sld [smem:$0x3FAF]  }
0x28: {  	s2 =	sld [smem:$0x3FB0]  }
0x29: {  	s4 =	sld [smem:$0x3FB2]  }
0x2a: {  	p0 =	seq.s32 s5, $0x0;
	s5 =	sld [smem:$0x3FB3]  }
0x2b: {  	s6 =	sld [smem:$0x3FB4]  }
0x2c: {  	s7 =	sld [smem:$0x3FB5]  }
0x2d: {  	s3 =	simm.s32 $0x108;
	s8 =	sld [smem:$0x3FB6]  }
0x2e: {  	s3 =	simm.s32 @!p0 $0x1082;
	s9 =	sld [smem:$0x3FB7]  }
0x2f: {  	lr =	sadd.s32 s0, s3;
	s0 =	sld [smem:$0x3FAE]  }
0x30: {  	s3 =	sld [smem:$0x3FB1]  }
0x31: {  	[smem:$0x3FBA] =	sst s10  }
0x32: {  	s10 =	sld [smem:$0x3FB8];
	_ =	sdelay $0x3  }
0x33: {  	p0 =	seq.s32 s10, $0x1;
	s10 =	sld [smem:$0x3FBA];
	_ =	sdelay $0x3  }
0x34: {  	[smem:$0x3FBA] =	sst s10  }
0x35: {  	s10 =	sld [smem:$0x3FB9];
	_ =	sdelay $0x3  }
0x36: {  	p1 =	seq.s32 s10, $0x1;
	s10 =	sld [smem:$0x3FBA];
	_ =	sdelay $0x3  }
0x37: {  	[smem:$0x3FBA] =	sst s10  }
0x38: {  	s10 =	sld [smem:$0x3FBB]  }
0x39: {  	_ = 	snop;
	(pc) =	sbr.ind lr, $3  }
0x3a: {  	_ = 	snop  }
0x3b: {  	_ = 	snop  }
0x3c: {  	p2 =	seq.s32 s10, $0x1;
	s10 =	sld [smem:$0x3FBA]  }
0x3d: {  	_ =	shalt  }
0x3e: {  	_ =	shalt  }
0x3f: {  	_ =	shalt  }
0x40: {  	_ =	shalt  }
0x41: {  	_ =	shalt  }
0x42: {  	_ =	shalt  }
0x43: {  	_ =	shalt  }
0x44: {  	_ =	shalt  }
0x45: {  	_ =	shalt  }
0x46: {  	_ =	shalt  }
0x47: {  	_ =	shalt  }
0x48: {  	_ =	shalt  }
0x49: {  	_ =	shalt  }
0x4a: {  	_ =	shalt  }
0x4b: {  	_ =	shalt  }
0x4c: {  	_ =	shalt  }
0x4d: {  	_ =	shalt  }
0x4e: {  	_ =	shalt  }
0x4f: {  	_ =	shalt  }
0x50: {  	_ =	shalt  }
0x51: {  	_ =	shalt  }
0x52: {  	_ =	shalt  }
0x53: {  	_ =	shalt  }
0x54: {  	_ =	shalt  }
0x55: {  	_ =	shalt  }
0x56: {  	_ =	shalt  }
0x57: {  	_ =	shalt  }
0x58: {  	_ =	shalt  }
0x59: {  	_ =	shalt  }
0x5a: {  	_ =	shalt  }
0x5b: {  	_ =	shalt  }
0x5c: {  	_ =	shalt  }
0x5d: {  	_ =	shalt  }
0x5e: {  	_ =	shalt  }
0x5f: {  	_ =	shalt  }
0x60: {  	_ =	shalt  }
0x61: {  	_ =	shalt  }
0x62: {  	_ =	shalt  }
0x63: {  	_ =	shalt  }
0x64: {  	_ =	shalt  }
0x65: {  	_ =	shalt  }
0x66: {  	_ =	shalt  }
0x67: {  	_ =	shalt  }
0x68: {  	_ =	shalt  }
0x69: {  	_ =	shalt  }
0x6a: {  	_ =	shalt  }
0x6b: {  	_ =	shalt  }
0x6c: {  	_ =	shalt  }
0x6d: {  	_ =	shalt  }
0x6e: {  	_ =	shalt  }
0x6f: {  	_ =	shalt  }
0x70: {  	_ =	shalt  }
0x71: {  	_ =	shalt  }
0x72: {  	_ =	shalt  }
0x73: {  	_ =	shalt  }
0x74: {  	_ =	shalt  }
0x75: {  	_ =	shalt  }
0x76: {  	_ =	shalt  }
0x77: {  	_ =	shalt  }
0x78: {  	_ =	shalt  }
0x79: {  	_ =	shalt  }
0x7a: {  	_ =	shalt  }
0x7b: {  	_ =	shalt  }
0x7c: {  	_ =	shalt  }
0x7d: {  	_ =	shalt  }
0x7e: {  	_ =	shalt  }
0x7f: {  	_ =	shalt  }
0x80: {  	_ =	shalt  }
0x81: {  	_ =	shalt  }
0x82: {  	_ =	shalt  }
0x83: {  	_ =	shalt  }
0x84: {  	_ =	shalt  }
0x85: {  	_ =	shalt  }
0x86: {  	_ =	shalt  }
0x87: {  	_ =	shalt  }
.Lfunc_end0:
.L_simem_size_0:
called_computation_lowered:
.L_overlay_start_0:
0x88: {  	s2 =	sld [smem:$0x3FD9]  }
0x89: {  	s3 =	sld [smem:$0x3FFE];
	_ =	sdelay $0x1  }
0x8a: {  	s1 =	srdreg.scid  }
0x8b: {  	s0 =	sand.u32 $0x1, s1  }
0x8c: {  	s17 =	sshll.u32 s0, $0xA;
	s2 =	sadd.s32 s3, s2  }
0x8d: {  	s2 =	sadd.s32 s2, s17  }
0x8e: {  	[smem:$0x3FC6] =	sst s2  }
0x8f: {  	_ = 	snop  }
0x90: {  	s2 =	sld [smem:$0x3FC8]  }
0x91: {  	s18 =	sld [smem:$0x3FD0];
	(tm) =	ssettm $0x1  }
0x92: {  	s4 =	sld [smem:$0x3FFB];
	_ =	sdelay $0x3  }
0x93: {  	_ =	strace s4  }
0x94: {  	s4 =	sld [smem:$0x3FFC];
	_ =	sdelay $0x3  }
0x95: {  	_ =	strace s4  }
0x96: {  	s4 =	sld [smem:$0x3FFD];
	_ =	sdelay $0x3  }
0x97: {  	_ =	strace s4  }
0x98: {  	_ =	strace $0x8FFFFFFF  }
0x99: {  	s19 =	sld [smem:$0x3FDB];
	_ =	sdelay $0x1  }
0x9a: {  	s5 =	simm.s32 $_scs_section_size  }
0x9b: {  	s6 =	simm.s32 $_size__tile_overlayer_lowered;
	s7 =	simm.s32 $_tile_overlayer_lowered  }
0x9c: {  	s22 =	simm.s32 $0x1BFF;
	s21 =	sshll.u32 s7, $0x1;
	s4 =	sadd.s32 s5, s19  }
0x9d: {  	s8 =	simm.s32 $0x0;
	s20 =	sshll.u32 s6, $0x1;
	s6 =	sadd.s32 s21, s4  }
0x9e: {  	[timem:s8], [sflag:s22] =	dma.local [hbm:s6], s20  }
0x9f: {  	_ =	swait.ge [sflag:s22], s20  }
0xa0: {  	s5 =	ssub.s32 $0x0, s20;
	[sflag:s22] =	ssyncset.done $0x0  }
0xa1: {  	[sflag:s22] =	ssyncadd.s32 s5;
	_ =	sdelay $0x1  }
0xa2: {  	s23 =	simm.s32 $0x1B8B  }
0xa3: {  	_ =	swait.ge [sflag:s23], $0x1  }
0xa4: {  	[sflag:s23] =	ssyncset.done $0x0  }
0xa5: {  	s25 =	simm.s32 $0x1B8E;
	s24 =	sld [smem:$0x3FFE];
	[sflag:s23] =	ssyncadd.s32 $0xFFFFFFFF  }
0xa6: {  	s26 =	simm.s32 $execute0_lowered;
	[smem:$0x3FD2] =	sst s25  }
0xa7: {  	s6 =	sshll.u32 s26, $0x1;
	_ =	strace $0x80000046;
	[dreg:$0x1] =	wrdreg $0xFFFFFFFF  }
0xa8: {  	s28 =	simm.s32 $_size_execute0_lowered;
	s4 =	sadd.s32 s4, s6;
	[dreg:$0x0] =	wrdreg $0x0  }
0xa9: {  	s6 =	sshll.u32 s28, $0x1;
	[dreg:$0x2] =	wrdreg s4  }
0xaa: {  	[dreg:$0x3] =	wrdreg s6  }
0xab: {  	[dreg:$0x4] =	wrdreg $0xC0  }
0xac: {  	_ =	task [dreg:s8], $0x5FFFF  }
0xad: {  	[dreg:$0x1] =	wrdreg $0xFFFFFFFF  }
0xae: {  	[dreg:$0x0] =	wrdreg $0x60  }
0xaf: {  	[dreg:$0x2] =	wrdreg s2  }
0xb0: {  	[dreg:$0x3] =	wrdreg s24  }
0xb1: {  	[dreg:$0x4] =	wrdreg s18  }
0xb2: {  	[dreg:$0x5] =	wrdreg $0x9  }
0xb3: {  	_ =	task.clear_ibuf [dreg:s8], $0x6FFFF;
	_ =	strace $0x90000046  }
0xb4: {  	s29 =	simm.s32 $0x9;
	_ =	strace $0x80000048  }
0xb5: {  	_ =	swait.ge [sflag:s29], $0x1  }
0xb6: {  	[sflag:s29] =	ssyncadd.s32 $0xFFFFFFFF  }
0xb7: {  	_ =	strace $0x90000048  }
0xb8: {  	_ =	sfence  }
0xb9: {  	s30 =	sld [smem:$0x0];
	_ =	sdelay $0x2  }
0xba: {  	s31 =	sshll.u32 s1, $0xD;
	s1 =	sshrl.u32 s1, $0x2  }
0xbb: {  	s3 =	sand.u32 $0x4000, s31;
	s1 =	sadd.s32 s1, s30  }
0xbc: {  	s0 =	sor.u32 s3, s0;
	s1 =	sshll.u32 s1, $0x11  }
0xbd: {  	s0 =	sor.u32 s1, s0  }
0xbe: {  	s0 =	sadd.s32 $0x8F2B, s0  }
0xbf: {  	[sflag:s0] =	ssyncadd.remote.s32 $0x1  }
0xc0: {  	_ =	sfence.sel $0xFFFF  }
0xc1: {  	[dreg:$0x0] =	wrdreg $0xFFFFFFFF;
	(pc) =	sbr.abs _section_cstart, $3  }
0xc2: {  	[dreg:$0x1] =	wrdreg $0xFFFFFFFF  }
0xc3: {  	_ =	task.clear_ibuf [dreg:s8], $0x2FFFF;
	_ =	strace $0x9FFFFFFF  }
0xc4: {  	(tm) =	ssettm $0x7FFFFFFF  }
0xc5: {  	_ =	shalt  }
tec
execute0_lowered:
.L_overlay_start_1:
0x0: {  	(tag) =	ssettag $0x1  }
0x1: {  	s2 =	rddreg [dreg:$0x0]  }
0x2: {  	s0 =	rddreg [dreg:$0x1];
	v19 =	vlaneseq.u32;
	v16 =	vimm.s32 $0x0  }
0x3: {  	s3 =	rddreg [dreg:$0x2];
	s7 =	stileid.u32;
	vm0 =	vmmov $0xffff;
	v1 =	vor.u32 $0x10, v19;
	v2 =	vor.u32 $0x20, v19  }
0x4: {  	s1 =	srdreg.scid;
	s12 =	simm.s32 $0x0;
	s5 =	sshll.u32 s7, $0x6;
	v3 =	vor.u32 $0x30, v19;
	v4 =	vor.u32 $0x40, v19;
	v5 =	vor.u32 $0x50, v19  }
0x5: {  	s1 =	sand.u32 $0x1, s1;
	[smem:$0x7FF] =	sst s12;
	s7 =	sshll.u32 s7, $0x9;
	v6 =	vor.u32 $0x60, v19;
	v7 =	vor.u32 $0x70, v19;
	v8 =	vor.u32 $0x80, v19  }
0x6: {  	s25 =	sadd.s32 $0x100, s2;
	s26 =	sadd.s32 $0x200, s2;
	v9 =	vor.u32 $0x90, v19;
	v10 =	vor.u32 $0xA0, v19;
	v11 =	vor.u32 $0xB0, v19;
	s6 =	ssub.s32 $0x2, s1  }
0x7: {  	v12 =	vor.u32 $0xC0, v19;
	v13 =	vor.u32 $0xD0, v19;
	v14 =	vor.u32 $0xE0, v19;
	_ =	strace $0x80000047;
	s1 =	sshll.u32 s1, $0x8;
	[dreg:$0x7] =	wrdreg s25  }
0x8: {  	s28 =	sadd.s32 $0x300, s2;
	v15 =	vor.u32 $0xF0, v19;
	v18 =	vshrl.u32 v19, $0x3;
	v17 =	vand.u32 $0x7, v19;
	[dreg:$0x8] =	wrdreg s26;
	s1 =	sor.u32 s1, s7  }
0x9: {  	s29 =	sadd.s32 $0x100, s3;
	[dreg:$0x9] =	wrdreg s28;
	v18 =	vmul.u32 $0x8, v18;
	v0 =	vor.u32 s1, v19;
	v3 =	vor.u32 s1, v3  }
0xa: {  	s30 =	sadd.s32 $0x200, s3;
	s5 =	sand.u32 $0x300, s5;
	[dreg:$0xa] =	wrdreg s29;
	v4 =	vor.u32 s1, v4;
	v5 =	vor.u32 s1, v5;
	v6 =	vor.u32 s1, v6  }
0xb: {  	s31 =	sadd.s32 $0x300, s3;
	[dreg:$0xb] =	wrdreg s30;
	s0 =	sadd.s32 s5, s0;
	v7 =	vor.u32 s1, v7;
	v8 =	vor.u32 s1, v8;
	v9 =	vor.u32 s1, v9  }
0xc: {  	[dreg:$0xc] =	wrdreg s31;
	s23 =	sshrl.u32 s6, $0x1;
	s0 =	sadd.s32 $0x400, s0;
	v10 =	vor.u32 s1, v10;
	v11 =	vor.u32 s1, v11;
	[tilespmem:$0x1FFD0] =	vst v0;
	v0 =	vor.u32 s1, v1  }
0xd: {  	s5 =	ssub.s32 s6, s23;
	s24 =	sand.u32 $0x700, s1;
	v12 =	vor.u32 s1, v12;
	v13 =	vor.u32 s1, v13;
	[dreg:$0x4] =	wrdreg s0;
	[tilespmem:$0x1FFE0] =	vst v0;
	v0 =	vor.u32 s1, v2  }
0xe: {  	v14 =	vor.u32 s1, v14;
	v15 =	vor.u32 s1, v15;
	v19 =	vor.u32 $0x8, v19;
	[dreg:$0x6] =	wrdreg s24;
	s6 =	smax.u32 s5, $0x1;
	[tilespmem:$0x1FFF0] =	vst v0  }
.LBB2_1:
0xf: {  	[dreg:$0x5] =	wrdreg s6  }
0x10: {  	s29 =	rddreg [dreg:$0x4];
	s0 =	simm.s32 $0x2  }
0x11: {  	[tilespmem:s12], [sflag:$0x2] =	stream.linear.gather [hbm4b:s29+s12], $0x800, $0x38;
	[tilespmem:$0x11100] =	vst v63  }
0x12: {  	_ =	swait.ge [sflag:s0], $0x800  }
0x13: {  	[sflag:s0] =	ssyncset.done $0x0  }
0x14: {  	[sflag:s0] =	ssyncadd.s32 $0xFFFFF800  }
0x15: {  	v20 =	vld [tilespmem:$0x0];
	_ =	sdelay $0x1  }
0x16: {  	v21 =	vld [tilespmem:$0x10];
	_ =	sdelay $0x1  }
0x17: {  	v22 =	vld [tilespmem:$0x20]  }
0x18: {  	vm13 =	vne.s32 v20, $0x1;
	v20 =	vld [tilespmem:$0x30];
	_ =	sdelay $0x1  }
0x19: {  	v31 =	vld [tilespmem:$0x40];
	vm14 =	vne.s32 v21, $0x1;
	v23 =	vsel vm13, $0x1, v16  }
0x1a: {  	v32 =	vsel vm14, $0x1, v16;
	(xrf0) =	vadd.scan.msk.s32 $0xffff, v23  }
0x1b: {  	v33 =	vld [tilespmem:$0x50];
	(xrf0) =	vadd.scan.msk.s32 $0xffff, v32  }
0x1c: {  	vm12 =	vne.s32 v22, $0x1;
	vm11 =	vne.s32 v20, $0x1;
	v20 =	vld [tilespmem:$0x60]  }
0x1d: {  	v35 =	vld [tilespmem:$0x70];
	v22 =	vsel vm12, $0x1, v16  }
0x1e: {  	vm10 =	vne.s32 v31, $0x1;
	(xrf0) =	vadd.scan.msk.s32 $0xffff, v22;
	v34 =	vsel vm11, $0x1, v16  }
0x1f: {  	v37 =	vld [tilespmem:$0x80];
	v36 =	vsel vm10, $0x1, v16;
	(xrf0) =	vadd.scan.msk.s32 $0xffff, v34  }
0x20: {  	vm5 =	vne.s32 v33, $0x1;
	v24, _, _ =	vpop (xrf0);
	(xrf0) =	vadd.scan.msk.s32 $0xffff, v36  }
0x21: {  	v25 =	vsel vm5, $0x1, v16;
	(v2sf) =	vpush v24, $0xF;
	v38, _, _ =	vpop (xrf0);
	vm8 =	vne.s32 v20, $0x1  }
0x22: {  	vm4 =	vne.s32 v35, $0x1;
	(xrf0) =	vadd.scan.msk.s32 $0xffff, v25;
	(v2sf) =	vpush v38, $0xF;
	v20 =	vsel vm8, $0x1, v16  }
0x23: {  	v39 =	vld [tilespmem:$0x90];
	(xrf0) =	vadd.scan.msk.s32 $0xffff, v20;
	v20 =	vsel vm4, $0x1, v16  }
0x24: {  	v26 =	vld [tilespmem:$0xA0];
	vm6 =	vne.s32 v37, $0x1;
	v40, _, _ =	vpop (xrf0);
	(xrf0) =	vadd.scan.msk.s32 $0xffff, v20  }
0x25: {  	v28 =	vld [tilespmem:$0xB0];
	v22 =	vsel vm6, $0x1, v16;
	(v2sf) =	vpush v40, $0xF;
	v27, _, _ =	vpop (xrf0)  }
0x26: {  	(v2sf) =	vpush v27, $0xF;
	v20, _, _ =	vpop (xrf0);
	(xrf0) =	vadd.scan.msk.s32 $0xffff, v22  }
0x27: {  	v41 =	vld [tilespmem:$0xC0]  }
0x28: {  	vm7 =	vne.s32 v39, $0x1;
	(v2sf) =	vpush v20, $0xF;
	v29, _, _ =	vpop (xrf0)  }
0x29: {  	vm1 =	vne.s32 v26, $0x1;
	v21 =	vsel vm7, $0x1, v16;
	(v2sf) =	vpush v29, $0xF;
	v42, _, _ =	vpop (xrf0)  }
0x2a: {  	vm2 =	vne.s32 v28, $0x1;
	v43 =	vsel vm1, $0x1, v16;
	(xrf0) =	vadd.scan.msk.s32 $0xffff, v21;
	(v2sf) =	vpush v42, $0xF;
	v30, _, _ =	vpop (xrf0)  }
0x2b: {  	v44 =	vsel vm2, $0x1, v16;
	(xrf0) =	vadd.scan.msk.s32 $0xffff, v43;
	(v2sf) =	vpush v30, $0xF  }
0x2c: {  	vm3 =	vne.s32 v41, $0x1;
	(xrf0) =	vadd.scan.msk.s32 $0xffff, v44;
	v45, _, _ =	vpop (xrf0)  }
0x2d: {  	v46 =	vsel vm3, $0x1, v16;
	(v2sf) =	vpush v45, $0xF  }
0x2e: {  	v47 =	vld [tilespmem:$0xD0];
	(xrf0) =	vadd.scan.msk.s32 $0xffff, v46;
	_ =	sdelay $0x1  }
0x2f: {  	v48, _, _ =	vpop (xrf0);
	s7 =	spop (v2sf)  }
0x30: {  	v32, _, _ =	vpop (xrf0);
	s30 =	spop (v2sf);
	(v2sf) =	vpush v48, $0xF  }
0x31: {  	v24 =	vadd.s32 $0x1, v24;
	v33, _, _ =	vpop (xrf0);
	(v2sf) =	vpush v32, $0xF  }
0x32: {  	vm9 =	vne.s32 v47, $0x1;
	v31 =	vbroadcast v24, $0xF;
	s29 =	sadd.s32 s7, s30;
	(v2sf) =	vpush v33, $0xF  }
0x33: {  	v51 =	vsel vm9, $0x1, v16;
	s8 =	spop (v2sf);
	v49 =	vmov s29;
	v34, _, _ =	vpop (xrf0)  }
0x34: {  	v23 =	vadd.s32 v38, v31;
	s29 =	sadd.s32 s29, s8;
	v31 =	vadd.s32 $0x1, v49;
	(v2sf) =	vpush v34, $0xF;
	s9 =	spop (v2sf)  }
0x35: {  	v24 =	vnsel vm13, $0x1, v24;
	v35 =	vmov s29;
	v50 =	vbroadcast v31, $0x0;
	s29 =	sadd.s32 s29, s9  }
0x36: {  	v23 =	vnsel vm14, $0x1, v23;
	v52 =	vadd.s32 $0x1, v35;
	s10 =	spop (v2sf);
	v53 =	vmov s29  }
0x37: {  	v25 =	vbroadcast v52, $0x0;
	v21 =	vadd.s32 v40, v50;
	s29 =	sadd.s32 s29, s10;
	v31 =	vadd.s32 $0x1, v53;
	s11 =	spop (v2sf)  }
0x38: {  	v21 =	vnsel vm12, $0x1, v21;
	v54 =	vmov s29;
	v31 =	vbroadcast v31, $0x0;
	s29 =	sadd.s32 s29, s11;
	s13 =	spop (v2sf)  }
0x39: {  	v25 =	vadd.s32 v27, v25;
	v35 =	vadd.s32 $0x1, v54;
	v56 =	vmov s29;
	s29 =	sadd.s32 s29, s13;
	s14 =	spop (v2sf)  }
0x3a: {  	v55 =	vbroadcast v35, $0x0;
	v20 =	vadd.s32 v20, v31;
	v57 =	vadd.s32 $0x1, v56;
	s30 =	sadd.s32 s29, s14  }
0x3b: {  	v58 =	vbroadcast v57, $0x0;
	v60 =	vmov s29;
	v36 =	vmov s30;
	s15 =	spop (v2sf)  }
0x3c: {  	v27 =	vadd.s32 v29, v55;
	v62 =	vadd.s32 $0x1, v60;
	v55 =	vld [tilespmem:$0x100];
	v63 =	vadd.s32 $0x1, v36;
	s29 =	sadd.s32 s30, s15  }
0x3d: {  	v35 =	vbroadcast v62, $0x0;
	v36 =	vbroadcast v63, $0x0;
	v37 =	vmov s29  }
0x3e: {  	[tilespmem:$0x800] =	vst v24;
	v20 =	vnsel vm10, $0x1, v20;
	v61 =	vadd.s32 v42, v58;
	v39 =	vadd.s32 $0x1, v37  }
0x3f: {  	[tilespmem:$0x810] =	vst v23;
	v40 =	vld [tilespmem:$0xE0];
	s16 =	spop (v2sf);
	v23 =	vadd.s32 v30, v35;
	v22 =	vadd.s32 v45, v36;
	v41 =	vbroadcast v39, $0x0  }
0x40: {  	[tilespmem:$0x840] =	vst v20;
	v24 =	vnsel vm8, $0x1, v61;
	s29 =	sadd.s32 s29, s16;
	s17 =	spop (v2sf);
	v20 =	vnsel vm4, $0x1, v23;
	v22 =	vnsel vm6, $0x1, v22  }
0x41: {  	(xrf0) =	vadd.scan.msk.s32 $0xffff, v51;
	v42 =	vmov s29;
	s29 =	sadd.s32 s29, s17;
	s18 =	spop (v2sf);
	vm13 =	vne.s32 v55, $0x1;
	v43 =	vadd.s32 v48, v41  }
0x42: {  	[tilespmem:$0x820] =	vst v21;
	v54 =	vld [tilespmem:$0xF0];
	v23 =	vadd.s32 $0x1, v42;
	v44 =	vmov s29;
	s29 =	sadd.s32 s29, s18;
	v21 =	vnsel vm7, $0x1, v43  }
0x43: {  	s19 =	spop (v2sf);
	v23 =	vbroadcast v23, $0x0;
	v45 =	vadd.s32 $0x1, v44;
	v46 =	vmov s29  }
0x44: {  	[tilespmem:$0x870] =	vst v20;
	s29 =	sadd.s32 s29, s19;
	vm7 =	vne.s32 v40, $0x1;
	v20 =	vbroadcast v45, $0x0;
	v47 =	vadd.s32 $0x1, v46  }
0x45: {  	[tilespmem:$0x860] =	vst v24;
	v48 =	vmov s29;
	v49 =	vsel vm7, $0x1, v16;
	v23 =	vadd.s32 v32, v23  }
0x46: {  	v56 =	vld [tilespmem:$0x110];
	[tilespmem:$0x880] =	vst v22;
	v22 =	vbroadcast v47, $0x0;
	v24 =	vadd.s32 $0x1, v48;
	v50 =	vnsel vm1, $0x1, v23  }
0x47: {  	(xrf0) =	vadd.scan.msk.s32 $0xffff, v49;
	v20 =	vadd.s32 v33, v20;
	v51 =	vbroadcast v24, $0x0;
	vm1 =	vne.s32 v54, $0x1  }
0x48: {  	v59, _, _ =	vpop (xrf0);
	v57 =	vld [tilespmem:$0x120];
	[tilespmem:$0x890] =	vst v21;
	v20 =	vnsel vm2, $0x1, v20;
	v52 =	vadd.s32 v34, v22;
	v21 =	vsel vm1, $0x1, v16  }
0x49: {  	[tilespmem:$0x8B0] =	vst v20;
	v20 =	vnsel vm3, $0x1, v52;
	v53 =	vadd.s32 v59, v51;
	(xrf0) =	vadd.scan.msk.s32 $0xffff, v21  }
0x4a: {  	v22 =	vsel vm13, $0x1, v16;
	[tilespmem:$0x8C0] =	vst v20;
	v20 =	vnsel vm9, $0x1, v53  }
0x4b: {  	(v2sf) =	vpush v59, $0xF;
	vm12 =	vne.s32 v56, $0x1;
	(xrf0) =	vadd.scan.msk.s32 $0xffff, v22  }
0x4c: {  	v58 =	vld [tilespmem:$0x130];
	v60 =	vsel vm12, $0x1, v16  }
0x4d: {  	vm3 =	vne.s32 v57, $0x1;
	[tilespmem:$0x8D0] =	vst v20;
	(xrf0) =	vadd.scan.msk.s32 $0xffff, v60;
	v20, _, _ =	vpop (xrf0)  }
0x4e: {  	v62 =	vsel vm3, $0x1, v16;
	(v2sf) =	vpush v20, $0xF  }
0x4f: {  	v61 =	vld [tilespmem:$0x140];
	(xrf0) =	vadd.scan.msk.s32 $0xffff, v62;
	v59, _, _ =	vpop (xrf0)  }
0x50: {  	(v2sf) =	vpush v59, $0xF  }
0x51: {  	vm8 =	vne.s32 v58, $0x1;
	v63, _, _ =	vpop (xrf0)  }
0x52: {  	v22 =	vsel vm8, $0x1, v16;
	(v2sf) =	vpush v63, $0xF  }
0x53: {  	(xrf0) =	vadd.scan.msk.s32 $0xffff, v22;
	v37, _, _ =	vpop (xrf0)  }
0x54: {  	v38 =	vnsel vm5, $0x1, v27;
	v35 =	vld [tilespmem:$0x150];
	vm9 =	vne.s32 v61, $0x1;
	(v2sf) =	vpush v37, $0xF  }
0x55: {  	[tilespmem:$0x850] =	vst v38;
	v36 =	vld [tilespmem:$0x160];
	v38 =	vsel vm9, $0x1, v16;
	v26, _, _ =	vpop (xrf0)  }
0x56: {  	(xrf0) =	vadd.scan.msk.s32 $0xffff, v38;
	(v2sf) =	vpush v26, $0xF;
	_ =	sdelay $0x2  }
0x57: {  	v25 =	vnsel vm11, $0x1, v25;
	v39 =	vld [tilespmem:$0x170];
	vm11 =	vne.s32 v35, $0x1;
	v28, _, _ =	vpop (xrf0)  }
0x58: {  	v40 =	vld [tilespmem:$0x180];
	vm5 =	vne.s32 v36, $0x1;
	s20 =	spop (v2sf);
	v22 =	vsel vm11, $0x1, v16;
	(v2sf) =	vpush v28, $0xF  }
0x59: {  	[tilespmem:$0x830] =	vst v25;
	v41 =	vsel vm5, $0x1, v16;
	s29 =	sadd.s32 s29, s20;
	(xrf0) =	vadd.scan.msk.s32 $0xffff, v22  }
0x5a: {  	[tilespmem:$0x8A0] =	vst v50;
	v42 =	vmov s29;
	(xrf0) =	vadd.scan.msk.s32 $0xffff, v41;
	v43, _, _ =	vpop (xrf0)  }
0x5b: {  	v22 =	vadd.s32 $0x1, v42;
	s21 =	spop (v2sf)  }
0x5c: {  	vm4 =	vne.s32 v39, $0x1;
	v22 =	vbroadcast v22, $0x0;
	v44 =	vld [tilespmem:$0x190]  }
0x5d: {  	v0 =	vimm.s32 $0x0;
	v27 =	vsel vm4, $0x1, v16;
	vm2 =	vne.s32 v40, $0x1;
	s29 =	sadd.s32 s29, s21;
	v45 =	vld [tilespmem:$0x1A0];
	s22 =	spop (v2sf)  }
0x5e: {  	v47 =	vsel vm2, $0x1, v16;
	v20 =	vadd.s32 v20, v22;
	v46 =	vmov s29;
	s29 =	sadd.s32 s29, s22  }
0x5f: {  	(v2sf) =	vpush v43, $0xF;
	(xrf0) =	vadd.scan.msk.s32 $0xffff, v27;
	v32, _, _ =	vpop (xrf0);
	v48 =	vadd.s32 $0x1, v46;
	s23 =	spop (v2sf);
	v49 =	vmov s29  }
0x60: {  	v55 =	vld [tilespmem:$0x1C0];
	(v2sf) =	vpush v32, $0xF;
	v31, _, _ =	vpop (xrf0);
	v22 =	vbroadcast v48, $0x0;
	s29 =	sadd.s32 s29, s23;
	v27 =	vadd.s32 $0x1, v49  }
0x61: {  	(xrf0) =	vadd.scan.msk.s32 $0xffff, v47;
	(v2sf) =	vpush v31, $0xF;
	s24 =	spop (v2sf);
	v50 =	vmov s29;
	v27 =	vbroadcast v27, $0x0  }
0x62: {  	v52 =	vld [tilespmem:$0x1B0];
	s29 =	sadd.s32 s29, s24;
	vm10 =	vne.s32 v44, $0x1;
	vm6 =	vne.s32 v45, $0x1;
	v21 =	vadd.s32 v59, v22  }
0x63: {  	s25 =	spop (v2sf);
	v53 =	vadd.s32 $0x1, v50;
	v58 =	vmov s29;
	v51 =	vsel vm10, $0x1, v16  }
0x64: {  	s29 =	sadd.s32 s29, s25;
	v23 =	vsel vm6, $0x1, v16;
	v56 =	vbroadcast v53, $0x0;
	v22 =	vnsel vm1, $0x1, v21  }
0x65: {  	v48 =	vld [tilespmem:$0x210];
	v54, _, _ =	vpop (xrf0);
	v24 =	vadd.s32 $0x1, v58;
	v60 =	vmov s29;
	vm1 =	vne.s32 v55, $0x1;
	(xrf0) =	vadd.scan.msk.s32 $0xffff, v51  }
0x66: {  	v25 =	vadd.s32 v63, v27;
	(v2sf) =	vpush v54, $0xF;
	v24 =	vbroadcast v24, $0x0  }
0x67: {  	v59 =	vld [tilespmem:$0x1D0];
	s26 =	spop (v2sf);
	v35, _, _ =	vpop (xrf0);
	v27 =	vadd.s32 $0x1, v60;
	(xrf0) =	vadd.scan.msk.s32 $0xffff, v23;
	v23 =	vnsel vm7, $0x1, v20;
	vm7 =	vne.s32 v52, $0x1  }
0x68: {  	s29 =	sadd.s32 s29, s26;
	v33 =	vsel vm1, $0x1, v16;
	(v2sf) =	vpush v35, $0xF;
	v34 =	vsel vm7, $0x1, v16  }
0x69: {  	v62 =	vmov s29;
	v63 =	vld [tilespmem:$0x1E0];
	v20 =	vnsel vm13, $0x1, v25;
	v57 =	vadd.s32 v37, v56;
	(xrf0) =	vadd.scan.msk.s32 $0xffff, v34  }
0x6a: {  	v38 =	vld [tilespmem:$0x1F0];
	v27 =	vbroadcast v27, $0x0;
	vm15 =	vne.s32 v48, $0x1;
	v34 =	vadd.s32 $0x1, v62;
	(xrf0) =	vadd.scan.msk.s32 $0xffff, v33  }
0x6b: {  	v21 =	vnsel vm12, $0x1, v57;
	v24 =	vadd.s32 v26, v24;
	v34 =	vbroadcast v34, $0x0;
	v61, _, _ =	vpop (xrf0)  }
0x6c: {  	v29 =	vsel vm15, $0x1, v16;
	vm13 =	vne.s32 v59, $0x1;
	(v2sf) =	vpush v61, $0xF  }
0x6d: {  	v42 =	vld [tilespmem:$0x200];
	v25 =	vnsel vm3, $0x1, v24;
	v40 =	vadd.s32 v28, v27;
	v39 =	vsel vm13, $0x1, v16;
	v37, _, _ =	vpop (xrf0)  }
0x6e: {  	v26 =	vnsel vm8, $0x1, v40;
	(xrf0) =	vadd.scan.msk.s32 $0xffff, v39;
	vm3 =	vne.s32 v63, $0x1;
	s28 =	spop (v2sf);
	(v2sf) =	vpush v37, $0xF  }
0x6f: {  	vm8 =	vne.s32 v38, $0x1;
	v43 =	vadd.s32 v43, v34;
	v44 =	vsel vm3, $0x1, v16;
	s29 =	sadd.s32 s29, s28;
	s31 =	spop (v2sf);
	v34, _, _ =	vpop (xrf0)  }
0x70: {  	v24 =	vnsel vm9, $0x1, v43;
	(xrf0) =	vadd.scan.msk.s32 $0xffff, v44;
	v41 =	vmov s29;
	s29 =	sadd.s32 s29, s31;
	(v2sf) =	vpush v34, $0xF;
	v39, _, _ =	vpop (xrf0)  }
0x71: {  	v53 =	vld [tilespmem:$0x230];
	s0 =	spop (v2sf);
	v27 =	vadd.s32 $0x1, v41;
	v45 =	vmov s29;
	(v2sf) =	vpush v39, $0xF  }
0x72: {  	vm9 =	vne.s32 v42, $0x1;
	s29 =	sadd.s32 s29, s0;
	v41 =	vld [tilespmem:$0x220];
	v27 =	vbroadcast v27, $0x0;
	v33 =	vadd.s32 $0x1, v45  }
0x73: {  	v40 =	vsel vm9, $0x1, v16;
	v47 =	vmov s29;
	v33 =	vbroadcast v33, $0x0  }
0x74: {  	v46 =	vsel vm8, $0x1, v16;
	v63 =	vld [tilespmem:$0x260];
	v38, _, _ =	vpop (xrf0);
	v49 =	vadd.s32 $0x1, v47;
	v27 =	vadd.s32 v32, v27  }
0x75: {  	v56 =	vld [tilespmem:$0x240];
	(xrf0) =	vadd.scan.msk.s32 $0xffff, v46;
	v50 =	vbroadcast v49, $0x0;
	s1 =	spop (v2sf);
	(v2sf) =	vpush v38, $0xF;
	v51 =	vadd.s32 v31, v33  }
0x76: {  	vm14 =	vne.s32 v53, $0x1;
	(xrf0) =	vadd.scan.msk.s32 $0xffff, v40;
	v40, _, _ =	vpop (xrf0);
	v28 =	vnsel vm11, $0x1, v27;
	v27 =	vnsel vm5, $0x1, v51  }
0x77: {  	s29 =	sadd.s32 s29, s1;
	s2 =	spop (v2sf);
	v30 =	vadd.s32 v54, v50;
	(v2sf) =	vpush v40, $0xF;
	vm5 =	vne.s32 v41, $0x1;
	v50 =	vld [tilespmem:$0x280]  }
0x78: {  	v44 =	vsel vm14, $0x1, v16;
	(xrf0) =	vadd.scan.msk.s32 $0xffff, v29;
	v52 =	vmov s29;
	s29 =	sadd.s32 s29, s2;
	v55 =	vsel vm5, $0x1, v16  }
0x79: {  	v48 =	vld [tilespmem:$0x270];
	vm12 =	vne.s32 v63, $0x1;
	v31 =	vadd.s32 $0x1, v52;
	v54 =	vmov s29;
	(xrf0) =	vadd.scan.msk.s32 $0xffff, v55  }
0x7a: {  	vm11 =	vne.s32 v56, $0x1;
	v31 =	vbroadcast v31, $0x0;
	v33 =	vadd.s32 $0x1, v54  }
0x7b: {  	v42, _, _ =	vpop (xrf0);
	v51 =	vsel vm12, $0x1, v16;
	v30 =	vnsel vm4, $0x1, v30;
	v57 =	vbroadcast v33, $0x0;
	s3 =	spop (v2sf)  }
0x7c: {  	v31 =	vadd.s32 v35, v31;
	vm4 =	vne.s32 v50, $0x1;
	(v2sf) =	vpush v42, $0xF;
	s29 =	sadd.s32 s29, s3  }
0x7d: {  	v43, _, _ =	vpop (xrf0);
	(xrf0) =	vadd.scan.msk.s32 $0xffff, v44;
	v33 =	vnsel vm2, $0x1, v31;
	v61 =	vadd.s32 v61, v57;
	s4 =	spop (v2sf);
	v58 =	vmov s29  }
0x7e: {  	v45 =	vld [tilespmem:$0x250];
	v41, _, _ =	vpop (xrf0);
	vm2 =	vne.s32 v48, $0x1;
	(v2sf) =	vpush v43, $0xF;
	s29 =	sadd.s32 s29, s4;
	v29 =	vadd.s32 $0x1, v58  }
0x7f: {  	v44, _, _ =	vpop (xrf0);
	v59 =	vmov s29;
	s5 =	spop (v2sf);
	(v2sf) =	vpush v41, $0xF;
	v29 =	vbroadcast v29, $0x0  }
0x80: {  	v57 =	vsel vm4, $0x1, v16;
	v60 =	vadd.s32 $0x1, v59;
	s29 =	sadd.s32 s29, s5;
	s6 =	spop (v2sf);
	(v2sf) =	vpush v44, $0xF  }
0x81: {  	v47 =	vmov s29;
	s29 =	sadd.s32 s29, s6;
	v29 =	vadd.s32 v37, v29;
	v37 =	vsel vm11, $0x1, v16  }
0x82: {  	v62 =	vbroadcast v60, $0x0;
	v32 =	vadd.s32 $0x1, v47;
	v49 =	vmov s29;
	(xrf0) =	vadd.scan.msk.s32 $0xffff, v37  }
0x83: {  	v54 =	vld [tilespmem:$0x290];
	v46, _, _ =	vpop (xrf0);
	v29 =	vnsel vm6, $0x1, v29;
	vm6 =	vne.s32 v45, $0x1;
	v32 =	vbroadcast v32, $0x0  }
0x84: {  	v37 =	vadd.s32 $0x1, v49;
	v45 =	vsel vm6, $0x1, v16;
	s7 =	spop (v2sf);
	(v2sf) =	vpush v46, $0xF  }
0x85: {  	v31 =	vnsel vm10, $0x1, v61;
	v59 =	vld [tilespmem:$0x2A0];
	v47 =	vsel vm2, $0x1, v16;
	v37 =	vbroadcast v37, $0x0;
	(xrf0) =	vadd.scan.msk.s32 $0xffff, v45;
	s29 =	sadd.s32 s29, s7  }
0x86: {  	v34 =	vadd.s32 v34, v62;
	v32 =	vadd.s32 v39, v32;
	s8 =	spop (v2sf);
	v52 =	vmov s29;
	(xrf0) =	vadd.scan.msk.s32 $0xffff, v51  }
0x87: {  	v37 =	vadd.s32 v38, v37;
	v35 =	vnsel vm1, $0x1, v32;
	s29 =	sadd.s32 s29, s8;
	v53 =	vadd.s32 $0x1, v52;
	(xrf0) =	vadd.scan.msk.s32 $0xffff, v47  }
0x88: {  	v63 =	vld [tilespmem:$0x2C0];
	v32 =	vnsel vm13, $0x1, v37;
	v56 =	vmov s29;
	vm13 =	vne.s32 v54, $0x1;
	v45, _, _ =	vpop (xrf0)  }
0x89: {  	v38 =	vbroadcast v53, $0x0;
	v37 =	vadd.s32 $0x1, v56;
	(v2sf) =	vpush v45, $0xF  }
0x8a: {  	vm1 =	vne.s32 v59, $0x1;
	(xrf0) =	vadd.scan.msk.s32 $0xffff, v57;
	v49 =	vsel vm13, $0x1, v16;
	v57 =	vld [tilespmem:$0x2D0];
	v37 =	vbroadcast v37, $0x0  }
0x8b: {  	v34 =	vnsel vm7, $0x1, v34;
	v56 =	vsel vm1, $0x1, v16;
	v55 =	vadd.s32 v40, v38;
	s9 =	spop (v2sf);
	v47, _, _ =	vpop (xrf0)  }
0x8c: {  	v37 =	vadd.s32 v42, v37;
	v39 =	vnsel vm3, $0x1, v55;
	s29 =	sadd.s32 s29, s9;
	(v2sf) =	vpush v47, $0xF;
	v48, _, _ =	vpop (xrf0)  }
0x8d: {  	v50 =	vld [tilespmem:$0x2B0];
	(xrf0) =	vadd.scan.msk.s32 $0xffff, v49;
	vm3 =	vne.s32 v63, $0x1;
	s10 =	spop (v2sf);
	v58 =	vmov s29;
	(v2sf) =	vpush v48, $0xF;
	v49, _, _ =	vpop (xrf0)  }
0x8e: {  	v36 =	vnsel vm8, $0x1, v37;
	s29 =	sadd.s32 s29, s10;
	v40 =	vadd.s32 $0x1, v58;
	s11 =	spop (v2sf);
	(v2sf) =	vpush v49, $0xF  }
0x8f: {  	vm10 =	vne.s32 v57, $0x1;
	v60 =	vmov s29;
	v40 =	vbroadcast v40, $0x0  }
0x90: {  	v53 =	vsel vm3, $0x1, v16;
	v51, _, _ =	vpop (xrf0);
	v0 =	vsel vm10, $0xFFFFFFFF, v0;
	v61 =	vadd.s32 $0x1, v60  }
0x91: {  	v63 =	vld [tilespmem:$0x2F0];
	s29 =	sadd.s32 s29, s11;
	s13 =	spop (v2sf);
	(v2sf) =	vpush v51, $0xF;
	v42 =	vbroadcast v61, $0x0;
	v62 =	vadd.s32 v43, v40  }
0x92: {  	(xrf0) =	vadd.scan.msk.s32 $0xffff, v56;
	v58 =	vmov s29;
	s29 =	sadd.s32 s29, s13;
	v61 =	vld [tilespmem:$0x2E0];
	v37 =	vnsel vm9, $0x1, v62;
	vm9 =	vne.s32 v50, $0x1  }
0x93: {  	v52, _, _ =	vpop (xrf0);
	v59 =	vadd.s32 $0x1, v58;
	v60 =	vmov s29;
	v50 =	vsel vm9, $0x1, v16;
	s14 =	spop (v2sf)  }
0x94: {  	v55 =	vadd.s32 v41, v42;
	v41 =	vbroadcast v59, $0x0;
	(v2sf) =	vpush v52, $0xF;
	(xrf0) =	vadd.scan.msk.s32 $0xffff, v50;
	s29 =	sadd.s32 s29, s14  }
0x95: {  	v43 =	vadd.s32 $0x1, v60;
	v42 =	vsel vm10, $0x1, v16;
	v62 =	vmov s29;
	(xrf0) =	vadd.scan.msk.s32 $0xffff, v53  }
0x96: {  	vm7 =	vne.s32 v63, $0x1;
	v63 =	vld [tilespmem:$0x310];
	v43 =	vbroadcast v43, $0x0;
	v40 =	vadd.s32 $0x1, v62;
	(xrf0) =	vadd.scan.msk.s32 $0xffff, v42  }
0x97: {  	v41 =	vadd.s32 v44, v41;
	vm10 =	vne.s32 v61, $0x1;
	v56 =	vbroadcast v40, $0x0  }
0x98: {  	v38 =	vnsel vm15, $0x1, v55;
	v41 =	vnsel vm5, $0x1, v41;
	v53, _, _ =	vpop (xrf0);
	v50 =	vsel vm10, $0x1, v16;
	s15 =	spop (v2sf)  }
0x99: {  	v43 =	vadd.s32 v46, v43;
	(v2sf) =	vpush v53, $0xF;
	v58 =	vadd.s32 v45, v56;
	v45 =	vld [tilespmem:$0x300];
	s29 =	sadd.s32 s29, s15  }
0x9a: {  	v62 =	vsel vm7, $0x1, v16;
	v40 =	vnsel vm14, $0x1, v43;
	v54, _, _ =	vpop (xrf0);
	v57 =	vmov s29  }
0x9b: {  	(xrf0) =	vadd.scan.msk.s32 $0xffff, v50;
	vm14 =	vne.s32 v63, $0x1;
	s16 =	spop (v2sf);
	(v2sf) =	vpush v54, $0xF;
	v50, _, _ =	vpop (xrf0);
	v42 =	vadd.s32 $0x1, v57  }
0x9c: {  	s29 =	sadd.s32 s29, s16;
	s17 =	spop (v2sf);
	(v2sf) =	vpush v50, $0xF;
	v56, _, _ =	vpop (xrf0);
	v57 =	vsel vm14, $0x1, v16;
	v59 =	vbroadcast v42, $0x0  }
0x9d: {  	(xrf0) =	vadd.scan.msk.s32 $0xffff, v62;
	v42 =	vnsel vm11, $0x1, v58;
	v60 =	vmov s29;
	s29 =	sadd.s32 s29, s17;
	s18 =	spop (v2sf);
	(v2sf) =	vpush v56, $0xF  }
0x9e: {  	v43 =	vadd.s32 $0x1, v60;
	v55 =	vmov s29;
	vm11 =	vne.s32 v45, $0x1;
	v45 =	vld [tilespmem:$0x320]  }
0x9f: {  	s29 =	sadd.s32 s29, s18;
	v61 =	vadd.s32 v47, v59;
	v43 =	vbroadcast v43, $0x0;
	v59 =	vadd.s32 $0x1, v55  }
0xa0: {  	s19 =	spop (v2sf);
	v46 =	vbroadcast v59, $0x0;
	v44 =	vnsel vm6, $0x1, v61;
	v61 =	vmov s29  }
0xa1: {  	v63 =	vld [tilespmem:$0x330];
	v60 =	vsel vm11, $0x1, v16;
	s29 =	sadd.s32 s29, s19;
	v43 =	vadd.s32 v48, v43;
	v62 =	vadd.s32 $0x1, v61;
	v55, _, _ =	vpop (xrf0)  }
0xa2: {  	(xrf0) =	vadd.scan.msk.s32 $0xffff, v60;
	v60 =	vmov s29;
	v46 =	vadd.s32 v49, v46;
	(v2sf) =	vpush v55, $0xF  }
0xa3: {  	(xrf0) =	vadd.scan.msk.s32 $0xffff, v57;
	v57 =	vld [tilespmem:$0x340];
	v48 =	vbroadcast v62, $0x0;
	v49 =	vadd.s32 $0x1, v60;
	s20 =	spop (v2sf);
	v58, _, _ =	vpop (xrf0);
	vm15 =	vne.s32 v45, $0x1  }
0xa4: {  	v49 =	vbroadcast v49, $0x0;
	s29 =	sadd.s32 s29, s20;
	(v2sf) =	vpush v58, $0xF;
	v45 =	vnsel vm2, $0x1, v46  }
0xa5: {  	v59 =	vsel vm15, $0x1, v16;
	v46 =	vadd.s32 v51, v48;
	v61 =	vmov s29;
	v51 =	vld [tilespmem:$0x350]  }
0xa6: {  	vm8 =	vne.s32 v63, $0x1;
	v43 =	vnsel vm12, $0x1, v43;
	(xrf0) =	vadd.scan.msk.s32 $0xffff, v59;
	v48 =	vadd.s32 $0x1, v61;
	v61 =	vld [tilespmem:$0x360]  }
0xa7: {  	v60 =	vsel vm8, $0x1, v16;
	v49 =	vadd.s32 v52, v49;
	v52 =	vbroadcast v48, $0x0  }
0xa8: {  	v48 =	vnsel vm4, $0x1, v46;
	v47 =	vnsel vm13, $0x1, v49;
	(xrf0) =	vadd.scan.msk.s32 $0xffff, v60;
	vm4 =	vne.s32 v57, $0x1;
	v60 =	vld [tilespmem:$0x370];
	v59, _, _ =	vpop (xrf0);
	s21 =	spop (v2sf)  }
0xa9: {  	v57 =	vsel vm4, $0x1, v16;
	(v2sf) =	vpush v59, $0xF;
	v62 =	vadd.s32 v53, v52;
	s29 =	sadd.s32 s29, s21  }
0xaa: {  	v46 =	vnsel vm1, $0x1, v62;
	vm12 =	vne.s32 v51, $0x1;
	v63 =	vmov s29  }
0xab: {  	v53, _, _ =	vpop (xrf0);
	(xrf0) =	vadd.scan.msk.s32 $0xffff, v57;
	s22 =	spop (v2sf);
	v51 =	vsel vm12, $0x1, v16;
	vm2 =	vne.s32 v61, $0x1;
	v49 =	vadd.s32 $0x1, v63  }
0xac: {  	(v2sf) =	vpush v53, $0xF;
	s29 =	sadd.s32 s29, s22;
	v57, _, _ =	vpop (xrf0);
	s23 =	spop (v2sf);
	(xrf0) =	vadd.scan.msk.s32 $0xffff, v51;
	v51 =	vsel vm2, $0x1, v16;
	v49 =	vbroadcast v49, $0x0  }
0xad: {  	v63 =	vld [tilespmem:$0x390];
	vm5 =	vne.s32 v60, $0x1;
	v52 =	vmov s29;
	(v2sf) =	vpush v57, $0xF;
	s29 =	sadd.s32 s29, s23;
	s24 =	spop (v2sf)  }
0xae: {  	v60 =	vsel vm5, $0x1, v16;
	v61 =	vmov s29;
	s29 =	sadd.s32 s29, s24;
	v49 =	vadd.s32 v54, v49;
	v54 =	vld [tilespmem:$0x380]  }
0xaf: {  	v62, _, _ =	vpop (xrf0);
	(xrf0) =	vadd.scan.msk.s32 $0xffff, v51;
	v52 =	vadd.s32 $0x1, v52;
	v51 =	vadd.s32 $0x1, v61;
	v61 =	vmov s29  }
0xb0: {  	(v2sf) =	vpush v62, $0xF;
	(xrf0) =	vadd.scan.msk.s32 $0xffff, v60;
	v60 =	vld [tilespmem:$0x3A0];
	v52 =	vbroadcast v52, $0x0  }
0xb1: {  	v49 =	vnsel vm9, $0x1, v49;
	v51 =	vbroadcast v51, $0x0  }
0xb2: {  	v50 =	vadd.s32 v50, v52;
	v52 =	vadd.s32 $0x1, v61;
	vm1 =	vne.s32 v63, $0x1;
	v61, _, _ =	vpop (xrf0)  }
0xb3: {  	v52 =	vbroadcast v52, $0x0;
	s25 =	spop (v2sf);
	(v2sf) =	vpush v61, $0xF;
	vm9 =	vne.s32 v54, $0x1  }
0xb4: {  	v2 =	vld [tilespmem:$0x3B0];
	[tilespmem:$0x1FF40] =	vst v0;
	v51 =	vadd.s32 v56, v51;
	v63 =	vsel vm1, $0x1, v16;
	s29 =	sadd.s32 s29, s25;
	s26 =	spop (v2sf);
	v56 =	vsel vm9, $0x1, v16  }
0xb5: {  	vm6 =	vne.s32 v60, $0x1;
	v54 =	vadd.s32 v55, v52;
	v52 =	vmov s29;
	v55, _, _ =	vpop (xrf0);
	s29 =	sadd.s32 s29, s26;
	(xrf0) =	vadd.scan.msk.s32 $0xffff, v56  }
0xb6: {  	v0 =	vadd.s32 $0x1, v52;
	(v2sf) =	vpush v55, $0xF;
	v56 =	vmov s29;
	(xrf0) =	vadd.scan.msk.s32 $0xffff, v63;
	v63 =	vld [tilespmem:$0x1FF40]  }
0xb7: {  	v60 =	vld [tilespmem:$0x3C0];
	v1, _, _ =	vpop (xrf0);
	v52 =	vnsel vm3, $0x1, v50;
	v50 =	vnsel vm10, $0x1, v54;
	v56 =	vadd.s32 $0x1, v56  }
0xb8: {  	(v2sf) =	vpush v1, $0xF;
	v0 =	vbroadcast v0, $0x0;
	v54 =	vbroadcast v56, $0x0  }
0xb9: {  	vm10 =	vne.s32 v2, $0x1;
	s28 =	spop (v2sf)  }
0xba: {  	v0 =	vadd.s32 v58, v0;
	v58, _, _ =	vpop (xrf0);
	s29 =	sadd.s32 s29, s28;
	v54 =	vadd.s32 v59, v54;
	v59 =	vsel vm6, $0x1, v16  }
0xbb: {  	[tilespmem:$0x8F0] =	vst v22;
	(v2sf) =	vpush v58, $0xF;
	s31 =	spop (v2sf);
	vm3 =	vnez.u8 v63;
	v63 =	vmov s29  }
0xbc: {  	[tilespmem:$0x8E0] =	vst v23;
	vm13 =	vne.s32 v60, $0x1;
	v23 =	vnsel vm7, $0x1, v0;
	s29 =	sadd.s32 s29, s31;
	v56 =	vadd.s32 $0x1, v63  }
0xbd: {  	(xrf0) =	vadd.scan.msk.s32 $0xffff, v59;
	s0 =	spop (v2sf);
	v59, _, _ =	vpop (xrf0);
	v2 =	vmov s29;
	v63 =	vsel vm10, $0x1, v16;
	v56 =	vbroadcast v56, $0x0  }
0xbe: {  	v60 =	vsel vm13, $0x1, v16;
	s29 =	sadd.s32 s29, s0;
	(v2sf) =	vpush v59, $0xF;
	v2 =	vadd.s32 $0x1, v2;
	(xrf0) =	vadd.scan.msk.s32 $0xffff, v63;
	v63 =	vld [tilespmem:$0x3D0]  }
0xbf: {  	[tilespmem:$0x900] =	vst v20;
	s1 =	spop (v2sf);
	v2 =	vbroadcast v2, $0x0;
	v0 =	vadd.s32 v53, v56;
	v56 =	vmov s29  }
0xc0: {  	[tilespmem:$0x910] =	vst v21;
	v22 =	vnsel vm11, $0x1, v54;
	v51 =	vnsel vm3, $0x1, v51;
	s29 =	sadd.s32 s29, s1;
	v20 =	vadd.s32 $0x1, v56  }
0xc1: {  	[tilespmem:$0x920] =	vst v25;
	v53, _, _ =	vpop (xrf0);
	v2 =	vadd.s32 v57, v2;
	v57 =	vld [tilespmem:$0x3E0];
	v21 =	vnsel vm14, $0x1, v0;
	v0 =	vmov s29  }
0xc2: {  	[tilespmem:$0x930] =	vst v26;
	(v2sf) =	vpush v53, $0xF;
	v54 =	vbroadcast v20, $0x0;
	s2 =	spop (v2sf);
	v0 =	vadd.s32 $0x1, v0  }
0xc3: {  	[tilespmem:$0x940] =	vst v24;
	v56 =	vld [tilespmem:$0x3F0];
	v20 =	vnsel vm15, $0x1, v2;
	s29 =	sadd.s32 s29, s2;
	v0 =	vbroadcast v0, $0x0;
	vm15 =	vne.s32 v63, $0x1  }
0xc4: {  	(xrf0) =	vadd.scan.msk.s32 $0xffff, v60;
	v2, _, _ =	vpop (xrf0);
	v25 =	vadd.s32 v62, v54;
	v62 =	vmov s29;
	v26 =	vsel vm15, $0x1, v16  }
0xc5: {  	[tilespmem:$0x950] =	vst v28;
	s3 =	spop (v2sf);
	(v2sf) =	vpush v2, $0xF;
	v60 =	vadd.s32 $0x1, v62;
	v0 =	vadd.s32 v61, v0  }
0xc6: {  	[tilespmem:$0x980] =	vst v33;
	v33 =	vld [tilespmem:$0x420];
	s29 =	sadd.s32 s29, s3;
	v25 =	vnsel vm8, $0x1, v25;
	v54, _, _ =	vpop (xrf0);
	v60 =	vbroadcast v60, $0x0;
	vm14 =	vne.s32 v57, $0x1  }
0xc7: {  	s4 =	spop (v2sf);
	(xrf0) =	vadd.scan.msk.s32 $0xffff, v26;
	v57 =	vld [tilespmem:$0x400];
	v24 =	vnsel vm4, $0x1, v0;
	v28 =	vmov s29;
	(v2sf) =	vpush v54, $0xF  }
0xc8: {  	s30 =	sadd.s32 s29, s4;
	vm11 =	vne.s32 v56, $0x1;
	v0 =	vsel vm14, $0x1, v16;
	v61 =	vadd.s32 $0x1, v28  }
0xc9: {  	v63 =	vsel vm11, $0x1, v16;
	v26 =	vadd.s32 v55, v60;
	v55 =	vmov s30;
	(xrf0) =	vadd.scan.msk.s32 $0xffff, v0;
	v0 =	vld [tilespmem:$0x410]  }
0xca: {  	[tilespmem:$0x960] =	vst v27;
	v27 =	vbroadcast v61, $0x0;
	s5 =	spop (v2sf);
	v62 =	vadd.s32 $0x1, v55;
	v26 =	vnsel vm12, $0x1, v26;
	v60, _, _ =	vpop (xrf0)  }
0xcb: {  	[tilespmem:$0x970] =	vst v30;
	s29 =	sadd.s32 s30, s5;
	vm12 =	vne.s32 v33, $0x1;
	v28 =	vbroadcast v62, $0x0;
	(v2sf) =	vpush v60, $0xF  }
0xcc: {  	[tilespmem:$0x9D0] =	vst v32;
	v32 =	vld [tilespmem:$0x480];
	v1 =	vadd.s32 v1, v27;
	v62 =	vmov s29;
	vm7 =	vne.s32 v57, $0x1  }
0xcd: {  	[tilespmem:$0x990] =	vst v31;
	v55, _, _ =	vpop (xrf0);
	v27 =	vadd.s32 v58, v28;
	v61 =	vsel vm7, $0x1, v16;
	v28 =	vadd.s32 $0x1, v62;
	v62 =	vld [tilespmem:$0x440];
	s6 =	spop (v2sf)  }
0xce: {  	(xrf0) =	vadd.scan.msk.s32 $0xffff, v63;
	(v2sf) =	vpush v55, $0xF;
	vm8 =	vne.s32 v0, $0x1;
	v0 =	vld [tilespmem:$0x430];
	v28 =	vbroadcast v28, $0x0;
	s29 =	sadd.s32 s29, s6  }
0xcf: {  	v58 =	vsel vm12, $0x1, v16;
	(xrf0) =	vadd.scan.msk.s32 $0xffff, v61;
	v56, _, _ =	vpop (xrf0);
	v61 =	vsel vm8, $0x1, v16;
	v63 =	vmov s29  }
0xd0: {  	(xrf0) =	vadd.scan.msk.s32 $0xffff, v61;
	(v2sf) =	vpush v56, $0xF;
	v31 =	vadd.s32 v59, v28;
	v61 =	vimm.s32 $0x0  }
0xd1: {  	[tilespmem:$0x9A0] =	vst v29;
	v28 =	vnsel vm2, $0x1, v1;
	vm2 =	vne.s32 v32, $0x1;
	s7 =	spop (v2sf);
	v30 =	vadd.s32 $0x1, v63  }
0xd2: {  	(xrf0) =	vadd.scan.msk.s32 $0xffff, v58;
	v57 =	vsel vm2, $0x1, v16;
	s29 =	sadd.s32 s29, s7;
	v63 =	vbroadcast v30, $0x0;
	vm4 =	vne.s32 v62, $0x1  }
0xd3: {  	[tilespmem:$0x9B0] =	vst v34;
	v33 =	vmov s29;
	vm3 =	vne.s32 v0, $0x1;
	v30 =	vsel vm4, $0xFFFFFFFF, v61  }
0xd4: {  	[tilespmem:$0x9C0] =	vst v35;
	v61 =	vld [tilespmem:$0x460];
	v34 =	vadd.s32 $0x1, v33;
	v29 =	vadd.s32 v53, v63;
	v53, _, _ =	vpop (xrf0);
	v59 =	vsel vm3, $0x1, v16  }
0xd5: {  	v63 =	vsel vm4, $0x1, v16;
	v33 =	vbroadcast v34, $0x0;
	s8 =	spop (v2sf);
	(v2sf) =	vpush v53, $0xF;
	v34 =	vld [tilespmem:$0x450];
	(xrf0) =	vadd.scan.msk.s32 $0xffff, v59  }
0xd6: {  	[tilespmem:$0x1FF50] =	vst v30;
	v30 =	vnsel vm5, $0x1, v27;
	v27 =	vnsel vm9, $0x1, v31;
	v0, _, _ =	vpop (xrf0);
	s29 =	sadd.s32 s29, s8;
	(xrf0) =	vadd.scan.msk.s32 $0xffff, v63;
	v63 =	vld [tilespmem:$0x470];
	s9 =	spop (v2sf)  }
0xd7: {  	[tilespmem:$0x9E0] =	vst v39;
	(v2sf) =	vpush v0, $0xF;
	v58, _, _ =	vpop (xrf0);
	v62 =	vmov s29;
	v1 =	vadd.s32 v2, v33;
	s29 =	sadd.s32 s29, s9  }
0xd8: {  	[tilespmem:$0x9F0] =	vst v36;
	(v2sf) =	vpush v58, $0xF;
	v35, _, _ =	vpop (xrf0);
	v2 =	vadd.s32 $0x1, v62;
	v62 =	vmov s29  }
0xd9: {  	[tilespmem:$0xA00] =	vst v37;
	(v2sf) =	vpush v35, $0xF;
	v2 =	vbroadcast v2, $0x0;
	v39 =	vadd.s32 $0x1, v62  }
0xda: {  	[tilespmem:$0xA10] =	vst v38;
	vm9 =	vne.s32 v61, $0x1;
	vm5 =	vne.s32 v34, $0x1;
	v31 =	vbroadcast v39, $0x0;
	s10 =	spop (v2sf)  }
0xdb: {  	[tilespmem:$0xA20] =	vst v41;
	v2 =	vadd.s32 v54, v2;
	v34 =	vsel vm5, $0x1, v16;
	vm4 =	vne.s32 v63, $0x1;
	v63 =	vld [tilespmem:$0x490];
	s29 =	sadd.s32 s29, s10  }
0xdc: {  	(xrf0) =	vadd.scan.msk.s32 $0xffff, v34;
	v34 =	vnsel vm6, $0x1, v1;
	v1 =	vld [tilespmem:$0x4A0];
	v31 =	vadd.s32 v60, v31;
	v59 =	vmov s29;
	v39, _, _ =	vpop (xrf0)  }
0xdd: {  	[tilespmem:$0xAC0] =	vst v52;
	v60 =	vsel vm9, $0x1, v16;
	v36 =	vadd.s32 $0x1, v59;
	(v2sf) =	vpush v39, $0xF;
	v54, _, _ =	vpop (xrf0)  }
0xde: {  	v52 =	vld [tilespmem:$0x500];
	s11 =	spop (v2sf);
	v62 =	vsel vm4, $0x1, v16;
	(xrf0) =	vadd.scan.msk.s32 $0xffff, v60;
	v61 =	vbroadcast v36, $0x0;
	(v2sf) =	vpush v54, $0xF  }
0xdf: {  	v33 =	vnsel vm10, $0x1, v2;
	s29 =	sadd.s32 s29, s11;
	v31 =	vnsel vm13, $0x1, v31;
	(xrf0) =	vadd.scan.msk.s32 $0xffff, v62;
	v36 =	vnsel vm1, $0x1, v29;
	v62 =	vld [tilespmem:$0x4C0]  }
0xe0: {  	[tilespmem:$0xA30] =	vst v40;
	s13 =	spop (v2sf);
	vm13 =	vne.s32 v63, $0x1;
	v41 =	vadd.s32 v55, v61;
	v55 =	vmov s29  }
0xe1: {  	(xrf0) =	vadd.scan.msk.s32 $0xffff, v57;
	s29 =	sadd.s32 s29, s13;
	v37 =	vsel vm13, $0x1, v16;
	vm10 =	vne.s32 v1, $0x1;
	v2 =	vadd.s32 $0x1, v55  }
0xe2: {  	[tilespmem:$0xA40] =	vst v42;
	v1 =	vld [tilespmem:$0x4B0];
	v29 =	vnsel vm15, $0x1, v41;
	v59 =	vmov s29;
	v40, _, _ =	vpop (xrf0);
	v61 =	vsel vm10, $0x1, v16  }
0xe3: {  	(xrf0) =	vadd.scan.msk.s32 $0xffff, v37;
	v2 =	vbroadcast v2, $0x0;
	v32 =	vadd.s32 $0x1, v59;
	(v2sf) =	vpush v40, $0xF  }
0xe4: {  	[tilespmem:$0xA50] =	vst v44;
	vm15 =	vne.s32 v52, $0x1;
	v41, _, _ =	vpop (xrf0);
	s14 =	spop (v2sf);
	v60 =	vbroadcast v32, $0x0;
	vm6 =	vne.s32 v62, $0x1  }
0xe5: {  	(xrf0) =	vadd.scan.msk.s32 $0xffff, v61;
	(v2sf) =	vpush v41, $0xF;
	v2 =	vadd.s32 v56, v2;
	s29 =	sadd.s32 s29, s14;
	v42, _, _ =	vpop (xrf0);
	v37 =	vsel vm6, $0x1, v16  }
0xe6: {  	[tilespmem:$0xA60] =	vst v43;
	s15 =	spop (v2sf);
	v32 =	vnsel vm14, $0x1, v2;
	v2 =	vmov s29;
	(v2sf) =	vpush v42, $0xF  }
0xe7: {  	[tilespmem:$0xA80] =	vst v48;
	s29 =	sadd.s32 s29, s15;
	v38 =	vadd.s32 v53, v60;
	s16 =	spop (v2sf);
	v44, _, _ =	vpop (xrf0);
	vm1 =	vne.s32 v1, $0x1;
	v2 =	vadd.s32 $0x1, v2  }
0xe8: {  	[tilespmem:$0xA90] =	vst v47;
	v1 =	vld [tilespmem:$0x4D0];
	v63 =	vmov s29;
	s29 =	sadd.s32 s29, s16;
	(v2sf) =	vpush v44, $0xF;
	s17 =	spop (v2sf);
	v53 =	vsel vm1, $0x1, v16  }
0xe9: {  	[tilespmem:$0xAA0] =	vst v46;
	v62 =	vld [tilespmem:$0x4F0];
	v2 =	vbroadcast v2, $0x0;
	v43 =	vadd.s32 $0x1, v63;
	v48 =	vmov s29;
	s29 =	sadd.s32 s29, s17;
	v47, _, _ =	vpop (xrf0)  }
0xea: {  	(xrf0) =	vadd.scan.msk.s32 $0xffff, v53;
	v43 =	vbroadcast v43, $0x0;
	v55 =	vmov s29;
	(v2sf) =	vpush v47, $0xF  }
0xeb: {  	v46, _, _ =	vpop (xrf0);
	(xrf0) =	vadd.scan.msk.s32 $0xffff, v37;
	v37 =	vnsel vm11, $0x1, v38;
	v0 =	vadd.s32 v0, v2;
	v2 =	vadd.s32 $0x1, v48  }
0xec: {  	v56 =	vadd.s32 $0x1, v55;
	(v2sf) =	vpush v46, $0xF;
	v43 =	vadd.s32 v58, v43;
	s18 =	spop (v2sf)  }
0xed: {  	v2 =	vbroadcast v2, $0x0;
	v57 =	vbroadcast v56, $0x0;
	vm11 =	vne.s32 v1, $0x1;
	v1 =	vld [tilespmem:$0x4E0];
	s29 =	sadd.s32 s29, s18;
	s19 =	spop (v2sf)  }
0xee: {  	v38 =	vnsel vm7, $0x1, v0;
	vm7 =	vne.s32 v62, $0x1;
	v60 =	vsel vm11, $0x1, v16;
	s30 =	sadd.s32 s29, s19  }
0xef: {  	[tilespmem:$0xA70] =	vst v45;
	v2 =	vadd.s32 v35, v2;
	v63 =	vadd.s32 v39, v57;
	v59 =	vmov s30  }
0xf0: {  	(xrf0) =	vadd.scan.msk.s32 $0xffff, v60;
	v39 =	vnsel vm8, $0x1, v43;
	v58 =	vmov s29;
	v61 =	vadd.s32 $0x1, v59  }
0xf1: {  	[tilespmem:$0xAD0] =	vst v51;
	v51, _, _ =	vpop (xrf0);
	v35 =	vnsel vm12, $0x1, v2;
	v0 =	vadd.s32 $0x1, v58;
	v59 =	vld [tilespmem:$0x1FF50];
	v45 =	vbroadcast v61, $0x0  }
0xf2: {  	[tilespmem:$0xAB0] =	vst v49;
	vm14 =	vne.s32 v1, $0x1;
	v0 =	vbroadcast v0, $0x0;
	s20 =	spop (v2sf);
	(v2sf) =	vpush v51, $0xF  }
0xf3: {  	[tilespmem:$0xAE0] =	vst v50;
	v61 =	vsel vm15, $0x1, v16;
	s29 =	sadd.s32 s30, s20;
	v2 =	vadd.s32 v40, v45;
	v45 =	vsel vm14, $0x1, v16  }
0xf4: {  	[tilespmem:$0xAF0] =	vst v23;
	v56 =	vld [tilespmem:$0x510];
	v43, _, _ =	vpop (xrf0);
	v0 =	vadd.s32 v54, v0;
	v54 =	vsel vm7, $0x1, v16;
	s21 =	spop (v2sf);
	v1 =	vmov s29  }
0xf5: {  	[tilespmem:$0xB10] =	vst v21;
	(v2sf) =	vpush v43, $0xF;
	v40 =	vnsel vm3, $0x1, v63;
	s29 =	sadd.s32 s29, s21;
	v1 =	vadd.s32 $0x1, v1;
	s22 =	spop (v2sf)  }
0xf6: {  	v63 =	vld [tilespmem:$0x530];
	(xrf0) =	vadd.scan.msk.s32 $0xffff, v45;
	v50 =	vmov s29;
	v1 =	vbroadcast v1, $0x0;
	s29 =	sadd.s32 s29, s22;
	vm3 =	vnez.u8 v59;
	v45, _, _ =	vpop (xrf0)  }
0xf7: {  	[tilespmem:$0xB20] =	vst v20;
	v62 =	vld [tilespmem:$0x520];
	s23 =	spop (v2sf);
	v53 =	vadd.s32 $0x1, v50;
	v55 =	vmov s29;
	(v2sf) =	vpush v45, $0xF  }
0xf8: {  	(xrf0) =	vadd.scan.msk.s32 $0xffff, v54;
	s29 =	sadd.s32 s29, s23;
	v21 =	vbroadcast v53, $0x0;
	v1 =	vadd.s32 v41, v1;
	v20 =	vadd.s32 $0x1, v55  }
0xf9: {  	[tilespmem:$0xB00] =	vst v22;
	v54 =	vld [tilespmem:$0x570];
	v58 =	vmov s29;
	v41 =	vnsel vm3, $0x1, v0;
	vm3 =	vne.s32 v56, $0x1  }
0xfa: {  	[tilespmem:$0xB30] =	vst v25;
	v20 =	vbroadcast v20, $0x0;
	v0 =	vadd.s32 $0x1, v58;
	v23 =	vsel vm3, $0x1, v16  }
0xfb: {  	v49 =	vld [tilespmem:$0x540];
	[tilespmem:$0xB40] =	vst v24;
	vm12 =	vne.s32 v63, $0x1;
	v58 =	vimm.s32 $0x0;
	v57 =	vadd.s32 v42, v21  }
0xfc: {  	(xrf0) =	vadd.scan.msk.s32 $0xffff, v61;
	s24 =	spop (v2sf);
	v0 =	vbroadcast v0, $0x0;
	v21 =	vnsel vm5, $0x1, v2;
	vm5 =	vne.s32 v62, $0x1;
	v42, _, _ =	vpop (xrf0)  }
0xfd: {  	[tilespmem:$0xB50] =	vst v26;
	s29 =	sadd.s32 s29, s24;
	s25 =	spop (v2sf);
	v60 =	vadd.s32 v44, v20;
	v20 =	vnsel vm9, $0x1, v1;
	(v2sf) =	vpush v42, $0xF  }
0xfe: {  	v56 =	vld [tilespmem:$0x580];
	(xrf0) =	vadd.scan.msk.s32 $0xffff, v23;
	v1 =	vmov s29;
	s29 =	sadd.s32 s29, s25;
	v23 =	vnsel vm4, $0x1, v57;
	vm8 =	vne.s32 v54, $0x1;
	v2, _, _ =	vpop (xrf0)  }
0xff: {  	[tilespmem:$0xB60] =	vst v28;
	v0 =	vadd.s32 v47, v0;
	v44 =	vmov s29;
	(v2sf) =	vpush v2, $0xF  }
0x100: {  	[tilespmem:$0xB70] =	vst v30;
	v62 =	vld [tilespmem:$0x5A0];
	v1 =	vadd.s32 $0x1, v1;
	v25 =	vnsel vm2, $0x1, v60;
	vm2 =	vne.s32 v49, $0x1  }
0x101: {  	[tilespmem:$0xB80] =	vst v27;
	v52 =	vld [tilespmem:$0x560];
	v47 =	vadd.s32 $0x1, v44;
	v22 =	vnsel vm13, $0x1, v0;
	v0 =	vsel vm5, $0x1, v16  }
0x102: {  	v61 =	vsel vm8, $0x1, v16;
	v1 =	vbroadcast v1, $0x0;
	v30, _, _ =	vpop (xrf0);
	v48 =	vbroadcast v47, $0x0;
	(xrf0) =	vadd.scan.msk.s32 $0xffff, v0;
	v0 =	vld [tilespmem:$0x550]  }
0x103: {  	[tilespmem:$0xBB0] =	vst v33;
	v55 =	vsel vm2, $0x1, v16;
	vm4 =	vne.s32 v56, $0x1;
	(v2sf) =	vpush v30, $0xF  }
0x104: {  	[tilespmem:$0xB90] =	vst v36;
	v1 =	vadd.s32 v46, v1;
	v27 =	vadd.s32 v51, v48;
	v51 =	vsel vm12, $0x1, v16;
	s26 =	spop (v2sf)  }
0x105: {  	vm13 =	vne.s32 v62, $0x1;
	v26 =	vnsel vm10, $0x1, v1;
	v33, _, _ =	vpop (xrf0);
	v24 =	vnsel vm1, $0x1, v27;
	(xrf0) =	vadd.scan.msk.s32 $0xffff, v51;
	s29 =	sadd.s32 s29, s26;
	s28 =	spop (v2sf)  }
0x106: {  	(v2sf) =	vpush v33, $0xF;
	vm1 =	vne.s32 v52, $0x1;
	(xrf0) =	vadd.scan.msk.s32 $0xffff, v55;
	v50 =	vmov s29;
	s29 =	sadd.s32 s29, s28;
	s31 =	spop (v2sf)  }
0x107: {  	[tilespmem:$0xBD0] =	vst v29;
	vm9 =	vne.s32 v0, $0x1;
	v1 =	vadd.s32 $0x1, v50;
	v53 =	vmov s29;
	s29 =	sadd.s32 s29, s31  }
0x108: {  	[tilespmem:$0xBE0] =	vst v32;
	v63 =	vld [tilespmem:$0x5B0];
	v29, _, _ =	vpop (xrf0);
	v57 =	vsel vm9, $0x1, v16;
	v1 =	vbroadcast v1, $0x0;
	v0 =	vmov s29  }
0x109: {  	v59 =	vld [tilespmem:$0x590];
	v60 =	vsel vm1, $0x1, v16;
	(v2sf) =	vpush v29, $0xF;
	(xrf0) =	vadd.scan.msk.s32 $0xffff, v57;
	v0 =	vadd.s32 $0x1, v0  }
0x10a: {  	v27 =	vadd.s32 $0x1, v53;
	(xrf0) =	vadd.scan.msk.s32 $0xffff, v60;
	v1 =	vadd.s32 v43, v1;
	v0 =	vbroadcast v0, $0x0  }
0x10b: {  	v27 =	vbroadcast v27, $0x0;
	v43, _, _ =	vpop (xrf0);
	(xrf0) =	vadd.scan.msk.s32 $0xffff, v61;
	v28 =	vnsel vm6, $0x1, v1;
	v1 =	vsel vm4, $0x1, v16  }
0x10c: {  	v32 =	vsel vm13, $0x1, v16;
	v36 =	vsel vm1, $0xFFFFFFFF, v58;
	s0 =	spop (v2sf);
	v0 =	vadd.s32 v42, v0;
	v42, _, _ =	vpop (xrf0);
	(xrf0) =	vadd.scan.msk.s32 $0xffff, v1;
	v1 =	vld [tilespmem:$0x5C0]  }
0x10d: {  	[tilespmem:$0xBA0] =	vst v34;
	v50 =	vld [tilespmem:$0x5D0];
	(v2sf) =	vpush v43, $0xF;
	vm6 =	vne.s32 v63, $0x1;
	v27 =	vadd.s32 v45, v27;
	s29 =	sadd.s32 s29, s0  }
0x10e: {  	[tilespmem:$0xBF0] =	vst v37;
	v27 =	vnsel vm11, $0x1, v27;
	vm11 =	vne.s32 v59, $0x1;
	s1 =	spop (v2sf);
	v47 =	vmov s29  }
0x10f: {  	[tilespmem:$0x1FF60] =	vst v36;
	v53 =	vld [tilespmem:$0x5F0];
	v36 =	vsel vm11, $0x1, v16;
	s29 =	sadd.s32 s29, s1;
	v34 =	vadd.s32 $0x1, v47;
	(v2sf) =	vpush v42, $0xF;
	v44, _, _ =	vpop (xrf0)  }
0x110: {  	v48 =	vmov s29;
	(xrf0) =	vadd.scan.msk.s32 $0xffff, v36;
	v34 =	vbroadcast v34, $0x0;
	(v2sf) =	vpush v44, $0xF;
	v37, _, _ =	vpop (xrf0)  }
0x111: {  	v49 =	vadd.s32 $0x1, v48;
	(v2sf) =	vpush v37, $0xF;
	vm10 =	vne.s32 v1, $0x1;
	v1 =	vld [tilespmem:$0x5E0]  }
0x112: {  	v51 =	vsel vm6, $0x1, v16;
	vm1 =	vne.s32 v50, $0x1;
	(xrf0) =	vadd.scan.msk.s32 $0xffff, v32;
	v36 =	vbroadcast v49, $0x0  }
0x113: {  	[tilespmem:$0xC00] =	vst v38;
	v58 =	vsel vm1, $0x1, v16;
	v38, _, _ =	vpop (xrf0);
	(xrf0) =	vadd.scan.msk.s32 $0xffff, v51  }
0x114: {  	v0 =	vnsel vm14, $0x1, v0;
	vm14 =	vne.s32 v53, $0x1;
	(v2sf) =	vpush v38, $0xF  }
0x115: {  	[tilespmem:$0xBC0] =	vst v31;
	v55 =	vld [tilespmem:$0x600];
	s2 =	spop (v2sf);
	v2 =	vadd.s32 v2, v34;
	v30 =	vadd.s32 v30, v36;
	v34, _, _ =	vpop (xrf0);
	v52 =	vsel vm10, $0x1, v16  }
0x116: {  	s29 =	sadd.s32 s29, s2;
	v2 =	vnsel vm7, $0x1, v2;
	(v2sf) =	vpush v34, $0xF;
	(xrf0) =	vadd.scan.msk.s32 $0xffff, v52;
	v36, _, _ =	vpop (xrf0);
	vm7 =	vne.s32 v1, $0x1  }
0x117: {  	v54 =	vmov s29;
	(v2sf) =	vpush v36, $0xF;
	(xrf0) =	vadd.scan.msk.s32 $0xffff, v58;
	v59 =	vsel vm7, $0x1, v16  }
0x118: {  	[tilespmem:$0xC10] =	vst v39;
	v60 =	vsel vm14, $0x1, v16;
	v56 =	vadd.s32 $0x1, v54;
	s3 =	spop (v2sf);
	v31, _, _ =	vpop (xrf0);
	(xrf0) =	vadd.scan.msk.s32 $0xffff, v59  }
0x119: {  	[tilespmem:$0xC20] =	vst v35;
	v35 =	vbroadcast v56, $0x0;
	s29 =	sadd.s32 s29, s3;
	(v2sf) =	vpush v31, $0xF;
	v39, _, _ =	vpop (xrf0);
	(xrf0) =	vadd.scan.msk.s32 $0xffff, v60  }
0x11a: {  	v57 =	vmov s29;
	v30 =	vnsel vm15, $0x1, v30;
	vm15 =	vne.s32 v55, $0x1;
	s4 =	spop (v2sf)  }
0x11b: {  	[tilespmem:$0xC40] =	vst v41;
	v63 =	vadd.s32 v33, v35;
	v62 =	vsel vm15, $0x1, v16;
	s29 =	sadd.s32 s29, s4;
	(v2sf) =	vpush v39, $0xF  }
0x11c: {  	[tilespmem:$0xC60] =	vst v20;
	v20 =	vnsel vm3, $0x1, v63;
	v61 =	vmov s29;
	s5 =	spop (v2sf);
	v41, _, _ =	vpop (xrf0);
	(xrf0) =	vadd.scan.msk.s32 $0xffff, v62  }
0x11d: {  	v1 =	vadd.s32 $0x1, v57;
	v32 =	vadd.s32 $0x1, v61;
	s29 =	sadd.s32 s29, s5;
	(v2sf) =	vpush v41, $0xF;
	v47, _, _ =	vpop (xrf0)  }
0x11e: {  	[tilespmem:$0xC30] =	vst v40;
	v1 =	vbroadcast v1, $0x0;
	v40 =	vmov s29;
	(v2sf) =	vpush v47, $0xF;
	s6 =	spop (v2sf);
	v49, _, _ =	vpop (xrf0)  }
0x11f: {  	[tilespmem:$0xC50] =	vst v21;
	v32 =	vbroadcast v32, $0x0;
	v45 =	vadd.s32 $0x1, v40;
	s7 =	spop (v2sf);
	(v2sf) =	vpush v49, $0xF;
	v51, _, _ =	vpop (xrf0)  }
0x120: {  	[tilespmem:$0xD10] =	vst v20;
	v20 =	vld [tilespmem:$0x1FF60];
	v1 =	vadd.s32 v29, v1;
	v21 =	vbroadcast v45, $0x0;
	s29 =	sadd.s32 s29, s6;
	s8 =	spop (v2sf);
	(v2sf) =	vpush v51, $0xF  }
0x121: {  	v46 =	vadd.s32 v43, v32;
	v1 =	vnsel vm5, $0x1, v1;
	v48 =	vmov s29;
	s29 =	sadd.s32 s29, s7  }
0x122: {  	[tilespmem:$0xC90] =	vst v22;
	v21 =	vadd.s32 v42, v21;
	v50 =	vadd.s32 $0x1, v48;
	v52 =	vmov s29;
	s29 =	sadd.s32 s29, s8;
	v53, _, _ =	vpop (xrf0)  }
0x123: {  	[tilespmem:$0xCA0] =	vst v26;
	s9 =	spop (v2sf);
	v54 =	vadd.s32 $0x1, v52;
	v55 =	vmov s29;
	(v2sf) =	vpush v53, $0xF  }
0x124: {  	[tilespmem:$0xCB0] =	vst v24;
	v61 =	vld [tilespmem:$0x610];
	v22 =	vbroadcast v50, $0x0;
	v24 =	vbroadcast v54, $0x0;
	v26 =	vadd.s32 $0x1, v55  }
0x125: {  	v21 =	vnsel vm2, $0x1, v21;
	vm2 =	vnez.u8 v20;
	s29 =	sadd.s32 s29, s9;
	s10 =	spop (v2sf);
	v26 =	vbroadcast v26, $0x0  }
0x126: {  	[tilespmem:$0xCE0] =	vst v0;
	v56 =	vmov s29;
	v22 =	vadd.s32 v44, v22;
	s30 =	sadd.s32 s29, s10;
	v0 =	vadd.s32 v37, v24;
	s11 =	spop (v2sf)  }
0x127: {  	[tilespmem:$0xCF0] =	vst v2;
	v24 =	vadd.s32 $0x1, v56;
	v57 =	vmov s30;
	v2 =	vadd.s32 v38, v26;
	s29 =	sadd.s32 s30, s11  }
0x128: {  	v24 =	vbroadcast v24, $0x0;
	v0 =	vnsel vm2, $0x1, v0;
	s13 =	spop (v2sf);
	v59 =	vmov s29  }
0x129: {  	[tilespmem:$0xCC0] =	vst v28;
	vm2 =	vne.s32 v61, $0x1;
	v58 =	vadd.s32 $0x1, v57;
	s29 =	sadd.s32 s29, s13;
	v20 =	vadd.s32 $0x1, v59  }
0x12a: {  	[tilespmem:$0xD00] =	vst v30;
	v2 =	vnsel vm8, $0x1, v2;
	s14 =	spop (v2sf);
	v63 =	vmov s29;
	v20 =	vbroadcast v20, $0x0  }
0x12b: {  	[tilespmem:$0xD20] =	vst v1;
	v26 =	vbroadcast v58, $0x0;
	v1 =	vadd.s32 v34, v24;
	s29 =	sadd.s32 s29, s14;
	v28 =	vadd.s32 $0x1, v63  }
0x12c: {  	[tilespmem:$0xD40] =	vst v21;
	v30 =	vmov s29;
	v21 =	vbroadcast v28, $0x0;
	s15 =	spop (v2sf);
	v20 =	vadd.s32 v31, v20  }
0x12d: {  	[tilespmem:$0xD60] =	vst v0;
	v1 =	vnsel vm4, $0x1, v1;
	v31 =	vadd.s32 $0x1, v30;
	s29 =	sadd.s32 s29, s15;
	v0 =	vnsel vm13, $0x1, v20;
	s16 =	spop (v2sf)  }
0x12e: {  	[tilespmem:$0xD70] =	vst v2;
	v20 =	vbroadcast v31, $0x0;
	v2 =	vadd.s32 v39, v21;
	v34 =	vmov s29;
	s29 =	sadd.s32 s29, s16;
	s17 =	spop (v2sf)  }
0x12f: {  	[tilespmem:$0xD80] =	vst v1;
	v1 =	vnsel vm6, $0x1, v2;
	v35 =	vadd.s32 $0x1, v34;
	v37 =	vmov s29;
	s29 =	sadd.s32 s29, s17;
	s18 =	spop (v2sf)  }
0x130: {  	v2 =	vadd.s32 v41, v20;
	v20 =	vsel vm2, $0x1, v16;
	v39 =	vmov s29;
	s29 =	sadd.s32 s29, s18  }
0x131: {  	v60 =	vadd.s32 v36, v26;
	v36 =	vbroadcast v35, $0x0;
	(xrf0) =	vadd.scan.msk.s32 $0xffff, v20;
	v41 =	vmov s29  }
0x132: {  	[tilespmem:$0xDA0] =	vst v0;
	v2 =	vnsel vm10, $0x1, v2;
	v38 =	vadd.s32 $0x1, v37;
	s19 =	spop (v2sf);
	v42 =	vadd.s32 $0x1, v41  }
0x133: {  	v0 =	vbroadcast v38, $0x0;
	[tilespmem:$0xDC0] =	vst v2;
	v40 =	vadd.s32 $0x1, v39;
	s29 =	sadd.s32 s29, s19;
	v2 =	vbroadcast v42, $0x0  }
0x134: {  	[tilespmem:$0xDB0] =	vst v1;
	v21 =	vadd.s32 v47, v36;
	v1 =	vbroadcast v40, $0x0;
	v43 =	vmov s29  }
0x135: {  	v20 =	vnsel vm1, $0x1, v21;
	v0 =	vadd.s32 v49, v0;
	v44 =	vadd.s32 $0x1, v43  }
0x136: {  	[tilespmem:$0xDD0] =	vst v20;
	v0 =	vnsel vm7, $0x1, v0;
	v1 =	vadd.s32 v51, v1;
	v20 =	vbroadcast v44, $0x0  }
0x137: {  	[tilespmem:$0xDE0] =	vst v0;
	v0 =	vnsel vm14, $0x1, v1;
	v1 =	vadd.s32 v53, v2;
	v2, _, _ =	vpop (xrf0)  }
0x138: {  	[tilespmem:$0xDF0] =	vst v0;
	v0 =	vnsel vm15, $0x1, v1;
	v1 =	vadd.s32 v2, v20  }
0x139: {  	[tilespmem:$0xE00] =	vst v0;
	v0 =	vnsel vm2, $0x1, v1  }
0x13a: {  	[tilespmem:$0xE10] =	vst v0;
	v0 =	vld [tilespmem:$0x620]  }
0x13b: {  	v1 =	vld [tilespmem:$0x630];
	_ =	sdelay $0x3  }
0x13c: {  	[tilespmem:$0xC70] =	vst v23;
	v23 =	vnsel vm12, $0x1, v46;
	vm3 =	vne.s32 v0, $0x1  }
0x13d: {  	(v2sf) =	vpush v2, $0xF;
	vm12 =	vne.s32 v1, $0x1;
	v0 =	vld [tilespmem:$0x640];
	v2 =	vsel vm3, $0x1, v16  }
0x13e: {  	v1 =	vsel vm12, $0x1, v16;
	(xrf0) =	vadd.scan.msk.s32 $0xffff, v2;
	v2 =	vld [tilespmem:$0x660]  }
0x13f: {  	(xrf0) =	vadd.scan.msk.s32 $0xffff, v1;
	v1 =	vld [tilespmem:$0x650];
	_ =	sdelay $0x2  }
0x140: {  	v20 =	vld [tilespmem:$0x670]  }
0x141: {  	vm13 =	vne.s32 v0, $0x1;
	vm2 =	vne.s32 v2, $0x1;
	v2 =	vld [tilespmem:$0x680]  }
0x142: {  	v0 =	vsel vm13, $0x1, v16;
	vm1 =	vne.s32 v1, $0x1  }
0x143: {  	(xrf0) =	vadd.scan.msk.s32 $0xffff, v0;
	v45 =	vsel vm1, $0x1, v16  }
0x144: {  	v46 =	vsel vm2, $0x1, v16;
	(xrf0) =	vadd.scan.msk.s32 $0xffff, v45  }
0x145: {  	(xrf0) =	vadd.scan.msk.s32 $0xffff, v46  }
0x146: {  	[tilespmem:$0xC80] =	vst v25;
	vm8 =	vne.s32 v20, $0x1;
	vm7 =	vne.s32 v2, $0x1;
	v2 =	vld [tilespmem:$0x690]  }
0x147: {  	[tilespmem:$0xCD0] =	vst v27;
	v20 =	vsel vm8, $0x1, v16;
	v0, _, _ =	vpop (xrf0)  }
0x148: {  	[tilespmem:$0xD30] =	vst v23;
	v22 =	vnsel vm9, $0x1, v22;
	(v2sf) =	vpush v0, $0xF;
	v1, _, _ =	vpop (xrf0)  }
0x149: {  	[tilespmem:$0xD50] =	vst v22;
	(v2sf) =	vpush v1, $0xF;
	v47, _, _ =	vpop (xrf0)  }
0x14a: {  	v62 =	vnsel vm11, $0x1, v60;
	(xrf0) =	vadd.scan.msk.s32 $0xffff, v20;
	v48 =	vsel vm7, $0x1, v16;
	(v2sf) =	vpush v47, $0xF;
	v20, _, _ =	vpop (xrf0)  }
0x14b: {  	[tilespmem:$0xD90] =	vst v62;
	(xrf0) =	vadd.scan.msk.s32 $0xffff, v48;
	(v2sf) =	vpush v20, $0xF;
	v49, _, _ =	vpop (xrf0);
	vm9 =	vne.s32 v2, $0x1  }
0x14c: {  	(v2sf) =	vpush v49, $0xF;
	v2 =	vsel vm9, $0x1, v16  }
0x14d: {  	(xrf0) =	vadd.scan.msk.s32 $0xffff, v2;
	v2 =	vld [tilespmem:$0x6A0]  }
0x14e: {  	v51 =	vld [tilespmem:$0x6B0]  }
0x14f: {  	v53 =	vld [tilespmem:$0x6C0]  }
0x150: {  	v61 =	vld [tilespmem:$0x6D0]  }
0x151: {  	s20 =	spop (v2sf);
	v33 =	vld [tilespmem:$0x6E0]  }
0x152: {  	v50, _, _ =	vpop (xrf0);
	v43 =	vld [tilespmem:$0x720];
	s29 =	sadd.s32 s29, s20  }
0x153: {  	v58 =	vimm.s32 $0x0;
	(v2sf) =	vpush v50, $0xF;
	v27, _, _ =	vpop (xrf0);
	v52 =	vmov s29  }
0x154: {  	v60 =	vimm.s32 $0x0;
	v39 =	vld [tilespmem:$0x700];
	(v2sf) =	vpush v27, $0xF;
	v23 =	vadd.s32 $0x1, v52  }
0x155: {  	v40 =	vld [tilespmem:$0x710];
	v23 =	vbroadcast v23, $0x0;
	vm6 =	vne.s32 v2, $0x1;
	vm14 =	vne.s32 v51, $0x1  }
0x156: {  	v37 =	vld [tilespmem:$0x6F0];
	vm15 =	vne.s32 v53, $0x1;
	vm4 =	vne.s32 v61, $0x1;
	vm5 =	vne.s32 v33, $0x1  }
0x157: {  	vm10 =	vne.s32 v43, $0x1;
	v57 =	vsel vm6, $0x1, v16;
	v21 =	vsel vm14, $0xFFFFFFFF, v58  }
0x158: {  	v59 =	vsel vm14, $0x1, v16;
	v24 =	vsel vm15, $0xFFFFFFFF, v60;
	v63 =	vsel vm15, $0x1, v16  }
0x159: {  	s21 =	spop (v2sf);
	v56, _, _ =	vpop (xrf0);
	v0 =	vadd.s32 v0, v23;
	v36 =	vsel vm4, $0x1, v16;
	v31 =	vsel vm5, $0x1, v16  }
0x15a: {  	vm14 =	vne.s32 v39, $0x1;
	vm15 =	vne.s32 v40, $0x1;
	v58 =	vld [tilespmem:$0x790];
	s29 =	sadd.s32 s29, s21;
	s22 =	spop (v2sf);
	(v2sf) =	vpush v56, $0xF  }
0x15b: {  	(xrf0) =	vadd.scan.msk.s32 $0xffff, v57;
	v0 =	vnsel vm3, $0x1, v0;
	vm3 =	vne.s32 v37, $0x1;
	v54 =	vmov s29;
	s29 =	sadd.s32 s29, s22  }
0x15c: {  	v60 =	vld [tilespmem:$0x7A0];
	v46 =	vsel vm14, $0x1, v16;
	(xrf0) =	vadd.scan.msk.s32 $0xffff, v59;
	v28 =	vadd.s32 $0x1, v54;
	v55 =	vmov s29;
	s23 =	spop (v2sf)  }
0x15d: {  	v48 =	vsel vm15, $0x1, v16;
	(xrf0) =	vadd.scan.msk.s32 $0xffff, v63;
	v63 =	vld [tilespmem:$0x7B0];
	v28 =	vbroadcast v28, $0x0;
	v2 =	vadd.s32 $0x1, v55;
	s29 =	sadd.s32 s29, s23  }
0x15e: {  	[tilespmem:$0x1FF70] =	vst v21;
	v30 =	vsel vm3, $0x1, v16;
	v2 =	vbroadcast v2, $0x0;
	v62 =	vmov s29  }
0x15f: {  	[tilespmem:$0x1FF80] =	vst v24;
	vm11 =	vne.s32 v58, $0x1;
	v1 =	vadd.s32 v1, v28;
	v34 =	vadd.s32 $0x1, v62  }
0x160: {  	(xrf0) =	vadd.scan.msk.s32 $0xffff, v36;
	v2 =	vadd.s32 v47, v2;
	s24 =	spop (v2sf);
	v23 =	vnsel vm12, $0x1, v1;
	v62 =	vimm.s32 $0x0  }
0x161: {  	v52 =	vld [tilespmem:$0x760];
	(xrf0) =	vadd.scan.msk.s32 $0xffff, v31;
	v35 =	vbroadcast v34, $0x0;
	v22 =	vnsel vm13, $0x1, v2;
	s29 =	sadd.s32 s29, s24;
	s25 =	spop (v2sf);
	v28, _, _ =	vpop (xrf0);
	vm13 =	vne.s32 v60, $0x1  }
0x162: {  	(xrf0) =	vadd.scan.msk.s32 $0xffff, v30;
	vm12 =	vne.s32 v63, $0x1;
	v2 =	vmov s29;
	s29 =	sadd.s32 s29, s25;
	(v2sf) =	vpush v28, $0xF  }
0x163: {  	v1 =	vadd.s32 v20, v35;
	v2 =	vadd.s32 $0x1, v2;
	v38 =	vmov s29;
	s26 =	spop (v2sf);
	v20, _, _ =	vpop (xrf0);
	(xrf0) =	vadd.scan.msk.s32 $0xffff, v46  }
0x164: {  	v54 =	vld [tilespmem:$0x770];
	v2 =	vbroadcast v2, $0x0;
	v24 =	vadd.s32 $0x1, v38;
	s29 =	sadd.s32 s29, s26;
	(v2sf) =	vpush v20, $0xF;
	v21, _, _ =	vpop (xrf0);
	(xrf0) =	vadd.scan.msk.s32 $0xffff, v48  }
0x165: {  	v41 =	vbroadcast v24, $0x0;
	v42 =	vmov s29;
	(v2sf) =	vpush v21, $0xF  }
0x166: {  	s28 =	spop (v2sf);
	v24 =	vnsel vm1, $0x1, v1;
	v33, _, _ =	vpop (xrf0);
	vm1 =	vne.s32 v52, $0x1;
	v52 =	vsel vm13, $0x1, v16  }
0x167: {  	v47 =	vld [tilespmem:$0x730];
	s29 =	sadd.s32 s29, s28;
	v1 =	vadd.s32 v49, v2;
	v2 =	vadd.s32 $0x1, v42;
	(v2sf) =	vpush v33, $0xF;
	v34, _, _ =	vpop (xrf0)  }
0x168: {  	[tilespmem:$0x11030] =	vst v3;
	v45 =	vmov s29;
	v25 =	vsel vm1, $0xFFFFFFFF, v62;
	(v2sf) =	vpush v34, $0xF;
	v38, _, _ =	vpop (xrf0)  }
0x169: {  	[tilespmem:$0x11040] =	vst v4;
	v51 =	vld [tilespmem:$0x750];
	v43 =	vsel vm1, $0x1, v16;
	vm1 =	vne.s32 v54, $0x1;
	(v2sf) =	vpush v38, $0xF;
	v39, _, _ =	vpop (xrf0)  }
0x16a: {  	[tilespmem:$0x11050] =	vst v5;
	v54 =	vimm.s32 $0x0;
	v44 =	vadd.s32 v50, v41;
	(v2sf) =	vpush v39, $0xF;
	v35, _, _ =	vpop (xrf0)  }
0x16b: {  	[tilespmem:$0x11060] =	vst v6;
	v2 =	vbroadcast v2, $0x0;
	v26 =	vadd.s32 $0x1, v45;
	(v2sf) =	vpush v35, $0xF  }
0x16c: {  	[tilespmem:$0x11070] =	vst v7;
	v49 =	vld [tilespmem:$0x740];
	v50 =	vsel vm10, $0x1, v16;
	v1 =	vnsel vm2, $0x1, v1;
	vm2 =	vne.s32 v47, $0x1  }
0x16d: {  	[tilespmem:$0x1FF90] =	vst v25;
	v46 =	vsel vm1, $0x1, v16;
	v25 =	vsel vm12, $0x1, v16;
	v26 =	vbroadcast v26, $0x0  }
0x16e: {  	v47 =	vld [tilespmem:$0x7D0];
	v36 =	vnsel vm8, $0x1, v44;
	(xrf0) =	vadd.scan.msk.s32 $0xffff, v50;
	v57 =	vsel vm2, $0x1, v16;
	vm8 =	vne.s32 v51, $0x1  }
0x16f: {  	[tilespmem:$0x11080] =	vst v8;
	v44 =	vimm.s32 $0x0;
	v50 =	vsel vm11, $0x1, v16;
	s31 =	spop (v2sf);
	v2 =	vadd.s32 v27, v2  }
0x170: {  	(xrf0) =	vadd.scan.msk.s32 $0xffff, v57;
	v61 =	vsel vm8, $0x1, v16;
	v29 =	vsel vm1, $0xFFFFFFFF, v44;
	s29 =	sadd.s32 s29, s31;
	v26 =	vadd.s32 v56, v26;
	v56 =	vld [tilespmem:$0x780]  }
0x171: {  	[tilespmem:$0xE20] =	vst v0;
	v45 =	vld [tilespmem:$0x7C0];
	v53 =	vmov s29;
	v37 =	vnsel vm9, $0x1, v26;
	vm9 =	vne.s32 v49, $0x1  }
0x172: {  	[tilespmem:$0xE60] =	vst v1;
	v2 =	vnsel vm7, $0x1, v2;
	v49 =	vld [tilespmem:$0x7E0];
	v55 =	vadd.s32 $0x1, v53;
	v59 =	vsel vm9, $0x1, v16  }
0x173: {  	[tilespmem:$0x1FFA0] =	vst v29;
	vm1 =	vne.s32 v47, $0x1;
	v0 =	vbroadcast v55, $0x0;
	(xrf0) =	vadd.scan.msk.s32 $0xffff, v59;
	s0 =	spop (v2sf)  }
0x174: {  	[tilespmem:$0xE80] =	vst v2;
	v27 =	vsel vm1, $0xFFFFFFFF, v54;
	v55 =	vsel vm1, $0x1, v16;
	v40, _, _ =	vpop (xrf0);
	(xrf0) =	vadd.scan.msk.s32 $0xffff, v61;
	s29 =	sadd.s32 s29, s0;
	s1 =	spop (v2sf)  }
0x175: {  	[tilespmem:$0x1FFB0] =	vst v27;
	(v2sf) =	vpush v40, $0xF;
	vm7 =	vne.s32 v56, $0x1;
	v0 =	vadd.s32 v28, v0;
	s30 =	sadd.s32 s29, s1;
	s31 =	spop (v2sf)  }
0x176: {  	(xrf0) =	vadd.scan.msk.s32 $0xffff, v43;
	v41, _, _ =	vpop (xrf0);
	v56 =	vimm.s32 $0x0;
	v48 =	vsel vm7, $0x1, v16;
	v0 =	vnsel vm6, $0x1, v0;
	s31 =	sadd.s32 s30, s31;
	s2 =	spop (v2sf)  }
0x177: {  	(xrf0) =	vadd.scan.msk.s32 $0xffff, v46;
	(v2sf) =	vpush v41, $0xF;
	vm6 =	vne.s32 v45, $0x1;
	vm1 =	vne.s32 v49, $0x1;
	s0 =	sadd.s32 s31, s2;
	s3 =	spop (v2sf)  }
0x178: {  	(xrf0) =	vadd.scan.msk.s32 $0xffff, v48;
	v53 =	vsel vm6, $0x1, v16;
	v27 =	vsel vm1, $0xFFFFFFFF, v56;
	v60 =	vmov s0;
	s0 =	sadd.s32 s0, s3;
	s4 =	spop (v2sf)  }
0x179: {  	[tilespmem:$0xEA0] =	vst v0;
	(xrf0) =	vadd.scan.msk.s32 $0xffff, v50;
	v29, _, _ =	vpop (xrf0);
	v61 =	vadd.s32 $0x1, v60;
	v62 =	vmov s0;
	s0 =	sadd.s32 s0, s4;
	s5 =	spop (v2sf)  }
0x17a: {  	(xrf0) =	vadd.scan.msk.s32 $0xffff, v52;
	(v2sf) =	vpush v29, $0xF;
	v26, _, _ =	vpop (xrf0);
	v63 =	vbroadcast v61, $0x0;
	v2 =	vmov s0;
	s0 =	sadd.s32 s0, s5;
	s6 =	spop (v2sf)  }
0x17b: {  	(xrf0) =	vadd.scan.msk.s32 $0xffff, v25;
	(v2sf) =	vpush v26, $0xF;
	v2 =	vadd.s32 $0x1, v2;
	v48 =	vmov s0;
	s0 =	sadd.s32 s0, s6  }
0x17c: {  	v28, _, _ =	vpop (xrf0);
	(xrf0) =	vadd.scan.msk.s32 $0xffff, v53;
	v1 =	vadd.s32 v34, v63;
	v0 =	vbroadcast v2, $0x0;
	v49 =	vmov s0  }
0x17d: {  	(v2sf) =	vpush v28, $0xF;
	v31, _, _ =	vpop (xrf0);
	(xrf0) =	vadd.scan.msk.s32 $0xffff, v55;
	v1 =	vnsel vm5, $0x1, v1;
	v34 =	vadd.s32 $0x1, v49  }
0x17e: {  	(v2sf) =	vpush v31, $0xF;
	v32, _, _ =	vpop (xrf0);
	[tilespmem:$0xEE0] =	vst v1;
	v0 =	vadd.s32 v39, v0;
	v1 =	vbroadcast v34, $0x0  }
0x17f: {  	v58 =	vsel vm1, $0x1, v16;
	[tilespmem:$0x1FFC0] =	vst v27;
	v27, _, _ =	vpop (xrf0);
	(v2sf) =	vpush v32, $0xF;
	v0 =	vnsel vm14, $0x1, v0  }
0x180: {  	(xrf0) =	vadd.scan.msk.s32 $0xffff, v58;
	(v2sf) =	vpush v27, $0xF;
	[tilespmem:$0xF00] =	vst v0;
	v0 =	vadd.s32 v40, v1  }
0x181: {  	[tilespmem:$0x11090] =	vst v9;
	v30, _, _ =	vpop (xrf0);
	v0 =	vnsel vm10, $0x1, v0  }
0x182: {  	v25, _, _ =	vpop (xrf0);
	(v2sf) =	vpush v30, $0xF;
	[tilespmem:$0xF20] =	vst v0;
	v0 =	vld [tilespmem:$0x1FFD0]  }
0x183: {  	[tilespmem:$0xE30] =	vst v23;
	v23, _, _ =	vpop (xrf0);
	(v2sf) =	vpush v25, $0xF  }
0x184: {  	[tilespmem:$0xE40] =	vst v22;
	v51 =	vmov s31;
	v22, _, _ =	vpop (xrf0);
	(v2sf) =	vpush v23, $0xF;
	v2 =	vadd.s32 $0x1, v48  }
0x185: {  	[tilespmem:$0x110A0] =	vst v10;
	v57 =	vadd.s32 $0x1, v51;
	(v2sf) =	vpush v22, $0xF;
	v2 =	vbroadcast v2, $0x0;
	s7 =	spop (v2sf)  }
0x186: {  	[tilespmem:$0xE50] =	vst v24;
	v59 =	vbroadcast v57, $0x0;
	v44 =	vadd.s32 $0x1, v62;
	v24, _, _ =	vpop (xrf0);
	s0 =	sadd.s32 s0, s7  }
0x187: {  	(v2sf) =	vpush v24, $0xF;
	s8 =	spop (v2sf);
	v2 =	vadd.s32 v35, v2;
	v50 =	vmov s0;
	[tilespmem:$0x11000] =	vst v0;
	v0 =	vld [tilespmem:$0x1FFE0]  }
0x188: {  	[tilespmem:$0x110B0] =	vst v11;
	v45 =	vadd.s32 v33, v59;
	v2 =	vnsel vm15, $0x1, v2;
	s0 =	sadd.s32 s0, s8;
	v51 =	vadd.s32 $0x1, v50  }
0x189: {  	v46 =	vbroadcast v44, $0x0;
	[tilespmem:$0xF10] =	vst v2;
	v2 =	vmov s0;
	v52 =	vbroadcast v51, $0x0  }
0x18a: {  	[tilespmem:$0x110C0] =	vst v12;
	v42 =	vnsel vm4, $0x1, v45;
	v2 =	vadd.s32 $0x1, v2;
	s1 =	spop (v2sf)  }
0x18b: {  	[tilespmem:$0x110D0] =	vst v13;
	v47 =	vadd.s32 v38, v46;
	v2 =	vbroadcast v2, $0x0;
	s9 =	spop (v2sf);
	v1 =	vadd.s32 v41, v52;
	s1 =	sadd.s32 s0, s1  }
0x18c: {  	v33 =	vnsel vm3, $0x1, v47;
	v1 =	vnsel vm2, $0x1, v1;
	s14 =	spop (v2sf);
	s31 =	sadd.s32 s1, s9;
	[tilespmem:$0x11010] =	vst v0;
	v0 =	vmov s29  }
0x18d: {  	v53 =	vmov s1;
	v2 =	vadd.s32 v29, v2;
	s15 =	spop (v2sf);
	[tilespmem:$0xF30] =	vst v1;
	s14 =	sadd.s32 s31, s14;
	v1 =	vld [tilespmem:$0x1FFF0];
	v0 =	vadd.s32 $0x1, v0  }
0x18e: {  	[tilespmem:$0x110E0] =	vst v14;
	v54 =	vmov s31;
	v2 =	vnsel vm9, $0x1, v2;
	s16 =	spop (v2sf);
	s15 =	sadd.s32 s14, s15;
	v0 =	vbroadcast v0, $0x0  }
0x18f: {  	[tilespmem:$0x110F0] =	vst v15;
	v55 =	vmov s14;
	v29 =	vadd.s32 $0x1, v54;
	s17 =	spop (v2sf);
	s16 =	sadd.s32 s15, s16;
	v56 =	vmov s15  }
0x190: {  	[tilespmem:$0xEF0] =	vst v33;
	v33 =	vadd.s32 $0x1, v55;
	s17 =	sadd.s32 s16, s17;
	v57 =	vmov s16;
	v0 =	vadd.s32 v20, v0;
	v20 =	vld [tilespmem:$0x1FF70]  }
0x191: {  	[tilespmem:$0xE70] =	vst v36;
	s10 =	spop (v2sf);
	v34 =	vbroadcast v33, $0x0;
	v35 =	vadd.s32 $0x1, v56;
	v58 =	vmov s17  }
0x192: {  	s11 =	spop (v2sf);
	s13 =	sadd.s32 s17, s10;
	v36 =	vbroadcast v35, $0x0;
	v45 =	vadd.s32 $0x1, v57;
	[tilespmem:$0x11020] =	vst v1;
	v1 =	vmov s30  }
0x193: {  	s6 =	rddreg [dreg:$0x6];
	[tilespmem:$0xED0] =	vst v42;
	s15 =	spop (v2sf);
	s0 =	sadd.s32 s13, s11;
	v59 =	vmov s13;
	v46 =	vadd.s32 $0x1, v58;
	v47 =	vbroadcast v45, $0x0  }
0x194: {  	s17 =	spop (v2sf);
	s14 =	sadd.s32 s0, s15;
	v1 =	vadd.s32 $0x1, v1;
	v60 =	vmov s0;
	v48 =	vbroadcast v46, $0x0;
	v49 =	vld [tilespmem:s6+$0x800]  }
0x195: {  	v52 =	vadd.s32 $0x1, v59;
	s18 =	sadd.s32 s14, s17;
	v1 =	vbroadcast v1, $0x0;
	vm1 =	vnez.u8 v20;
	v20 =	vld [tilespmem:$0x1FF80]  }
0x196: {  	v50 =	vld [tilespmem:$0x1FF90];
	[tilespmem:$0xF40] =	vst v2;
	s19 =	spop (v2sf);
	v61 =	vmov s14;
	v62 =	vmov s18;
	v2 =	vadd.s32 v30, v48  }
0x197: {  	s1 =	sadd.s32 s18, s19;
	v58 =	vadd.s32 $0x1, v61;
	v1 =	vadd.s32 v21, v1;
	v21 =	vbroadcast v29, $0x0  }
0x198: {  	v51 =	vld [tilespmem:$0x1FFA0];
	v63 =	vmov s1;
	v2 =	vnsel vm13, $0x1, v2;
	v59 =	vadd.s32 $0x1, v62  }
0x199: {  	v44 =	vld [tilespmem:$0x7F0];
	v21 =	vadd.s32 v28, v21;
	v55 =	vshll.u32 v49, $0x3;
	v0 =	vnsel vm1, $0x1, v0  }
0x19a: {  	[tilespmem:$0xEB0] =	vst v0;
	v0 =	vadd.s32 v32, v36;
	vm1 =	vnez.u8 v20;
	v20 =	vadd.s32 $0x1, v53  }
0x19b: {  	v1 =	vnsel vm1, $0x1, v1;
	v20 =	vbroadcast v20, $0x0;
	vm1 =	vnez.u8 v50  }
0x19c: {  	v56 =	vand.u32 $0x7, v49;
	v0 =	vnsel vm7, $0x1, v0;
	v21 =	vnsel vm1, $0x1, v21  }
0x19d: {  	[tilespmem:$0xE90] =	vst v37;
	vm1 =	vnez.u8 v51;
	v20 =	vadd.s32 v26, v20;
	v26 =	vadd.s32 v31, v34  }
0x19e: {  	[tilespmem:$0xFA0] =	vst v2;
	v20 =	vnsel vm8, $0x1, v20;
	v26 =	vnsel vm1, $0x1, v26;
	vm1 =	vne.s32 v44, $0x1  }
0x19f: {  	v62 =	vld [tilespmem:$0x1FFB0];
	v53 =	vadd.s32 $0x1, v60;
	[tilespmem:$0xF50] =	vst v20;
	v20 =	vbroadcast v52, $0x0;
	v54 =	vsel vm1, $0x1, v16  }
0x1a0: {  	v60 =	vadd.s32 $0x1, v63;
	[tilespmem:$0xEC0] =	vst v1;
	v1 =	vadd.s32 v27, v47;
	(xrf0) =	vadd.scan.msk.s32 $0xffff, v54  }
0x1a1: {  	v63 =	vld [tilespmem:$0x1FFC0];
	[tilespmem:$0xF60] =	vst v21;
	v21 =	vbroadcast v53, $0x0;
	v20 =	vadd.s32 v25, v20;
	v25 =	vand.u32 $0xFFFFFFC0, v55  }
0x1a2: {  	v2 =	vbroadcast v59, $0x0;
	[tilespmem:$0xF80] =	vst v0;
	v1 =	vnsel vm11, $0x1, v1;
	v57 =	vor.u32 v56, v25  }
0x1a3: {  	[tilespmem:$0xF90] =	vst v1;
	v1 =	vbroadcast v58, $0x0;
	v0 =	vadd.s32 v23, v21;
	v25 =	vperm.xlane v57, v17  }
0x1a4: {  	vm2 =	vnez.u8 v62;
	[tilespmem:$0xF70] =	vst v26;
	v0 =	vnsel vm6, $0x1, v0;
	v20 =	vnsel vm12, $0x1, v20  }
0x1a5: {  	v1 =	vadd.s32 v22, v1;
	[tilespmem:$0xFB0] =	vst v20;
	v20 =	vbroadcast v60, $0x0;
	v61 =	vadd.s32 v18, v25  }
0x1a6: {  	v1 =	vnsel vm2, $0x1, v1;
	[tilespmem:$0xFC0] =	vst v0;
	v0 =	vadd.s32 v24, v2;
	vm2 =	vnez.u8 v63;
	v2, _, _ =	vpop (xrf0)  }
0x1a7: {  	v0 =	vnsel vm2, $0x1, v0;
	[tilespmem:$0xFD0] =	vst v1;
	v1 =	vadd.s32 v2, v20  }
0x1a8: {  	[tilespmem:$0xFE0] =	vst v0;
	v0 =	vnsel vm1, $0x1, v1  }
0x1a9: {  	s20 =	simm.s32 $0x1000;
	s3 =	rddreg [dreg:$0x0];
	[tilespmem:$0xFF0] =	vst v0  }
0x1aa: {  	[tilespmem:s20], [sflag:$0x1] =	stream.indirect_vreg.gather [hbm4b:s3+s12], $0x80, v61, vm0, $0xb8;
	[tilespmem:$0x11100] =	vst v63  }
0x1ab: {  	s21 =	simm.s32 $0x1800;
	s7 =	rddreg [dreg:$0x7];
	v0 =	vperm.xlane v57, v19  }
0x1ac: {  	[tilespmem:s21], [sflag:$0x1] =	stream.indirect_vreg.gather [hbm4b:s7+s12], $0x80, v61, vm0, $0xb8;
	[tilespmem:$0x11100] =	vst v63  }
0x1ad: {  	s22 =	simm.s32 $0x2000;
	s8 =	rddreg [dreg:$0x8];
	v0 =	vadd.s32 v18, v0  }
0x1ae: {  	[tilespmem:s22], [sflag:$0x1] =	stream.indirect_vreg.gather [hbm4b:s8+s12], $0x80, v61, vm0, $0xb8;
	[tilespmem:$0x11100] =	vst v63  }
0x1af: {  	s23 =	simm.s32 $0x2800;
	s9 =	rddreg [dreg:$0x9]  }
0x1b0: {  	[tilespmem:s23], [sflag:$0x1] =	stream.indirect_vreg.gather [hbm4b:s9+s12], $0x80, v61, vm0, $0xb8;
	[tilespmem:$0x11100] =	vst v63  }
0x1b1: {  	s24 =	simm.s32 $0x3000  }
0x1b2: {  	[tilespmem:s24], [sflag:$0x1] =	stream.indirect_vreg.gather [hbm4b:s3+s12], $0x80, v0, vm0, $0xb8;
	[tilespmem:$0x11100] =	vst v63  }
0x1b3: {  	s25 =	simm.s32 $0x3800  }
0x1b4: {  	[tilespmem:s25], [sflag:$0x1] =	stream.indirect_vreg.gather [hbm4b:s7+s12], $0x80, v0, vm0, $0xb8;
	[tilespmem:$0x11100] =	vst v63  }
0x1b5: {  	s26 =	simm.s32 $0x4000  }
0x1b6: {  	[tilespmem:s26], [sflag:$0x1] =	stream.indirect_vreg.gather [hbm4b:s8+s12], $0x80, v0, vm0, $0xb8;
	[tilespmem:$0x11100] =	vst v63  }
0x1b7: {  	s28 =	simm.s32 $0x4800  }
0x1b8: {  	[tilespmem:s28], [sflag:$0x1] =	stream.indirect_vreg.gather [hbm4b:s9+s12], $0x80, v0, vm0, $0xb8;
	[tilespmem:$0x11100] =	vst v63  }
0x1b9: {  	v0 =	vld [tilespmem:s6+$0x810];
	_ =	sdelay $0x4  }
0x1ba: {  	v1 =	vshll.u32 v0, $0x3  }
0x1bb: {  	v0 =	vand.u32 $0x7, v0;
	v1 =	vand.u32 $0xFFFFFFC0, v1  }
0x1bc: {  	v0 =	vor.u32 v0, v1  }
0x1bd: {  	v1 =	vperm.xlane v0, v17;
	_ =	sdelay $0x1  }
0x1be: {  	v1 =	vadd.s32 v18, v1;
	_ =	sdelay $0x3  }
0x1bf: {  	s1 =	simm.s32 $0x5000  }
0x1c0: {  	[tilespmem:s1], [sflag:$0x1] =	stream.indirect_vreg.gather [hbm4b:s3+s12], $0x80, v1, vm0, $0xb8;
	[tilespmem:$0x11100] =	vst v63  }
0x1c1: {  	s2 =	simm.s32 $0x5800;
	v0 =	vperm.xlane v0, v19  }
0x1c2: {  	[tilespmem:s2], [sflag:$0x1] =	stream.indirect_vreg.gather [hbm4b:s7+s12], $0x80, v1, vm0, $0xb8;
	[tilespmem:$0x11100] =	vst v63  }
0x1c3: {  	s4 =	simm.s32 $0x6000;
	v0 =	vadd.s32 v18, v0  }
0x1c4: {  	[tilespmem:s4], [sflag:$0x1] =	stream.indirect_vreg.gather [hbm4b:s8+s12], $0x80, v1, vm0, $0xb8;
	[tilespmem:$0x11100] =	vst v63  }
0x1c5: {  	s5 =	simm.s32 $0x6800  }
0x1c6: {  	[tilespmem:s5], [sflag:$0x1] =	stream.indirect_vreg.gather [hbm4b:s9+s12], $0x80, v1, vm0, $0xb8;
	[tilespmem:$0x11100] =	vst v63  }
0x1c7: {  	s14 =	simm.s32 $0x7000  }
0x1c8: {  	[tilespmem:s14], [sflag:$0x1] =	stream.indirect_vreg.gather [hbm4b:s3+s12], $0x80, v0, vm0, $0xb8;
	[tilespmem:$0x11100] =	vst v63  }
0x1c9: {  	s15 =	simm.s32 $0x7800  }
0x1ca: {  	[tilespmem:s15], [sflag:$0x1] =	stream.indirect_vreg.gather [hbm4b:s7+s12], $0x80, v0, vm0, $0xb8;
	[tilespmem:$0x11100] =	vst v63  }
0x1cb: {  	s16 =	simm.s32 $0x8000  }
0x1cc: {  	[tilespmem:s16], [sflag:$0x1] =	stream.indirect_vreg.gather [hbm4b:s8+s12], $0x80, v0, vm0, $0xb8;
	[tilespmem:$0x11100] =	vst v63  }
0x1cd: {  	s17 =	simm.s32 $0x8800  }
0x1ce: {  	[tilespmem:s17], [sflag:$0x1] =	stream.indirect_vreg.gather [hbm4b:s9+s12], $0x80, v0, vm0, $0xb8;
	[tilespmem:$0x11100] =	vst v63  }
0x1cf: {  	v0 =	vld [tilespmem:s6+$0x820];
	_ =	sdelay $0x4  }
0x1d0: {  	v1 =	vshll.u32 v0, $0x3  }
0x1d1: {  	v0 =	vand.u32 $0x7, v0;
	v1 =	vand.u32 $0xFFFFFFC0, v1  }
0x1d2: {  	v0 =	vor.u32 v0, v1  }
0x1d3: {  	v1 =	vperm.xlane v0, v17;
	_ =	sdelay $0x1  }
0x1d4: {  	v1 =	vadd.s32 v18, v1;
	_ =	sdelay $0x3  }
0x1d5: {  	s20 =	simm.s32 $0x9000  }
0x1d6: {  	[tilespmem:s20], [sflag:$0x1] =	stream.indirect_vreg.gather [hbm4b:s3+s12], $0x80, v1, vm0, $0xb8;
	[tilespmem:$0x11100] =	vst v63  }
0x1d7: {  	s21 =	simm.s32 $0x9800;
	v0 =	vperm.xlane v0, v19  }
0x1d8: {  	[tilespmem:s21], [sflag:$0x1] =	stream.indirect_vreg.gather [hbm4b:s7+s12], $0x80, v1, vm0, $0xb8;
	[tilespmem:$0x11100] =	vst v63  }
0x1d9: {  	s22 =	simm.s32 $0xA000;
	v0 =	vadd.s32 v18, v0  }
0x1da: {  	[tilespmem:s22], [sflag:$0x1] =	stream.indirect_vreg.gather [hbm4b:s8+s12], $0x80, v1, vm0, $0xb8;
	[tilespmem:$0x11100] =	vst v63  }
0x1db: {  	s0 =	simm.s32 $0xA800  }
0x1dc: {  	[tilespmem:s0], [sflag:$0x1] =	stream.indirect_vreg.gather [hbm4b:s9+s12], $0x80, v1, vm0, $0xb8;
	[tilespmem:$0x11100] =	vst v63  }
0x1dd: {  	s2 =	simm.s32 $0xB000  }
0x1de: {  	[tilespmem:s2], [sflag:$0x1] =	stream.indirect_vreg.gather [hbm4b:s3+s12], $0x80, v0, vm0, $0xb8;
	[tilespmem:$0x11100] =	vst v63  }
0x1df: {  	s4 =	simm.s32 $0xB800  }
0x1e0: {  	[tilespmem:s4], [sflag:$0x1] =	stream.indirect_vreg.gather [hbm4b:s7+s12], $0x80, v0, vm0, $0xb8;
	[tilespmem:$0x11100] =	vst v63  }
0x1e1: {  	s5 =	simm.s32 $0xC000  }
0x1e2: {  	[tilespmem:s5], [sflag:$0x1] =	stream.indirect_vreg.gather [hbm4b:s8+s12], $0x80, v0, vm0, $0xb8;
	[tilespmem:$0x11100] =	vst v63  }
0x1e3: {  	s14 =	simm.s32 $0xC800  }
0x1e4: {  	[tilespmem:s14], [sflag:$0x1] =	stream.indirect_vreg.gather [hbm4b:s9+s12], $0x80, v0, vm0, $0xb8;
	[tilespmem:$0x11100] =	vst v63  }
0x1e5: {  	v0 =	vld [tilespmem:s6+$0x830];
	_ =	sdelay $0x4  }
0x1e6: {  	v1 =	vshll.u32 v0, $0x3  }
0x1e7: {  	v0 =	vand.u32 $0x7, v0;
	v1 =	vand.u32 $0xFFFFFFC0, v1  }
0x1e8: {  	v0 =	vor.u32 v0, v1  }
0x1e9: {  	v1 =	vperm.xlane v0, v17;
	_ =	sdelay $0x1  }
0x1ea: {  	v1 =	vadd.s32 v18, v1;
	_ =	sdelay $0x3  }
0x1eb: {  	s20 =	simm.s32 $0xD000  }
0x1ec: {  	[tilespmem:s20], [sflag:$0x1] =	stream.indirect_vreg.gather [hbm4b:s3+s12], $0x80, v1, vm0, $0xb8;
	[tilespmem:$0x11100] =	vst v63  }
0x1ed: {  	s0 =	simm.s32 $0xD800;
	v0 =	vperm.xlane v0, v19  }
0x1ee: {  	[tilespmem:s0], [sflag:$0x1] =	stream.indirect_vreg.gather [hbm4b:s7+s12], $0x80, v1, vm0, $0xb8;
	[tilespmem:$0x11100] =	vst v63  }
0x1ef: {  	s5 =	simm.s32 $0xE000;
	v0 =	vadd.s32 v18, v0  }
0x1f0: {  	[tilespmem:s5], [sflag:$0x1] =	stream.indirect_vreg.gather [hbm4b:s8+s12], $0x80, v1, vm0, $0xb8;
	[tilespmem:$0x11100] =	vst v63  }
0x1f1: {  	s20 =	simm.s32 $0xE800  }
0x1f2: {  	[tilespmem:s20], [sflag:$0x1] =	stream.indirect_vreg.gather [hbm4b:s9+s12], $0x80, v1, vm0, $0xb8;
	[tilespmem:$0x11100] =	vst v63  }
0x1f3: {  	s0 =	simm.s32 $0xF000  }
0x1f4: {  	[tilespmem:s0], [sflag:$0x1] =	stream.indirect_vreg.gather [hbm4b:s3+s12], $0x80, v0, vm0, $0xb8;
	[tilespmem:$0x11100] =	vst v63  }
0x1f5: {  	s5 =	simm.s32 $0xF800  }
0x1f6: {  	[tilespmem:s5], [sflag:$0x1] =	stream.indirect_vreg.gather [hbm4b:s7+s12], $0x80, v0, vm0, $0xb8;
	[tilespmem:$0x11100] =	vst v63  }
0x1f7: {  	s20 =	simm.s32 $0x10000  }
0x1f8: {  	[tilespmem:s20], [sflag:$0x1] =	stream.indirect_vreg.gather [hbm4b:s8+s12], $0x80, v0, vm0, $0xb8;
	[tilespmem:$0x11100] =	vst v63  }
0x1f9: {  	s0 =	simm.s32 $0x10800;
	s5 =	simm.s32 $0x1  }
0x1fa: {  	[tilespmem:s0], [sflag:$0x1] =	stream.indirect_vreg.gather [hbm4b:s9+s12], $0x80, v0, vm0, $0xb8;
	[tilespmem:$0x11100] =	vst v63  }
0x1fb: {  	_ =	swait.ge [sflag:s5], $0x10000  }
0x1fc: {  	[sflag:s5] =	ssyncset.done $0x0  }
0x1fd: {  	[sflag:s5] =	ssyncadd.s32 $0xFFFF0000  }
0x1fe: {  	v0 =	vld [tilespmem:$0x11000];
	_ =	sdelay $0x4  }
0x1ff: {  	v1 =	vshll.u32 v0, $0x3  }
0x200: {  	v0 =	vand.u32 $0x7, v0;
	v1 =	vand.u32 $0xFFFFFFC0, v1  }
0x201: {  	v0 =	vor.u32 v0, v1  }
0x202: {  	v1 =	vperm.xlane v0, v17;
	_ =	sdelay $0x1  }
0x203: {  	v1 =	vadd.s32 v18, v1;
	_ =	sdelay $0x3  }
0x204: {  	s10 =	simm.s32 $0x1000;
	s5 =	rddreg [dreg:$0x2]  }
0x205: {  	[hbm4b:s5+s12] =	stream.indirect_vreg.scatter [tilespmem:s10], [sflag:$0x2], $0x80, v1, vm0, $0xb8;
	[tilespmem:$0x11100] =	vst v63  }
0x206: {  	s11 =	simm.s32 $0x1800;
	v0 =	vperm.xlane v0, v19;
	s10 =	rddreg [dreg:$0xa]  }
0x207: {  	[hbm4b:s10+s12] =	stream.indirect_vreg.scatter [tilespmem:s11], [sflag:$0x2], $0x80, v1, vm0, $0xb8;
	[tilespmem:$0x11100] =	vst v63  }
0x208: {  	s1 =	simm.s32 $0x2000;
	v0 =	vadd.s32 v18, v0;
	s11 =	rddreg [dreg:$0xb]  }
0x209: {  	[hbm4b:s11+s12] =	stream.indirect_vreg.scatter [tilespmem:s1], [sflag:$0x2], $0x80, v1, vm0, $0xb8;
	[tilespmem:$0x11100] =	vst v63  }
0x20a: {  	s0 =	rddreg [dreg:$0xc];
	s1 =	simm.s32 $0x2800  }
0x20b: {  	[hbm4b:s0+s12] =	stream.indirect_vreg.scatter [tilespmem:s1], [sflag:$0x2], $0x80, v1, vm0, $0xb8;
	[tilespmem:$0x11100] =	vst v63  }
0x20c: {  	s29 =	simm.s32 $0x3000  }
0x20d: {  	[hbm4b:s5+s12] =	stream.indirect_vreg.scatter [tilespmem:s29], [sflag:$0x2], $0x80, v0, vm0, $0xb8;
	[tilespmem:$0x11100] =	vst v63  }
0x20e: {  	s30 =	simm.s32 $0x3800  }
0x20f: {  	[hbm4b:s10+s12] =	stream.indirect_vreg.scatter [tilespmem:s30], [sflag:$0x2], $0x80, v0, vm0, $0xb8;
	[tilespmem:$0x11100] =	vst v63  }
0x210: {  	s31 =	simm.s32 $0x4000  }
0x211: {  	[hbm4b:s11+s12] =	stream.indirect_vreg.scatter [tilespmem:s31], [sflag:$0x2], $0x80, v0, vm0, $0xb8;
	[tilespmem:$0x11100] =	vst v63  }
0x212: {  	s18 =	simm.s32 $0x4800  }
0x213: {  	[hbm4b:s0+s12] =	stream.indirect_vreg.scatter [tilespmem:s18], [sflag:$0x2], $0x80, v0, vm0, $0xb8;
	[tilespmem:$0x11100] =	vst v63  }
0x214: {  	v0 =	vld [tilespmem:$0x11010];
	_ =	sdelay $0x4  }
0x215: {  	v1 =	vshll.u32 v0, $0x3  }
0x216: {  	v0 =	vand.u32 $0x7, v0;
	v1 =	vand.u32 $0xFFFFFFC0, v1  }
0x217: {  	v0 =	vor.u32 v0, v1  }
0x218: {  	v1 =	vperm.xlane v0, v17;
	_ =	sdelay $0x1  }
0x219: {  	v1 =	vadd.s32 v18, v1;
	_ =	sdelay $0x3  }
0x21a: {  	s19 =	simm.s32 $0x5000  }
0x21b: {  	[hbm4b:s5+s12] =	stream.indirect_vreg.scatter [tilespmem:s19], [sflag:$0x2], $0x80, v1, vm0, $0xb8;
	[tilespmem:$0x11100] =	vst v63  }
0x21c: {  	s13 =	simm.s32 $0x5800;
	v0 =	vperm.xlane v0, v19  }
0x21d: {  	[hbm4b:s10+s12] =	stream.indirect_vreg.scatter [tilespmem:s13], [sflag:$0x2], $0x80, v1, vm0, $0xb8;
	[tilespmem:$0x11100] =	vst v63  }
0x21e: {  	s23 =	simm.s32 $0x6000;
	v0 =	vadd.s32 v18, v0  }
0x21f: {  	[hbm4b:s11+s12] =	stream.indirect_vreg.scatter [tilespmem:s23], [sflag:$0x2], $0x80, v1, vm0, $0xb8;
	[tilespmem:$0x11100] =	vst v63  }
0x220: {  	s24 =	simm.s32 $0x6800  }
0x221: {  	[hbm4b:s0+s12] =	stream.indirect_vreg.scatter [tilespmem:s24], [sflag:$0x2], $0x80, v1, vm0, $0xb8;
	[tilespmem:$0x11100] =	vst v63  }
0x222: {  	s25 =	simm.s32 $0x7000  }
0x223: {  	[hbm4b:s5+s12] =	stream.indirect_vreg.scatter [tilespmem:s25], [sflag:$0x2], $0x80, v0, vm0, $0xb8;
	[tilespmem:$0x11100] =	vst v63  }
0x224: {  	s26 =	simm.s32 $0x7800  }
0x225: {  	[hbm4b:s10+s12] =	stream.indirect_vreg.scatter [tilespmem:s26], [sflag:$0x2], $0x80, v0, vm0, $0xb8;
	[tilespmem:$0x11100] =	vst v63  }
0x226: {  	s28 =	simm.s32 $0x8000  }
0x227: {  	[hbm4b:s11+s12] =	stream.indirect_vreg.scatter [tilespmem:s28], [sflag:$0x2], $0x80, v0, vm0, $0xb8;
	[tilespmem:$0x11100] =	vst v63  }
0x228: {  	s15 =	simm.s32 $0x8800  }
0x229: {  	[hbm4b:s0+s12] =	stream.indirect_vreg.scatter [tilespmem:s15], [sflag:$0x2], $0x80, v0, vm0, $0xb8;
	[tilespmem:$0x11100] =	vst v63  }
0x22a: {  	v0 =	vld [tilespmem:$0x11020];
	_ =	sdelay $0x4  }
0x22b: {  	v1 =	vshll.u32 v0, $0x3  }
0x22c: {  	v0 =	vand.u32 $0x7, v0;
	v1 =	vand.u32 $0xFFFFFFC0, v1  }
0x22d: {  	v0 =	vor.u32 v0, v1  }
0x22e: {  	v1 =	vperm.xlane v0, v17;
	_ =	sdelay $0x1  }
0x22f: {  	v1 =	vadd.s32 v18, v1;
	_ =	sdelay $0x3  }
0x230: {  	s16 =	simm.s32 $0x9000  }
0x231: {  	[hbm4b:s5+s12] =	stream.indirect_vreg.scatter [tilespmem:s16], [sflag:$0x2], $0x80, v1, vm0, $0xb8;
	[tilespmem:$0x11100] =	vst v63  }
0x232: {  	s17 =	simm.s32 $0x9800;
	v0 =	vperm.xlane v0, v19  }
0x233: {  	[hbm4b:s10+s12] =	stream.indirect_vreg.scatter [tilespmem:s17], [sflag:$0x2], $0x80, v1, vm0, $0xb8;
	[tilespmem:$0x11100] =	vst v63  }
0x234: {  	s1 =	simm.s32 $0xA000;
	v0 =	vadd.s32 v18, v0  }
0x235: {  	[hbm4b:s11+s12] =	stream.indirect_vreg.scatter [tilespmem:s1], [sflag:$0x2], $0x80, v1, vm0, $0xb8;
	[tilespmem:$0x11100] =	vst v63  }
0x236: {  	s21 =	simm.s32 $0xA800  }
0x237: {  	[hbm4b:s0+s12] =	stream.indirect_vreg.scatter [tilespmem:s21], [sflag:$0x2], $0x80, v1, vm0, $0xb8;
	[tilespmem:$0x11100] =	vst v63  }
0x238: {  	s22 =	simm.s32 $0xB000  }
0x239: {  	[hbm4b:s5+s12] =	stream.indirect_vreg.scatter [tilespmem:s22], [sflag:$0x2], $0x80, v0, vm0, $0xb8;
	[tilespmem:$0x11100] =	vst v63  }
0x23a: {  	s30 =	simm.s32 $0xB800  }
0x23b: {  	[hbm4b:s10+s12] =	stream.indirect_vreg.scatter [tilespmem:s30], [sflag:$0x2], $0x80, v0, vm0, $0xb8;
	[tilespmem:$0x11100] =	vst v63  }
0x23c: {  	s31 =	simm.s32 $0xC000  }
0x23d: {  	[hbm4b:s11+s12] =	stream.indirect_vreg.scatter [tilespmem:s31], [sflag:$0x2], $0x80, v0, vm0, $0xb8;
	[tilespmem:$0x11100] =	vst v63  }
0x23e: {  	s2 =	simm.s32 $0xC800  }
0x23f: {  	[hbm4b:s0+s12] =	stream.indirect_vreg.scatter [tilespmem:s2], [sflag:$0x2], $0x80, v0, vm0, $0xb8;
	[tilespmem:$0x11100] =	vst v63  }
0x240: {  	v0 =	vld [tilespmem:$0x11030];
	_ =	sdelay $0x4  }
0x241: {  	v1 =	vshll.u32 v0, $0x3  }
0x242: {  	v0 =	vand.u32 $0x7, v0;
	v1 =	vand.u32 $0xFFFFFFC0, v1  }
0x243: {  	v0 =	vor.u32 v0, v1  }
0x244: {  	v1 =	vperm.xlane v0, v17;
	_ =	sdelay $0x1  }
0x245: {  	v1 =	vadd.s32 v18, v1;
	_ =	sdelay $0x3  }
0x246: {  	s4 =	simm.s32 $0xD000  }
0x247: {  	[hbm4b:s5+s12] =	stream.indirect_vreg.scatter [tilespmem:s4], [sflag:$0x2], $0x80, v1, vm0, $0xb8;
	[tilespmem:$0x11100] =	vst v63  }
0x248: {  	s14 =	simm.s32 $0xD800;
	v0 =	vperm.xlane v0, v19  }
0x249: {  	[hbm4b:s10+s12] =	stream.indirect_vreg.scatter [tilespmem:s14], [sflag:$0x2], $0x80, v1, vm0, $0xb8;
	[tilespmem:$0x11100] =	vst v63  }
0x24a: {  	s16 =	simm.s32 $0xE000;
	v0 =	vadd.s32 v18, v0  }
0x24b: {  	[hbm4b:s11+s12] =	stream.indirect_vreg.scatter [tilespmem:s16], [sflag:$0x2], $0x80, v1, vm0, $0xb8;
	[tilespmem:$0x11100] =	vst v63  }
0x24c: {  	s17 =	simm.s32 $0xE800  }
0x24d: {  	[hbm4b:s0+s12] =	stream.indirect_vreg.scatter [tilespmem:s17], [sflag:$0x2], $0x80, v1, vm0, $0xb8;
	[tilespmem:$0x11100] =	vst v63  }
0x24e: {  	s18 =	simm.s32 $0xF000  }
0x24f: {  	[hbm4b:s5+s12] =	stream.indirect_vreg.scatter [tilespmem:s18], [sflag:$0x2], $0x80, v0, vm0, $0xb8;
	[tilespmem:$0x11100] =	vst v63  }
0x250: {  	s19 =	simm.s32 $0xF800  }
0x251: {  	[hbm4b:s10+s12] =	stream.indirect_vreg.scatter [tilespmem:s19], [sflag:$0x2], $0x80, v0, vm0, $0xb8;
	[tilespmem:$0x11100] =	vst v63  }
0x252: {  	s21 =	simm.s32 $0x10000  }
0x253: {  	[hbm4b:s11+s12] =	stream.indirect_vreg.scatter [tilespmem:s21], [sflag:$0x2], $0x80, v0, vm0, $0xb8;
	[tilespmem:$0x11100] =	vst v63  }
0x254: {  	s20 =	simm.s32 $0x10800;
	s22 =	simm.s32 $0x2  }
0x255: {  	[hbm4b:s0+s12] =	stream.indirect_vreg.scatter [tilespmem:s20], [sflag:$0x2], $0x80, v0, vm0, $0xb8;
	[tilespmem:$0x11100] =	vst v63  }
0x256: {  	_ =	swait.ge [sflag:s22], $0x10000  }
0x257: {  	[sflag:s22] =	ssyncset.done $0x0  }
0x258: {  	[sflag:s22] =	ssyncadd.s32 $0xFFFF0000  }
0x259: {  	v0 =	vld [tilespmem:s6+$0x840];
	_ =	sdelay $0x4  }
0x25a: {  	v1 =	vshll.u32 v0, $0x3  }
0x25b: {  	v0 =	vand.u32 $0x7, v0;
	v1 =	vand.u32 $0xFFFFFFC0, v1  }
0x25c: {  	v0 =	vor.u32 v0, v1  }
0x25d: {  	v1 =	vperm.xlane v0, v17;
	_ =	sdelay $0x1  }
0x25e: {  	v1 =	vadd.s32 v18, v1;
	_ =	sdelay $0x3  }
0x25f: {  	s23 =	simm.s32 $0x1000  }
0x260: {  	[tilespmem:s23], [sflag:$0x1] =	stream.indirect_vreg.gather [hbm4b:s3+s12], $0x80, v1, vm0, $0xb8;
	[tilespmem:$0x11100] =	vst v63  }
0x261: {  	s24 =	simm.s32 $0x1800;
	v0 =	vperm.xlane v0, v19  }
0x262: {  	[tilespmem:s24], [sflag:$0x1] =	stream.indirect_vreg.gather [hbm4b:s7+s12], $0x80, v1, vm0, $0xb8;
	[tilespmem:$0x11100] =	vst v63  }
0x263: {  	s15 =	simm.s32 $0x2000;
	v0 =	vadd.s32 v18, v0  }
0x264: {  	[tilespmem:s15], [sflag:$0x1] =	stream.indirect_vreg.gather [hbm4b:s8+s12], $0x80, v1, vm0, $0xb8;
	[tilespmem:$0x11100] =	vst v63  }
0x265: {  	s16 =	simm.s32 $0x2800  }
0x266: {  	[tilespmem:s16], [sflag:$0x1] =	stream.indirect_vreg.gather [hbm4b:s9+s12], $0x80, v1, vm0, $0xb8;
	[tilespmem:$0x11100] =	vst v63  }
0x267: {  	s17 =	simm.s32 $0x3000  }
0x268: {  	[tilespmem:s17], [sflag:$0x1] =	stream.indirect_vreg.gather [hbm4b:s3+s12], $0x80, v0, vm0, $0xb8;
	[tilespmem:$0x11100] =	vst v63  }
0x269: {  	s29 =	simm.s32 $0x3800  }
0x26a: {  	[tilespmem:s29], [sflag:$0x1] =	stream.indirect_vreg.gather [hbm4b:s7+s12], $0x80, v0, vm0, $0xb8;
	[tilespmem:$0x11100] =	vst v63  }
0x26b: {  	s30 =	simm.s32 $0x4000  }
0x26c: {  	[tilespmem:s30], [sflag:$0x1] =	stream.indirect_vreg.gather [hbm4b:s8+s12], $0x80, v0, vm0, $0xb8;
	[tilespmem:$0x11100] =	vst v63  }
0x26d: {  	s25 =	simm.s32 $0x4800  }
0x26e: {  	[tilespmem:s25], [sflag:$0x1] =	stream.indirect_vreg.gather [hbm4b:s9+s12], $0x80, v0, vm0, $0xb8;
	[tilespmem:$0x11100] =	vst v63  }
0x26f: {  	v0 =	vld [tilespmem:s6+$0x850];
	_ =	sdelay $0x4  }
0x270: {  	v1 =	vshll.u32 v0, $0x3  }
0x271: {  	v0 =	vand.u32 $0x7, v0;
	v1 =	vand.u32 $0xFFFFFFC0, v1  }
0x272: {  	v0 =	vor.u32 v0, v1  }
0x273: {  	v1 =	vperm.xlane v0, v17;
	_ =	sdelay $0x1  }
0x274: {  	v1 =	vadd.s32 v18, v1;
	_ =	sdelay $0x3  }
0x275: {  	s26 =	simm.s32 $0x5000  }
0x276: {  	[tilespmem:s26], [sflag:$0x1] =	stream.indirect_vreg.gather [hbm4b:s3+s12], $0x80, v1, vm0, $0xb8;
	[tilespmem:$0x11100] =	vst v63  }
0x277: {  	s28 =	simm.s32 $0x5800;
	v0 =	vperm.xlane v0, v19  }
0x278: {  	[tilespmem:s28], [sflag:$0x1] =	stream.indirect_vreg.gather [hbm4b:s7+s12], $0x80, v1, vm0, $0xb8;
	[tilespmem:$0x11100] =	vst v63  }
0x279: {  	s23 =	simm.s32 $0x6000;
	v0 =	vadd.s32 v18, v0  }
0x27a: {  	[tilespmem:s23], [sflag:$0x1] =	stream.indirect_vreg.gather [hbm4b:s8+s12], $0x80, v1, vm0, $0xb8;
	[tilespmem:$0x11100] =	vst v63  }
0x27b: {  	s24 =	simm.s32 $0x6800  }
0x27c: {  	[tilespmem:s24], [sflag:$0x1] =	stream.indirect_vreg.gather [hbm4b:s9+s12], $0x80, v1, vm0, $0xb8;
	[tilespmem:$0x11100] =	vst v63  }
0x27d: {  	s25 =	simm.s32 $0x7000  }
0x27e: {  	[tilespmem:s25], [sflag:$0x1] =	stream.indirect_vreg.gather [hbm4b:s3+s12], $0x80, v0, vm0, $0xb8;
	[tilespmem:$0x11100] =	vst v63  }
0x27f: {  	s26 =	simm.s32 $0x7800  }
0x280: {  	[tilespmem:s26], [sflag:$0x1] =	stream.indirect_vreg.gather [hbm4b:s7+s12], $0x80, v0, vm0, $0xb8;
	[tilespmem:$0x11100] =	vst v63  }
0x281: {  	s28 =	simm.s32 $0x8000  }
0x282: {  	[tilespmem:s28], [sflag:$0x1] =	stream.indirect_vreg.gather [hbm4b:s8+s12], $0x80, v0, vm0, $0xb8;
	[tilespmem:$0x11100] =	vst v63  }
0x283: {  	s31 =	simm.s32 $0x8800  }
0x284: {  	[tilespmem:s31], [sflag:$0x1] =	stream.indirect_vreg.gather [hbm4b:s9+s12], $0x80, v0, vm0, $0xb8;
	[tilespmem:$0x11100] =	vst v63  }
0x285: {  	v0 =	vld [tilespmem:s6+$0x860];
	_ =	sdelay $0x4  }
0x286: {  	v1 =	vshll.u32 v0, $0x3  }
0x287: {  	v0 =	vand.u32 $0x7, v0;
	v1 =	vand.u32 $0xFFFFFFC0, v1  }
0x288: {  	v0 =	vor.u32 v0, v1  }
0x289: {  	v1 =	vperm.xlane v0, v17;
	_ =	sdelay $0x1  }
0x28a: {  	v1 =	vadd.s32 v18, v1;
	_ =	sdelay $0x3  }
0x28b: {  	s14 =	simm.s32 $0x9000  }
0x28c: {  	[tilespmem:s14], [sflag:$0x1] =	stream.indirect_vreg.gather [hbm4b:s3+s12], $0x80, v1, vm0, $0xb8;
	[tilespmem:$0x11100] =	vst v63  }
0x28d: {  	s18 =	simm.s32 $0x9800;
	v0 =	vperm.xlane v0, v19  }
0x28e: {  	[tilespmem:s18], [sflag:$0x1] =	stream.indirect_vreg.gather [hbm4b:s7+s12], $0x80, v1, vm0, $0xb8;
	[tilespmem:$0x11100] =	vst v63  }
0x28f: {  	v0 =	vadd.s32 v18, v0  }
0x290: {  	[tilespmem:s1], [sflag:$0x1] =	stream.indirect_vreg.gather [hbm4b:s8+s12], $0x80, v1, vm0, $0xb8;
	[tilespmem:$0x11100] =	vst v63  }
0x291: {  	s21 =	simm.s32 $0xA800  }
0x292: {  	[tilespmem:s21], [sflag:$0x1] =	stream.indirect_vreg.gather [hbm4b:s9+s12], $0x80, v1, vm0, $0xb8;
	[tilespmem:$0x11100] =	vst v63  }
0x293: {  	s22 =	simm.s32 $0xB000  }
0x294: {  	[tilespmem:s22], [sflag:$0x1] =	stream.indirect_vreg.gather [hbm4b:s3+s12], $0x80, v0, vm0, $0xb8;
	[tilespmem:$0x11100] =	vst v63  }
0x295: {  	s13 =	simm.s32 $0xB800  }
0x296: {  	[tilespmem:s13], [sflag:$0x1] =	stream.indirect_vreg.gather [hbm4b:s7+s12], $0x80, v0, vm0, $0xb8;
	[tilespmem:$0x11100] =	vst v63  }
0x297: {  	s19 =	simm.s32 $0xC000  }
0x298: {  	[tilespmem:s19], [sflag:$0x1] =	stream.indirect_vreg.gather [hbm4b:s8+s12], $0x80, v0, vm0, $0xb8;
	[tilespmem:$0x11100] =	vst v63  }
0x299: {  	s31 =	simm.s32 $0xC800  }
0x29a: {  	[tilespmem:s31], [sflag:$0x1] =	stream.indirect_vreg.gather [hbm4b:s9+s12], $0x80, v0, vm0, $0xb8;
	[tilespmem:$0x11100] =	vst v63  }
0x29b: {  	v0 =	vld [tilespmem:s6+$0x870];
	_ =	sdelay $0x4  }
0x29c: {  	v1 =	vshll.u32 v0, $0x3  }
0x29d: {  	v0 =	vand.u32 $0x7, v0;
	v1 =	vand.u32 $0xFFFFFFC0, v1  }
0x29e: {  	v0 =	vor.u32 v0, v1  }
0x29f: {  	v1 =	vperm.xlane v0, v17;
	_ =	sdelay $0x1  }
0x2a0: {  	v1 =	vadd.s32 v18, v1;
	_ =	sdelay $0x3  }
0x2a1: {  	s2 =	simm.s32 $0xD000  }
0x2a2: {  	[tilespmem:s2], [sflag:$0x1] =	stream.indirect_vreg.gather [hbm4b:s3+s12], $0x80, v1, vm0, $0xb8;
	[tilespmem:$0x11100] =	vst v63  }
0x2a3: {  	s14 =	simm.s32 $0xD800;
	v0 =	vperm.xlane v0, v19  }
0x2a4: {  	[tilespmem:s14], [sflag:$0x1] =	stream.indirect_vreg.gather [hbm4b:s7+s12], $0x80, v1, vm0, $0xb8;
	[tilespmem:$0x11100] =	vst v63  }
0x2a5: {  	s20 =	simm.s32 $0xE000;
	v0 =	vadd.s32 v18, v0  }
0x2a6: {  	[tilespmem:s20], [sflag:$0x1] =	stream.indirect_vreg.gather [hbm4b:s8+s12], $0x80, v1, vm0, $0xb8;
	[tilespmem:$0x11100] =	vst v63  }
0x2a7: {  	s13 =	simm.s32 $0xE800  }
0x2a8: {  	[tilespmem:s13], [sflag:$0x1] =	stream.indirect_vreg.gather [hbm4b:s9+s12], $0x80, v1, vm0, $0xb8;
	[tilespmem:$0x11100] =	vst v63  }
0x2a9: {  	s18 =	simm.s32 $0xF000  }
0x2aa: {  	[tilespmem:s18], [sflag:$0x1] =	stream.indirect_vreg.gather [hbm4b:s3+s12], $0x80, v0, vm0, $0xb8;
	[tilespmem:$0x11100] =	vst v63  }
0x2ab: {  	s4 =	simm.s32 $0xF800  }
0x2ac: {  	[tilespmem:s4], [sflag:$0x1] =	stream.indirect_vreg.gather [hbm4b:s7+s12], $0x80, v0, vm0, $0xb8;
	[tilespmem:$0x11100] =	vst v63  }
0x2ad: {  	s19 =	simm.s32 $0x10000  }
0x2ae: {  	[tilespmem:s19], [sflag:$0x1] =	stream.indirect_vreg.gather [hbm4b:s8+s12], $0x80, v0, vm0, $0xb8;
	[tilespmem:$0x11100] =	vst v63  }
0x2af: {  	s1 =	simm.s32 $0x1;
	s20 =	simm.s32 $0x10800  }
0x2b0: {  	[tilespmem:s20], [sflag:$0x1] =	stream.indirect_vreg.gather [hbm4b:s9+s12], $0x80, v0, vm0, $0xb8;
	[tilespmem:$0x11100] =	vst v63  }
0x2b1: {  	_ =	swait.ge [sflag:s1], $0x10000  }
0x2b2: {  	[sflag:s1] =	ssyncset.done $0x0  }
0x2b3: {  	[sflag:s1] =	ssyncadd.s32 $0xFFFF0000  }
0x2b4: {  	v0 =	vld [tilespmem:$0x11040];
	_ =	sdelay $0x4  }
0x2b5: {  	v1 =	vshll.u32 v0, $0x3  }
0x2b6: {  	v0 =	vand.u32 $0x7, v0;
	v1 =	vand.u32 $0xFFFFFFC0, v1  }
0x2b7: {  	v0 =	vor.u32 v0, v1  }
0x2b8: {  	v1 =	vperm.xlane v0, v17;
	_ =	sdelay $0x1  }
0x2b9: {  	v1 =	vadd.s32 v18, v1;
	_ =	sdelay $0x3  }
0x2ba: {  	s4 =	simm.s32 $0x1000  }
0x2bb: {  	[hbm4b:s5+s12] =	stream.indirect_vreg.scatter [tilespmem:s4], [sflag:$0x2], $0x80, v1, vm0, $0xb8;
	[tilespmem:$0x11100] =	vst v63  }
0x2bc: {  	v0 =	vperm.xlane v0, v19;
	s4 =	simm.s32 $0x1800  }
0x2bd: {  	[hbm4b:s10+s12] =	stream.indirect_vreg.scatter [tilespmem:s4], [sflag:$0x2], $0x80, v1, vm0, $0xb8;
	[tilespmem:$0x11100] =	vst v63  }
0x2be: {  	v0 =	vadd.s32 v18, v0  }
0x2bf: {  	[hbm4b:s11+s12] =	stream.indirect_vreg.scatter [tilespmem:s15], [sflag:$0x2], $0x80, v1, vm0, $0xb8;
	[tilespmem:$0x11100] =	vst v63  }
0x2c0: {  	_ = 	snop  }
0x2c1: {  	[hbm4b:s0+s12] =	stream.indirect_vreg.scatter [tilespmem:s16], [sflag:$0x2], $0x80, v1, vm0, $0xb8;
	[tilespmem:$0x11100] =	vst v63  }
0x2c2: {  	_ = 	snop  }
0x2c3: {  	[hbm4b:s5+s12] =	stream.indirect_vreg.scatter [tilespmem:s17], [sflag:$0x2], $0x80, v0, vm0, $0xb8;
	[tilespmem:$0x11100] =	vst v63  }
0x2c4: {  	_ = 	snop  }
0x2c5: {  	[hbm4b:s10+s12] =	stream.indirect_vreg.scatter [tilespmem:s29], [sflag:$0x2], $0x80, v0, vm0, $0xb8;
	[tilespmem:$0x11100] =	vst v63  }
0x2c6: {  	_ = 	snop  }
0x2c7: {  	[hbm4b:s11+s12] =	stream.indirect_vreg.scatter [tilespmem:s30], [sflag:$0x2], $0x80, v0, vm0, $0xb8;
	[tilespmem:$0x11100] =	vst v63  }
0x2c8: {  	s15 =	simm.s32 $0x4800  }
0x2c9: {  	[hbm4b:s0+s12] =	stream.indirect_vreg.scatter [tilespmem:s15], [sflag:$0x2], $0x80, v0, vm0, $0xb8;
	[tilespmem:$0x11100] =	vst v63  }
0x2ca: {  	v0 =	vld [tilespmem:$0x11050];
	_ =	sdelay $0x4  }
0x2cb: {  	v1 =	vshll.u32 v0, $0x3  }
0x2cc: {  	v0 =	vand.u32 $0x7, v0;
	v1 =	vand.u32 $0xFFFFFFC0, v1  }
0x2cd: {  	v0 =	vor.u32 v0, v1  }
0x2ce: {  	v1 =	vperm.xlane v0, v17;
	_ =	sdelay $0x1  }
0x2cf: {  	v1 =	vadd.s32 v18, v1;
	_ =	sdelay $0x3  }
0x2d0: {  	s16 =	simm.s32 $0x5000  }
0x2d1: {  	[hbm4b:s5+s12] =	stream.indirect_vreg.scatter [tilespmem:s16], [sflag:$0x2], $0x80, v1, vm0, $0xb8;
	[tilespmem:$0x11100] =	vst v63  }
0x2d2: {  	s17 =	simm.s32 $0x5800;
	v0 =	vperm.xlane v0, v19  }
0x2d3: {  	[hbm4b:s10+s12] =	stream.indirect_vreg.scatter [tilespmem:s17], [sflag:$0x2], $0x80, v1, vm0, $0xb8;
	[tilespmem:$0x11100] =	vst v63  }
0x2d4: {  	v0 =	vadd.s32 v18, v0  }
0x2d5: {  	[hbm4b:s11+s12] =	stream.indirect_vreg.scatter [tilespmem:s23], [sflag:$0x2], $0x80, v1, vm0, $0xb8;
	[tilespmem:$0x11100] =	vst v63  }
0x2d6: {  	_ = 	snop  }
0x2d7: {  	[hbm4b:s0+s12] =	stream.indirect_vreg.scatter [tilespmem:s24], [sflag:$0x2], $0x80, v1, vm0, $0xb8;
	[tilespmem:$0x11100] =	vst v63  }
0x2d8: {  	_ = 	snop  }
0x2d9: {  	[hbm4b:s5+s12] =	stream.indirect_vreg.scatter [tilespmem:s25], [sflag:$0x2], $0x80, v0, vm0, $0xb8;
	[tilespmem:$0x11100] =	vst v63  }
0x2da: {  	_ = 	snop  }
0x2db: {  	[hbm4b:s10+s12] =	stream.indirect_vreg.scatter [tilespmem:s26], [sflag:$0x2], $0x80, v0, vm0, $0xb8;
	[tilespmem:$0x11100] =	vst v63  }
0x2dc: {  	_ = 	snop  }
0x2dd: {  	[hbm4b:s11+s12] =	stream.indirect_vreg.scatter [tilespmem:s28], [sflag:$0x2], $0x80, v0, vm0, $0xb8;
	[tilespmem:$0x11100] =	vst v63  }
0x2de: {  	s26 =	simm.s32 $0x8800  }
0x2df: {  	[hbm4b:s0+s12] =	stream.indirect_vreg.scatter [tilespmem:s26], [sflag:$0x2], $0x80, v0, vm0, $0xb8;
	[tilespmem:$0x11100] =	vst v63  }
0x2e0: {  	v0 =	vld [tilespmem:$0x11060];
	_ =	sdelay $0x4  }
0x2e1: {  	v1 =	vshll.u32 v0, $0x3  }
0x2e2: {  	v0 =	vand.u32 $0x7, v0;
	v1 =	vand.u32 $0xFFFFFFC0, v1  }
0x2e3: {  	v0 =	vor.u32 v0, v1  }
0x2e4: {  	v1 =	vperm.xlane v0, v17;
	_ =	sdelay $0x1  }
0x2e5: {  	v1 =	vadd.s32 v18, v1;
	_ =	sdelay $0x3  }
0x2e6: {  	s4 =	simm.s32 $0x9000  }
0x2e7: {  	[hbm4b:s5+s12] =	stream.indirect_vreg.scatter [tilespmem:s4], [sflag:$0x2], $0x80, v1, vm0, $0xb8;
	[tilespmem:$0x11100] =	vst v63  }
0x2e8: {  	s16 =	simm.s32 $0x9800;
	v0 =	vperm.xlane v0, v19  }
0x2e9: {  	[hbm4b:s10+s12] =	stream.indirect_vreg.scatter [tilespmem:s16], [sflag:$0x2], $0x80, v1, vm0, $0xb8;
	[tilespmem:$0x11100] =	vst v63  }
0x2ea: {  	v0 =	vadd.s32 v18, v0;
	s4 =	simm.s32 $0xA000  }
0x2eb: {  	[hbm4b:s11+s12] =	stream.indirect_vreg.scatter [tilespmem:s4], [sflag:$0x2], $0x80, v1, vm0, $0xb8;
	[tilespmem:$0x11100] =	vst v63  }
0x2ec: {  	_ = 	snop  }
0x2ed: {  	[hbm4b:s0+s12] =	stream.indirect_vreg.scatter [tilespmem:s21], [sflag:$0x2], $0x80, v1, vm0, $0xb8;
	[tilespmem:$0x11100] =	vst v63  }
0x2ee: {  	_ = 	snop  }
0x2ef: {  	[hbm4b:s5+s12] =	stream.indirect_vreg.scatter [tilespmem:s22], [sflag:$0x2], $0x80, v0, vm0, $0xb8;
	[tilespmem:$0x11100] =	vst v63  }
0x2f0: {  	s1 =	simm.s32 $0xB800  }
0x2f1: {  	[hbm4b:s10+s12] =	stream.indirect_vreg.scatter [tilespmem:s1], [sflag:$0x2], $0x80, v0, vm0, $0xb8;
	[tilespmem:$0x11100] =	vst v63  }
0x2f2: {  	s26 =	simm.s32 $0xC000  }
0x2f3: {  	[hbm4b:s11+s12] =	stream.indirect_vreg.scatter [tilespmem:s26], [sflag:$0x2], $0x80, v0, vm0, $0xb8;
	[tilespmem:$0x11100] =	vst v63  }
0x2f4: {  	_ = 	snop  }
0x2f5: {  	[hbm4b:s0+s12] =	stream.indirect_vreg.scatter [tilespmem:s31], [sflag:$0x2], $0x80, v0, vm0, $0xb8;
	[tilespmem:$0x11100] =	vst v63  }
0x2f6: {  	v0 =	vld [tilespmem:$0x11070];
	_ =	sdelay $0x4  }
0x2f7: {  	v1 =	vshll.u32 v0, $0x3  }
0x2f8: {  	v0 =	vand.u32 $0x7, v0;
	v1 =	vand.u32 $0xFFFFFFC0, v1  }
0x2f9: {  	v0 =	vor.u32 v0, v1  }
0x2fa: {  	v1 =	vperm.xlane v0, v17;
	_ =	sdelay $0x1  }
0x2fb: {  	v1 =	vadd.s32 v18, v1;
	_ =	sdelay $0x4  }
0x2fc: {  	[hbm4b:s5+s12] =	stream.indirect_vreg.scatter [tilespmem:s2], [sflag:$0x2], $0x80, v1, vm0, $0xb8;
	[tilespmem:$0x11100] =	vst v63  }
0x2fd: {  	v0 =	vperm.xlane v0, v19  }
0x2fe: {  	[hbm4b:s10+s12] =	stream.indirect_vreg.scatter [tilespmem:s14], [sflag:$0x2], $0x80, v1, vm0, $0xb8;
	[tilespmem:$0x11100] =	vst v63  }
0x2ff: {  	v0 =	vadd.s32 v18, v0;
	s14 =	simm.s32 $0xE000  }
0x300: {  	[hbm4b:s11+s12] =	stream.indirect_vreg.scatter [tilespmem:s14], [sflag:$0x2], $0x80, v1, vm0, $0xb8;
	[tilespmem:$0x11100] =	vst v63  }
0x301: {  	_ = 	snop  }
0x302: {  	[hbm4b:s0+s12] =	stream.indirect_vreg.scatter [tilespmem:s13], [sflag:$0x2], $0x80, v1, vm0, $0xb8;
	[tilespmem:$0x11100] =	vst v63  }
0x303: {  	_ = 	snop  }
0x304: {  	[hbm4b:s5+s12] =	stream.indirect_vreg.scatter [tilespmem:s18], [sflag:$0x2], $0x80, v0, vm0, $0xb8;
	[tilespmem:$0x11100] =	vst v63  }
0x305: {  	s14 =	simm.s32 $0xF800  }
0x306: {  	[hbm4b:s10+s12] =	stream.indirect_vreg.scatter [tilespmem:s14], [sflag:$0x2], $0x80, v0, vm0, $0xb8;
	[tilespmem:$0x11100] =	vst v63  }
0x307: {  	_ = 	snop  }
0x308: {  	[hbm4b:s11+s12] =	stream.indirect_vreg.scatter [tilespmem:s19], [sflag:$0x2], $0x80, v0, vm0, $0xb8;
	[tilespmem:$0x11100] =	vst v63  }
0x309: {  	s26 =	simm.s32 $0x2  }
0x30a: {  	[hbm4b:s0+s12] =	stream.indirect_vreg.scatter [tilespmem:s20], [sflag:$0x2], $0x80, v0, vm0, $0xb8;
	[tilespmem:$0x11100] =	vst v63  }
0x30b: {  	_ =	swait.ge [sflag:s26], $0x10000  }
0x30c: {  	[sflag:s26] =	ssyncset.done $0x0  }
0x30d: {  	[sflag:s26] =	ssyncadd.s32 $0xFFFF0000  }
0x30e: {  	v0 =	vld [tilespmem:s6+$0x880];
	_ =	sdelay $0x4  }
0x30f: {  	v1 =	vshll.u32 v0, $0x3  }
0x310: {  	v0 =	vand.u32 $0x7, v0;
	v1 =	vand.u32 $0xFFFFFFC0, v1  }
0x311: {  	v0 =	vor.u32 v0, v1  }
0x312: {  	v1 =	vperm.xlane v0, v17;
	_ =	sdelay $0x1  }
0x313: {  	v1 =	vadd.s32 v18, v1;
	_ =	sdelay $0x3  }
0x314: {  	s13 =	simm.s32 $0x1000  }
0x315: {  	[tilespmem:s13], [sflag:$0x1] =	stream.indirect_vreg.gather [hbm4b:s3+s12], $0x80, v1, vm0, $0xb8;
	[tilespmem:$0x11100] =	vst v63  }
0x316: {  	s2 =	simm.s32 $0x1800;
	v0 =	vperm.xlane v0, v19  }
0x317: {  	[tilespmem:s2], [sflag:$0x1] =	stream.indirect_vreg.gather [hbm4b:s7+s12], $0x80, v1, vm0, $0xb8;
	[tilespmem:$0x11100] =	vst v63  }
0x318: {  	s31 =	simm.s32 $0x2000;
	v0 =	vadd.s32 v18, v0  }
0x319: {  	[tilespmem:s31], [sflag:$0x1] =	stream.indirect_vreg.gather [hbm4b:s8+s12], $0x80, v1, vm0, $0xb8;
	[tilespmem:$0x11100] =	vst v63  }
0x31a: {  	s31 =	simm.s32 $0x2800  }
0x31b: {  	[tilespmem:s31], [sflag:$0x1] =	stream.indirect_vreg.gather [hbm4b:s9+s12], $0x80, v1, vm0, $0xb8;
	[tilespmem:$0x11100] =	vst v63  }
0x31c: {  	s31 =	simm.s32 $0x3000  }
0x31d: {  	[tilespmem:s31], [sflag:$0x1] =	stream.indirect_vreg.gather [hbm4b:s3+s12], $0x80, v0, vm0, $0xb8;
	[tilespmem:$0x11100] =	vst v63  }
0x31e: {  	s29 =	simm.s32 $0x3800  }
0x31f: {  	[tilespmem:s29], [sflag:$0x1] =	stream.indirect_vreg.gather [hbm4b:s7+s12], $0x80, v0, vm0, $0xb8;
	[tilespmem:$0x11100] =	vst v63  }
0x320: {  	s30 =	simm.s32 $0x4000  }
0x321: {  	[tilespmem:s30], [sflag:$0x1] =	stream.indirect_vreg.gather [hbm4b:s8+s12], $0x80, v0, vm0, $0xb8;
	[tilespmem:$0x11100] =	vst v63  }
0x322: {  	s29 =	simm.s32 $0x4800  }
0x323: {  	[tilespmem:s29], [sflag:$0x1] =	stream.indirect_vreg.gather [hbm4b:s9+s12], $0x80, v0, vm0, $0xb8;
	[tilespmem:$0x11100] =	vst v63  }
0x324: {  	v0 =	vld [tilespmem:s6+$0x890];
	_ =	sdelay $0x4  }
0x325: {  	v1 =	vshll.u32 v0, $0x3  }
0x326: {  	v0 =	vand.u32 $0x7, v0;
	v1 =	vand.u32 $0xFFFFFFC0, v1  }
0x327: {  	v0 =	vor.u32 v0, v1  }
0x328: {  	v1 =	vperm.xlane v0, v17;
	_ =	sdelay $0x1  }
0x329: {  	v1 =	vadd.s32 v18, v1;
	_ =	sdelay $0x3  }
0x32a: {  	s30 =	simm.s32 $0x5000  }
0x32b: {  	[tilespmem:s30], [sflag:$0x1] =	stream.indirect_vreg.gather [hbm4b:s3+s12], $0x80, v1, vm0, $0xb8;
	[tilespmem:$0x11100] =	vst v63  }
0x32c: {  	s31 =	simm.s32 $0x5800;
	v0 =	vperm.xlane v0, v19  }
0x32d: {  	[tilespmem:s31], [sflag:$0x1] =	stream.indirect_vreg.gather [hbm4b:s7+s12], $0x80, v1, vm0, $0xb8;
	[tilespmem:$0x11100] =	vst v63  }
0x32e: {  	s15 =	simm.s32 $0x6000;
	v0 =	vadd.s32 v18, v0  }
0x32f: {  	[tilespmem:s15], [sflag:$0x1] =	stream.indirect_vreg.gather [hbm4b:s8+s12], $0x80, v1, vm0, $0xb8;
	[tilespmem:$0x11100] =	vst v63  }
0x330: {  	s24 =	simm.s32 $0x6800  }
0x331: {  	[tilespmem:s24], [sflag:$0x1] =	stream.indirect_vreg.gather [hbm4b:s9+s12], $0x80, v1, vm0, $0xb8;
	[tilespmem:$0x11100] =	vst v63  }
0x332: {  	s25 =	simm.s32 $0x7000  }
0x333: {  	[tilespmem:s25], [sflag:$0x1] =	stream.indirect_vreg.gather [hbm4b:s3+s12], $0x80, v0, vm0, $0xb8;
	[tilespmem:$0x11100] =	vst v63  }
0x334: {  	s23 =	simm.s32 $0x7800  }
0x335: {  	[tilespmem:s23], [sflag:$0x1] =	stream.indirect_vreg.gather [hbm4b:s7+s12], $0x80, v0, vm0, $0xb8;
	[tilespmem:$0x11100] =	vst v63  }
0x336: {  	s28 =	simm.s32 $0x8000  }
0x337: {  	[tilespmem:s28], [sflag:$0x1] =	stream.indirect_vreg.gather [hbm4b:s8+s12], $0x80, v0, vm0, $0xb8;
	[tilespmem:$0x11100] =	vst v63  }
0x338: {  	s17 =	simm.s32 $0x8800  }
0x339: {  	[tilespmem:s17], [sflag:$0x1] =	stream.indirect_vreg.gather [hbm4b:s9+s12], $0x80, v0, vm0, $0xb8;
	[tilespmem:$0x11100] =	vst v63  }
0x33a: {  	v0 =	vld [tilespmem:s6+$0x8A0];
	_ =	sdelay $0x4  }
0x33b: {  	v1 =	vshll.u32 v0, $0x3  }
0x33c: {  	v0 =	vand.u32 $0x7, v0;
	v1 =	vand.u32 $0xFFFFFFC0, v1  }
0x33d: {  	v0 =	vor.u32 v0, v1  }
0x33e: {  	v1 =	vperm.xlane v0, v17;
	_ =	sdelay $0x1  }
0x33f: {  	v1 =	vadd.s32 v18, v1;
	_ =	sdelay $0x3  }
0x340: {  	s25 =	simm.s32 $0x9000  }
0x341: {  	[tilespmem:s25], [sflag:$0x1] =	stream.indirect_vreg.gather [hbm4b:s3+s12], $0x80, v1, vm0, $0xb8;
	[tilespmem:$0x11100] =	vst v63  }
0x342: {  	s28 =	simm.s32 $0x9800;
	v0 =	vperm.xlane v0, v19  }
0x343: {  	[tilespmem:s28], [sflag:$0x1] =	stream.indirect_vreg.gather [hbm4b:s7+s12], $0x80, v1, vm0, $0xb8;
	[tilespmem:$0x11100] =	vst v63  }
0x344: {  	v0 =	vadd.s32 v18, v0  }
0x345: {  	[tilespmem:s4], [sflag:$0x1] =	stream.indirect_vreg.gather [hbm4b:s8+s12], $0x80, v1, vm0, $0xb8;
	[tilespmem:$0x11100] =	vst v63  }
0x346: {  	s16 =	simm.s32 $0xA800  }
0x347: {  	[tilespmem:s16], [sflag:$0x1] =	stream.indirect_vreg.gather [hbm4b:s9+s12], $0x80, v1, vm0, $0xb8;
	[tilespmem:$0x11100] =	vst v63  }
0x348: {  	s22 =	simm.s32 $0xB000  }
0x349: {  	[tilespmem:s22], [sflag:$0x1] =	stream.indirect_vreg.gather [hbm4b:s3+s12], $0x80, v0, vm0, $0xb8;
	[tilespmem:$0x11100] =	vst v63  }
0x34a: {  	_ = 	snop  }
0x34b: {  	[tilespmem:s1], [sflag:$0x1] =	stream.indirect_vreg.gather [hbm4b:s7+s12], $0x80, v0, vm0, $0xb8;
	[tilespmem:$0x11100] =	vst v63  }
0x34c: {  	s29 =	simm.s32 $0xC000  }
0x34d: {  	[tilespmem:s29], [sflag:$0x1] =	stream.indirect_vreg.gather [hbm4b:s8+s12], $0x80, v0, vm0, $0xb8;
	[tilespmem:$0x11100] =	vst v63  }
0x34e: {  	s21 =	simm.s32 $0xC800  }
0x34f: {  	[tilespmem:s21], [sflag:$0x1] =	stream.indirect_vreg.gather [hbm4b:s9+s12], $0x80, v0, vm0, $0xb8;
	[tilespmem:$0x11100] =	vst v63  }
0x350: {  	v0 =	vld [tilespmem:s6+$0x8B0];
	_ =	sdelay $0x4  }
0x351: {  	v1 =	vshll.u32 v0, $0x3  }
0x352: {  	v0 =	vand.u32 $0x7, v0;
	v1 =	vand.u32 $0xFFFFFFC0, v1  }
0x353: {  	v0 =	vor.u32 v0, v1  }
0x354: {  	v1 =	vperm.xlane v0, v17;
	_ =	sdelay $0x1  }
0x355: {  	v1 =	vadd.s32 v18, v1;
	_ =	sdelay $0x3  }
0x356: {  	s4 =	simm.s32 $0xD000  }
0x357: {  	[tilespmem:s4], [sflag:$0x1] =	stream.indirect_vreg.gather [hbm4b:s3+s12], $0x80, v1, vm0, $0xb8;
	[tilespmem:$0x11100] =	vst v63  }
0x358: {  	s15 =	simm.s32 $0xD800;
	v0 =	vperm.xlane v0, v19  }
0x359: {  	[tilespmem:s15], [sflag:$0x1] =	stream.indirect_vreg.gather [hbm4b:s7+s12], $0x80, v1, vm0, $0xb8;
	[tilespmem:$0x11100] =	vst v63  }
0x35a: {  	s16 =	simm.s32 $0xE000;
	v0 =	vadd.s32 v18, v0  }
0x35b: {  	[tilespmem:s16], [sflag:$0x1] =	stream.indirect_vreg.gather [hbm4b:s8+s12], $0x80, v1, vm0, $0xb8;
	[tilespmem:$0x11100] =	vst v63  }
0x35c: {  	s17 =	simm.s32 $0xE800  }
0x35d: {  	[tilespmem:s17], [sflag:$0x1] =	stream.indirect_vreg.gather [hbm4b:s9+s12], $0x80, v1, vm0, $0xb8;
	[tilespmem:$0x11100] =	vst v63  }
0x35e: {  	s18 =	simm.s32 $0xF000  }
0x35f: {  	[tilespmem:s18], [sflag:$0x1] =	stream.indirect_vreg.gather [hbm4b:s3+s12], $0x80, v0, vm0, $0xb8;
	[tilespmem:$0x11100] =	vst v63  }
0x360: {  	_ = 	snop  }
0x361: {  	[tilespmem:s14], [sflag:$0x1] =	stream.indirect_vreg.gather [hbm4b:s7+s12], $0x80, v0, vm0, $0xb8;
	[tilespmem:$0x11100] =	vst v63  }
0x362: {  	s18 =	simm.s32 $0x10000  }
0x363: {  	[tilespmem:s18], [sflag:$0x1] =	stream.indirect_vreg.gather [hbm4b:s8+s12], $0x80, v0, vm0, $0xb8;
	[tilespmem:$0x11100] =	vst v63  }
0x364: {  	s20 =	simm.s32 $0x10800;
	s21 =	simm.s32 $0x1  }
0x365: {  	[tilespmem:s20], [sflag:$0x1] =	stream.indirect_vreg.gather [hbm4b:s9+s12], $0x80, v0, vm0, $0xb8;
	[tilespmem:$0x11100] =	vst v63  }
0x366: {  	_ =	swait.ge [sflag:s21], $0x10000  }
0x367: {  	[sflag:s21] =	ssyncset.done $0x0  }
0x368: {  	[sflag:s21] =	ssyncadd.s32 $0xFFFF0000  }
0x369: {  	v0 =	vld [tilespmem:$0x11080];
	_ =	sdelay $0x4  }
0x36a: {  	v1 =	vshll.u32 v0, $0x3  }
0x36b: {  	v0 =	vand.u32 $0x7, v0;
	v1 =	vand.u32 $0xFFFFFFC0, v1  }
0x36c: {  	v0 =	vor.u32 v0, v1  }
0x36d: {  	v1 =	vperm.xlane v0, v17;
	_ =	sdelay $0x1  }
0x36e: {  	v1 =	vadd.s32 v18, v1;
	_ =	sdelay $0x4  }
0x36f: {  	[hbm4b:s5+s12] =	stream.indirect_vreg.scatter [tilespmem:s13], [sflag:$0x2], $0x80, v1, vm0, $0xb8;
	[tilespmem:$0x11100] =	vst v63  }
0x370: {  	v0 =	vperm.xlane v0, v19  }
0x371: {  	[hbm4b:s10+s12] =	stream.indirect_vreg.scatter [tilespmem:s2], [sflag:$0x2], $0x80, v1, vm0, $0xb8;
	[tilespmem:$0x11100] =	vst v63  }
0x372: {  	s20 =	simm.s32 $0x2000;
	v0 =	vadd.s32 v18, v0  }
0x373: {  	[hbm4b:s11+s12] =	stream.indirect_vreg.scatter [tilespmem:s20], [sflag:$0x2], $0x80, v1, vm0, $0xb8;
	[tilespmem:$0x11100] =	vst v63  }
0x374: {  	s15 =	simm.s32 $0x2800  }
0x375: {  	[hbm4b:s0+s12] =	stream.indirect_vreg.scatter [tilespmem:s15], [sflag:$0x2], $0x80, v1, vm0, $0xb8;
	[tilespmem:$0x11100] =	vst v63  }
0x376: {  	s16 =	simm.s32 $0x3000  }
0x377: {  	[hbm4b:s5+s12] =	stream.indirect_vreg.scatter [tilespmem:s16], [sflag:$0x2], $0x80, v0, vm0, $0xb8;
	[tilespmem:$0x11100] =	vst v63  }
0x378: {  	s18 =	simm.s32 $0x3800  }
0x379: {  	[hbm4b:s10+s12] =	stream.indirect_vreg.scatter [tilespmem:s18], [sflag:$0x2], $0x80, v0, vm0, $0xb8;
	[tilespmem:$0x11100] =	vst v63  }
0x37a: {  	s17 =	simm.s32 $0x4000  }
0x37b: {  	[hbm4b:s11+s12] =	stream.indirect_vreg.scatter [tilespmem:s17], [sflag:$0x2], $0x80, v0, vm0, $0xb8;
	[tilespmem:$0x11100] =	vst v63  }
0x37c: {  	s23 =	simm.s32 $0x4800  }
0x37d: {  	[hbm4b:s0+s12] =	stream.indirect_vreg.scatter [tilespmem:s23], [sflag:$0x2], $0x80, v0, vm0, $0xb8;
	[tilespmem:$0x11100] =	vst v63  }
0x37e: {  	v0 =	vld [tilespmem:$0x11090];
	_ =	sdelay $0x4  }
0x37f: {  	v1 =	vshll.u32 v0, $0x3  }
0x380: {  	v0 =	vand.u32 $0x7, v0;
	v1 =	vand.u32 $0xFFFFFFC0, v1  }
0x381: {  	v0 =	vor.u32 v0, v1  }
0x382: {  	v1 =	vperm.xlane v0, v17;
	_ =	sdelay $0x1  }
0x383: {  	v1 =	vadd.s32 v18, v1;
	_ =	sdelay $0x3  }
0x384: {  	s25 =	simm.s32 $0x5000  }
0x385: {  	[hbm4b:s5+s12] =	stream.indirect_vreg.scatter [tilespmem:s25], [sflag:$0x2], $0x80, v1, vm0, $0xb8;
	[tilespmem:$0x11100] =	vst v63  }
0x386: {  	s19 =	simm.s32 $0x5800;
	v0 =	vperm.xlane v0, v19  }
0x387: {  	[hbm4b:s10+s12] =	stream.indirect_vreg.scatter [tilespmem:s19], [sflag:$0x2], $0x80, v1, vm0, $0xb8;
	[tilespmem:$0x11100] =	vst v63  }
0x388: {  	s4 =	simm.s32 $0x6000;
	v0 =	vadd.s32 v18, v0  }
0x389: {  	[hbm4b:s11+s12] =	stream.indirect_vreg.scatter [tilespmem:s4], [sflag:$0x2], $0x80, v1, vm0, $0xb8;
	[tilespmem:$0x11100] =	vst v63  }
0x38a: {  	s24 =	simm.s32 $0x6800  }
0x38b: {  	[hbm4b:s0+s12] =	stream.indirect_vreg.scatter [tilespmem:s24], [sflag:$0x2], $0x80, v1, vm0, $0xb8;
	[tilespmem:$0x11100] =	vst v63  }
0x38c: {  	s31 =	simm.s32 $0x7000  }
0x38d: {  	[hbm4b:s5+s12] =	stream.indirect_vreg.scatter [tilespmem:s31], [sflag:$0x2], $0x80, v0, vm0, $0xb8;
	[tilespmem:$0x11100] =	vst v63  }
0x38e: {  	s22 =	simm.s32 $0x7800  }
0x38f: {  	[hbm4b:s10+s12] =	stream.indirect_vreg.scatter [tilespmem:s22], [sflag:$0x2], $0x80, v0, vm0, $0xb8;
	[tilespmem:$0x11100] =	vst v63  }
0x390: {  	s24 =	simm.s32 $0x8000  }
0x391: {  	[hbm4b:s11+s12] =	stream.indirect_vreg.scatter [tilespmem:s24], [sflag:$0x2], $0x80, v0, vm0, $0xb8;
	[tilespmem:$0x11100] =	vst v63  }
0x392: {  	s1 =	simm.s32 $0x8800  }
0x393: {  	[hbm4b:s0+s12] =	stream.indirect_vreg.scatter [tilespmem:s1], [sflag:$0x2], $0x80, v0, vm0, $0xb8;
	[tilespmem:$0x11100] =	vst v63  }
0x394: {  	v0 =	vld [tilespmem:$0x110A0];
	_ =	sdelay $0x4  }
0x395: {  	v1 =	vshll.u32 v0, $0x3  }
0x396: {  	v0 =	vand.u32 $0x7, v0;
	v1 =	vand.u32 $0xFFFFFFC0, v1  }
0x397: {  	v0 =	vor.u32 v0, v1  }
0x398: {  	v1 =	vperm.xlane v0, v17;
	_ =	sdelay $0x1  }
0x399: {  	v1 =	vadd.s32 v18, v1;
	_ =	sdelay $0x3  }
0x39a: {  	s24 =	simm.s32 $0x9000  }
0x39b: {  	[hbm4b:s5+s12] =	stream.indirect_vreg.scatter [tilespmem:s24], [sflag:$0x2], $0x80, v1, vm0, $0xb8;
	[tilespmem:$0x11100] =	vst v63  }
0x39c: {  	s22 =	simm.s32 $0x9800;
	v0 =	vperm.xlane v0, v19  }
0x39d: {  	[hbm4b:s10+s12] =	stream.indirect_vreg.scatter [tilespmem:s22], [sflag:$0x2], $0x80, v1, vm0, $0xb8;
	[tilespmem:$0x11100] =	vst v63  }
0x39e: {  	s14 =	simm.s32 $0xA000;
	v0 =	vadd.s32 v18, v0  }
0x39f: {  	[hbm4b:s11+s12] =	stream.indirect_vreg.scatter [tilespmem:s14], [sflag:$0x2], $0x80, v1, vm0, $0xb8;
	[tilespmem:$0x11100] =	vst v63  }
0x3a0: {  	s21 =	simm.s32 $0xA800  }
0x3a1: {  	[hbm4b:s0+s12] =	stream.indirect_vreg.scatter [tilespmem:s21], [sflag:$0x2], $0x80, v1, vm0, $0xb8;
	[tilespmem:$0x11100] =	vst v63  }
0x3a2: {  	s30 =	simm.s32 $0xB000  }
0x3a3: {  	[hbm4b:s5+s12] =	stream.indirect_vreg.scatter [tilespmem:s30], [sflag:$0x2], $0x80, v0, vm0, $0xb8;
	[tilespmem:$0x11100] =	vst v63  }
0x3a4: {  	s2 =	simm.s32 $0xB800  }
0x3a5: {  	[hbm4b:s10+s12] =	stream.indirect_vreg.scatter [tilespmem:s2], [sflag:$0x2], $0x80, v0, vm0, $0xb8;
	[tilespmem:$0x11100] =	vst v63  }
0x3a6: {  	s13 =	simm.s32 $0xC000  }
0x3a7: {  	[hbm4b:s11+s12] =	stream.indirect_vreg.scatter [tilespmem:s13], [sflag:$0x2], $0x80, v0, vm0, $0xb8;
	[tilespmem:$0x11100] =	vst v63  }
0x3a8: {  	s19 =	simm.s32 $0xC800  }
0x3a9: {  	[hbm4b:s0+s12] =	stream.indirect_vreg.scatter [tilespmem:s19], [sflag:$0x2], $0x80, v0, vm0, $0xb8;
	[tilespmem:$0x11100] =	vst v63  }
0x3aa: {  	v0 =	vld [tilespmem:$0x110B0];
	_ =	sdelay $0x4  }
0x3ab: {  	v1 =	vshll.u32 v0, $0x3  }
0x3ac: {  	v0 =	vand.u32 $0x7, v0;
	v1 =	vand.u32 $0xFFFFFFC0, v1  }
0x3ad: {  	v0 =	vor.u32 v0, v1  }
0x3ae: {  	v1 =	vperm.xlane v0, v17;
	_ =	sdelay $0x1  }
0x3af: {  	v1 =	vadd.s32 v18, v1;
	_ =	sdelay $0x3  }
0x3b0: {  	s30 =	simm.s32 $0xD000  }
0x3b1: {  	[hbm4b:s5+s12] =	stream.indirect_vreg.scatter [tilespmem:s30], [sflag:$0x2], $0x80, v1, vm0, $0xb8;
	[tilespmem:$0x11100] =	vst v63  }
0x3b2: {  	v0 =	vperm.xlane v0, v19;
	s30 =	simm.s32 $0xD800  }
0x3b3: {  	[hbm4b:s10+s12] =	stream.indirect_vreg.scatter [tilespmem:s30], [sflag:$0x2], $0x80, v1, vm0, $0xb8;
	[tilespmem:$0x11100] =	vst v63  }
0x3b4: {  	v0 =	vadd.s32 v18, v0;
	s30 =	simm.s32 $0xE000  }
0x3b5: {  	[hbm4b:s11+s12] =	stream.indirect_vreg.scatter [tilespmem:s30], [sflag:$0x2], $0x80, v1, vm0, $0xb8;
	[tilespmem:$0x11100] =	vst v63  }
0x3b6: {  	s30 =	simm.s32 $0xE800  }
0x3b7: {  	[hbm4b:s0+s12] =	stream.indirect_vreg.scatter [tilespmem:s30], [sflag:$0x2], $0x80, v1, vm0, $0xb8;
	[tilespmem:$0x11100] =	vst v63  }
0x3b8: {  	s30 =	simm.s32 $0xF000  }
0x3b9: {  	[hbm4b:s5+s12] =	stream.indirect_vreg.scatter [tilespmem:s30], [sflag:$0x2], $0x80, v0, vm0, $0xb8;
	[tilespmem:$0x11100] =	vst v63  }
0x3ba: {  	s29 =	simm.s32 $0xF800  }
0x3bb: {  	[hbm4b:s10+s12] =	stream.indirect_vreg.scatter [tilespmem:s29], [sflag:$0x2], $0x80, v0, vm0, $0xb8;
	[tilespmem:$0x11100] =	vst v63  }
0x3bc: {  	s30 =	simm.s32 $0x10000  }
0x3bd: {  	[hbm4b:s11+s12] =	stream.indirect_vreg.scatter [tilespmem:s30], [sflag:$0x2], $0x80, v0, vm0, $0xb8;
	[tilespmem:$0x11100] =	vst v63  }
0x3be: {  	s26 =	simm.s32 $0x2;
	s30 =	simm.s32 $0x10800  }
0x3bf: {  	[hbm4b:s0+s12] =	stream.indirect_vreg.scatter [tilespmem:s30], [sflag:$0x2], $0x80, v0, vm0, $0xb8;
	[tilespmem:$0x11100] =	vst v63  }
0x3c0: {  	_ =	swait.ge [sflag:s26], $0x10000  }
0x3c1: {  	[sflag:s26] =	ssyncset.done $0x0  }
0x3c2: {  	[sflag:s26] =	ssyncadd.s32 $0xFFFF0000  }
0x3c3: {  	v0 =	vld [tilespmem:s6+$0x8C0];
	_ =	sdelay $0x4  }
0x3c4: {  	v1 =	vshll.u32 v0, $0x3  }
0x3c5: {  	v0 =	vand.u32 $0x7, v0;
	v1 =	vand.u32 $0xFFFFFFC0, v1  }
0x3c6: {  	v0 =	vor.u32 v0, v1  }
0x3c7: {  	v1 =	vperm.xlane v0, v17;
	_ =	sdelay $0x1  }
0x3c8: {  	v1 =	vadd.s32 v18, v1;
	_ =	sdelay $0x3  }
0x3c9: {  	s29 =	simm.s32 $0x1000  }
0x3ca: {  	[tilespmem:s29], [sflag:$0x1] =	stream.indirect_vreg.gather [hbm4b:s3+s12], $0x80, v1, vm0, $0xb8;
	[tilespmem:$0x11100] =	vst v63  }
0x3cb: {  	s30 =	simm.s32 $0x1800;
	v0 =	vperm.xlane v0, v19  }
0x3cc: {  	[tilespmem:s30], [sflag:$0x1] =	stream.indirect_vreg.gather [hbm4b:s7+s12], $0x80, v1, vm0, $0xb8;
	[tilespmem:$0x11100] =	vst v63  }
0x3cd: {  	v0 =	vadd.s32 v18, v0  }
0x3ce: {  	[tilespmem:s20], [sflag:$0x1] =	stream.indirect_vreg.gather [hbm4b:s8+s12], $0x80, v1, vm0, $0xb8;
	[tilespmem:$0x11100] =	vst v63  }
0x3cf: {  	_ = 	snop  }
0x3d0: {  	[tilespmem:s15], [sflag:$0x1] =	stream.indirect_vreg.gather [hbm4b:s9+s12], $0x80, v1, vm0, $0xb8;
	[tilespmem:$0x11100] =	vst v63  }
0x3d1: {  	_ = 	snop  }
0x3d2: {  	[tilespmem:s16], [sflag:$0x1] =	stream.indirect_vreg.gather [hbm4b:s3+s12], $0x80, v0, vm0, $0xb8;
	[tilespmem:$0x11100] =	vst v63  }
0x3d3: {  	_ = 	snop  }
0x3d4: {  	[tilespmem:s18], [sflag:$0x1] =	stream.indirect_vreg.gather [hbm4b:s7+s12], $0x80, v0, vm0, $0xb8;
	[tilespmem:$0x11100] =	vst v63  }
0x3d5: {  	_ = 	snop  }
0x3d6: {  	[tilespmem:s17], [sflag:$0x1] =	stream.indirect_vreg.gather [hbm4b:s8+s12], $0x80, v0, vm0, $0xb8;
	[tilespmem:$0x11100] =	vst v63  }
0x3d7: {  	_ = 	snop  }
0x3d8: {  	[tilespmem:s23], [sflag:$0x1] =	stream.indirect_vreg.gather [hbm4b:s9+s12], $0x80, v0, vm0, $0xb8;
	[tilespmem:$0x11100] =	vst v63  }
0x3d9: {  	v0 =	vld [tilespmem:s6+$0x8D0];
	_ =	sdelay $0x4  }
0x3da: {  	v1 =	vshll.u32 v0, $0x3  }
0x3db: {  	v0 =	vand.u32 $0x7, v0;
	v1 =	vand.u32 $0xFFFFFFC0, v1  }
0x3dc: {  	v0 =	vor.u32 v0, v1  }
0x3dd: {  	v1 =	vperm.xlane v0, v17;
	_ =	sdelay $0x1  }
0x3de: {  	v1 =	vadd.s32 v18, v1;
	_ =	sdelay $0x4  }
0x3df: {  	[tilespmem:s25], [sflag:$0x1] =	stream.indirect_vreg.gather [hbm4b:s3+s12], $0x80, v1, vm0, $0xb8;
	[tilespmem:$0x11100] =	vst v63  }
0x3e0: {  	s18 =	simm.s32 $0x5800;
	v0 =	vperm.xlane v0, v19  }
0x3e1: {  	[tilespmem:s18], [sflag:$0x1] =	stream.indirect_vreg.gather [hbm4b:s7+s12], $0x80, v1, vm0, $0xb8;
	[tilespmem:$0x11100] =	vst v63  }
0x3e2: {  	v0 =	vadd.s32 v18, v0  }
0x3e3: {  	[tilespmem:s4], [sflag:$0x1] =	stream.indirect_vreg.gather [hbm4b:s8+s12], $0x80, v1, vm0, $0xb8;
	[tilespmem:$0x11100] =	vst v63  }
0x3e4: {  	s16 =	simm.s32 $0x6800  }
0x3e5: {  	[tilespmem:s16], [sflag:$0x1] =	stream.indirect_vreg.gather [hbm4b:s9+s12], $0x80, v1, vm0, $0xb8;
	[tilespmem:$0x11100] =	vst v63  }
0x3e6: {  	s31 =	simm.s32 $0x7000  }
0x3e7: {  	[tilespmem:s31], [sflag:$0x1] =	stream.indirect_vreg.gather [hbm4b:s3+s12], $0x80, v0, vm0, $0xb8;
	[tilespmem:$0x11100] =	vst v63  }
0x3e8: {  	s17 =	simm.s32 $0x7800  }
0x3e9: {  	[tilespmem:s17], [sflag:$0x1] =	stream.indirect_vreg.gather [hbm4b:s7+s12], $0x80, v0, vm0, $0xb8;
	[tilespmem:$0x11100] =	vst v63  }
0x3ea: {  	s18 =	simm.s32 $0x8000  }
0x3eb: {  	[tilespmem:s18], [sflag:$0x1] =	stream.indirect_vreg.gather [hbm4b:s8+s12], $0x80, v0, vm0, $0xb8;
	[tilespmem:$0x11100] =	vst v63  }
0x3ec: {  	_ = 	snop  }
0x3ed: {  	[tilespmem:s1], [sflag:$0x1] =	stream.indirect_vreg.gather [hbm4b:s9+s12], $0x80, v0, vm0, $0xb8;
	[tilespmem:$0x11100] =	vst v63  }
0x3ee: {  	v0 =	vld [tilespmem:s6+$0x8E0];
	_ =	sdelay $0x4  }
0x3ef: {  	v1 =	vshll.u32 v0, $0x3  }
0x3f0: {  	v0 =	vand.u32 $0x7, v0;
	v1 =	vand.u32 $0xFFFFFFC0, v1  }
0x3f1: {  	v0 =	vor.u32 v0, v1  }
0x3f2: {  	v1 =	vperm.xlane v0, v17;
	_ =	sdelay $0x1  }
0x3f3: {  	v1 =	vadd.s32 v18, v1;
	_ =	sdelay $0x4  }
0x3f4: {  	[tilespmem:s24], [sflag:$0x1] =	stream.indirect_vreg.gather [hbm4b:s3+s12], $0x80, v1, vm0, $0xb8;
	[tilespmem:$0x11100] =	vst v63  }
0x3f5: {  	v0 =	vperm.xlane v0, v19  }
0x3f6: {  	[tilespmem:s22], [sflag:$0x1] =	stream.indirect_vreg.gather [hbm4b:s7+s12], $0x80, v1, vm0, $0xb8;
	[tilespmem:$0x11100] =	vst v63  }
0x3f7: {  	v0 =	vadd.s32 v18, v0  }
0x3f8: {  	[tilespmem:s14], [sflag:$0x1] =	stream.indirect_vreg.gather [hbm4b:s8+s12], $0x80, v1, vm0, $0xb8;
	[tilespmem:$0x11100] =	vst v63  }
0x3f9: {  	_ = 	snop  }
0x3fa: {  	[tilespmem:s21], [sflag:$0x1] =	stream.indirect_vreg.gather [hbm4b:s9+s12], $0x80, v1, vm0, $0xb8;
	[tilespmem:$0x11100] =	vst v63  }
0x3fb: {  	s21 =	simm.s32 $0xB000  }
0x3fc: {  	[tilespmem:s21], [sflag:$0x1] =	stream.indirect_vreg.gather [hbm4b:s3+s12], $0x80, v0, vm0, $0xb8;
	[tilespmem:$0x11100] =	vst v63  }
0x3fd: {  	_ = 	snop  }
0x3fe: {  	[tilespmem:s2], [sflag:$0x1] =	stream.indirect_vreg.gather [hbm4b:s7+s12], $0x80, v0, vm0, $0xb8;
	[tilespmem:$0x11100] =	vst v63  }
0x3ff: {  	_ = 	snop  }
0x400: {  	[tilespmem:s13], [sflag:$0x1] =	stream.indirect_vreg.gather [hbm4b:s8+s12], $0x80, v0, vm0, $0xb8;
	[tilespmem:$0x11100] =	vst v63  }
0x401: {  	_ = 	snop  }
0x402: {  	[tilespmem:s19], [sflag:$0x1] =	stream.indirect_vreg.gather [hbm4b:s9+s12], $0x80, v0, vm0, $0xb8;
	[tilespmem:$0x11100] =	vst v63  }
0x403: {  	v0 =	vld [tilespmem:s6+$0x8F0];
	_ =	sdelay $0x4  }
0x404: {  	v1 =	vshll.u32 v0, $0x3  }
0x405: {  	v0 =	vand.u32 $0x7, v0;
	v1 =	vand.u32 $0xFFFFFFC0, v1  }
0x406: {  	v0 =	vor.u32 v0, v1  }
0x407: {  	v1 =	vperm.xlane v0, v17;
	_ =	sdelay $0x1  }
0x408: {  	v1 =	vadd.s32 v18, v1;
	_ =	sdelay $0x3  }
0x409: {  	s18 =	simm.s32 $0xD000  }
0x40a: {  	[tilespmem:s18], [sflag:$0x1] =	stream.indirect_vreg.gather [hbm4b:s3+s12], $0x80, v1, vm0, $0xb8;
	[tilespmem:$0x11100] =	vst v63  }
0x40b: {  	s21 =	simm.s32 $0xD800;
	v0 =	vperm.xlane v0, v19  }
0x40c: {  	[tilespmem:s21], [sflag:$0x1] =	stream.indirect_vreg.gather [hbm4b:s7+s12], $0x80, v1, vm0, $0xb8;
	[tilespmem:$0x11100] =	vst v63  }
0x40d: {  	s13 =	simm.s32 $0xE000;
	v0 =	vadd.s32 v18, v0  }
0x40e: {  	[tilespmem:s13], [sflag:$0x1] =	stream.indirect_vreg.gather [hbm4b:s8+s12], $0x80, v1, vm0, $0xb8;
	[tilespmem:$0x11100] =	vst v63  }
0x40f: {  	s14 =	simm.s32 $0xE800  }
0x410: {  	[tilespmem:s14], [sflag:$0x1] =	stream.indirect_vreg.gather [hbm4b:s9+s12], $0x80, v1, vm0, $0xb8;
	[tilespmem:$0x11100] =	vst v63  }
0x411: {  	s2 =	simm.s32 $0xF000  }
0x412: {  	[tilespmem:s2], [sflag:$0x1] =	stream.indirect_vreg.gather [hbm4b:s3+s12], $0x80, v0, vm0, $0xb8;
	[tilespmem:$0x11100] =	vst v63  }
0x413: {  	s3 =	simm.s32 $0xF800  }
0x414: {  	[tilespmem:s3], [sflag:$0x1] =	stream.indirect_vreg.gather [hbm4b:s7+s12], $0x80, v0, vm0, $0xb8;
	[tilespmem:$0x11100] =	vst v63  }
0x415: {  	s7 =	simm.s32 $0x10000  }
0x416: {  	[tilespmem:s7], [sflag:$0x1] =	stream.indirect_vreg.gather [hbm4b:s8+s12], $0x80, v0, vm0, $0xb8;
	[tilespmem:$0x11100] =	vst v63  }
0x417: {  	s28 =	simm.s32 $0x1;
	s8 =	simm.s32 $0x10800  }
0x418: {  	[tilespmem:s8], [sflag:$0x1] =	stream.indirect_vreg.gather [hbm4b:s9+s12], $0x80, v0, vm0, $0xb8;
	[tilespmem:$0x11100] =	vst v63  }
0x419: {  	_ =	swait.ge [sflag:s28], $0x10000  }
0x41a: {  	[sflag:s28] =	ssyncset.done $0x0  }
0x41b: {  	[sflag:s28] =	ssyncadd.s32 $0xFFFF0000  }
0x41c: {  	v0 =	vld [tilespmem:$0x110C0];
	_ =	sdelay $0x4  }
0x41d: {  	v1 =	vshll.u32 v0, $0x3  }
0x41e: {  	v0 =	vand.u32 $0x7, v0;
	v1 =	vand.u32 $0xFFFFFFC0, v1  }
0x41f: {  	v0 =	vor.u32 v0, v1  }
0x420: {  	v1 =	vperm.xlane v0, v17;
	_ =	sdelay $0x1  }
0x421: {  	v1 =	vadd.s32 v18, v1;
	_ =	sdelay $0x3  }
0x422: {  	s9 =	simm.s32 $0x1000  }
0x423: {  	[hbm4b:s5+s12] =	stream.indirect_vreg.scatter [tilespmem:s9], [sflag:$0x2], $0x80, v1, vm0, $0xb8;
	[tilespmem:$0x11100] =	vst v63  }
0x424: {  	s28 =	simm.s32 $0x1800;
	v0 =	vperm.xlane v0, v19  }
0x425: {  	[hbm4b:s10+s12] =	stream.indirect_vreg.scatter [tilespmem:s28], [sflag:$0x2], $0x80, v1, vm0, $0xb8;
	[tilespmem:$0x11100] =	vst v63  }
0x426: {  	s26 =	simm.s32 $0x2000;
	v0 =	vadd.s32 v18, v0  }
0x427: {  	[hbm4b:s11+s12] =	stream.indirect_vreg.scatter [tilespmem:s26], [sflag:$0x2], $0x80, v1, vm0, $0xb8;
	[tilespmem:$0x11100] =	vst v63  }
0x428: {  	s20 =	simm.s32 $0x2800  }
0x429: {  	[hbm4b:s0+s12] =	stream.indirect_vreg.scatter [tilespmem:s20], [sflag:$0x2], $0x80, v1, vm0, $0xb8;
	[tilespmem:$0x11100] =	vst v63  }
0x42a: {  	s29 =	simm.s32 $0x3000  }
0x42b: {  	[hbm4b:s5+s12] =	stream.indirect_vreg.scatter [tilespmem:s29], [sflag:$0x2], $0x80, v0, vm0, $0xb8;
	[tilespmem:$0x11100] =	vst v63  }
0x42c: {  	s29 =	simm.s32 $0x3800  }
0x42d: {  	[hbm4b:s10+s12] =	stream.indirect_vreg.scatter [tilespmem:s29], [sflag:$0x2], $0x80, v0, vm0, $0xb8;
	[tilespmem:$0x11100] =	vst v63  }
0x42e: {  	s30 =	simm.s32 $0x4000  }
0x42f: {  	[hbm4b:s11+s12] =	stream.indirect_vreg.scatter [tilespmem:s30], [sflag:$0x2], $0x80, v0, vm0, $0xb8;
	[tilespmem:$0x11100] =	vst v63  }
0x430: {  	s23 =	simm.s32 $0x4800  }
0x431: {  	[hbm4b:s0+s12] =	stream.indirect_vreg.scatter [tilespmem:s23], [sflag:$0x2], $0x80, v0, vm0, $0xb8;
	[tilespmem:$0x11100] =	vst v63  }
0x432: {  	v0 =	vld [tilespmem:$0x110D0];
	_ =	sdelay $0x4  }
0x433: {  	v1 =	vshll.u32 v0, $0x3  }
0x434: {  	v0 =	vand.u32 $0x7, v0;
	v1 =	vand.u32 $0xFFFFFFC0, v1  }
0x435: {  	v0 =	vor.u32 v0, v1  }
0x436: {  	v1 =	vperm.xlane v0, v17;
	_ =	sdelay $0x1  }
0x437: {  	v1 =	vadd.s32 v18, v1;
	_ =	sdelay $0x3  }
0x438: {  	s25 =	simm.s32 $0x5000  }
0x439: {  	[hbm4b:s5+s12] =	stream.indirect_vreg.scatter [tilespmem:s25], [sflag:$0x2], $0x80, v1, vm0, $0xb8;
	[tilespmem:$0x11100] =	vst v63  }
0x43a: {  	s20 =	simm.s32 $0x5800;
	v0 =	vperm.xlane v0, v19  }
0x43b: {  	[hbm4b:s10+s12] =	stream.indirect_vreg.scatter [tilespmem:s20], [sflag:$0x2], $0x80, v1, vm0, $0xb8;
	[tilespmem:$0x11100] =	vst v63  }
0x43c: {  	s4 =	simm.s32 $0x6000;
	v0 =	vadd.s32 v18, v0  }
0x43d: {  	[hbm4b:s11+s12] =	stream.indirect_vreg.scatter [tilespmem:s4], [sflag:$0x2], $0x80, v1, vm0, $0xb8;
	[tilespmem:$0x11100] =	vst v63  }
0x43e: {  	s23 =	simm.s32 $0x6800  }
0x43f: {  	[hbm4b:s0+s12] =	stream.indirect_vreg.scatter [tilespmem:s23], [sflag:$0x2], $0x80, v1, vm0, $0xb8;
	[tilespmem:$0x11100] =	vst v63  }
0x440: {  	s25 =	simm.s32 $0x7000  }
0x441: {  	[hbm4b:s5+s12] =	stream.indirect_vreg.scatter [tilespmem:s25], [sflag:$0x2], $0x80, v0, vm0, $0xb8;
	[tilespmem:$0x11100] =	vst v63  }
0x442: {  	s26 =	simm.s32 $0x7800  }
0x443: {  	[hbm4b:s10+s12] =	stream.indirect_vreg.scatter [tilespmem:s26], [sflag:$0x2], $0x80, v0, vm0, $0xb8;
	[tilespmem:$0x11100] =	vst v63  }
0x444: {  	s28 =	simm.s32 $0x8000  }
0x445: {  	[hbm4b:s11+s12] =	stream.indirect_vreg.scatter [tilespmem:s28], [sflag:$0x2], $0x80, v0, vm0, $0xb8;
	[tilespmem:$0x11100] =	vst v63  }
0x446: {  	s1 =	simm.s32 $0x8800  }
0x447: {  	[hbm4b:s0+s12] =	stream.indirect_vreg.scatter [tilespmem:s1], [sflag:$0x2], $0x80, v0, vm0, $0xb8;
	[tilespmem:$0x11100] =	vst v63  }
0x448: {  	v0 =	vld [tilespmem:$0x110E0];
	_ =	sdelay $0x4  }
0x449: {  	v1 =	vshll.u32 v0, $0x3  }
0x44a: {  	v0 =	vand.u32 $0x7, v0;
	v1 =	vand.u32 $0xFFFFFFC0, v1  }
0x44b: {  	v0 =	vor.u32 v0, v1  }
0x44c: {  	v1 =	vperm.xlane v0, v17;
	_ =	sdelay $0x1  }
0x44d: {  	v1 =	vadd.s32 v18, v1;
	_ =	sdelay $0x3  }
0x44e: {  	s24 =	simm.s32 $0x9000  }
0x44f: {  	[hbm4b:s5+s12] =	stream.indirect_vreg.scatter [tilespmem:s24], [sflag:$0x2], $0x80, v1, vm0, $0xb8;
	[tilespmem:$0x11100] =	vst v63  }
0x450: {  	s22 =	simm.s32 $0x9800;
	v0 =	vperm.xlane v0, v19  }
0x451: {  	[hbm4b:s10+s12] =	stream.indirect_vreg.scatter [tilespmem:s22], [sflag:$0x2], $0x80, v1, vm0, $0xb8;
	[tilespmem:$0x11100] =	vst v63  }
0x452: {  	s17 =	simm.s32 $0xA000;
	v0 =	vadd.s32 v18, v0  }
0x453: {  	[hbm4b:s11+s12] =	stream.indirect_vreg.scatter [tilespmem:s17], [sflag:$0x2], $0x80, v1, vm0, $0xb8;
	[tilespmem:$0x11100] =	vst v63  }
0x454: {  	s31 =	simm.s32 $0xA800  }
0x455: {  	[hbm4b:s0+s12] =	stream.indirect_vreg.scatter [tilespmem:s31], [sflag:$0x2], $0x80, v1, vm0, $0xb8;
	[tilespmem:$0x11100] =	vst v63  }
0x456: {  	s29 =	simm.s32 $0xB000  }
0x457: {  	[hbm4b:s5+s12] =	stream.indirect_vreg.scatter [tilespmem:s29], [sflag:$0x2], $0x80, v0, vm0, $0xb8;
	[tilespmem:$0x11100] =	vst v63  }
0x458: {  	s15 =	simm.s32 $0xB800  }
0x459: {  	[hbm4b:s10+s12] =	stream.indirect_vreg.scatter [tilespmem:s15], [sflag:$0x2], $0x80, v0, vm0, $0xb8;
	[tilespmem:$0x11100] =	vst v63  }
0x45a: {  	s16 =	simm.s32 $0xC000  }
0x45b: {  	[hbm4b:s11+s12] =	stream.indirect_vreg.scatter [tilespmem:s16], [sflag:$0x2], $0x80, v0, vm0, $0xb8;
	[tilespmem:$0x11100] =	vst v63  }
0x45c: {  	s19 =	simm.s32 $0xC800  }
0x45d: {  	[hbm4b:s0+s12] =	stream.indirect_vreg.scatter [tilespmem:s19], [sflag:$0x2], $0x80, v0, vm0, $0xb8;
	[tilespmem:$0x11100] =	vst v63  }
0x45e: {  	v0 =	vld [tilespmem:$0x110F0];
	_ =	sdelay $0x4  }
0x45f: {  	v1 =	vshll.u32 v0, $0x3  }
0x460: {  	v0 =	vand.u32 $0x7, v0;
	v1 =	vand.u32 $0xFFFFFFC0, v1  }
0x461: {  	v0 =	vor.u32 v0, v1  }
0x462: {  	v1 =	vperm.xlane v0, v17;
	_ =	sdelay $0x1  }
0x463: {  	v1 =	vadd.s32 v18, v1;
	_ =	sdelay $0x4  }
0x464: {  	[hbm4b:s5+s12] =	stream.indirect_vreg.scatter [tilespmem:s18], [sflag:$0x2], $0x80, v1, vm0, $0xb8;
	[tilespmem:$0x11100] =	vst v63  }
0x465: {  	v0 =	vperm.xlane v0, v19  }
0x466: {  	[hbm4b:s10+s12] =	stream.indirect_vreg.scatter [tilespmem:s21], [sflag:$0x2], $0x80, v1, vm0, $0xb8;
	[tilespmem:$0x11100] =	vst v63  }
0x467: {  	v0 =	vadd.s32 v18, v0  }
0x468: {  	[hbm4b:s11+s12] =	stream.indirect_vreg.scatter [tilespmem:s13], [sflag:$0x2], $0x80, v1, vm0, $0xb8;
	[tilespmem:$0x11100] =	vst v63  }
0x469: {  	_ = 	snop  }
0x46a: {  	[hbm4b:s0+s12] =	stream.indirect_vreg.scatter [tilespmem:s14], [sflag:$0x2], $0x80, v1, vm0, $0xb8;
	[tilespmem:$0x11100] =	vst v63  }
0x46b: {  	_ = 	snop  }
0x46c: {  	[hbm4b:s5+s12] =	stream.indirect_vreg.scatter [tilespmem:s2], [sflag:$0x2], $0x80, v0, vm0, $0xb8;
	[tilespmem:$0x11100] =	vst v63  }
0x46d: {  	s6 =	rddreg [dreg:$0x5]  }
0x46e: {  	[hbm4b:s10+s12] =	stream.indirect_vreg.scatter [tilespmem:s3], [sflag:$0x2], $0x80, v0, vm0, $0xb8;
	[tilespmem:$0x11100] =	vst v63  }
0x46f: {  	p0 =	sne.s32 s6, $0x1  }
0x470: {  	[hbm4b:s11+s12] =	stream.indirect_vreg.scatter [tilespmem:s7], [sflag:$0x2], $0x80, v0, vm0, $0xb8;
	[tilespmem:$0x11100] =	vst v63  }
.Ltmp0:
0x471: {  	s30 =	simm.s32 $0x2;
	(pc) =	sbr.rel @p0 .LBB2_1-.Ltmp0, $4  }
0x472: {  	[hbm4b:s0+s12] =	stream.indirect_vreg.scatter [tilespmem:s8], [sflag:$0x2], $0x80, v0, vm0, $0xb8;
	[tilespmem:$0x11100] =	vst v63  }
0x473: {  	_ =	swait.ge [sflag:s30], $0x10000  }
0x474: {  	s31 =	simm.s32 $0x2;
	[sflag:s30] =	ssyncset.done $0x0  }
0x475: {  	s6 =	sadd.s32 $0xFFFFFFFF, s6;
	[sflag:s31] =	ssyncadd.s32 $0xFFFF0000  }
0x476: {  	_ =	sfence.sel $0x180000  }
0x477: {  	[bflag:$0x0] =	sbarrier.arrive $0xFFFF  }
0x478: {  	_ =	strace $0x90000047  }
0x479: {  	s0 =	stileid.u32;
	[bflag:$0x2] =	sbarrier.arrive $0xFFFF  }
0x47a: {  	p0 =	sne.s32 s0, $0x0;
	s0 =	rddreg [dreg:$0x3]  }
0x47b: {  	s0 =	sadd.s32 @!p0 $0x100000, s0  }
0x47c: {  	[sflag:s0] =	ssyncadd.tile.s32 @!p0 $0x1;
	_ =	shalt  }
.Lfunc_end2:
_tile_overlayer_lowered:
.L_overlay_start_2:
0x47d: {  	(tag) =	ssettag $0x2  }
0x47e: {  	s0 =	rddreg [dreg:$0x0];
	s2 =	stileid.u32  }
0x47f: {  	s1 =	rddreg [dreg:$0x1];
	p0 =	sne.s32 s2, $0x0  }
0x480: {  	s3 =	rddreg [dreg:$0x2];
	[bflag:$0x3] =	sbarrier.arrive $0xFFFF;
	s2 =	simm.s32 @!p0 $0x1C02  }
0x481: {  	[timem:s3], [sflag:s2] =	dma.local @!p0 [hbm:s0], s1  }
0x482: {  	s0 =	simm.s32 @!p0 $0x2  }
0x483: {  	_ =	swait.ge @!p0 [sflag:s0], s1  }
0x484: {  	s1 =	ssub.s32 @!p0 $0x0, s1;
	[sflag:s0] =	ssyncset.done @!p0 $0x0  }
0x485: {  	[sflag:s0] =	ssyncadd.s32 @!p0 s1  }
0x486: {  	[bflag:$0x3] =	sbarrier.arrive $0xFFFF  }
0x487: {  	_ =	shalt  }

</sc_bundles>
